<compile_context>
chip_gen: v7x
topology: tpu7x:2x2x1
jax: 0.10.2.dev20260603
libtpu: 0.0.44.dev20260713+nightly
codegen_flags: <defaults>
</compile_context>

<pallas_src>
import jax
import jax.numpy as jnp
from jax import lax
from jax.experimental import pallas as pl
from jax.experimental.pallas import tpu as pltpu
from jax.experimental.pallas import tpu_sc as plsc

B = 16384
NC, NS, L = 2, 16, 16
NW = NC * NS
RPW = B // NW
NG = RPW // L

_GEN_PITCH, _EDU_PITCH, _RACE_PITCH = 9, 17, 9
_EDU_OFS = 32
_RACE_OFS = _EDU_OFS + 8 * _EDU_PITCH
_TAB_LEN = _RACE_OFS + 7 * _RACE_PITCH + 1
_W_OFS = _TAB_LEN
_W_LEN = 2 * (16 + 256)
_AUX_LEN = _W_OFS + _W_LEN


def _fold_head(w_v, iot16, base):
    rw = jnp.maximum(w_v[pl.ds(base, L)], 0.0)
    c = jnp.zeros((L,), jnp.float32)
    for k in range(16):
        c = c + rw[k] * plsc.load_gather(w_v, [iot16 + (base + 16 + k)])
    return c


def _sc_body(g_hbm, e_hbm, r_hbm, age_hbm, inc_hbm, aux_hbm, out_hbm,
             g_v, e_v, r_v, age_v, inc_v, aux_v, out_v, sem):
    wid = lax.axis_index("s") * NC + lax.axis_index("c")
    base = wid * RPW
    copies = [
        pltpu.async_copy(g_hbm.at[pl.ds(base, RPW)], g_v, sem),
        pltpu.async_copy(e_hbm.at[pl.ds(base, RPW)], e_v, sem),
        pltpu.async_copy(r_hbm.at[pl.ds(base, RPW)], r_v, sem),
        pltpu.async_copy(age_hbm.at[pl.ds(base, RPW)], age_v, sem),
        pltpu.async_copy(inc_hbm.at[pl.ds(base, RPW)], inc_v, sem),
        pltpu.async_copy(aux_hbm, aux_v, sem),
    ]
    for c in copies:
        c.wait()

    iot = lax.iota(jnp.int32, L)
    iot16 = iot * 16
    c_age = _fold_head(aux_v, iot16, _W_OFS)
    c_inc = _fold_head(aux_v, iot16, _W_OFS + _W_LEN // 2)

    low = iot < 8
    pat0 = iot & 7
    pat1 = iot ^ 8

    def _half(lo, hi):
      @plsc.parallel_loop(lo, hi, unroll=4)
      def group(grp):
        roff = grp * L
        g9 = g_v[pl.ds(roff, L)] * _GEN_PITCH
        e17 = e_v[pl.ds(roff, L)] * _EDU_PITCH + _EDU_OFS
        r9 = r_v[pl.ds(roff, L)] * _RACE_PITCH + _RACE_OFS
        ages = age_v[pl.ds(roff, L)]
        incs = inc_v[pl.ds(roff, L)]
        for i in range(L):
            row = roff + i
            idx0 = pat0 + jnp.where(low, g9[i], e17[i])
            idx1 = pat1 + jnp.where(low, e17[i], r9[i])
            out_v[row, pl.ds(0, L)] = plsc.load_gather(aux_v, [idx0])
            out_v[row, pl.ds(16, L)] = plsc.load_gather(aux_v, [idx1])
            out_v[row, pl.ds(32, L)] = ages[i] * c_age
            out_v[row, pl.ds(48, L)] = incs[i] * c_inc

    half = RPW // 2
    _half(0, NG // 2)
    cp1 = pltpu.async_copy(out_v.at[pl.ds(0, half)],
                           out_hbm.at[pl.ds(base, half)], sem)
    _half(NG // 2, NG)
    cp2 = pltpu.async_copy(out_v.at[pl.ds(half, half)],
                           out_hbm.at[pl.ds(base + half, half)], sem)
    cp1.wait()
    cp2.wait()


@jax.jit
def _encode(g, e, r, age, inc, aux):
    mesh = plsc.VectorSubcoreMesh(core_axis_name="c", subcore_axis_name="s")
    return pl.kernel(
        _sc_body,
        out_type=jax.ShapeDtypeStruct((B, 128), jnp.float32),
        mesh=mesh,
        compiler_params=pltpu.CompilerParams(needs_layout_passes=False),
        scratch_types=[
            pltpu.VMEM((RPW,), jnp.int32),
            pltpu.VMEM((RPW,), jnp.int32),
            pltpu.VMEM((RPW,), jnp.int32),
            pltpu.VMEM((RPW,), jnp.float32),
            pltpu.VMEM((RPW,), jnp.float32),
            pltpu.VMEM((_AUX_LEN,), jnp.float32),
            pltpu.VMEM((RPW, 128), jnp.float32),
            pltpu.SemaphoreType.DMA,
        ],
    )(g, e, r, age, inc, aux)


def kernel(gender, education, race, age, income,
           gender_table, education_table, race_table,
           age_w1, age_b1, age_w2, age_b2,
           inc_w1, inc_b1, inc_w2, inc_b2):
    del age_b1, age_b2, inc_b1, inc_b2
    aux = jnp.concatenate([
        jnp.pad(gender_table, ((0, 0), (0, _GEN_PITCH - 8))).reshape(-1),
        jnp.zeros((_EDU_OFS - 3 * _GEN_PITCH,), jnp.float32),
        jnp.pad(education_table, ((0, 0), (0, _EDU_PITCH - 16))).reshape(-1),
        jnp.pad(race_table, ((0, 0), (0, _RACE_PITCH - 8))).reshape(-1),
        jnp.zeros((1,), jnp.float32),
        age_w1.reshape(-1), age_w2.reshape(-1),
        inc_w1.reshape(-1), inc_w2.reshape(-1),
    ])
    out = _encode(gender.astype(jnp.int32), education.astype(jnp.int32),
                  race.astype(jnp.int32), age, income, aux)
    return out[:, :64]

# --- scband reference (transcript-rebuilt; emitter-appended) ---
"""Pipeline reference for scband-metadata-encoder-43241730736761 (READ-ONLY COPY).

The authoritative reference and input builder live on the scoring server;
editing this copy changes nothing except your own understanding.
"""

import jax, jax.numpy as jnp
import numpy as np


def setup_inputs(seed: int = 0) -> dict:
    key = jax.random.key(seed)
    ks = jax.random.split(key, 16)
    B = 16384
    gender = jax.random.randint(ks[0], (B,), 0, 3, dtype=jnp.int64 if jax.config.jax_enable_x64 else jnp.int32)
    education = jax.random.randint(ks[1], (B,), 0, 8, dtype=jnp.int64 if jax.config.jax_enable_x64 else jnp.int32)
    race = jax.random.randint(ks[2], (B,), 0, 7, dtype=jnp.int64 if jax.config.jax_enable_x64 else jnp.int32)
    age = jax.random.uniform(ks[3], (B,), dtype=jnp.float32)
    income = jax.random.uniform(ks[4], (B,), dtype=jnp.float32)
    # learned parameters (eval mode: dropout is identity)
    gender_table = 0.02 * jax.random.normal(ks[5], (3, 8), dtype=jnp.float32)
    education_table = 0.02 * jax.random.normal(ks[6], (8, 16), dtype=jnp.float32)
    race_table = 0.02 * jax.random.normal(ks[7], (7, 8), dtype=jnp.float32)
    def xavier(k, shape):
        fan_in, fan_out = shape[1], shape[0]
        limit = float(np.sqrt(6.0 / (fan_in + fan_out)))
        return jax.random.uniform(k, shape, minval=-limit, maxval=limit, dtype=jnp.float32)
    age_w1 = xavier(ks[8], (16, 1)); age_b1 = jnp.zeros((16,), jnp.float32)
    age_w2 = xavier(ks[9], (16, 16)); age_b2 = jnp.zeros((16,), jnp.float32)
    inc_w1 = xavier(ks[10], (16, 1)); inc_b1 = jnp.zeros((16,), jnp.float32)
    inc_w2 = xavier(ks[11], (16, 16)); inc_b2 = jnp.zeros((16,), jnp.float32)
    return {"gender": gender, "education": education, "race": race, "age": age, "income": income,
            "gender_table": gender_table, "education_table": education_table, "race_table": race_table,
            "age_w1": age_w1, "age_b1": age_b1, "age_w2": age_w2, "age_b2": age_b2,
            "inc_w1": inc_w1, "inc_b1": inc_b1, "inc_w2": inc_w2, "inc_b2": inc_b2}


def reference(gender, education, race, age, income,
              gender_table, education_table, race_table,
              age_w1, age_b1, age_w2, age_b2,
              inc_w1, inc_b1, inc_w2, inc_b2):
    feats = []
    g_idx = jnp.clip(gender, 0, 2)
    feats.append(jnp.take(gender_table, g_idx, axis=0))
    e_idx = jnp.clip(education, 0, 7)
    feats.append(jnp.take(education_table, e_idx, axis=0))
    r_idx = jnp.clip(race, 0, 6)
    feats.append(jnp.take(race_table, r_idx, axis=0))
    # age MLP: Linear(1,16) -> ReLU -> (Dropout=identity in eval) -> Linear(16,16)
    a_in = age[:, None]
    a_h = jax.nn.relu(a_in @ age_w1.T + age_b1)
    a_out = a_h @ age_w2.T + age_b2
    feats.append(a_out)
    i_in = income[:, None]
    i_h = jax.nn.relu(i_in @ inc_w1.T + inc_b1)
    i_out = i_h @ inc_w2.T + inc_b2
    feats.append(i_out)
    return jnp.concatenate(feats, axis=1)

if __name__ == "__main__":
    import jax
    _d = setup_inputs()
    print(jax.jit(kernel)(*tuple(_d.values())))

</pallas_src>

<mosaic_0001>
#map = affine_map<(d0, d1) -> (0)>
#map1 = affine_map<(d0, d1) -> (0, 0)>
module attributes {stable_mosaic.version = 14 : i64} {
  func.func @_sc_body(%arg0: i32, %arg1: i32, %arg2: memref<16384xi32, #tpu.memory_space<hbm>>, %arg3: memref<16384xi32, #tpu.memory_space<hbm>>, %arg4: memref<16384xi32, #tpu.memory_space<hbm>>, %arg5: memref<16384xf32, #tpu.memory_space<hbm>>, %arg6: memref<16384xf32, #tpu.memory_space<hbm>>, %arg7: memref<776xf32, #tpu.memory_space<hbm>>, %arg8: memref<16384x128xf32, #tpu.memory_space<hbm>>, %arg9: memref<512xi32, #tpu.memory_space<vmem>>, %arg10: memref<512xi32, #tpu.memory_space<vmem>>, %arg11: memref<512xi32, #tpu.memory_space<vmem>>, %arg12: memref<512xf32, #tpu.memory_space<vmem>>, %arg13: memref<512xf32, #tpu.memory_space<vmem>>, %arg14: memref<776xf32, #tpu.memory_space<vmem>>, %arg15: memref<512x128xf32, #tpu.memory_space<vmem>>, %arg16: memref<!tpu.dma_semaphore, #tpu.memory_space<semaphore_mem>>) attributes {dimension_semantics = [#tpu.dimension_semantics<core_parallel>, #tpu.dimension_semantics<subcore_parallel>], iteration_bounds = array<i64: 2, 16>, scalar_prefetch = 0 : i64, scratch_operands = 8 : i64, tpu.core_type = #tpu.core_type<sc_vector_subcore>, window_params = [{transform_indices = #map}, {transform_indices = #map}, {transform_indices = #map}, {transform_indices = #map}, {transform_indices = #map}, {transform_indices = #map}, {transform_indices = #map1}]} {
    %mul3A = arith.constant 2 : i32
    %mul3A_0 = arith.muli %arg1, %mul3A : i32
    %add3A = arith.addi %mul3A_0, %arg0 : i32
    %mul3A_1 = arith.constant 512 : i32
    %mul3A_2 = arith.muli %add3A, %mul3A_1 : i32
    %dma_start3A = tpu.memref_slice %arg2[%mul3A_2] : memref<16384xi32, #tpu.memory_space<hbm>> -> memref<512xi32, #tpu.memory_space<hbm>>
    %dma_start3A_3 = tpu.memref_slice %arg2[%mul3A_2] : memref<16384xi32, #tpu.memory_space<hbm>> -> memref<512xi32, #tpu.memory_space<hbm>>
    tpu.enqueue_dma source(%dma_start3A_3 : memref<512xi32, #tpu.memory_space<hbm>>) target(%arg9 : memref<512xi32, #tpu.memory_space<vmem>>) target_semaphore(%arg16 : memref<!tpu.dma_semaphore, #tpu.memory_space<semaphore_mem>>)
    %dma_start3A_4 = tpu.memref_slice %arg3[%mul3A_2] : memref<16384xi32, #tpu.memory_space<hbm>> -> memref<512xi32, #tpu.memory_space<hbm>>
    %dma_start3A_5 = tpu.memref_slice %arg3[%mul3A_2] : memref<16384xi32, #tpu.memory_space<hbm>> -> memref<512xi32, #tpu.memory_space<hbm>>
    tpu.enqueue_dma source(%dma_start3A_5 : memref<512xi32, #tpu.memory_space<hbm>>) target(%arg10 : memref<512xi32, #tpu.memory_space<vmem>>) target_semaphore(%arg16 : memref<!tpu.dma_semaphore, #tpu.memory_space<semaphore_mem>>)
    %dma_start3A_6 = tpu.memref_slice %arg4[%mul3A_2] : memref<16384xi32, #tpu.memory_space<hbm>> -> memref<512xi32, #tpu.memory_space<hbm>>
    %dma_start3A_7 = tpu.memref_slice %arg4[%mul3A_2] : memref<16384xi32, #tpu.memory_space<hbm>> -> memref<512xi32, #tpu.memory_space<hbm>>
    tpu.enqueue_dma source(%dma_start3A_7 : memref<512xi32, #tpu.memory_space<hbm>>) target(%arg11 : memref<512xi32, #tpu.memory_space<vmem>>) target_semaphore(%arg16 : memref<!tpu.dma_semaphore, #tpu.memory_space<semaphore_mem>>)
    %dma_start3A_8 = tpu.memref_slice %arg5[%mul3A_2] : memref<16384xf32, #tpu.memory_space<hbm>> -> memref<512xf32, #tpu.memory_space<hbm>>
    %dma_start3A_9 = tpu.memref_slice %arg5[%mul3A_2] : memref<16384xf32, #tpu.memory_space<hbm>> -> memref<512xf32, #tpu.memory_space<hbm>>
    tpu.enqueue_dma source(%dma_start3A_9 : memref<512xf32, #tpu.memory_space<hbm>>) target(%arg12 : memref<512xf32, #tpu.memory_space<vmem>>) target_semaphore(%arg16 : memref<!tpu.dma_semaphore, #tpu.memory_space<semaphore_mem>>)
    %dma_start3A_10 = tpu.memref_slice %arg6[%mul3A_2] : memref<16384xf32, #tpu.memory_space<hbm>> -> memref<512xf32, #tpu.memory_space<hbm>>
    %dma_start3A_11 = tpu.memref_slice %arg6[%mul3A_2] : memref<16384xf32, #tpu.memory_space<hbm>> -> memref<512xf32, #tpu.memory_space<hbm>>
    tpu.enqueue_dma source(%dma_start3A_11 : memref<512xf32, #tpu.memory_space<hbm>>) target(%arg13 : memref<512xf32, #tpu.memory_space<vmem>>) target_semaphore(%arg16 : memref<!tpu.dma_semaphore, #tpu.memory_space<semaphore_mem>>)
    tpu.enqueue_dma source(%arg7 : memref<776xf32, #tpu.memory_space<hbm>>) target(%arg14 : memref<776xf32, #tpu.memory_space<vmem>>) target_semaphore(%arg16 : memref<!tpu.dma_semaphore, #tpu.memory_space<semaphore_mem>>)
    %dma_wait3A = tpu.memref_slice %arg2[%mul3A_2] : memref<16384xi32, #tpu.memory_space<hbm>> -> memref<512xi32, #tpu.memory_space<hbm>>
    %dma_wait3A_12 = tpu.memref_slice %arg2[%mul3A_2] : memref<16384xi32, #tpu.memory_space<hbm>> -> memref<512xi32, #tpu.memory_space<hbm>>
    tpu.wait_dma2 semaphore(%arg16 : memref<!tpu.dma_semaphore, #tpu.memory_space<semaphore_mem>>) src(%dma_wait3A_12 : memref<512xi32, #tpu.memory_space<hbm>>) dst(%arg9 : memref<512xi32, #tpu.memory_space<vmem>>)
    %dma_wait3A_13 = tpu.memref_slice %arg3[%mul3A_2] : memref<16384xi32, #tpu.memory_space<hbm>> -> memref<512xi32, #tpu.memory_space<hbm>>
    %dma_wait3A_14 = tpu.memref_slice %arg3[%mul3A_2] : memref<16384xi32, #tpu.memory_space<hbm>> -> memref<512xi32, #tpu.memory_space<hbm>>
    tpu.wait_dma2 semaphore(%arg16 : memref<!tpu.dma_semaphore, #tpu.memory_space<semaphore_mem>>) src(%dma_wait3A_14 : memref<512xi32, #tpu.memory_space<hbm>>) dst(%arg10 : memref<512xi32, #tpu.memory_space<vmem>>)
    %dma_wait3A_15 = tpu.memref_slice %arg4[%mul3A_2] : memref<16384xi32, #tpu.memory_space<hbm>> -> memref<512xi32, #tpu.memory_space<hbm>>
    %dma_wait3A_16 = tpu.memref_slice %arg4[%mul3A_2] : memref<16384xi32, #tpu.memory_space<hbm>> -> memref<512xi32, #tpu.memory_space<hbm>>
    tpu.wait_dma2 semaphore(%arg16 : memref<!tpu.dma_semaphore, #tpu.memory_space<semaphore_mem>>) src(%dma_wait3A_16 : memref<512xi32, #tpu.memory_space<hbm>>) dst(%arg11 : memref<512xi32, #tpu.memory_space<vmem>>)
    %dma_wait3A_17 = tpu.memref_slice %arg5[%mul3A_2] : memref<16384xf32, #tpu.memory_space<hbm>> -> memref<512xf32, #tpu.memory_space<hbm>>
    %dma_wait3A_18 = tpu.memref_slice %arg5[%mul3A_2] : memref<16384xf32, #tpu.memory_space<hbm>> -> memref<512xf32, #tpu.memory_space<hbm>>
    tpu.wait_dma2 semaphore(%arg16 : memref<!tpu.dma_semaphore, #tpu.memory_space<semaphore_mem>>) src(%dma_wait3A_18 : memref<512xf32, #tpu.memory_space<hbm>>) dst(%arg12 : memref<512xf32, #tpu.memory_space<vmem>>)
    %dma_wait3A_19 = tpu.memref_slice %arg6[%mul3A_2] : memref<16384xf32, #tpu.memory_space<hbm>> -> memref<512xf32, #tpu.memory_space<hbm>>
    %dma_wait3A_20 = tpu.memref_slice %arg6[%mul3A_2] : memref<16384xf32, #tpu.memory_space<hbm>> -> memref<512xf32, #tpu.memory_space<hbm>>
    tpu.wait_dma2 semaphore(%arg16 : memref<!tpu.dma_semaphore, #tpu.memory_space<semaphore_mem>>) src(%dma_wait3A_20 : memref<512xf32, #tpu.memory_space<hbm>>) dst(%arg13 : memref<512xf32, #tpu.memory_space<vmem>>)
    tpu.wait_dma2 semaphore(%arg16 : memref<!tpu.dma_semaphore, #tpu.memory_space<semaphore_mem>>) src(%arg7 : memref<776xf32, #tpu.memory_space<hbm>>) dst(%arg14 : memref<776xf32, #tpu.memory_space<vmem>>)
    %iota3A = tpu.iota {dimensions = array<i32: 0>} : vector<16xi32>
    %mul3A_21 = arith.constant 16 : i32
    %mul3A_22 = vector.broadcast %mul3A_21 : i32 to vector<16xi32>
    %mul3A_23 = arith.muli %iota3A, %mul3A_22 : vector<16xi32>
    %get3A = arith.constant 232 : index
    %get3A_24 = tpu.vector_load %arg14[%get3A] {strides = array<i32>} : memref<776xf32, #tpu.memory_space<vmem>>, vector<16xf32>,
    %max3A = arith.constant 0.000000e+00 : f32
    %max3A_25 = vector.broadcast %max3A : f32 to vector<16xf32>
    %max3A_26 = arith.maximumf %get3A_24, %max3A_25 : vector<16xf32>
    %broadcast_in_dim3A = arith.constant 0.000000e+00 : f32
    %broadcast_in_dim3A_27 = vector.broadcast %broadcast_in_dim3A : f32 to vector<16xf32>
    %slice3A = vector.extract_strided_slice %max3A_26 {offsets = [0], sizes = [1], strides = [1]} : vector<16xf32> to vector<1xf32>
    %squeeze3A = vector.extract %slice3A[0] : f32 from vector<1xf32>
    %add3A_28 = arith.constant 248 : i32
    %add3A_29 = vector.broadcast %add3A_28 : i32 to vector<16xi32>
    %add3A_30 = arith.addi %mul3A_23, %add3A_29 : vector<16xi32>
    %gather3A = tpu.vector_load_idx %arg14[%add3A_30] : memref<776xf32, #tpu.memory_space<vmem>>[vector<16xi32>], vector<16xf32>,
    %mul3A_31 = vector.broadcast %squeeze3A : f32 to vector<16xf32>
    %mul3A_32 = arith.mulf %mul3A_31, %gather3A : vector<16xf32>
    %add3A_33 = arith.addf %broadcast_in_dim3A_27, %mul3A_32 : vector<16xf32>
    %slice3A_34 = vector.extract_strided_slice %max3A_26 {offsets = [1], sizes = [1], strides = [1]} : vector<16xf32> to vector<1xf32>
    %squeeze3A_35 = vector.extract %slice3A_34[0] : f32 from vector<1xf32>
    %add3A_36 = arith.constant 249 : i32
    %add3A_37 = vector.broadcast %add3A_36 : i32 to vector<16xi32>
    %add3A_38 = arith.addi %mul3A_23, %add3A_37 : vector<16xi32>
    %gather3A_39 = tpu.vector_load_idx %arg14[%add3A_38] : memref<776xf32, #tpu.memory_space<vmem>>[vector<16xi32>], vector<16xf32>,
    %mul3A_40 = vector.broadcast %squeeze3A_35 : f32 to vector<16xf32>
    %mul3A_41 = arith.mulf %mul3A_40, %gather3A_39 : vector<16xf32>
    %add3A_42 = arith.addf %add3A_33, %mul3A_41 : vector<16xf32>
    %slice3A_43 = vector.extract_strided_slice %max3A_26 {offsets = [2], sizes = [1], strides = [1]} : vector<16xf32> to vector<1xf32>
    %squeeze3A_44 = vector.extract %slice3A_43[0] : f32 from vector<1xf32>
    %add3A_45 = arith.constant 250 : i32
    %add3A_46 = vector.broadcast %add3A_45 : i32 to vector<16xi32>
    %add3A_47 = arith.addi %mul3A_23, %add3A_46 : vector<16xi32>
    %gather3A_48 = tpu.vector_load_idx %arg14[%add3A_47] : memref<776xf32, #tpu.memory_space<vmem>>[vector<16xi32>], vector<16xf32>,
    %mul3A_49 = vector.broadcast %squeeze3A_44 : f32 to vector<16xf32>
    %mul3A_50 = arith.mulf %mul3A_49, %gather3A_48 : vector<16xf32>
    %add3A_51 = arith.addf %add3A_42, %mul3A_50 : vector<16xf32>
    %slice3A_52 = vector.extract_strided_slice %max3A_26 {offsets = [3], sizes = [1], strides = [1]} : vector<16xf32> to vector<1xf32>
    %squeeze3A_53 = vector.extract %slice3A_52[0] : f32 from vector<1xf32>
    %add3A_54 = arith.constant 251 : i32
    %add3A_55 = vector.broadcast %add3A_54 : i32 to vector<16xi32>
    %add3A_56 = arith.addi %mul3A_23, %add3A_55 : vector<16xi32>
    %gather3A_57 = tpu.vector_load_idx %arg14[%add3A_56] : memref<776xf32, #tpu.memory_space<vmem>>[vector<16xi32>], vector<16xf32>,
    %mul3A_58 = vector.broadcast %squeeze3A_53 : f32 to vector<16xf32>
    %mul3A_59 = arith.mulf %mul3A_58, %gather3A_57 : vector<16xf32>
    %add3A_60 = arith.addf %add3A_51, %mul3A_59 : vector<16xf32>
    %slice3A_61 = vector.extract_strided_slice %max3A_26 {offsets = [4], sizes = [1], strides = [1]} : vector<16xf32> to vector<1xf32>
    %squeeze3A_62 = vector.extract %slice3A_61[0] : f32 from vector<1xf32>
    %add3A_63 = arith.constant 252 : i32
    %add3A_64 = vector.broadcast %add3A_63 : i32 to vector<16xi32>
    %add3A_65 = arith.addi %mul3A_23, %add3A_64 : vector<16xi32>
    %gather3A_66 = tpu.vector_load_idx %arg14[%add3A_65] : memref<776xf32, #tpu.memory_space<vmem>>[vector<16xi32>], vector<16xf32>,
    %mul3A_67 = vector.broadcast %squeeze3A_62 : f32 to vector<16xf32>
    %mul3A_68 = arith.mulf %mul3A_67, %gather3A_66 : vector<16xf32>
    %add3A_69 = arith.addf %add3A_60, %mul3A_68 : vector<16xf32>
    %slice3A_70 = vector.extract_strided_slice %max3A_26 {offsets = [5], sizes = [1], strides = [1]} : vector<16xf32> to vector<1xf32>
    %squeeze3A_71 = vector.extract %slice3A_70[0] : f32 from vector<1xf32>
    %add3A_72 = arith.constant 253 : i32
    %add3A_73 = vector.broadcast %add3A_72 : i32 to vector<16xi32>
    %add3A_74 = arith.addi %mul3A_23, %add3A_73 : vector<16xi32>
    %gather3A_75 = tpu.vector_load_idx %arg14[%add3A_74] : memref<776xf32, #tpu.memory_space<vmem>>[vector<16xi32>], vector<16xf32>,
    %mul3A_76 = vector.broadcast %squeeze3A_71 : f32 to vector<16xf32>
    %mul3A_77 = arith.mulf %mul3A_76, %gather3A_75 : vector<16xf32>
    %add3A_78 = arith.addf %add3A_69, %mul3A_77 : vector<16xf32>
    %slice3A_79 = vector.extract_strided_slice %max3A_26 {offsets = [6], sizes = [1], strides = [1]} : vector<16xf32> to vector<1xf32>
    %squeeze3A_80 = vector.extract %slice3A_79[0] : f32 from vector<1xf32>
    %add3A_81 = arith.constant 254 : i32
    %add3A_82 = vector.broadcast %add3A_81 : i32 to vector<16xi32>
    %add3A_83 = arith.addi %mul3A_23, %add3A_82 : vector<16xi32>
    %gather3A_84 = tpu.vector_load_idx %arg14[%add3A_83] : memref<776xf32, #tpu.memory_space<vmem>>[vector<16xi32>], vector<16xf32>,
    %mul3A_85 = vector.broadcast %squeeze3A_80 : f32 to vector<16xf32>
    %mul3A_86 = arith.mulf %mul3A_85, %gather3A_84 : vector<16xf32>
    %add3A_87 = arith.addf %add3A_78, %mul3A_86 : vector<16xf32>
    %slice3A_88 = vector.extract_strided_slice %max3A_26 {offsets = [7], sizes = [1], strides = [1]} : vector<16xf32> to vector<1xf32>
    %squeeze3A_89 = vector.extract %slice3A_88[0] : f32 from vector<1xf32>
    %add3A_90 = arith.constant 255 : i32
    %add3A_91 = vector.broadcast %add3A_90 : i32 to vector<16xi32>
    %add3A_92 = arith.addi %mul3A_23, %add3A_91 : vector<16xi32>
    %gather3A_93 = tpu.vector_load_idx %arg14[%add3A_92] : memref<776xf32, #tpu.memory_space<vmem>>[vector<16xi32>], vector<16xf32>,
    %mul3A_94 = vector.broadcast %squeeze3A_89 : f32 to vector<16xf32>
    %mul3A_95 = arith.mulf %mul3A_94, %gather3A_93 : vector<16xf32>
    %add3A_96 = arith.addf %add3A_87, %mul3A_95 : vector<16xf32>
    %slice3A_97 = vector.extract_strided_slice %max3A_26 {offsets = [8], sizes = [1], strides = [1]} : vector<16xf32> to vector<1xf32>
    %squeeze3A_98 = vector.extract %slice3A_97[0] : f32 from vector<1xf32>
    %add3A_99 = arith.constant 256 : i32
    %add3A_100 = vector.broadcast %add3A_99 : i32 to vector<16xi32>
    %add3A_101 = arith.addi %mul3A_23, %add3A_100 : vector<16xi32>
    %gather3A_102 = tpu.vector_load_idx %arg14[%add3A_101] : memref<776xf32, #tpu.memory_space<vmem>>[vector<16xi32>], vector<16xf32>,
    %mul3A_103 = vector.broadcast %squeeze3A_98 : f32 to vector<16xf32>
    %mul3A_104 = arith.mulf %mul3A_103, %gather3A_102 : vector<16xf32>
    %add3A_105 = arith.addf %add3A_96, %mul3A_104 : vector<16xf32>
    %slice3A_106 = vector.extract_strided_slice %max3A_26 {offsets = [9], sizes = [1], strides = [1]} : vector<16xf32> to vector<1xf32>
    %squeeze3A_107 = vector.extract %slice3A_106[0] : f32 from vector<1xf32>
    %add3A_108 = arith.constant 257 : i32
    %add3A_109 = vector.broadcast %add3A_108 : i32 to vector<16xi32>
    %add3A_110 = arith.addi %mul3A_23, %add3A_109 : vector<16xi32>
    %gather3A_111 = tpu.vector_load_idx %arg14[%add3A_110] : memref<776xf32, #tpu.memory_space<vmem>>[vector<16xi32>], vector<16xf32>,
    %mul3A_112 = vector.broadcast %squeeze3A_107 : f32 to vector<16xf32>
    %mul3A_113 = arith.mulf %mul3A_112, %gather3A_111 : vector<16xf32>
    %add3A_114 = arith.addf %add3A_105, %mul3A_113 : vector<16xf32>
    %slice3A_115 = vector.extract_strided_slice %max3A_26 {offsets = [10], sizes = [1], strides = [1]} : vector<16xf32> to vector<1xf32>
    %squeeze3A_116 = vector.extract %slice3A_115[0] : f32 from vector<1xf32>
    %add3A_117 = arith.constant 258 : i32
    %add3A_118 = vector.broadcast %add3A_117 : i32 to vector<16xi32>
    %add3A_119 = arith.addi %mul3A_23, %add3A_118 : vector<16xi32>
    %gather3A_120 = tpu.vector_load_idx %arg14[%add3A_119] : memref<776xf32, #tpu.memory_space<vmem>>[vector<16xi32>], vector<16xf32>,
    %mul3A_121 = vector.broadcast %squeeze3A_116 : f32 to vector<16xf32>
    %mul3A_122 = arith.mulf %mul3A_121, %gather3A_120 : vector<16xf32>
    %add3A_123 = arith.addf %add3A_114, %mul3A_122 : vector<16xf32>
    %slice3A_124 = vector.extract_strided_slice %max3A_26 {offsets = [11], sizes = [1], strides = [1]} : vector<16xf32> to vector<1xf32>
    %squeeze3A_125 = vector.extract %slice3A_124[0] : f32 from vector<1xf32>
    %add3A_126 = arith.constant 259 : i32
    %add3A_127 = vector.broadcast %add3A_126 : i32 to vector<16xi32>
    %add3A_128 = arith.addi %mul3A_23, %add3A_127 : vector<16xi32>
    %gather3A_129 = tpu.vector_load_idx %arg14[%add3A_128] : memref<776xf32, #tpu.memory_space<vmem>>[vector<16xi32>], vector<16xf32>,
    %mul3A_130 = vector.broadcast %squeeze3A_125 : f32 to vector<16xf32>
    %mul3A_131 = arith.mulf %mul3A_130, %gather3A_129 : vector<16xf32>
    %add3A_132 = arith.addf %add3A_123, %mul3A_131 : vector<16xf32>
    %slice3A_133 = vector.extract_strided_slice %max3A_26 {offsets = [12], sizes = [1], strides = [1]} : vector<16xf32> to vector<1xf32>
    %squeeze3A_134 = vector.extract %slice3A_133[0] : f32 from vector<1xf32>
    %add3A_135 = arith.constant 260 : i32
    %add3A_136 = vector.broadcast %add3A_135 : i32 to vector<16xi32>
    %add3A_137 = arith.addi %mul3A_23, %add3A_136 : vector<16xi32>
    %gather3A_138 = tpu.vector_load_idx %arg14[%add3A_137] : memref<776xf32, #tpu.memory_space<vmem>>[vector<16xi32>], vector<16xf32>,
    %mul3A_139 = vector.broadcast %squeeze3A_134 : f32 to vector<16xf32>
    %mul3A_140 = arith.mulf %mul3A_139, %gather3A_138 : vector<16xf32>
    %add3A_141 = arith.addf %add3A_132, %mul3A_140 : vector<16xf32>
    %slice3A_142 = vector.extract_strided_slice %max3A_26 {offsets = [13], sizes = [1], strides = [1]} : vector<16xf32> to vector<1xf32>
    %squeeze3A_143 = vector.extract %slice3A_142[0] : f32 from vector<1xf32>
    %add3A_144 = arith.constant 261 : i32
    %add3A_145 = vector.broadcast %add3A_144 : i32 to vector<16xi32>
    %add3A_146 = arith.addi %mul3A_23, %add3A_145 : vector<16xi32>
    %gather3A_147 = tpu.vector_load_idx %arg14[%add3A_146] : memref<776xf32, #tpu.memory_space<vmem>>[vector<16xi32>], vector<16xf32>,
    %mul3A_148 = vector.broadcast %squeeze3A_143 : f32 to vector<16xf32>
    %mul3A_149 = arith.mulf %mul3A_148, %gather3A_147 : vector<16xf32>
    %add3A_150 = arith.addf %add3A_141, %mul3A_149 : vector<16xf32>
    %slice3A_151 = vector.extract_strided_slice %max3A_26 {offsets = [14], sizes = [1], strides = [1]} : vector<16xf32> to vector<1xf32>
    %squeeze3A_152 = vector.extract %slice3A_151[0] : f32 from vector<1xf32>
    %add3A_153 = arith.constant 262 : i32
    %add3A_154 = vector.broadcast %add3A_153 : i32 to vector<16xi32>
    %add3A_155 = arith.addi %mul3A_23, %add3A_154 : vector<16xi32>
    %gather3A_156 = tpu.vector_load_idx %arg14[%add3A_155] : memref<776xf32, #tpu.memory_space<vmem>>[vector<16xi32>], vector<16xf32>,
    %mul3A_157 = vector.broadcast %squeeze3A_152 : f32 to vector<16xf32>
    %mul3A_158 = arith.mulf %mul3A_157, %gather3A_156 : vector<16xf32>
    %add3A_159 = arith.addf %add3A_150, %mul3A_158 : vector<16xf32>
    %slice3A_160 = vector.extract_strided_slice %max3A_26 {offsets = [15], sizes = [1], strides = [1]} : vector<16xf32> to vector<1xf32>
    %squeeze3A_161 = vector.extract %slice3A_160[0] : f32 from vector<1xf32>
    %add3A_162 = arith.constant 263 : i32
    %add3A_163 = vector.broadcast %add3A_162 : i32 to vector<16xi32>
    %add3A_164 = arith.addi %mul3A_23, %add3A_163 : vector<16xi32>
    %gather3A_165 = tpu.vector_load_idx %arg14[%add3A_164] : memref<776xf32, #tpu.memory_space<vmem>>[vector<16xi32>], vector<16xf32>,
    %mul3A_166 = vector.broadcast %squeeze3A_161 : f32 to vector<16xf32>
    %mul3A_167 = arith.mulf %mul3A_166, %gather3A_165 : vector<16xf32>
    %add3A_168 = arith.addf %add3A_159, %mul3A_167 : vector<16xf32>
    %get3A_169 = arith.constant 504 : index
    %get3A_170 = tpu.vector_load %arg14[%get3A_169] {strides = array<i32>} : memref<776xf32, #tpu.memory_space<vmem>>, vector<16xf32>,
    %max3A_171 = arith.constant 0.000000e+00 : f32
    %max3A_172 = vector.broadcast %max3A_171 : f32 to vector<16xf32>
    %max3A_173 = arith.maximumf %get3A_170, %max3A_172 : vector<16xf32>
    %broadcast_in_dim3A_174 = arith.constant 0.000000e+00 : f32
    %broadcast_in_dim3A_175 = vector.broadcast %broadcast_in_dim3A_174 : f32 to vector<16xf32>
    %slice3A_176 = vector.extract_strided_slice %max3A_173 {offsets = [0], sizes = [1], strides = [1]} : vector<16xf32> to vector<1xf32>
    %squeeze3A_177 = vector.extract %slice3A_176[0] : f32 from vector<1xf32>
    %add3A_178 = arith.constant 520 : i32
    %add3A_179 = vector.broadcast %add3A_178 : i32 to vector<16xi32>
    %add3A_180 = arith.addi %mul3A_23, %add3A_179 : vector<16xi32>
    %gather3A_181 = tpu.vector_load_idx %arg14[%add3A_180] : memref<776xf32, #tpu.memory_space<vmem>>[vector<16xi32>], vector<16xf32>,
    %mul3A_182 = vector.broadcast %squeeze3A_177 : f32 to vector<16xf32>
    %mul3A_183 = arith.mulf %mul3A_182, %gather3A_181 : vector<16xf32>
    %add3A_184 = arith.addf %broadcast_in_dim3A_175, %mul3A_183 : vector<16xf32>
    %slice3A_185 = vector.extract_strided_slice %max3A_173 {offsets = [1], sizes = [1], strides = [1]} : vector<16xf32> to vector<1xf32>
    %squeeze3A_186 = vector.extract %slice3A_185[0] : f32 from vector<1xf32>
    %add3A_187 = arith.constant 521 : i32
    %add3A_188 = vector.broadcast %add3A_187 : i32 to vector<16xi32>
    %add3A_189 = arith.addi %mul3A_23, %add3A_188 : vector<16xi32>
    %gather3A_190 = tpu.vector_load_idx %arg14[%add3A_189] : memref<776xf32, #tpu.memory_space<vmem>>[vector<16xi32>], vector<16xf32>,
    %mul3A_191 = vector.broadcast %squeeze3A_186 : f32 to vector<16xf32>
    %mul3A_192 = arith.mulf %mul3A_191, %gather3A_190 : vector<16xf32>
    %add3A_193 = arith.addf %add3A_184, %mul3A_192 : vector<16xf32>
    %slice3A_194 = vector.extract_strided_slice %max3A_173 {offsets = [2], sizes = [1], strides = [1]} : vector<16xf32> to vector<1xf32>
    %squeeze3A_195 = vector.extract %slice3A_194[0] : f32 from vector<1xf32>
    %add3A_196 = arith.constant 522 : i32
    %add3A_197 = vector.broadcast %add3A_196 : i32 to vector<16xi32>
    %add3A_198 = arith.addi %mul3A_23, %add3A_197 : vector<16xi32>
    %gather3A_199 = tpu.vector_load_idx %arg14[%add3A_198] : memref<776xf32, #tpu.memory_space<vmem>>[vector<16xi32>], vector<16xf32>,
    %mul3A_200 = vector.broadcast %squeeze3A_195 : f32 to vector<16xf32>
    %mul3A_201 = arith.mulf %mul3A_200, %gather3A_199 : vector<16xf32>
    %add3A_202 = arith.addf %add3A_193, %mul3A_201 : vector<16xf32>
    %slice3A_203 = vector.extract_strided_slice %max3A_173 {offsets = [3], sizes = [1], strides = [1]} : vector<16xf32> to vector<1xf32>
    %squeeze3A_204 = vector.extract %slice3A_203[0] : f32 from vector<1xf32>
    %add3A_205 = arith.constant 523 : i32
    %add3A_206 = vector.broadcast %add3A_205 : i32 to vector<16xi32>
    %add3A_207 = arith.addi %mul3A_23, %add3A_206 : vector<16xi32>
    %gather3A_208 = tpu.vector_load_idx %arg14[%add3A_207] : memref<776xf32, #tpu.memory_space<vmem>>[vector<16xi32>], vector<16xf32>,
    %mul3A_209 = vector.broadcast %squeeze3A_204 : f32 to vector<16xf32>
    %mul3A_210 = arith.mulf %mul3A_209, %gather3A_208 : vector<16xf32>
    %add3A_211 = arith.addf %add3A_202, %mul3A_210 : vector<16xf32>
    %slice3A_212 = vector.extract_strided_slice %max3A_173 {offsets = [4], sizes = [1], strides = [1]} : vector<16xf32> to vector<1xf32>
    %squeeze3A_213 = vector.extract %slice3A_212[0] : f32 from vector<1xf32>
    %add3A_214 = arith.constant 524 : i32
    %add3A_215 = vector.broadcast %add3A_214 : i32 to vector<16xi32>
    %add3A_216 = arith.addi %mul3A_23, %add3A_215 : vector<16xi32>
    %gather3A_217 = tpu.vector_load_idx %arg14[%add3A_216] : memref<776xf32, #tpu.memory_space<vmem>>[vector<16xi32>], vector<16xf32>,
    %mul3A_218 = vector.broadcast %squeeze3A_213 : f32 to vector<16xf32>
    %mul3A_219 = arith.mulf %mul3A_218, %gather3A_217 : vector<16xf32>
    %add3A_220 = arith.addf %add3A_211, %mul3A_219 : vector<16xf32>
    %slice3A_221 = vector.extract_strided_slice %max3A_173 {offsets = [5], sizes = [1], strides = [1]} : vector<16xf32> to vector<1xf32>
    %squeeze3A_222 = vector.extract %slice3A_221[0] : f32 from vector<1xf32>
    %add3A_223 = arith.constant 525 : i32
    %add3A_224 = vector.broadcast %add3A_223 : i32 to vector<16xi32>
    %add3A_225 = arith.addi %mul3A_23, %add3A_224 : vector<16xi32>
    %gather3A_226 = tpu.vector_load_idx %arg14[%add3A_225] : memref<776xf32, #tpu.memory_space<vmem>>[vector<16xi32>], vector<16xf32>,
    %mul3A_227 = vector.broadcast %squeeze3A_222 : f32 to vector<16xf32>
    %mul3A_228 = arith.mulf %mul3A_227, %gather3A_226 : vector<16xf32>
    %add3A_229 = arith.addf %add3A_220, %mul3A_228 : vector<16xf32>
    %slice3A_230 = vector.extract_strided_slice %max3A_173 {offsets = [6], sizes = [1], strides = [1]} : vector<16xf32> to vector<1xf32>
    %squeeze3A_231 = vector.extract %slice3A_230[0] : f32 from vector<1xf32>
    %add3A_232 = arith.constant 526 : i32
    %add3A_233 = vector.broadcast %add3A_232 : i32 to vector<16xi32>
    %add3A_234 = arith.addi %mul3A_23, %add3A_233 : vector<16xi32>
    %gather3A_235 = tpu.vector_load_idx %arg14[%add3A_234] : memref<776xf32, #tpu.memory_space<vmem>>[vector<16xi32>], vector<16xf32>,
    %mul3A_236 = vector.broadcast %squeeze3A_231 : f32 to vector<16xf32>
    %mul3A_237 = arith.mulf %mul3A_236, %gather3A_235 : vector<16xf32>
    %add3A_238 = arith.addf %add3A_229, %mul3A_237 : vector<16xf32>
    %slice3A_239 = vector.extract_strided_slice %max3A_173 {offsets = [7], sizes = [1], strides = [1]} : vector<16xf32> to vector<1xf32>
    %squeeze3A_240 = vector.extract %slice3A_239[0] : f32 from vector<1xf32>
    %add3A_241 = arith.constant 527 : i32
    %add3A_242 = vector.broadcast %add3A_241 : i32 to vector<16xi32>
    %add3A_243 = arith.addi %mul3A_23, %add3A_242 : vector<16xi32>
    %gather3A_244 = tpu.vector_load_idx %arg14[%add3A_243] : memref<776xf32, #tpu.memory_space<vmem>>[vector<16xi32>], vector<16xf32>,
    %mul3A_245 = vector.broadcast %squeeze3A_240 : f32 to vector<16xf32>
    %mul3A_246 = arith.mulf %mul3A_245, %gather3A_244 : vector<16xf32>
    %add3A_247 = arith.addf %add3A_238, %mul3A_246 : vector<16xf32>
    %slice3A_248 = vector.extract_strided_slice %max3A_173 {offsets = [8], sizes = [1], strides = [1]} : vector<16xf32> to vector<1xf32>
    %squeeze3A_249 = vector.extract %slice3A_248[0] : f32 from vector<1xf32>
    %add3A_250 = arith.constant 528 : i32
    %add3A_251 = vector.broadcast %add3A_250 : i32 to vector<16xi32>
    %add3A_252 = arith.addi %mul3A_23, %add3A_251 : vector<16xi32>
    %gather3A_253 = tpu.vector_load_idx %arg14[%add3A_252] : memref<776xf32, #tpu.memory_space<vmem>>[vector<16xi32>], vector<16xf32>,
    %mul3A_254 = vector.broadcast %squeeze3A_249 : f32 to vector<16xf32>
    %mul3A_255 = arith.mulf %mul3A_254, %gather3A_253 : vector<16xf32>
    %add3A_256 = arith.addf %add3A_247, %mul3A_255 : vector<16xf32>
    %slice3A_257 = vector.extract_strided_slice %max3A_173 {offsets = [9], sizes = [1], strides = [1]} : vector<16xf32> to vector<1xf32>
    %squeeze3A_258 = vector.extract %slice3A_257[0] : f32 from vector<1xf32>
    %add3A_259 = arith.constant 529 : i32
    %add3A_260 = vector.broadcast %add3A_259 : i32 to vector<16xi32>
    %add3A_261 = arith.addi %mul3A_23, %add3A_260 : vector<16xi32>
    %gather3A_262 = tpu.vector_load_idx %arg14[%add3A_261] : memref<776xf32, #tpu.memory_space<vmem>>[vector<16xi32>], vector<16xf32>,
    %mul3A_263 = vector.broadcast %squeeze3A_258 : f32 to vector<16xf32>
    %mul3A_264 = arith.mulf %mul3A_263, %gather3A_262 : vector<16xf32>
    %add3A_265 = arith.addf %add3A_256, %mul3A_264 : vector<16xf32>
    %slice3A_266 = vector.extract_strided_slice %max3A_173 {offsets = [10], sizes = [1], strides = [1]} : vector<16xf32> to vector<1xf32>
    %squeeze3A_267 = vector.extract %slice3A_266[0] : f32 from vector<1xf32>
    %add3A_268 = arith.constant 530 : i32
    %add3A_269 = vector.broadcast %add3A_268 : i32 to vector<16xi32>
    %add3A_270 = arith.addi %mul3A_23, %add3A_269 : vector<16xi32>
    %gather3A_271 = tpu.vector_load_idx %arg14[%add3A_270] : memref<776xf32, #tpu.memory_space<vmem>>[vector<16xi32>], vector<16xf32>,
    %mul3A_272 = vector.broadcast %squeeze3A_267 : f32 to vector<16xf32>
    %mul3A_273 = arith.mulf %mul3A_272, %gather3A_271 : vector<16xf32>
    %add3A_274 = arith.addf %add3A_265, %mul3A_273 : vector<16xf32>
    %slice3A_275 = vector.extract_strided_slice %max3A_173 {offsets = [11], sizes = [1], strides = [1]} : vector<16xf32> to vector<1xf32>
    %squeeze3A_276 = vector.extract %slice3A_275[0] : f32 from vector<1xf32>
    %add3A_277 = arith.constant 531 : i32
    %add3A_278 = vector.broadcast %add3A_277 : i32 to vector<16xi32>
    %add3A_279 = arith.addi %mul3A_23, %add3A_278 : vector<16xi32>
    %gather3A_280 = tpu.vector_load_idx %arg14[%add3A_279] : memref<776xf32, #tpu.memory_space<vmem>>[vector<16xi32>], vector<16xf32>,
    %mul3A_281 = vector.broadcast %squeeze3A_276 : f32 to vector<16xf32>
    %mul3A_282 = arith.mulf %mul3A_281, %gather3A_280 : vector<16xf32>
    %add3A_283 = arith.addf %add3A_274, %mul3A_282 : vector<16xf32>
    %slice3A_284 = vector.extract_strided_slice %max3A_173 {offsets = [12], sizes = [1], strides = [1]} : vector<16xf32> to vector<1xf32>
    %squeeze3A_285 = vector.extract %slice3A_284[0] : f32 from vector<1xf32>
    %add3A_286 = arith.constant 532 : i32
    %add3A_287 = vector.broadcast %add3A_286 : i32 to vector<16xi32>
    %add3A_288 = arith.addi %mul3A_23, %add3A_287 : vector<16xi32>
    %gather3A_289 = tpu.vector_load_idx %arg14[%add3A_288] : memref<776xf32, #tpu.memory_space<vmem>>[vector<16xi32>], vector<16xf32>,
    %mul3A_290 = vector.broadcast %squeeze3A_285 : f32 to vector<16xf32>
    %mul3A_291 = arith.mulf %mul3A_290, %gather3A_289 : vector<16xf32>
    %add3A_292 = arith.addf %add3A_283, %mul3A_291 : vector<16xf32>
    %slice3A_293 = vector.extract_strided_slice %max3A_173 {offsets = [13], sizes = [1], strides = [1]} : vector<16xf32> to vector<1xf32>
    %squeeze3A_294 = vector.extract %slice3A_293[0] : f32 from vector<1xf32>
    %add3A_295 = arith.constant 533 : i32
    %add3A_296 = vector.broadcast %add3A_295 : i32 to vector<16xi32>
    %add3A_297 = arith.addi %mul3A_23, %add3A_296 : vector<16xi32>
    %gather3A_298 = tpu.vector_load_idx %arg14[%add3A_297] : memref<776xf32, #tpu.memory_space<vmem>>[vector<16xi32>], vector<16xf32>,
    %mul3A_299 = vector.broadcast %squeeze3A_294 : f32 to vector<16xf32>
    %mul3A_300 = arith.mulf %mul3A_299, %gather3A_298 : vector<16xf32>
    %add3A_301 = arith.addf %add3A_292, %mul3A_300 : vector<16xf32>
    %slice3A_302 = vector.extract_strided_slice %max3A_173 {offsets = [14], sizes = [1], strides = [1]} : vector<16xf32> to vector<1xf32>
    %squeeze3A_303 = vector.extract %slice3A_302[0] : f32 from vector<1xf32>
    %add3A_304 = arith.constant 534 : i32
    %add3A_305 = vector.broadcast %add3A_304 : i32 to vector<16xi32>
    %add3A_306 = arith.addi %mul3A_23, %add3A_305 : vector<16xi32>
    %gather3A_307 = tpu.vector_load_idx %arg14[%add3A_306] : memref<776xf32, #tpu.memory_space<vmem>>[vector<16xi32>], vector<16xf32>,
    %mul3A_308 = vector.broadcast %squeeze3A_303 : f32 to vector<16xf32>
    %mul3A_309 = arith.mulf %mul3A_308, %gather3A_307 : vector<16xf32>
    %add3A_310 = arith.addf %add3A_301, %mul3A_309 : vector<16xf32>
    %slice3A_311 = vector.extract_strided_slice %max3A_173 {offsets = [15], sizes = [1], strides = [1]} : vector<16xf32> to vector<1xf32>
    %squeeze3A_312 = vector.extract %slice3A_311[0] : f32 from vector<1xf32>
    %add3A_313 = arith.constant 535 : i32
    %add3A_314 = vector.broadcast %add3A_313 : i32 to vector<16xi32>
    %add3A_315 = arith.addi %mul3A_23, %add3A_314 : vector<16xi32>
    %gather3A_316 = tpu.vector_load_idx %arg14[%add3A_315] : memref<776xf32, #tpu.memory_space<vmem>>[vector<16xi32>], vector<16xf32>,
    %mul3A_317 = vector.broadcast %squeeze3A_312 : f32 to vector<16xf32>
    %mul3A_318 = arith.mulf %mul3A_317, %gather3A_316 : vector<16xf32>
    %add3A_319 = arith.addf %add3A_310, %mul3A_318 : vector<16xf32>
    %lt3A = arith.constant 8 : i32
    %lt3A_320 = vector.broadcast %lt3A : i32 to vector<16xi32>
    %lt3A_321 = arith.cmpi slt, %iota3A, %lt3A_320 : vector<16xi32>
    %and3A = arith.constant 7 : i32
    %and3A_322 = vector.broadcast %and3A : i32 to vector<16xi32>
    %and3A_323 = arith.andi %iota3A, %and3A_322 : vector<16xi32>
    %xor3A = arith.constant 8 : i32
    %xor3A_324 = vector.broadcast %xor3A : i32 to vector<16xi32>
    %xor3A_325 = arith.xori %iota3A, %xor3A_324 : vector<16xi32>
    %parallel_loop3A = arith.constant 0 : i32
    %parallel_loop3A_326 = arith.constant 16 : i32
    %parallel_loop3A_327 = arith.constant 1 : i32
    scf.for %parallel_loop3A_373 = %parallel_loop3A to %parallel_loop3A_326 step %parallel_loop3A_327  : i32 {
      %parallel_loop3A_374 = arith.constant 16 : i32
      %parallel_loop3A_375 = arith.muli %parallel_loop3A_373, %parallel_loop3A_374 : i32
      %parallel_loop3A_376 = arith.index_cast %parallel_loop3A_375 : i32 to index
      %parallel_loop3A_377 = tpu.vector_load %arg9[%parallel_loop3A_376] {strides = array<i32>} : memref<512xi32, #tpu.memory_space<vmem>>, vector<16xi32>,
      %parallel_loop3A_378 = arith.constant 9 : i32
      %parallel_loop3A_379 = vector.broadcast %parallel_loop3A_378 : i32 to vector<16xi32>
      %parallel_loop3A_380 = arith.muli %parallel_loop3A_377, %parallel_loop3A_379 : vector<16xi32>
      %parallel_loop3A_381 = arith.index_cast %parallel_loop3A_375 : i32 to index
      %parallel_loop3A_382 = tpu.vector_load %arg10[%parallel_loop3A_381] {strides = array<i32>} : memref<512xi32, #tpu.memory_space<vmem>>, vector<16xi32>,
      %parallel_loop3A_383 = arith.constant 17 : i32
      %parallel_loop3A_384 = vector.broadcast %parallel_loop3A_383 : i32 to vector<16xi32>
      %parallel_loop3A_385 = arith.muli %parallel_loop3A_382, %parallel_loop3A_384 : vector<16xi32>
      %parallel_loop3A_386 = arith.constant 32 : i32
      %parallel_loop3A_387 = vector.broadcast %parallel_loop3A_386 : i32 to vector<16xi32>
      %parallel_loop3A_388 = arith.addi %parallel_loop3A_385, %parallel_loop3A_387 : vector<16xi32>
      %parallel_loop3A_389 = arith.index_cast %parallel_loop3A_375 : i32 to index
      %parallel_loop3A_390 = tpu.vector_load %arg11[%parallel_loop3A_389] {strides = array<i32>} : memref<512xi32, #tpu.memory_space<vmem>>, vector<16xi32>,
      %parallel_loop3A_391 = arith.constant 9 : i32
      %parallel_loop3A_392 = vector.broadcast %parallel_loop3A_391 : i32 to vector<16xi32>
      %parallel_loop3A_393 = arith.muli %parallel_loop3A_390, %parallel_loop3A_392 : vector<16xi32>
      %parallel_loop3A_394 = arith.constant 168 : i32
      %parallel_loop3A_395 = vector.broadcast %parallel_loop3A_394 : i32 to vector<16xi32>
      %parallel_loop3A_396 = arith.addi %parallel_loop3A_393, %parallel_loop3A_395 : vector<16xi32>
      %parallel_loop3A_397 = arith.index_cast %parallel_loop3A_375 : i32 to index
      %parallel_loop3A_398 = tpu.vector_load %arg12[%parallel_loop3A_397] {strides = array<i32>} : memref<512xf32, #tpu.memory_space<vmem>>, vector<16xf32>,
      %parallel_loop3A_399 = arith.index_cast %parallel_loop3A_375 : i32 to index
      %parallel_loop3A_400 = tpu.vector_load %arg13[%parallel_loop3A_399] {strides = array<i32>} : memref<512xf32, #tpu.memory_space<vmem>>, vector<16xf32>,
      %parallel_loop3A_401 = arith.constant 0 : i32
      %parallel_loop3A_402 = arith.addi %parallel_loop3A_375, %parallel_loop3A_401 : i32
      %parallel_loop3A_403 = vector.extract_strided_slice %parallel_loop3A_380 {offsets = [0], sizes = [1], strides = [1]} : vector<16xi32> to vector<1xi32>
      %parallel_loop3A_404 = vector.extract %parallel_loop3A_403[0] : i32 from vector<1xi32>
      %parallel_loop3A_405 = vector.extract_strided_slice %parallel_loop3A_388 {offsets = [0], sizes = [1], strides = [1]} : vector<16xi32> to vector<1xi32>
      %parallel_loop3A_406 = vector.extract %parallel_loop3A_405[0] : i32 from vector<1xi32>
      %parallel_loop3A_407 = vector.broadcast %parallel_loop3A_404 : i32 to vector<16xi32>
      %parallel_loop3A_408 = vector.broadcast %parallel_loop3A_406 : i32 to vector<16xi32>
      %parallel_loop3A_409 = arith.select %lt3A_321, %parallel_loop3A_407, %parallel_loop3A_408 : vector<16xi1>, vector<16xi32>
      %parallel_loop3A_410 = arith.addi %and3A_323, %parallel_loop3A_409 : vector<16xi32>
      %parallel_loop3A_411 = vector.extract_strided_slice %parallel_loop3A_388 {offsets = [0], sizes = [1], strides = [1]} : vector<16xi32> to vector<1xi32>
      %parallel_loop3A_412 = vector.extract %parallel_loop3A_411[0] : i32 from vector<1xi32>
      %parallel_loop3A_413 = vector.extract_strided_slice %parallel_loop3A_396 {offsets = [0], sizes = [1], strides = [1]} : vector<16xi32> to vector<1xi32>
      %parallel_loop3A_414 = vector.extract %parallel_loop3A_413[0] : i32 from vector<1xi32>
      %parallel_loop3A_415 = vector.broadcast %parallel_loop3A_412 : i32 to vector<16xi32>
      %parallel_loop3A_416 = vector.broadcast %parallel_loop3A_414 : i32 to vector<16xi32>
      %parallel_loop3A_417 = arith.select %lt3A_321, %parallel_loop3A_415, %parallel_loop3A_416 : vector<16xi1>, vector<16xi32>
      %parallel_loop3A_418 = arith.addi %xor3A_325, %parallel_loop3A_417 : vector<16xi32>
      %parallel_loop3A_419 = tpu.vector_load_idx %arg14[%parallel_loop3A_410] : memref<776xf32, #tpu.memory_space<vmem>>[vector<16xi32>], vector<16xf32>,
      %parallel_loop3A_420 = arith.index_cast %parallel_loop3A_402 : i32 to index
      %parallel_loop3A_421 = arith.constant 0 : index
      %parallel_loop3A_422 = tpu.vector_load %arg15[%parallel_loop3A_420, %parallel_loop3A_421] {strides = array<i32>} : memref<512x128xf32, #tpu.memory_space<vmem>>, vector<16xf32>,
      tpu.vector_store %arg15[%parallel_loop3A_420, %parallel_loop3A_421], %parallel_loop3A_419 {strides = array<i32>} : memref<512x128xf32, #tpu.memory_space<vmem>>, vector<16xf32>,
      %parallel_loop3A_423 = tpu.vector_load_idx %arg14[%parallel_loop3A_418] : memref<776xf32, #tpu.memory_space<vmem>>[vector<16xi32>], vector<16xf32>,
      %parallel_loop3A_424 = arith.index_cast %parallel_loop3A_402 : i32 to index
      %parallel_loop3A_425 = arith.constant 16 : index
      %parallel_loop3A_426 = tpu.vector_load %arg15[%parallel_loop3A_424, %parallel_loop3A_425] {strides = array<i32>} : memref<512x128xf32, #tpu.memory_space<vmem>>, vector<16xf32>,
      tpu.vector_store %arg15[%parallel_loop3A_424, %parallel_loop3A_425], %parallel_loop3A_423 {strides = array<i32>} : memref<512x128xf32, #tpu.memory_space<vmem>>, vector<16xf32>,
      %parallel_loop3A_427 = vector.extract_strided_slice %parallel_loop3A_398 {offsets = [0], sizes = [1], strides = [1]} : vector<16xf32> to vector<1xf32>
      %parallel_loop3A_428 = vector.extract %parallel_loop3A_427[0] : f32 from vector<1xf32>
      %parallel_loop3A_429 = vector.broadcast %parallel_loop3A_428 : f32 to vector<16xf32>
      %parallel_loop3A_430 = arith.mulf %parallel_loop3A_429, %add3A_168 : vector<16xf32>
      %parallel_loop3A_431 = arith.index_cast %parallel_loop3A_402 : i32 to index
      %parallel_loop3A_432 = arith.constant 32 : index
      %parallel_loop3A_433 = tpu.vector_load %arg15[%parallel_loop3A_431, %parallel_loop3A_432] {strides = array<i32>} : memref<512x128xf32, #tpu.memory_space<vmem>>, vector<16xf32>,
      tpu.vector_store %arg15[%parallel_loop3A_431, %parallel_loop3A_432], %parallel_loop3A_430 {strides = array<i32>} : memref<512x128xf32, #tpu.memory_space<vmem>>, vector<16xf32>,
      %parallel_loop3A_434 = vector.extract_strided_slice %parallel_loop3A_400 {offsets = [0], sizes = [1], strides = [1]} : vector<16xf32> to vector<1xf32>
      %parallel_loop3A_435 = vector.extract %parallel_loop3A_434[0] : f32 from vector<1xf32>
      %parallel_loop3A_436 = vector.broadcast %parallel_loop3A_435 : f32 to vector<16xf32>
      %parallel_loop3A_437 = arith.mulf %parallel_loop3A_436, %add3A_319 : vector<16xf32>
      %parallel_loop3A_438 = arith.index_cast %parallel_loop3A_402 : i32 to index
      %parallel_loop3A_439 = arith.constant 48 : index
      %parallel_loop3A_440 = tpu.vector_load %arg15[%parallel_loop3A_438, %parallel_loop3A_439] {strides = array<i32>} : memref<512x128xf32, #tpu.memory_space<vmem>>, vector<16xf32>,
      tpu.vector_store %arg15[%parallel_loop3A_438, %parallel_loop3A_439], %parallel_loop3A_437 {strides = array<i32>} : memref<512x128xf32, #tpu.memory_space<vmem>>, vector<16xf32>,
      %parallel_loop3A_441 = arith.constant 1 : i32
      %parallel_loop3A_442 = arith.addi %parallel_loop3A_375, %parallel_loop3A_441 : i32
      %parallel_loop3A_443 = vector.extract_strided_slice %parallel_loop3A_380 {offsets = [1], sizes = [1], strides = [1]} : vector<16xi32> to vector<1xi32>
      %parallel_loop3A_444 = vector.extract %parallel_loop3A_443[0] : i32 from vector<1xi32>
      %parallel_loop3A_445 = vector.extract_strided_slice %parallel_loop3A_388 {offsets = [1], sizes = [1], strides = [1]} : vector<16xi32> to vector<1xi32>
      %parallel_loop3A_446 = vector.extract %parallel_loop3A_445[0] : i32 from vector<1xi32>
      %parallel_loop3A_447 = vector.broadcast %parallel_loop3A_444 : i32 to vector<16xi32>
      %parallel_loop3A_448 = vector.broadcast %parallel_loop3A_446 : i32 to vector<16xi32>
      %parallel_loop3A_449 = arith.select %lt3A_321, %parallel_loop3A_447, %parallel_loop3A_448 : vector<16xi1>, vector<16xi32>
      %parallel_loop3A_450 = arith.addi %and3A_323, %parallel_loop3A_449 : vector<16xi32>
      %parallel_loop3A_451 = vector.extract_strided_slice %parallel_loop3A_388 {offsets = [1], sizes = [1], strides = [1]} : vector<16xi32> to vector<1xi32>
      %parallel_loop3A_452 = vector.extract %parallel_loop3A_451[0] : i32 from vector<1xi32>
      %parallel_loop3A_453 = vector.extract_strided_slice %parallel_loop3A_396 {offsets = [1], sizes = [1], strides = [1]} : vector<16xi32> to vector<1xi32>
      %parallel_loop3A_454 = vector.extract %parallel_loop3A_453[0] : i32 from vector<1xi32>
      %parallel_loop3A_455 = vector.broadcast %parallel_loop3A_452 : i32 to vector<16xi32>
      %parallel_loop3A_456 = vector.broadcast %parallel_loop3A_454 : i32 to vector<16xi32>
      %parallel_loop3A_457 = arith.select %lt3A_321, %parallel_loop3A_455, %parallel_loop3A_456 : vector<16xi1>, vector<16xi32>
      %parallel_loop3A_458 = arith.addi %xor3A_325, %parallel_loop3A_457 : vector<16xi32>
      %parallel_loop3A_459 = tpu.vector_load_idx %arg14[%parallel_loop3A_450] : memref<776xf32, #tpu.memory_space<vmem>>[vector<16xi32>], vector<16xf32>,
      %parallel_loop3A_460 = arith.index_cast %parallel_loop3A_442 : i32 to index
      %parallel_loop3A_461 = arith.constant 0 : index
      %parallel_loop3A_462 = tpu.vector_load %arg15[%parallel_loop3A_460, %parallel_loop3A_461] {strides = array<i32>} : memref<512x128xf32, #tpu.memory_space<vmem>>, vector<16xf32>,
      tpu.vector_store %arg15[%parallel_loop3A_460, %parallel_loop3A_461], %parallel_loop3A_459 {strides = array<i32>} : memref<512x128xf32, #tpu.memory_space<vmem>>, vector<16xf32>,
      %parallel_loop3A_463 = tpu.vector_load_idx %arg14[%parallel_loop3A_458] : memref<776xf32, #tpu.memory_space<vmem>>[vector<16xi32>], vector<16xf32>,
      %parallel_loop3A_464 = arith.index_cast %parallel_loop3A_442 : i32 to index
      %parallel_loop3A_465 = arith.constant 16 : index
      %parallel_loop3A_466 = tpu.vector_load %arg15[%parallel_loop3A_464, %parallel_loop3A_465] {strides = array<i32>} : memref<512x128xf32, #tpu.memory_space<vmem>>, vector<16xf32>,
      tpu.vector_store %arg15[%parallel_loop3A_464, %parallel_loop3A_465], %parallel_loop3A_463 {strides = array<i32>} : memref<512x128xf32, #tpu.memory_space<vmem>>, vector<16xf32>,
      %parallel_loop3A_467 = vector.extract_strided_slice %parallel_loop3A_398 {offsets = [1], sizes = [1], strides = [1]} : vector<16xf32> to vector<1xf32>
      %parallel_loop3A_468 = vector.extract %parallel_loop3A_467[0] : f32 from vector<1xf32>
      %parallel_loop3A_469 = vector.broadcast %parallel_loop3A_468 : f32 to vector<16xf32>
      %parallel_loop3A_470 = arith.mulf %parallel_loop3A_469, %add3A_168 : vector<16xf32>
      %parallel_loop3A_471 = arith.index_cast %parallel_loop3A_442 : i32 to index
      %parallel_loop3A_472 = arith.constant 32 : index
      %parallel_loop3A_473 = tpu.vector_load %arg15[%parallel_loop3A_471, %parallel_loop3A_472] {strides = array<i32>} : memref<512x128xf32, #tpu.memory_space<vmem>>, vector<16xf32>,
      tpu.vector_store %arg15[%parallel_loop3A_471, %parallel_loop3A_472], %parallel_loop3A_470 {strides = array<i32>} : memref<512x128xf32, #tpu.memory_space<vmem>>, vector<16xf32>,
      %parallel_loop3A_474 = vector.extract_strided_slice %parallel_loop3A_400 {offsets = [1], sizes = [1], strides = [1]} : vector<16xf32> to vector<1xf32>
      %parallel_loop3A_475 = vector.extract %parallel_loop3A_474[0] : f32 from vector<1xf32>
      %parallel_loop3A_476 = vector.broadcast %parallel_loop3A_475 : f32 to vector<16xf32>
      %parallel_loop3A_477 = arith.mulf %parallel_loop3A_476, %add3A_319 : vector<16xf32>
      %parallel_loop3A_478 = arith.index_cast %parallel_loop3A_442 : i32 to index
      %parallel_loop3A_479 = arith.constant 48 : index
      %parallel_loop3A_480 = tpu.vector_load %arg15[%parallel_loop3A_478, %parallel_loop3A_479] {strides = array<i32>} : memref<512x128xf32, #tpu.memory_space<vmem>>, vector<16xf32>,
      tpu.vector_store %arg15[%parallel_loop3A_478, %parallel_loop3A_479], %parallel_loop3A_477 {strides = array<i32>} : memref<512x128xf32, #tpu.memory_space<vmem>>, vector<16xf32>,
      %parallel_loop3A_481 = arith.constant 2 : i32
      %parallel_loop3A_482 = arith.addi %parallel_loop3A_375, %parallel_loop3A_481 : i32
      %parallel_loop3A_483 = vector.extract_strided_slice %parallel_loop3A_380 {offsets = [2], sizes = [1], strides = [1]} : vector<16xi32> to vector<1xi32>
      %parallel_loop3A_484 = vector.extract %parallel_loop3A_483[0] : i32 from vector<1xi32>
      %parallel_loop3A_485 = vector.extract_strided_slice %parallel_loop3A_388 {offsets = [2], sizes = [1], strides = [1]} : vector<16xi32> to vector<1xi32>
      %parallel_loop3A_486 = vector.extract %parallel_loop3A_485[0] : i32 from vector<1xi32>
      %parallel_loop3A_487 = vector.broadcast %parallel_loop3A_484 : i32 to vector<16xi32>
      %parallel_loop3A_488 = vector.broadcast %parallel_loop3A_486 : i32 to vector<16xi32>
      %parallel_loop3A_489 = arith.select %lt3A_321, %parallel_loop3A_487, %parallel_loop3A_488 : vector<16xi1>, vector<16xi32>
      %parallel_loop3A_490 = arith.addi %and3A_323, %parallel_loop3A_489 : vector<16xi32>
      %parallel_loop3A_491 = vector.extract_strided_slice %parallel_loop3A_388 {offsets = [2], sizes = [1], strides = [1]} : vector<16xi32> to vector<1xi32>
      %parallel_loop3A_492 = vector.extract %parallel_loop3A_491[0] : i32 from vector<1xi32>
      %parallel_loop3A_493 = vector.extract_strided_slice %parallel_loop3A_396 {offsets = [2], sizes = [1], strides = [1]} : vector<16xi32> to vector<1xi32>
      %parallel_loop3A_494 = vector.extract %parallel_loop3A_493[0] : i32 from vector<1xi32>
      %parallel_loop3A_495 = vector.broadcast %parallel_loop3A_492 : i32 to vector<16xi32>
      %parallel_loop3A_496 = vector.broadcast %parallel_loop3A_494 : i32 to vector<16xi32>
      %parallel_loop3A_497 = arith.select %lt3A_321, %parallel_loop3A_495, %parallel_loop3A_496 : vector<16xi1>, vector<16xi32>
      %parallel_loop3A_498 = arith.addi %xor3A_325, %parallel_loop3A_497 : vector<16xi32>
      %parallel_loop3A_499 = tpu.vector_load_idx %arg14[%parallel_loop3A_490] : memref<776xf32, #tpu.memory_space<vmem>>[vector<16xi32>], vector<16xf32>,
      %parallel_loop3A_500 = arith.index_cast %parallel_loop3A_482 : i32 to index
      %parallel_loop3A_501 = arith.constant 0 : index
      %parallel_loop3A_502 = tpu.vector_load %arg15[%parallel_loop3A_500, %parallel_loop3A_501] {strides = array<i32>} : memref<512x128xf32, #tpu.memory_space<vmem>>, vector<16xf32>,
      tpu.vector_store %arg15[%parallel_loop3A_500, %parallel_loop3A_501], %parallel_loop3A_499 {strides = array<i32>} : memref<512x128xf32, #tpu.memory_space<vmem>>, vector<16xf32>,
      %parallel_loop3A_503 = tpu.vector_load_idx %arg14[%parallel_loop3A_498] : memref<776xf32, #tpu.memory_space<vmem>>[vector<16xi32>], vector<16xf32>,
      %parallel_loop3A_504 = arith.index_cast %parallel_loop3A_482 : i32 to index
      %parallel_loop3A_505 = arith.constant 16 : index
      %parallel_loop3A_506 = tpu.vector_load %arg15[%parallel_loop3A_504, %parallel_loop3A_505] {strides = array<i32>} : memref<512x128xf32, #tpu.memory_space<vmem>>, vector<16xf32>,
      tpu.vector_store %arg15[%parallel_loop3A_504, %parallel_loop3A_505], %parallel_loop3A_503 {strides = array<i32>} : memref<512x128xf32, #tpu.memory_space<vmem>>, vector<16xf32>,
      %parallel_loop3A_507 = vector.extract_strided_slice %parallel_loop3A_398 {offsets = [2], sizes = [1], strides = [1]} : vector<16xf32> to vector<1xf32>
      %parallel_loop3A_508 = vector.extract %parallel_loop3A_507[0] : f32 from vector<1xf32>
      %parallel_loop3A_509 = vector.broadcast %parallel_loop3A_508 : f32 to vector<16xf32>
      %parallel_loop3A_510 = arith.mulf %parallel_loop3A_509, %add3A_168 : vector<16xf32>
      %parallel_loop3A_511 = arith.index_cast %parallel_loop3A_482 : i32 to index
      %parallel_loop3A_512 = arith.constant 32 : index
      %parallel_loop3A_513 = tpu.vector_load %arg15[%parallel_loop3A_511, %parallel_loop3A_512] {strides = array<i32>} : memref<512x128xf32, #tpu.memory_space<vmem>>, vector<16xf32>,
      tpu.vector_store %arg15[%parallel_loop3A_511, %parallel_loop3A_512], %parallel_loop3A_510 {strides = array<i32>} : memref<512x128xf32, #tpu.memory_space<vmem>>, vector<16xf32>,
      %parallel_loop3A_514 = vector.extract_strided_slice %parallel_loop3A_400 {offsets = [2], sizes = [1], strides = [1]} : vector<16xf32> to vector<1xf32>
      %parallel_loop3A_515 = vector.extract %parallel_loop3A_514[0] : f32 from vector<1xf32>
      %parallel_loop3A_516 = vector.broadcast %parallel_loop3A_515 : f32 to vector<16xf32>
      %parallel_loop3A_517 = arith.mulf %parallel_loop3A_516, %add3A_319 : vector<16xf32>
      %parallel_loop3A_518 = arith.index_cast %parallel_loop3A_482 : i32 to index
      %parallel_loop3A_519 = arith.constant 48 : index
      %parallel_loop3A_520 = tpu.vector_load %arg15[%parallel_loop3A_518, %parallel_loop3A_519] {strides = array<i32>} : memref<512x128xf32, #tpu.memory_space<vmem>>, vector<16xf32>,
      tpu.vector_store %arg15[%parallel_loop3A_518, %parallel_loop3A_519], %parallel_loop3A_517 {strides = array<i32>} : memref<512x128xf32, #tpu.memory_space<vmem>>, vector<16xf32>,
      %parallel_loop3A_521 = arith.constant 3 : i32
      %parallel_loop3A_522 = arith.addi %parallel_loop3A_375, %parallel_loop3A_521 : i32
      %parallel_loop3A_523 = vector.extract_strided_slice %parallel_loop3A_380 {offsets = [3], sizes = [1], strides = [1]} : vector<16xi32> to vector<1xi32>
      %parallel_loop3A_524 = vector.extract %parallel_loop3A_523[0] : i32 from vector<1xi32>
      %parallel_loop3A_525 = vector.extract_strided_slice %parallel_loop3A_388 {offsets = [3], sizes = [1], strides = [1]} : vector<16xi32> to vector<1xi32>
      %parallel_loop3A_526 = vector.extract %parallel_loop3A_525[0] : i32 from vector<1xi32>
      %parallel_loop3A_527 = vector.broadcast %parallel_loop3A_524 : i32 to vector<16xi32>
      %parallel_loop3A_528 = vector.broadcast %parallel_loop3A_526 : i32 to vector<16xi32>
      %parallel_loop3A_529 = arith.select %lt3A_321, %parallel_loop3A_527, %parallel_loop3A_528 : vector<16xi1>, vector<16xi32>
      %parallel_loop3A_530 = arith.addi %and3A_323, %parallel_loop3A_529 : vector<16xi32>
      %parallel_loop3A_531 = vector.extract_strided_slice %parallel_loop3A_388 {offsets = [3], sizes = [1], strides = [1]} : vector<16xi32> to vector<1xi32>
      %parallel_loop3A_532 = vector.extract %parallel_loop3A_531[0] : i32 from vector<1xi32>
      %parallel_loop3A_533 = vector.extract_strided_slice %parallel_loop3A_396 {offsets = [3], sizes = [1], strides = [1]} : vector<16xi32> to vector<1xi32>
      %parallel_loop3A_534 = vector.extract %parallel_loop3A_533[0] : i32 from vector<1xi32>
      %parallel_loop3A_535 = vector.broadcast %parallel_loop3A_532 : i32 to vector<16xi32>
      %parallel_loop3A_536 = vector.broadcast %parallel_loop3A_534 : i32 to vector<16xi32>
      %parallel_loop3A_537 = arith.select %lt3A_321, %parallel_loop3A_535, %parallel_loop3A_536 : vector<16xi1>, vector<16xi32>
      %parallel_loop3A_538 = arith.addi %xor3A_325, %parallel_loop3A_537 : vector<16xi32>
      %parallel_loop3A_539 = tpu.vector_load_idx %arg14[%parallel_loop3A_530] : memref<776xf32, #tpu.memory_space<vmem>>[vector<16xi32>], vector<16xf32>,
      %parallel_loop3A_540 = arith.index_cast %parallel_loop3A_522 : i32 to index
      %parallel_loop3A_541 = arith.constant 0 : index
      %parallel_loop3A_542 = tpu.vector_load %arg15[%parallel_loop3A_540, %parallel_loop3A_541] {strides = array<i32>} : memref<512x128xf32, #tpu.memory_space<vmem>>, vector<16xf32>,
      tpu.vector_store %arg15[%parallel_loop3A_540, %parallel_loop3A_541], %parallel_loop3A_539 {strides = array<i32>} : memref<512x128xf32, #tpu.memory_space<vmem>>, vector<16xf32>,
      %parallel_loop3A_543 = tpu.vector_load_idx %arg14[%parallel_loop3A_538] : memref<776xf32, #tpu.memory_space<vmem>>[vector<16xi32>], vector<16xf32>,
      %parallel_loop3A_544 = arith.index_cast %parallel_loop3A_522 : i32 to index
      %parallel_loop3A_545 = arith.constant 16 : index
      %parallel_loop3A_546 = tpu.vector_load %arg15[%parallel_loop3A_544, %parallel_loop3A_545] {strides = array<i32>} : memref<512x128xf32, #tpu.memory_space<vmem>>, vector<16xf32>,
      tpu.vector_store %arg15[%parallel_loop3A_544, %parallel_loop3A_545], %parallel_loop3A_543 {strides = array<i32>} : memref<512x128xf32, #tpu.memory_space<vmem>>, vector<16xf32>,
      %parallel_loop3A_547 = vector.extract_strided_slice %parallel_loop3A_398 {offsets = [3], sizes = [1], strides = [1]} : vector<16xf32> to vector<1xf32>
      %parallel_loop3A_548 = vector.extract %parallel_loop3A_547[0] : f32 from vector<1xf32>
      %parallel_loop3A_549 = vector.broadcast %parallel_loop3A_548 : f32 to vector<16xf32>
      %parallel_loop3A_550 = arith.mulf %parallel_loop3A_549, %add3A_168 : vector<16xf32>
      %parallel_loop3A_551 = arith.index_cast %parallel_loop3A_522 : i32 to index
      %parallel_loop3A_552 = arith.constant 32 : index
      %parallel_loop3A_553 = tpu.vector_load %arg15[%parallel_loop3A_551, %parallel_loop3A_552] {strides = array<i32>} : memref<512x128xf32, #tpu.memory_space<vmem>>, vector<16xf32>,
      tpu.vector_store %arg15[%parallel_loop3A_551, %parallel_loop3A_552], %parallel_loop3A_550 {strides = array<i32>} : memref<512x128xf32, #tpu.memory_space<vmem>>, vector<16xf32>,
      %parallel_loop3A_554 = vector.extract_strided_slice %parallel_loop3A_400 {offsets = [3], sizes = [1], strides = [1]} : vector<16xf32> to vector<1xf32>
      %parallel_loop3A_555 = vector.extract %parallel_loop3A_554[0] : f32 from vector<1xf32>
      %parallel_loop3A_556 = vector.broadcast %parallel_loop3A_555 : f32 to vector<16xf32>
      %parallel_loop3A_557 = arith.mulf %parallel_loop3A_556, %add3A_319 : vector<16xf32>
      %parallel_loop3A_558 = arith.index_cast %parallel_loop3A_522 : i32 to index
      %parallel_loop3A_559 = arith.constant 48 : index
      %parallel_loop3A_560 = tpu.vector_load %arg15[%parallel_loop3A_558, %parallel_loop3A_559] {strides = array<i32>} : memref<512x128xf32, #tpu.memory_space<vmem>>, vector<16xf32>,
      tpu.vector_store %arg15[%parallel_loop3A_558, %parallel_loop3A_559], %parallel_loop3A_557 {strides = array<i32>} : memref<512x128xf32, #tpu.memory_space<vmem>>, vector<16xf32>,
      %parallel_loop3A_561 = arith.constant 4 : i32
      %parallel_loop3A_562 = arith.addi %parallel_loop3A_375, %parallel_loop3A_561 : i32
      %parallel_loop3A_563 = vector.extract_strided_slice %parallel_loop3A_380 {offsets = [4], sizes = [1], strides = [1]} : vector<16xi32> to vector<1xi32>
      %parallel_loop3A_564 = vector.extract %parallel_loop3A_563[0] : i32 from vector<1xi32>
      %parallel_loop3A_565 = vector.extract_strided_slice %parallel_loop3A_388 {offsets = [4], sizes = [1], strides = [1]} : vector<16xi32> to vector<1xi32>
      %parallel_loop3A_566 = vector.extract %parallel_loop3A_565[0] : i32 from vector<1xi32>
      %parallel_loop3A_567 = vector.broadcast %parallel_loop3A_564 : i32 to vector<16xi32>
      %parallel_loop3A_568 = vector.broadcast %parallel_loop3A_566 : i32 to vector<16xi32>
      %parallel_loop3A_569 = arith.select %lt3A_321, %parallel_loop3A_567, %parallel_loop3A_568 : vector<16xi1>, vector<16xi32>
      %parallel_loop3A_570 = arith.addi %and3A_323, %parallel_loop3A_569 : vector<16xi32>
      %parallel_loop3A_571 = vector.extract_strided_slice %parallel_loop3A_388 {offsets = [4], sizes = [1], strides = [1]} : vector<16xi32> to vector<1xi32>
      %parallel_loop3A_572 = vector.extract %parallel_loop3A_571[0] : i32 from vector<1xi32>
      %parallel_loop3A_573 = vector.extract_strided_slice %parallel_loop3A_396 {offsets = [4], sizes = [1], strides = [1]} : vector<16xi32> to vector<1xi32>
      %parallel_loop3A_574 = vector.extract %parallel_loop3A_573[0] : i32 from vector<1xi32>
      %parallel_loop3A_575 = vector.broadcast %parallel_loop3A_572 : i32 to vector<16xi32>
      %parallel_loop3A_576 = vector.broadcast %parallel_loop3A_574 : i32 to vector<16xi32>
      %parallel_loop3A_577 = arith.select %lt3A_321, %parallel_loop3A_575, %parallel_loop3A_576 : vector<16xi1>, vector<16xi32>
      %parallel_loop3A_578 = arith.addi %xor3A_325, %parallel_loop3A_577 : vector<16xi32>
      %parallel_loop3A_579 = tpu.vector_load_idx %arg14[%parallel_loop3A_570] : memref<776xf32, #tpu.memory_space<vmem>>[vector<16xi32>], vector<16xf32>,
      %parallel_loop3A_580 = arith.index_cast %parallel_loop3A_562 : i32 to index
      %parallel_loop3A_581 = arith.constant 0 : index
      %parallel_loop3A_582 = tpu.vector_load %arg15[%parallel_loop3A_580, %parallel_loop3A_581] {strides = array<i32>} : memref<512x128xf32, #tpu.memory_space<vmem>>, vector<16xf32>,
      tpu.vector_store %arg15[%parallel_loop3A_580, %parallel_loop3A_581], %parallel_loop3A_579 {strides = array<i32>} : memref<512x128xf32, #tpu.memory_space<vmem>>, vector<16xf32>,
      %parallel_loop3A_583 = tpu.vector_load_idx %arg14[%parallel_loop3A_578] : memref<776xf32, #tpu.memory_space<vmem>>[vector<16xi32>], vector<16xf32>,
      %parallel_loop3A_584 = arith.index_cast %parallel_loop3A_562 : i32 to index
      %parallel_loop3A_585 = arith.constant 16 : index
      %parallel_loop3A_586 = tpu.vector_load %arg15[%parallel_loop3A_584, %parallel_loop3A_585] {strides = array<i32>} : memref<512x128xf32, #tpu.memory_space<vmem>>, vector<16xf32>,
      tpu.vector_store %arg15[%parallel_loop3A_584, %parallel_loop3A_585], %parallel_loop3A_583 {strides = array<i32>} : memref<512x128xf32, #tpu.memory_space<vmem>>, vector<16xf32>,
      %parallel_loop3A_587 = vector.extract_strided_slice %parallel_loop3A_398 {offsets = [4], sizes = [1], strides = [1]} : vector<16xf32> to vector<1xf32>
      %parallel_loop3A_588 = vector.extract %parallel_loop3A_587[0] : f32 from vector<1xf32>
      %parallel_loop3A_589 = vector.broadcast %parallel_loop3A_588 : f32 to vector<16xf32>
      %parallel_loop3A_590 = arith.mulf %parallel_loop3A_589, %add3A_168 : vector<16xf32>
      %parallel_loop3A_591 = arith.index_cast %parallel_loop3A_562 : i32 to index
      %parallel_loop3A_592 = arith.constant 32 : index
      %parallel_loop3A_593 = tpu.vector_load %arg15[%parallel_loop3A_591, %parallel_loop3A_592] {strides = array<i32>} : memref<512x128xf32, #tpu.memory_space<vmem>>, vector<16xf32>,
      tpu.vector_store %arg15[%parallel_loop3A_591, %parallel_loop3A_592], %parallel_loop3A_590 {strides = array<i32>} : memref<512x128xf32, #tpu.memory_space<vmem>>, vector<16xf32>,
      %parallel_loop3A_594 = vector.extract_strided_slice %parallel_loop3A_400 {offsets = [4], sizes = [1], strides = [1]} : vector<16xf32> to vector<1xf32>
      %parallel_loop3A_595 = vector.extract %parallel_loop3A_594[0] : f32 from vector<1xf32>
      %parallel_loop3A_596 = vector.broadcast %parallel_loop3A_595 : f32 to vector<16xf32>
      %parallel_loop3A_597 = arith.mulf %parallel_loop3A_596, %add3A_319 : vector<16xf32>
      %parallel_loop3A_598 = arith.index_cast %parallel_loop3A_562 : i32 to index
      %parallel_loop3A_599 = arith.constant 48 : index
      %parallel_loop3A_600 = tpu.vector_load %arg15[%parallel_loop3A_598, %parallel_loop3A_599] {strides = array<i32>} : memref<512x128xf32, #tpu.memory_space<vmem>>, vector<16xf32>,
      tpu.vector_store %arg15[%parallel_loop3A_598, %parallel_loop3A_599], %parallel_loop3A_597 {strides = array<i32>} : memref<512x128xf32, #tpu.memory_space<vmem>>, vector<16xf32>,
      %parallel_loop3A_601 = arith.constant 5 : i32
      %parallel_loop3A_602 = arith.addi %parallel_loop3A_375, %parallel_loop3A_601 : i32
      %parallel_loop3A_603 = vector.extract_strided_slice %parallel_loop3A_380 {offsets = [5], sizes = [1], strides = [1]} : vector<16xi32> to vector<1xi32>
      %parallel_loop3A_604 = vector.extract %parallel_loop3A_603[0] : i32 from vector<1xi32>
      %parallel_loop3A_605 = vector.extract_strided_slice %parallel_loop3A_388 {offsets = [5], sizes = [1], strides = [1]} : vector<16xi32> to vector<1xi32>
      %parallel_loop3A_606 = vector.extract %parallel_loop3A_605[0] : i32 from vector<1xi32>
      %parallel_loop3A_607 = vector.broadcast %parallel_loop3A_604 : i32 to vector<16xi32>
      %parallel_loop3A_608 = vector.broadcast %parallel_loop3A_606 : i32 to vector<16xi32>
      %parallel_loop3A_609 = arith.select %lt3A_321, %parallel_loop3A_607, %parallel_loop3A_608 : vector<16xi1>, vector<16xi32>
      %parallel_loop3A_610 = arith.addi %and3A_323, %parallel_loop3A_609 : vector<16xi32>
      %parallel_loop3A_611 = vector.extract_strided_slice %parallel_loop3A_388 {offsets = [5], sizes = [1], strides = [1]} : vector<16xi32> to vector<1xi32>
      %parallel_loop3A_612 = vector.extract %parallel_loop3A_611[0] : i32 from vector<1xi32>
      %parallel_loop3A_613 = vector.extract_strided_slice %parallel_loop3A_396 {offsets = [5], sizes = [1], strides = [1]} : vector<16xi32> to vector<1xi32>
      %parallel_loop3A_614 = vector.extract %parallel_loop3A_613[0] : i32 from vector<1xi32>
      %parallel_loop3A_615 = vector.broadcast %parallel_loop3A_612 : i32 to vector<16xi32>
      %parallel_loop3A_616 = vector.broadcast %parallel_loop3A_614 : i32 to vector<16xi32>
      %parallel_loop3A_617 = arith.select %lt3A_321, %parallel_loop3A_615, %parallel_loop3A_616 : vector<16xi1>, vector<16xi32>
      %parallel_loop3A_618 = arith.addi %xor3A_325, %parallel_loop3A_617 : vector<16xi32>
      %parallel_loop3A_619 = tpu.vector_load_idx %arg14[%parallel_loop3A_610] : memref<776xf32, #tpu.memory_space<vmem>>[vector<16xi32>], vector<16xf32>,
      %parallel_loop3A_620 = arith.index_cast %parallel_loop3A_602 : i32 to index
      %parallel_loop3A_621 = arith.constant 0 : index
      %parallel_loop3A_622 = tpu.vector_load %arg15[%parallel_loop3A_620, %parallel_loop3A_621] {strides = array<i32>} : memref<512x128xf32, #tpu.memory_space<vmem>>, vector<16xf32>,
      tpu.vector_store %arg15[%parallel_loop3A_620, %parallel_loop3A_621], %parallel_loop3A_619 {strides = array<i32>} : memref<512x128xf32, #tpu.memory_space<vmem>>, vector<16xf32>,
      %parallel_loop3A_623 = tpu.vector_load_idx %arg14[%parallel_loop3A_618] : memref<776xf32, #tpu.memory_space<vmem>>[vector<16xi32>], vector<16xf32>,
      %parallel_loop3A_624 = arith.index_cast %parallel_loop3A_602 : i32 to index
      %parallel_loop3A_625 = arith.constant 16 : index
      %parallel_loop3A_626 = tpu.vector_load %arg15[%parallel_loop3A_624, %parallel_loop3A_625] {strides = array<i32>} : memref<512x128xf32, #tpu.memory_space<vmem>>, vector<16xf32>,
      tpu.vector_store %arg15[%parallel_loop3A_624, %parallel_loop3A_625], %parallel_loop3A_623 {strides = array<i32>} : memref<512x128xf32, #tpu.memory_space<vmem>>, vector<16xf32>,
      %parallel_loop3A_627 = vector.extract_strided_slice %parallel_loop3A_398 {offsets = [5], sizes = [1], strides = [1]} : vector<16xf32> to vector<1xf32>
      %parallel_loop3A_628 = vector.extract %parallel_loop3A_627[0] : f32 from vector<1xf32>
      %parallel_loop3A_629 = vector.broadcast %parallel_loop3A_628 : f32 to vector<16xf32>
      %parallel_loop3A_630 = arith.mulf %parallel_loop3A_629, %add3A_168 : vector<16xf32>
      %parallel_loop3A_631 = arith.index_cast %parallel_loop3A_602 : i32 to index
      %parallel_loop3A_632 = arith.constant 32 : index
      %parallel_loop3A_633 = tpu.vector_load %arg15[%parallel_loop3A_631, %parallel_loop3A_632] {strides = array<i32>} : memref<512x128xf32, #tpu.memory_space<vmem>>, vector<16xf32>,
      tpu.vector_store %arg15[%parallel_loop3A_631, %parallel_loop3A_632], %parallel_loop3A_630 {strides = array<i32>} : memref<512x128xf32, #tpu.memory_space<vmem>>, vector<16xf32>,
      %parallel_loop3A_634 = vector.extract_strided_slice %parallel_loop3A_400 {offsets = [5], sizes = [1], strides = [1]} : vector<16xf32> to vector<1xf32>
      %parallel_loop3A_635 = vector.extract %parallel_loop3A_634[0] : f32 from vector<1xf32>
      %parallel_loop3A_636 = vector.broadcast %parallel_loop3A_635 : f32 to vector<16xf32>
      %parallel_loop3A_637 = arith.mulf %parallel_loop3A_636, %add3A_319 : vector<16xf32>
      %parallel_loop3A_638 = arith.index_cast %parallel_loop3A_602 : i32 to index
      %parallel_loop3A_639 = arith.constant 48 : index
      %parallel_loop3A_640 = tpu.vector_load %arg15[%parallel_loop3A_638, %parallel_loop3A_639] {strides = array<i32>} : memref<512x128xf32, #tpu.memory_space<vmem>>, vector<16xf32>,
      tpu.vector_store %arg15[%parallel_loop3A_638, %parallel_loop3A_639], %parallel_loop3A_637 {strides = array<i32>} : memref<512x128xf32, #tpu.memory_space<vmem>>, vector<16xf32>,
      %parallel_loop3A_641 = arith.constant 6 : i32
      %parallel_loop3A_642 = arith.addi %parallel_loop3A_375, %parallel_loop3A_641 : i32
      %parallel_loop3A_643 = vector.extract_strided_slice %parallel_loop3A_380 {offsets = [6], sizes = [1], strides = [1]} : vector<16xi32> to vector<1xi32>
      %parallel_loop3A_644 = vector.extract %parallel_loop3A_643[0] : i32 from vector<1xi32>
      %parallel_loop3A_645 = vector.extract_strided_slice %parallel_loop3A_388 {offsets = [6], sizes = [1], strides = [1]} : vector<16xi32> to vector<1xi32>
      %parallel_loop3A_646 = vector.extract %parallel_loop3A_645[0] : i32 from vector<1xi32>
      %parallel_loop3A_647 = vector.broadcast %parallel_loop3A_644 : i32 to vector<16xi32>
      %parallel_loop3A_648 = vector.broadcast %parallel_loop3A_646 : i32 to vector<16xi32>
      %parallel_loop3A_649 = arith.select %lt3A_321, %parallel_loop3A_647, %parallel_loop3A_648 : vector<16xi1>, vector<16xi32>
      %parallel_loop3A_650 = arith.addi %and3A_323, %parallel_loop3A_649 : vector<16xi32>
      %parallel_loop3A_651 = vector.extract_strided_slice %parallel_loop3A_388 {offsets = [6], sizes = [1], strides = [1]} : vector<16xi32> to vector<1xi32>
      %parallel_loop3A_652 = vector.extract %parallel_loop3A_651[0] : i32 from vector<1xi32>
      %parallel_loop3A_653 = vector.extract_strided_slice %parallel_loop3A_396 {offsets = [6], sizes = [1], strides = [1]} : vector<16xi32> to vector<1xi32>
      %parallel_loop3A_654 = vector.extract %parallel_loop3A_653[0] : i32 from vector<1xi32>
      %parallel_loop3A_655 = vector.broadcast %parallel_loop3A_652 : i32 to vector<16xi32>
      %parallel_loop3A_656 = vector.broadcast %parallel_loop3A_654 : i32 to vector<16xi32>
      %parallel_loop3A_657 = arith.select %lt3A_321, %parallel_loop3A_655, %parallel_loop3A_656 : vector<16xi1>, vector<16xi32>
      %parallel_loop3A_658 = arith.addi %xor3A_325, %parallel_loop3A_657 : vector<16xi32>
      %parallel_loop3A_659 = tpu.vector_load_idx %arg14[%parallel_loop3A_650] : memref<776xf32, #tpu.memory_space<vmem>>[vector<16xi32>], vector<16xf32>,
      %parallel_loop3A_660 = arith.index_cast %parallel_loop3A_642 : i32 to index
      %parallel_loop3A_661 = arith.constant 0 : index
      %parallel_loop3A_662 = tpu.vector_load %arg15[%parallel_loop3A_660, %parallel_loop3A_661] {strides = array<i32>} : memref<512x128xf32, #tpu.memory_space<vmem>>, vector<16xf32>,
      tpu.vector_store %arg15[%parallel_loop3A_660, %parallel_loop3A_661], %parallel_loop3A_659 {strides = array<i32>} : memref<512x128xf32, #tpu.memory_space<vmem>>, vector<16xf32>,
      %parallel_loop3A_663 = tpu.vector_load_idx %arg14[%parallel_loop3A_658] : memref<776xf32, #tpu.memory_space<vmem>>[vector<16xi32>], vector<16xf32>,
      %parallel_loop3A_664 = arith.index_cast %parallel_loop3A_642 : i32 to index
      %parallel_loop3A_665 = arith.constant 16 : index
      %parallel_loop3A_666 = tpu.vector_load %arg15[%parallel_loop3A_664, %parallel_loop3A_665] {strides = array<i32>} : memref<512x128xf32, #tpu.memory_space<vmem>>, vector<16xf32>,
      tpu.vector_store %arg15[%parallel_loop3A_664, %parallel_loop3A_665], %parallel_loop3A_663 {strides = array<i32>} : memref<512x128xf32, #tpu.memory_space<vmem>>, vector<16xf32>,
      %parallel_loop3A_667 = vector.extract_strided_slice %parallel_loop3A_398 {offsets = [6], sizes = [1], strides = [1]} : vector<16xf32> to vector<1xf32>
      %parallel_loop3A_668 = vector.extract %parallel_loop3A_667[0] : f32 from vector<1xf32>
      %parallel_loop3A_669 = vector.broadcast %parallel_loop3A_668 : f32 to vector<16xf32>
      %parallel_loop3A_670 = arith.mulf %parallel_loop3A_669, %add3A_168 : vector<16xf32>
      %parallel_loop3A_671 = arith.index_cast %parallel_loop3A_642 : i32 to index
      %parallel_loop3A_672 = arith.constant 32 : index
      %parallel_loop3A_673 = tpu.vector_load %arg15[%parallel_loop3A_671, %parallel_loop3A_672] {strides = array<i32>} : memref<512x128xf32, #tpu.memory_space<vmem>>, vector<16xf32>,
      tpu.vector_store %arg15[%parallel_loop3A_671, %parallel_loop3A_672], %parallel_loop3A_670 {strides = array<i32>} : memref<512x128xf32, #tpu.memory_space<vmem>>, vector<16xf32>,
      %parallel_loop3A_674 = vector.extract_strided_slice %parallel_loop3A_400 {offsets = [6], sizes = [1], strides = [1]} : vector<16xf32> to vector<1xf32>
      %parallel_loop3A_675 = vector.extract %parallel_loop3A_674[0] : f32 from vector<1xf32>
      %parallel_loop3A_676 = vector.broadcast %parallel_loop3A_675 : f32 to vector<16xf32>
      %parallel_loop3A_677 = arith.mulf %parallel_loop3A_676, %add3A_319 : vector<16xf32>
      %parallel_loop3A_678 = arith.index_cast %parallel_loop3A_642 : i32 to index
      %parallel_loop3A_679 = arith.constant 48 : index
      %parallel_loop3A_680 = tpu.vector_load %arg15[%parallel_loop3A_678, %parallel_loop3A_679] {strides = array<i32>} : memref<512x128xf32, #tpu.memory_space<vmem>>, vector<16xf32>,
      tpu.vector_store %arg15[%parallel_loop3A_678, %parallel_loop3A_679], %parallel_loop3A_677 {strides = array<i32>} : memref<512x128xf32, #tpu.memory_space<vmem>>, vector<16xf32>,
      %parallel_loop3A_681 = arith.constant 7 : i32
      %parallel_loop3A_682 = arith.addi %parallel_loop3A_375, %parallel_loop3A_681 : i32
      %parallel_loop3A_683 = vector.extract_strided_slice %parallel_loop3A_380 {offsets = [7], sizes = [1], strides = [1]} : vector<16xi32> to vector<1xi32>
      %parallel_loop3A_684 = vector.extract %parallel_loop3A_683[0] : i32 from vector<1xi32>
      %parallel_loop3A_685 = vector.extract_strided_slice %parallel_loop3A_388 {offsets = [7], sizes = [1], strides = [1]} : vector<16xi32> to vector<1xi32>
      %parallel_loop3A_686 = vector.extract %parallel_loop3A_685[0] : i32 from vector<1xi32>
      %parallel_loop3A_687 = vector.broadcast %parallel_loop3A_684 : i32 to vector<16xi32>
      %parallel_loop3A_688 = vector.broadcast %parallel_loop3A_686 : i32 to vector<16xi32>
      %parallel_loop3A_689 = arith.select %lt3A_321, %parallel_loop3A_687, %parallel_loop3A_688 : vector<16xi1>, vector<16xi32>
      %parallel_loop3A_690 = arith.addi %and3A_323, %parallel_loop3A_689 : vector<16xi32>
      %parallel_loop3A_691 = vector.extract_strided_slice %parallel_loop3A_388 {offsets = [7], sizes = [1], strides = [1]} : vector<16xi32> to vector<1xi32>
      %parallel_loop3A_692 = vector.extract %parallel_loop3A_691[0] : i32 from vector<1xi32>
      %parallel_loop3A_693 = vector.extract_strided_slice %parallel_loop3A_396 {offsets = [7], sizes = [1], strides = [1]} : vector<16xi32> to vector<1xi32>
      %parallel_loop3A_694 = vector.extract %parallel_loop3A_693[0] : i32 from vector<1xi32>
      %parallel_loop3A_695 = vector.broadcast %parallel_loop3A_692 : i32 to vector<16xi32>
      %parallel_loop3A_696 = vector.broadcast %parallel_loop3A_694 : i32 to vector<16xi32>
      %parallel_loop3A_697 = arith.select %lt3A_321, %parallel_loop3A_695, %parallel_loop3A_696 : vector<16xi1>, vector<16xi32>
      %parallel_loop3A_698 = arith.addi %xor3A_325, %parallel_loop3A_697 : vector<16xi32>
      %parallel_loop3A_699 = tpu.vector_load_idx %arg14[%parallel_loop3A_690] : memref<776xf32, #tpu.memory_space<vmem>>[vector<16xi32>], vector<16xf32>,
      %parallel_loop3A_700 = arith.index_cast %parallel_loop3A_682 : i32 to index
      %parallel_loop3A_701 = arith.constant 0 : index
      %parallel_loop3A_702 = tpu.vector_load %arg15[%parallel_loop3A_700, %parallel_loop3A_701] {strides = array<i32>} : memref<512x128xf32, #tpu.memory_space<vmem>>, vector<16xf32>,
      tpu.vector_store %arg15[%parallel_loop3A_700, %parallel_loop3A_701], %parallel_loop3A_699 {strides = array<i32>} : memref<512x128xf32, #tpu.memory_space<vmem>>, vector<16xf32>,
      %parallel_loop3A_703 = tpu.vector_load_idx %arg14[%parallel_loop3A_698] : memref<776xf32, #tpu.memory_space<vmem>>[vector<16xi32>], vector<16xf32>,
      %parallel_loop3A_704 = arith.index_cast %parallel_loop3A_682 : i32 to index
      %parallel_loop3A_705 = arith.constant 16 : index
      %parallel_loop3A_706 = tpu.vector_load %arg15[%parallel_loop3A_704, %parallel_loop3A_705] {strides = array<i32>} : memref<512x128xf32, #tpu.memory_space<vmem>>, vector<16xf32>,
      tpu.vector_store %arg15[%parallel_loop3A_704, %parallel_loop3A_705], %parallel_loop3A_703 {strides = array<i32>} : memref<512x128xf32, #tpu.memory_space<vmem>>, vector<16xf32>,
      %parallel_loop3A_707 = vector.extract_strided_slice %parallel_loop3A_398 {offsets = [7], sizes = [1], strides = [1]} : vector<16xf32> to vector<1xf32>
      %parallel_loop3A_708 = vector.extract %parallel_loop3A_707[0] : f32 from vector<1xf32>
      %parallel_loop3A_709 = vector.broadcast %parallel_loop3A_708 : f32 to vector<16xf32>
      %parallel_loop3A_710 = arith.mulf %parallel_loop3A_709, %add3A_168 : vector<16xf32>
      %parallel_loop3A_711 = arith.index_cast %parallel_loop3A_682 : i32 to index
      %parallel_loop3A_712 = arith.constant 32 : index
      %parallel_loop3A_713 = tpu.vector_load %arg15[%parallel_loop3A_711, %parallel_loop3A_712] {strides = array<i32>} : memref<512x128xf32, #tpu.memory_space<vmem>>, vector<16xf32>,
      tpu.vector_store %arg15[%parallel_loop3A_711, %parallel_loop3A_712], %parallel_loop3A_710 {strides = array<i32>} : memref<512x128xf32, #tpu.memory_space<vmem>>, vector<16xf32>,
      %parallel_loop3A_714 = vector.extract_strided_slice %parallel_loop3A_400 {offsets = [7], sizes = [1], strides = [1]} : vector<16xf32> to vector<1xf32>
      %parallel_loop3A_715 = vector.extract %parallel_loop3A_714[0] : f32 from vector<1xf32>
      %parallel_loop3A_716 = vector.broadcast %parallel_loop3A_715 : f32 to vector<16xf32>
      %parallel_loop3A_717 = arith.mulf %parallel_loop3A_716, %add3A_319 : vector<16xf32>
      %parallel_loop3A_718 = arith.index_cast %parallel_loop3A_682 : i32 to index
      %parallel_loop3A_719 = arith.constant 48 : index
      %parallel_loop3A_720 = tpu.vector_load %arg15[%parallel_loop3A_718, %parallel_loop3A_719] {strides = array<i32>} : memref<512x128xf32, #tpu.memory_space<vmem>>, vector<16xf32>,
      tpu.vector_store %arg15[%parallel_loop3A_718, %parallel_loop3A_719], %parallel_loop3A_717 {strides = array<i32>} : memref<512x128xf32, #tpu.memory_space<vmem>>, vector<16xf32>,
      %parallel_loop3A_721 = arith.constant 8 : i32
      %parallel_loop3A_722 = arith.addi %parallel_loop3A_375, %parallel_loop3A_721 : i32
      %parallel_loop3A_723 = vector.extract_strided_slice %parallel_loop3A_380 {offsets = [8], sizes = [1], strides = [1]} : vector<16xi32> to vector<1xi32>
      %parallel_loop3A_724 = vector.extract %parallel_loop3A_723[0] : i32 from vector<1xi32>
      %parallel_loop3A_725 = vector.extract_strided_slice %parallel_loop3A_388 {offsets = [8], sizes = [1], strides = [1]} : vector<16xi32> to vector<1xi32>
      %parallel_loop3A_726 = vector.extract %parallel_loop3A_725[0] : i32 from vector<1xi32>
      %parallel_loop3A_727 = vector.broadcast %parallel_loop3A_724 : i32 to vector<16xi32>
      %parallel_loop3A_728 = vector.broadcast %parallel_loop3A_726 : i32 to vector<16xi32>
      %parallel_loop3A_729 = arith.select %lt3A_321, %parallel_loop3A_727, %parallel_loop3A_728 : vector<16xi1>, vector<16xi32>
      %parallel_loop3A_730 = arith.addi %and3A_323, %parallel_loop3A_729 : vector<16xi32>
      %parallel_loop3A_731 = vector.extract_strided_slice %parallel_loop3A_388 {offsets = [8], sizes = [1], strides = [1]} : vector<16xi32> to vector<1xi32>
      %parallel_loop3A_732 = vector.extract %parallel_loop3A_731[0] : i32 from vector<1xi32>
      %parallel_loop3A_733 = vector.extract_strided_slice %parallel_loop3A_396 {offsets = [8], sizes = [1], strides = [1]} : vector<16xi32> to vector<1xi32>
      %parallel_loop3A_734 = vector.extract %parallel_loop3A_733[0] : i32 from vector<1xi32>
      %parallel_loop3A_735 = vector.broadcast %parallel_loop3A_732 : i32 to vector<16xi32>
      %parallel_loop3A_736 = vector.broadcast %parallel_loop3A_734 : i32 to vector<16xi32>
      %parallel_loop3A_737 = arith.select %lt3A_321, %parallel_loop3A_735, %parallel_loop3A_736 : vector<16xi1>, vector<16xi32>
      %parallel_loop3A_738 = arith.addi %xor3A_325, %parallel_loop3A_737 : vector<16xi32>
      %parallel_loop3A_739 = tpu.vector_load_idx %arg14[%parallel_loop3A_730] : memref<776xf32, #tpu.memory_space<vmem>>[vector<16xi32>], vector<16xf32>,
      %parallel_loop3A_740 = arith.index_cast %parallel_loop3A_722 : i32 to index
      %parallel_loop3A_741 = arith.constant 0 : index
      %parallel_loop3A_742 = tpu.vector_load %arg15[%parallel_loop3A_740, %parallel_loop3A_741] {strides = array<i32>} : memref<512x128xf32, #tpu.memory_space<vmem>>, vector<16xf32>,
      tpu.vector_store %arg15[%parallel_loop3A_740, %parallel_loop3A_741], %parallel_loop3A_739 {strides = array<i32>} : memref<512x128xf32, #tpu.memory_space<vmem>>, vector<16xf32>,
      %parallel_loop3A_743 = tpu.vector_load_idx %arg14[%parallel_loop3A_738] : memref<776xf32, #tpu.memory_space<vmem>>[vector<16xi32>], vector<16xf32>,
      %parallel_loop3A_744 = arith.index_cast %parallel_loop3A_722 : i32 to index
      %parallel_loop3A_745 = arith.constant 16 : index
      %parallel_loop3A_746 = tpu.vector_load %arg15[%parallel_loop3A_744, %parallel_loop3A_745] {strides = array<i32>} : memref<512x128xf32, #tpu.memory_space<vmem>>, vector<16xf32>,
      tpu.vector_store %arg15[%parallel_loop3A_744, %parallel_loop3A_745], %parallel_loop3A_743 {strides = array<i32>} : memref<512x128xf32, #tpu.memory_space<vmem>>, vector<16xf32>,
      %parallel_loop3A_747 = vector.extract_strided_slice %parallel_loop3A_398 {offsets = [8], sizes = [1], strides = [1]} : vector<16xf32> to vector<1xf32>
      %parallel_loop3A_748 = vector.extract %parallel_loop3A_747[0] : f32 from vector<1xf32>
      %parallel_loop3A_749 = vector.broadcast %parallel_loop3A_748 : f32 to vector<16xf32>
      %parallel_loop3A_750 = arith.mulf %parallel_loop3A_749, %add3A_168 : vector<16xf32>
      %parallel_loop3A_751 = arith.index_cast %parallel_loop3A_722 : i32 to index
      %parallel_loop3A_752 = arith.constant 32 : index
      %parallel_loop3A_753 = tpu.vector_load %arg15[%parallel_loop3A_751, %parallel_loop3A_752] {strides = array<i32>} : memref<512x128xf32, #tpu.memory_space<vmem>>, vector<16xf32>,
      tpu.vector_store %arg15[%parallel_loop3A_751, %parallel_loop3A_752], %parallel_loop3A_750 {strides = array<i32>} : memref<512x128xf32, #tpu.memory_space<vmem>>, vector<16xf32>,
      %parallel_loop3A_754 = vector.extract_strided_slice %parallel_loop3A_400 {offsets = [8], sizes = [1], strides = [1]} : vector<16xf32> to vector<1xf32>
      %parallel_loop3A_755 = vector.extract %parallel_loop3A_754[0] : f32 from vector<1xf32>
      %parallel_loop3A_756 = vector.broadcast %parallel_loop3A_755 : f32 to vector<16xf32>
      %parallel_loop3A_757 = arith.mulf %parallel_loop3A_756, %add3A_319 : vector<16xf32>
      %parallel_loop3A_758 = arith.index_cast %parallel_loop3A_722 : i32 to index
      %parallel_loop3A_759 = arith.constant 48 : index
      %parallel_loop3A_760 = tpu.vector_load %arg15[%parallel_loop3A_758, %parallel_loop3A_759] {strides = array<i32>} : memref<512x128xf32, #tpu.memory_space<vmem>>, vector<16xf32>,
      tpu.vector_store %arg15[%parallel_loop3A_758, %parallel_loop3A_759], %parallel_loop3A_757 {strides = array<i32>} : memref<512x128xf32, #tpu.memory_space<vmem>>, vector<16xf32>,
      %parallel_loop3A_761 = arith.constant 9 : i32
      %parallel_loop3A_762 = arith.addi %parallel_loop3A_375, %parallel_loop3A_761 : i32
      %parallel_loop3A_763 = vector.extract_strided_slice %parallel_loop3A_380 {offsets = [9], sizes = [1], strides = [1]} : vector<16xi32> to vector<1xi32>
      %parallel_loop3A_764 = vector.extract %parallel_loop3A_763[0] : i32 from vector<1xi32>
      %parallel_loop3A_765 = vector.extract_strided_slice %parallel_loop3A_388 {offsets = [9], sizes = [1], strides = [1]} : vector<16xi32> to vector<1xi32>
      %parallel_loop3A_766 = vector.extract %parallel_loop3A_765[0] : i32 from vector<1xi32>
      %parallel_loop3A_767 = vector.broadcast %parallel_loop3A_764 : i32 to vector<16xi32>
      %parallel_loop3A_768 = vector.broadcast %parallel_loop3A_766 : i32 to vector<16xi32>
      %parallel_loop3A_769 = arith.select %lt3A_321, %parallel_loop3A_767, %parallel_loop3A_768 : vector<16xi1>, vector<16xi32>
      %parallel_loop3A_770 = arith.addi %and3A_323, %parallel_loop3A_769 : vector<16xi32>
      %parallel_loop3A_771 = vector.extract_strided_slice %parallel_loop3A_388 {offsets = [9], sizes = [1], strides = [1]} : vector<16xi32> to vector<1xi32>
      %parallel_loop3A_772 = vector.extract %parallel_loop3A_771[0] : i32 from vector<1xi32>
      %parallel_loop3A_773 = vector.extract_strided_slice %parallel_loop3A_396 {offsets = [9], sizes = [1], strides = [1]} : vector<16xi32> to vector<1xi32>
      %parallel_loop3A_774 = vector.extract %parallel_loop3A_773[0] : i32 from vector<1xi32>
      %parallel_loop3A_775 = vector.broadcast %parallel_loop3A_772 : i32 to vector<16xi32>
      %parallel_loop3A_776 = vector.broadcast %parallel_loop3A_774 : i32 to vector<16xi32>
      %parallel_loop3A_777 = arith.select %lt3A_321, %parallel_loop3A_775, %parallel_loop3A_776 : vector<16xi1>, vector<16xi32>
      %parallel_loop3A_778 = arith.addi %xor3A_325, %parallel_loop3A_777 : vector<16xi32>
      %parallel_loop3A_779 = tpu.vector_load_idx %arg14[%parallel_loop3A_770] : memref<776xf32, #tpu.memory_space<vmem>>[vector<16xi32>], vector<16xf32>,
      %parallel_loop3A_780 = arith.index_cast %parallel_loop3A_762 : i32 to index
      %parallel_loop3A_781 = arith.constant 0 : index
      %parallel_loop3A_782 = tpu.vector_load %arg15[%parallel_loop3A_780, %parallel_loop3A_781] {strides = array<i32>} : memref<512x128xf32, #tpu.memory_space<vmem>>, vector<16xf32>,
      tpu.vector_store %arg15[%parallel_loop3A_780, %parallel_loop3A_781], %parallel_loop3A_779 {strides = array<i32>} : memref<512x128xf32, #tpu.memory_space<vmem>>, vector<16xf32>,
      %parallel_loop3A_783 = tpu.vector_load_idx %arg14[%parallel_loop3A_778] : memref<776xf32, #tpu.memory_space<vmem>>[vector<16xi32>], vector<16xf32>,
      %parallel_loop3A_784 = arith.index_cast %parallel_loop3A_762 : i32 to index
      %parallel_loop3A_785 = arith.constant 16 : index
      %parallel_loop3A_786 = tpu.vector_load %arg15[%parallel_loop3A_784, %parallel_loop3A_785] {strides = array<i32>} : memref<512x128xf32, #tpu.memory_space<vmem>>, vector<16xf32>,
      tpu.vector_store %arg15[%parallel_loop3A_784, %parallel_loop3A_785], %parallel_loop3A_783 {strides = array<i32>} : memref<512x128xf32, #tpu.memory_space<vmem>>, vector<16xf32>,
      %parallel_loop3A_787 = vector.extract_strided_slice %parallel_loop3A_398 {offsets = [9], sizes = [1], strides = [1]} : vector<16xf32> to vector<1xf32>
      %parallel_loop3A_788 = vector.extract %parallel_loop3A_787[0] : f32 from vector<1xf32>
      %parallel_loop3A_789 = vector.broadcast %parallel_loop3A_788 : f32 to vector<16xf32>
      %parallel_loop3A_790 = arith.mulf %parallel_loop3A_789, %add3A_168 : vector<16xf32>
      %parallel_loop3A_791 = arith.index_cast %parallel_loop3A_762 : i32 to index
      %parallel_loop3A_792 = arith.constant 32 : index
      %parallel_loop3A_793 = tpu.vector_load %arg15[%parallel_loop3A_791, %parallel_loop3A_792] {strides = array<i32>} : memref<512x128xf32, #tpu.memory_space<vmem>>, vector<16xf32>,
      tpu.vector_store %arg15[%parallel_loop3A_791, %parallel_loop3A_792], %parallel_loop3A_790 {strides = array<i32>} : memref<512x128xf32, #tpu.memory_space<vmem>>, vector<16xf32>,
      %parallel_loop3A_794 = vector.extract_strided_slice %parallel_loop3A_400 {offsets = [9], sizes = [1], strides = [1]} : vector<16xf32> to vector<1xf32>
      %parallel_loop3A_795 = vector.extract %parallel_loop3A_794[0] : f32 from vector<1xf32>
      %parallel_loop3A_796 = vector.broadcast %parallel_loop3A_795 : f32 to vector<16xf32>
      %parallel_loop3A_797 = arith.mulf %parallel_loop3A_796, %add3A_319 : vector<16xf32>
      %parallel_loop3A_798 = arith.index_cast %parallel_loop3A_762 : i32 to index
      %parallel_loop3A_799 = arith.constant 48 : index
      %parallel_loop3A_800 = tpu.vector_load %arg15[%parallel_loop3A_798, %parallel_loop3A_799] {strides = array<i32>} : memref<512x128xf32, #tpu.memory_space<vmem>>, vector<16xf32>,
      tpu.vector_store %arg15[%parallel_loop3A_798, %parallel_loop3A_799], %parallel_loop3A_797 {strides = array<i32>} : memref<512x128xf32, #tpu.memory_space<vmem>>, vector<16xf32>,
      %parallel_loop3A_801 = arith.constant 10 : i32
      %parallel_loop3A_802 = arith.addi %parallel_loop3A_375, %parallel_loop3A_801 : i32
      %parallel_loop3A_803 = vector.extract_strided_slice %parallel_loop3A_380 {offsets = [10], sizes = [1], strides = [1]} : vector<16xi32> to vector<1xi32>
      %parallel_loop3A_804 = vector.extract %parallel_loop3A_803[0] : i32 from vector<1xi32>
      %parallel_loop3A_805 = vector.extract_strided_slice %parallel_loop3A_388 {offsets = [10], sizes = [1], strides = [1]} : vector<16xi32> to vector<1xi32>
      %parallel_loop3A_806 = vector.extract %parallel_loop3A_805[0] : i32 from vector<1xi32>
      %parallel_loop3A_807 = vector.broadcast %parallel_loop3A_804 : i32 to vector<16xi32>
      %parallel_loop3A_808 = vector.broadcast %parallel_loop3A_806 : i32 to vector<16xi32>
      %parallel_loop3A_809 = arith.select %lt3A_321, %parallel_loop3A_807, %parallel_loop3A_808 : vector<16xi1>, vector<16xi32>
      %parallel_loop3A_810 = arith.addi %and3A_323, %parallel_loop3A_809 : vector<16xi32>
      %parallel_loop3A_811 = vector.extract_strided_slice %parallel_loop3A_388 {offsets = [10], sizes = [1], strides = [1]} : vector<16xi32> to vector<1xi32>
      %parallel_loop3A_812 = vector.extract %parallel_loop3A_811[0] : i32 from vector<1xi32>
      %parallel_loop3A_813 = vector.extract_strided_slice %parallel_loop3A_396 {offsets = [10], sizes = [1], strides = [1]} : vector<16xi32> to vector<1xi32>
      %parallel_loop3A_814 = vector.extract %parallel_loop3A_813[0] : i32 from vector<1xi32>
      %parallel_loop3A_815 = vector.broadcast %parallel_loop3A_812 : i32 to vector<16xi32>
      %parallel_loop3A_816 = vector.broadcast %parallel_loop3A_814 : i32 to vector<16xi32>
      %parallel_loop3A_817 = arith.select %lt3A_321, %parallel_loop3A_815, %parallel_loop3A_816 : vector<16xi1>, vector<16xi32>
      %parallel_loop3A_818 = arith.addi %xor3A_325, %parallel_loop3A_817 : vector<16xi32>
      %parallel_loop3A_819 = tpu.vector_load_idx %arg14[%parallel_loop3A_810] : memref<776xf32, #tpu.memory_space<vmem>>[vector<16xi32>], vector<16xf32>,
      %parallel_loop3A_820 = arith.index_cast %parallel_loop3A_802 : i32 to index
      %parallel_loop3A_821 = arith.constant 0 : index
      %parallel_loop3A_822 = tpu.vector_load %arg15[%parallel_loop3A_820, %parallel_loop3A_821] {strides = array<i32>} : memref<512x128xf32, #tpu.memory_space<vmem>>, vector<16xf32>,
      tpu.vector_store %arg15[%parallel_loop3A_820, %parallel_loop3A_821], %parallel_loop3A_819 {strides = array<i32>} : memref<512x128xf32, #tpu.memory_space<vmem>>, vector<16xf32>,
      %parallel_loop3A_823 = tpu.vector_load_idx %arg14[%parallel_loop3A_818] : memref<776xf32, #tpu.memory_space<vmem>>[vector<16xi32>], vector<16xf32>,
      %parallel_loop3A_824 = arith.index_cast %parallel_loop3A_802 : i32 to index
      %parallel_loop3A_825 = arith.constant 16 : index
      %parallel_loop3A_826 = tpu.vector_load %arg15[%parallel_loop3A_824, %parallel_loop3A_825] {strides = array<i32>} : memref<512x128xf32, #tpu.memory_space<vmem>>, vector<16xf32>,
      tpu.vector_store %arg15[%parallel_loop3A_824, %parallel_loop3A_825], %parallel_loop3A_823 {strides = array<i32>} : memref<512x128xf32, #tpu.memory_space<vmem>>, vector<16xf32>,
      %parallel_loop3A_827 = vector.extract_strided_slice %parallel_loop3A_398 {offsets = [10], sizes = [1], strides = [1]} : vector<16xf32> to vector<1xf32>
      %parallel_loop3A_828 = vector.extract %parallel_loop3A_827[0] : f32 from vector<1xf32>
      %parallel_loop3A_829 = vector.broadcast %parallel_loop3A_828 : f32 to vector<16xf32>
      %parallel_loop3A_830 = arith.mulf %parallel_loop3A_829, %add3A_168 : vector<16xf32>
      %parallel_loop3A_831 = arith.index_cast %parallel_loop3A_802 : i32 to index
      %parallel_loop3A_832 = arith.constant 32 : index
      %parallel_loop3A_833 = tpu.vector_load %arg15[%parallel_loop3A_831, %parallel_loop3A_832] {strides = array<i32>} : memref<512x128xf32, #tpu.memory_space<vmem>>, vector<16xf32>,
      tpu.vector_store %arg15[%parallel_loop3A_831, %parallel_loop3A_832], %parallel_loop3A_830 {strides = array<i32>} : memref<512x128xf32, #tpu.memory_space<vmem>>, vector<16xf32>,
      %parallel_loop3A_834 = vector.extract_strided_slice %parallel_loop3A_400 {offsets = [10], sizes = [1], strides = [1]} : vector<16xf32> to vector<1xf32>
      %parallel_loop3A_835 = vector.extract %parallel_loop3A_834[0] : f32 from vector<1xf32>
      %parallel_loop3A_836 = vector.broadcast %parallel_loop3A_835 : f32 to vector<16xf32>
      %parallel_loop3A_837 = arith.mulf %parallel_loop3A_836, %add3A_319 : vector<16xf32>
      %parallel_loop3A_838 = arith.index_cast %parallel_loop3A_802 : i32 to index
      %parallel_loop3A_839 = arith.constant 48 : index
      %parallel_loop3A_840 = tpu.vector_load %arg15[%parallel_loop3A_838, %parallel_loop3A_839] {strides = array<i32>} : memref<512x128xf32, #tpu.memory_space<vmem>>, vector<16xf32>,
      tpu.vector_store %arg15[%parallel_loop3A_838, %parallel_loop3A_839], %parallel_loop3A_837 {strides = array<i32>} : memref<512x128xf32, #tpu.memory_space<vmem>>, vector<16xf32>,
      %parallel_loop3A_841 = arith.constant 11 : i32
      %parallel_loop3A_842 = arith.addi %parallel_loop3A_375, %parallel_loop3A_841 : i32
      %parallel_loop3A_843 = vector.extract_strided_slice %parallel_loop3A_380 {offsets = [11], sizes = [1], strides = [1]} : vector<16xi32> to vector<1xi32>
      %parallel_loop3A_844 = vector.extract %parallel_loop3A_843[0] : i32 from vector<1xi32>
      %parallel_loop3A_845 = vector.extract_strided_slice %parallel_loop3A_388 {offsets = [11], sizes = [1], strides = [1]} : vector<16xi32> to vector<1xi32>
      %parallel_loop3A_846 = vector.extract %parallel_loop3A_845[0] : i32 from vector<1xi32>
      %parallel_loop3A_847 = vector.broadcast %parallel_loop3A_844 : i32 to vector<16xi32>
      %parallel_loop3A_848 = vector.broadcast %parallel_loop3A_846 : i32 to vector<16xi32>
      %parallel_loop3A_849 = arith.select %lt3A_321, %parallel_loop3A_847, %parallel_loop3A_848 : vector<16xi1>, vector<16xi32>
      %parallel_loop3A_850 = arith.addi %and3A_323, %parallel_loop3A_849 : vector<16xi32>
      %parallel_loop3A_851 = vector.extract_strided_slice %parallel_loop3A_388 {offsets = [11], sizes = [1], strides = [1]} : vector<16xi32> to vector<1xi32>
      %parallel_loop3A_852 = vector.extract %parallel_loop3A_851[0] : i32 from vector<1xi32>
      %parallel_loop3A_853 = vector.extract_strided_slice %parallel_loop3A_396 {offsets = [11], sizes = [1], strides = [1]} : vector<16xi32> to vector<1xi32>
      %parallel_loop3A_854 = vector.extract %parallel_loop3A_853[0] : i32 from vector<1xi32>
      %parallel_loop3A_855 = vector.broadcast %parallel_loop3A_852 : i32 to vector<16xi32>
      %parallel_loop3A_856 = vector.broadcast %parallel_loop3A_854 : i32 to vector<16xi32>
      %parallel_loop3A_857 = arith.select %lt3A_321, %parallel_loop3A_855, %parallel_loop3A_856 : vector<16xi1>, vector<16xi32>
      %parallel_loop3A_858 = arith.addi %xor3A_325, %parallel_loop3A_857 : vector<16xi32>
      %parallel_loop3A_859 = tpu.vector_load_idx %arg14[%parallel_loop3A_850] : memref<776xf32, #tpu.memory_space<vmem>>[vector<16xi32>], vector<16xf32>,
      %parallel_loop3A_860 = arith.index_cast %parallel_loop3A_842 : i32 to index
      %parallel_loop3A_861 = arith.constant 0 : index
      %parallel_loop3A_862 = tpu.vector_load %arg15[%parallel_loop3A_860, %parallel_loop3A_861] {strides = array<i32>} : memref<512x128xf32, #tpu.memory_space<vmem>>, vector<16xf32>,
      tpu.vector_store %arg15[%parallel_loop3A_860, %parallel_loop3A_861], %parallel_loop3A_859 {strides = array<i32>} : memref<512x128xf32, #tpu.memory_space<vmem>>, vector<16xf32>,
      %parallel_loop3A_863 = tpu.vector_load_idx %arg14[%parallel_loop3A_858] : memref<776xf32, #tpu.memory_space<vmem>>[vector<16xi32>], vector<16xf32>,
      %parallel_loop3A_864 = arith.index_cast %parallel_loop3A_842 : i32 to index
      %parallel_loop3A_865 = arith.constant 16 : index
      %parallel_loop3A_866 = tpu.vector_load %arg15[%parallel_loop3A_864, %parallel_loop3A_865] {strides = array<i32>} : memref<512x128xf32, #tpu.memory_space<vmem>>, vector<16xf32>,
      tpu.vector_store %arg15[%parallel_loop3A_864, %parallel_loop3A_865], %parallel_loop3A_863 {strides = array<i32>} : memref<512x128xf32, #tpu.memory_space<vmem>>, vector<16xf32>,
      %parallel_loop3A_867 = vector.extract_strided_slice %parallel_loop3A_398 {offsets = [11], sizes = [1], strides = [1]} : vector<16xf32> to vector<1xf32>
      %parallel_loop3A_868 = vector.extract %parallel_loop3A_867[0] : f32 from vector<1xf32>
      %parallel_loop3A_869 = vector.broadcast %parallel_loop3A_868 : f32 to vector<16xf32>
      %parallel_loop3A_870 = arith.mulf %parallel_loop3A_869, %add3A_168 : vector<16xf32>
      %parallel_loop3A_871 = arith.index_cast %parallel_loop3A_842 : i32 to index
      %parallel_loop3A_872 = arith.constant 32 : index
      %parallel_loop3A_873 = tpu.vector_load %arg15[%parallel_loop3A_871, %parallel_loop3A_872] {strides = array<i32>} : memref<512x128xf32, #tpu.memory_space<vmem>>, vector<16xf32>,
      tpu.vector_store %arg15[%parallel_loop3A_871, %parallel_loop3A_872], %parallel_loop3A_870 {strides = array<i32>} : memref<512x128xf32, #tpu.memory_space<vmem>>, vector<16xf32>,
      %parallel_loop3A_874 = vector.extract_strided_slice %parallel_loop3A_400 {offsets = [11], sizes = [1], strides = [1]} : vector<16xf32> to vector<1xf32>
      %parallel_loop3A_875 = vector.extract %parallel_loop3A_874[0] : f32 from vector<1xf32>
      %parallel_loop3A_876 = vector.broadcast %parallel_loop3A_875 : f32 to vector<16xf32>
      %parallel_loop3A_877 = arith.mulf %parallel_loop3A_876, %add3A_319 : vector<16xf32>
      %parallel_loop3A_878 = arith.index_cast %parallel_loop3A_842 : i32 to index
      %parallel_loop3A_879 = arith.constant 48 : index
      %parallel_loop3A_880 = tpu.vector_load %arg15[%parallel_loop3A_878, %parallel_loop3A_879] {strides = array<i32>} : memref<512x128xf32, #tpu.memory_space<vmem>>, vector<16xf32>,
      tpu.vector_store %arg15[%parallel_loop3A_878, %parallel_loop3A_879], %parallel_loop3A_877 {strides = array<i32>} : memref<512x128xf32, #tpu.memory_space<vmem>>, vector<16xf32>,
      %parallel_loop3A_881 = arith.constant 12 : i32
      %parallel_loop3A_882 = arith.addi %parallel_loop3A_375, %parallel_loop3A_881 : i32
      %parallel_loop3A_883 = vector.extract_strided_slice %parallel_loop3A_380 {offsets = [12], sizes = [1], strides = [1]} : vector<16xi32> to vector<1xi32>
      %parallel_loop3A_884 = vector.extract %parallel_loop3A_883[0] : i32 from vector<1xi32>
      %parallel_loop3A_885 = vector.extract_strided_slice %parallel_loop3A_388 {offsets = [12], sizes = [1], strides = [1]} : vector<16xi32> to vector<1xi32>
      %parallel_loop3A_886 = vector.extract %parallel_loop3A_885[0] : i32 from vector<1xi32>
      %parallel_loop3A_887 = vector.broadcast %parallel_loop3A_884 : i32 to vector<16xi32>
      %parallel_loop3A_888 = vector.broadcast %parallel_loop3A_886 : i32 to vector<16xi32>
      %parallel_loop3A_889 = arith.select %lt3A_321, %parallel_loop3A_887, %parallel_loop3A_888 : vector<16xi1>, vector<16xi32>
      %parallel_loop3A_890 = arith.addi %and3A_323, %parallel_loop3A_889 : vector<16xi32>
      %parallel_loop3A_891 = vector.extract_strided_slice %parallel_loop3A_388 {offsets = [12], sizes = [1], strides = [1]} : vector<16xi32> to vector<1xi32>
      %parallel_loop3A_892 = vector.extract %parallel_loop3A_891[0] : i32 from vector<1xi32>
      %parallel_loop3A_893 = vector.extract_strided_slice %parallel_loop3A_396 {offsets = [12], sizes = [1], strides = [1]} : vector<16xi32> to vector<1xi32>
      %parallel_loop3A_894 = vector.extract %parallel_loop3A_893[0] : i32 from vector<1xi32>
      %parallel_loop3A_895 = vector.broadcast %parallel_loop3A_892 : i32 to vector<16xi32>
      %parallel_loop3A_896 = vector.broadcast %parallel_loop3A_894 : i32 to vector<16xi32>
      %parallel_loop3A_897 = arith.select %lt3A_321, %parallel_loop3A_895, %parallel_loop3A_896 : vector<16xi1>, vector<16xi32>
      %parallel_loop3A_898 = arith.addi %xor3A_325, %parallel_loop3A_897 : vector<16xi32>
      %parallel_loop3A_899 = tpu.vector_load_idx %arg14[%parallel_loop3A_890] : memref<776xf32, #tpu.memory_space<vmem>>[vector<16xi32>], vector<16xf32>,
      %parallel_loop3A_900 = arith.index_cast %parallel_loop3A_882 : i32 to index
      %parallel_loop3A_901 = arith.constant 0 : index
      %parallel_loop3A_902 = tpu.vector_load %arg15[%parallel_loop3A_900, %parallel_loop3A_901] {strides = array<i32>} : memref<512x128xf32, #tpu.memory_space<vmem>>, vector<16xf32>,
      tpu.vector_store %arg15[%parallel_loop3A_900, %parallel_loop3A_901], %parallel_loop3A_899 {strides = array<i32>} : memref<512x128xf32, #tpu.memory_space<vmem>>, vector<16xf32>,
      %parallel_loop3A_903 = tpu.vector_load_idx %arg14[%parallel_loop3A_898] : memref<776xf32, #tpu.memory_space<vmem>>[vector<16xi32>], vector<16xf32>,
      %parallel_loop3A_904 = arith.index_cast %parallel_loop3A_882 : i32 to index
      %parallel_loop3A_905 = arith.constant 16 : index
      %parallel_loop3A_906 = tpu.vector_load %arg15[%parallel_loop3A_904, %parallel_loop3A_905] {strides = array<i32>} : memref<512x128xf32, #tpu.memory_space<vmem>>, vector<16xf32>,
      tpu.vector_store %arg15[%parallel_loop3A_904, %parallel_loop3A_905], %parallel_loop3A_903 {strides = array<i32>} : memref<512x128xf32, #tpu.memory_space<vmem>>, vector<16xf32>,
      %parallel_loop3A_907 = vector.extract_strided_slice %parallel_loop3A_398 {offsets = [12], sizes = [1], strides = [1]} : vector<16xf32> to vector<1xf32>
      %parallel_loop3A_908 = vector.extract %parallel_loop3A_907[0] : f32 from vector<1xf32>
      %parallel_loop3A_909 = vector.broadcast %parallel_loop3A_908 : f32 to vector<16xf32>
      %parallel_loop3A_910 = arith.mulf %parallel_loop3A_909, %add3A_168 : vector<16xf32>
      %parallel_loop3A_911 = arith.index_cast %parallel_loop3A_882 : i32 to index
      %parallel_loop3A_912 = arith.constant 32 : index
      %parallel_loop3A_913 = tpu.vector_load %arg15[%parallel_loop3A_911, %parallel_loop3A_912] {strides = array<i32>} : memref<512x128xf32, #tpu.memory_space<vmem>>, vector<16xf32>,
      tpu.vector_store %arg15[%parallel_loop3A_911, %parallel_loop3A_912], %parallel_loop3A_910 {strides = array<i32>} : memref<512x128xf32, #tpu.memory_space<vmem>>, vector<16xf32>,
      %parallel_loop3A_914 = vector.extract_strided_slice %parallel_loop3A_400 {offsets = [12], sizes = [1], strides = [1]} : vector<16xf32> to vector<1xf32>
      %parallel_loop3A_915 = vector.extract %parallel_loop3A_914[0] : f32 from vector<1xf32>
      %parallel_loop3A_916 = vector.broadcast %parallel_loop3A_915 : f32 to vector<16xf32>
      %parallel_loop3A_917 = arith.mulf %parallel_loop3A_916, %add3A_319 : vector<16xf32>
      %parallel_loop3A_918 = arith.index_cast %parallel_loop3A_882 : i32 to index
      %parallel_loop3A_919 = arith.constant 48 : index
      %parallel_loop3A_920 = tpu.vector_load %arg15[%parallel_loop3A_918, %parallel_loop3A_919] {strides = array<i32>} : memref<512x128xf32, #tpu.memory_space<vmem>>, vector<16xf32>,
      tpu.vector_store %arg15[%parallel_loop3A_918, %parallel_loop3A_919], %parallel_loop3A_917 {strides = array<i32>} : memref<512x128xf32, #tpu.memory_space<vmem>>, vector<16xf32>,
      %parallel_loop3A_921 = arith.constant 13 : i32
      %parallel_loop3A_922 = arith.addi %parallel_loop3A_375, %parallel_loop3A_921 : i32
      %parallel_loop3A_923 = vector.extract_strided_slice %parallel_loop3A_380 {offsets = [13], sizes = [1], strides = [1]} : vector<16xi32> to vector<1xi32>
      %parallel_loop3A_924 = vector.extract %parallel_loop3A_923[0] : i32 from vector<1xi32>
      %parallel_loop3A_925 = vector.extract_strided_slice %parallel_loop3A_388 {offsets = [13], sizes = [1], strides = [1]} : vector<16xi32> to vector<1xi32>
      %parallel_loop3A_926 = vector.extract %parallel_loop3A_925[0] : i32 from vector<1xi32>
      %parallel_loop3A_927 = vector.broadcast %parallel_loop3A_924 : i32 to vector<16xi32>
      %parallel_loop3A_928 = vector.broadcast %parallel_loop3A_926 : i32 to vector<16xi32>
      %parallel_loop3A_929 = arith.select %lt3A_321, %parallel_loop3A_927, %parallel_loop3A_928 : vector<16xi1>, vector<16xi32>
      %parallel_loop3A_930 = arith.addi %and3A_323, %parallel_loop3A_929 : vector<16xi32>
      %parallel_loop3A_931 = vector.extract_strided_slice %parallel_loop3A_388 {offsets = [13], sizes = [1], strides = [1]} : vector<16xi32> to vector<1xi32>
      %parallel_loop3A_932 = vector.extract %parallel_loop3A_931[0] : i32 from vector<1xi32>
      %parallel_loop3A_933 = vector.extract_strided_slice %parallel_loop3A_396 {offsets = [13], sizes = [1], strides = [1]} : vector<16xi32> to vector<1xi32>
      %parallel_loop3A_934 = vector.extract %parallel_loop3A_933[0] : i32 from vector<1xi32>
      %parallel_loop3A_935 = vector.broadcast %parallel_loop3A_932 : i32 to vector<16xi32>
      %parallel_loop3A_936 = vector.broadcast %parallel_loop3A_934 : i32 to vector<16xi32>
      %parallel_loop3A_937 = arith.select %lt3A_321, %parallel_loop3A_935, %parallel_loop3A_936 : vector<16xi1>, vector<16xi32>
      %parallel_loop3A_938 = arith.addi %xor3A_325, %parallel_loop3A_937 : vector<16xi32>
      %parallel_loop3A_939 = tpu.vector_load_idx %arg14[%parallel_loop3A_930] : memref<776xf32, #tpu.memory_space<vmem>>[vector<16xi32>], vector<16xf32>,
      %parallel_loop3A_940 = arith.index_cast %parallel_loop3A_922 : i32 to index
      %parallel_loop3A_941 = arith.constant 0 : index
      %parallel_loop3A_942 = tpu.vector_load %arg15[%parallel_loop3A_940, %parallel_loop3A_941] {strides = array<i32>} : memref<512x128xf32, #tpu.memory_space<vmem>>, vector<16xf32>,
      tpu.vector_store %arg15[%parallel_loop3A_940, %parallel_loop3A_941], %parallel_loop3A_939 {strides = array<i32>} : memref<512x128xf32, #tpu.memory_space<vmem>>, vector<16xf32>,
      %parallel_loop3A_943 = tpu.vector_load_idx %arg14[%parallel_loop3A_938] : memref<776xf32, #tpu.memory_space<vmem>>[vector<16xi32>], vector<16xf32>,
      %parallel_loop3A_944 = arith.index_cast %parallel_loop3A_922 : i32 to index
      %parallel_loop3A_945 = arith.constant 16 : index
      %parallel_loop3A_946 = tpu.vector_load %arg15[%parallel_loop3A_944, %parallel_loop3A_945] {strides = array<i32>} : memref<512x128xf32, #tpu.memory_space<vmem>>, vector<16xf32>,
      tpu.vector_store %arg15[%parallel_loop3A_944, %parallel_loop3A_945], %parallel_loop3A_943 {strides = array<i32>} : memref<512x128xf32, #tpu.memory_space<vmem>>, vector<16xf32>,
      %parallel_loop3A_947 = vector.extract_strided_slice %parallel_loop3A_398 {offsets = [13], sizes = [1], strides = [1]} : vector<16xf32> to vector<1xf32>
      %parallel_loop3A_948 = vector.extract %parallel_loop3A_947[0] : f32 from vector<1xf32>
      %parallel_loop3A_949 = vector.broadcast %parallel_loop3A_948 : f32 to vector<16xf32>
      %parallel_loop3A_950 = arith.mulf %parallel_loop3A_949, %add3A_168 : vector<16xf32>
      %parallel_loop3A_951 = arith.index_cast %parallel_loop3A_922 : i32 to index
      %parallel_loop3A_952 = arith.constant 32 : index
      %parallel_loop3A_953 = tpu.vector_load %arg15[%parallel_loop3A_951, %parallel_loop3A_952] {strides = array<i32>} : memref<512x128xf32, #tpu.memory_space<vmem>>, vector<16xf32>,
      tpu.vector_store %arg15[%parallel_loop3A_951, %parallel_loop3A_952], %parallel_loop3A_950 {strides = array<i32>} : memref<512x128xf32, #tpu.memory_space<vmem>>, vector<16xf32>,
      %parallel_loop3A_954 = vector.extract_strided_slice %parallel_loop3A_400 {offsets = [13], sizes = [1], strides = [1]} : vector<16xf32> to vector<1xf32>
      %parallel_loop3A_955 = vector.extract %parallel_loop3A_954[0] : f32 from vector<1xf32>
      %parallel_loop3A_956 = vector.broadcast %parallel_loop3A_955 : f32 to vector<16xf32>
      %parallel_loop3A_957 = arith.mulf %parallel_loop3A_956, %add3A_319 : vector<16xf32>
      %parallel_loop3A_958 = arith.index_cast %parallel_loop3A_922 : i32 to index
      %parallel_loop3A_959 = arith.constant 48 : index
      %parallel_loop3A_960 = tpu.vector_load %arg15[%parallel_loop3A_958, %parallel_loop3A_959] {strides = array<i32>} : memref<512x128xf32, #tpu.memory_space<vmem>>, vector<16xf32>,
      tpu.vector_store %arg15[%parallel_loop3A_958, %parallel_loop3A_959], %parallel_loop3A_957 {strides = array<i32>} : memref<512x128xf32, #tpu.memory_space<vmem>>, vector<16xf32>,
      %parallel_loop3A_961 = arith.constant 14 : i32
      %parallel_loop3A_962 = arith.addi %parallel_loop3A_375, %parallel_loop3A_961 : i32
      %parallel_loop3A_963 = vector.extract_strided_slice %parallel_loop3A_380 {offsets = [14], sizes = [1], strides = [1]} : vector<16xi32> to vector<1xi32>
      %parallel_loop3A_964 = vector.extract %parallel_loop3A_963[0] : i32 from vector<1xi32>
      %parallel_loop3A_965 = vector.extract_strided_slice %parallel_loop3A_388 {offsets = [14], sizes = [1], strides = [1]} : vector<16xi32> to vector<1xi32>
      %parallel_loop3A_966 = vector.extract %parallel_loop3A_965[0] : i32 from vector<1xi32>
      %parallel_loop3A_967 = vector.broadcast %parallel_loop3A_964 : i32 to vector<16xi32>
      %parallel_loop3A_968 = vector.broadcast %parallel_loop3A_966 : i32 to vector<16xi32>
      %parallel_loop3A_969 = arith.select %lt3A_321, %parallel_loop3A_967, %parallel_loop3A_968 : vector<16xi1>, vector<16xi32>
      %parallel_loop3A_970 = arith.addi %and3A_323, %parallel_loop3A_969 : vector<16xi32>
      %parallel_loop3A_971 = vector.extract_strided_slice %parallel_loop3A_388 {offsets = [14], sizes = [1], strides = [1]} : vector<16xi32> to vector<1xi32>
      %parallel_loop3A_972 = vector.extract %parallel_loop3A_971[0] : i32 from vector<1xi32>
      %parallel_loop3A_973 = vector.extract_strided_slice %parallel_loop3A_396 {offsets = [14], sizes = [1], strides = [1]} : vector<16xi32> to vector<1xi32>
      %parallel_loop3A_974 = vector.extract %parallel_loop3A_973[0] : i32 from vector<1xi32>
      %parallel_loop3A_975 = vector.broadcast %parallel_loop3A_972 : i32 to vector<16xi32>
      %parallel_loop3A_976 = vector.broadcast %parallel_loop3A_974 : i32 to vector<16xi32>
      %parallel_loop3A_977 = arith.select %lt3A_321, %parallel_loop3A_975, %parallel_loop3A_976 : vector<16xi1>, vector<16xi32>
      %parallel_loop3A_978 = arith.addi %xor3A_325, %parallel_loop3A_977 : vector<16xi32>
      %parallel_loop3A_979 = tpu.vector_load_idx %arg14[%parallel_loop3A_970] : memref<776xf32, #tpu.memory_space<vmem>>[vector<16xi32>], vector<16xf32>,
      %parallel_loop3A_980 = arith.index_cast %parallel_loop3A_962 : i32 to index
      %parallel_loop3A_981 = arith.constant 0 : index
      %parallel_loop3A_982 = tpu.vector_load %arg15[%parallel_loop3A_980, %parallel_loop3A_981] {strides = array<i32>} : memref<512x128xf32, #tpu.memory_space<vmem>>, vector<16xf32>,
      tpu.vector_store %arg15[%parallel_loop3A_980, %parallel_loop3A_981], %parallel_loop3A_979 {strides = array<i32>} : memref<512x128xf32, #tpu.memory_space<vmem>>, vector<16xf32>,
      %parallel_loop3A_983 = tpu.vector_load_idx %arg14[%parallel_loop3A_978] : memref<776xf32, #tpu.memory_space<vmem>>[vector<16xi32>], vector<16xf32>,
      %parallel_loop3A_984 = arith.index_cast %parallel_loop3A_962 : i32 to index
      %parallel_loop3A_985 = arith.constant 16 : index
      %parallel_loop3A_986 = tpu.vector_load %arg15[%parallel_loop3A_984, %parallel_loop3A_985] {strides = array<i32>} : memref<512x128xf32, #tpu.memory_space<vmem>>, vector<16xf32>,
      tpu.vector_store %arg15[%parallel_loop3A_984, %parallel_loop3A_985], %parallel_loop3A_983 {strides = array<i32>} : memref<512x128xf32, #tpu.memory_space<vmem>>, vector<16xf32>,
      %parallel_loop3A_987 = vector.extract_strided_slice %parallel_loop3A_398 {offsets = [14], sizes = [1], strides = [1]} : vector<16xf32> to vector<1xf32>
      %parallel_loop3A_988 = vector.extract %parallel_loop3A_987[0] : f32 from vector<1xf32>
      %parallel_loop3A_989 = vector.broadcast %parallel_loop3A_988 : f32 to vector<16xf32>
      %parallel_loop3A_990 = arith.mulf %parallel_loop3A_989, %add3A_168 : vector<16xf32>
      %parallel_loop3A_991 = arith.index_cast %parallel_loop3A_962 : i32 to index
      %parallel_loop3A_992 = arith.constant 32 : index
      %parallel_loop3A_993 = tpu.vector_load %arg15[%parallel_loop3A_991, %parallel_loop3A_992] {strides = array<i32>} : memref<512x128xf32, #tpu.memory_space<vmem>>, vector<16xf32>,
      tpu.vector_store %arg15[%parallel_loop3A_991, %parallel_loop3A_992], %parallel_loop3A_990 {strides = array<i32>} : memref<512x128xf32, #tpu.memory_space<vmem>>, vector<16xf32>,
      %parallel_loop3A_994 = vector.extract_strided_slice %parallel_loop3A_400 {offsets = [14], sizes = [1], strides = [1]} : vector<16xf32> to vector<1xf32>
      %parallel_loop3A_995 = vector.extract %parallel_loop3A_994[0] : f32 from vector<1xf32>
      %parallel_loop3A_996 = vector.broadcast %parallel_loop3A_995 : f32 to vector<16xf32>
      %parallel_loop3A_997 = arith.mulf %parallel_loop3A_996, %add3A_319 : vector<16xf32>
      %parallel_loop3A_998 = arith.index_cast %parallel_loop3A_962 : i32 to index
      %parallel_loop3A_999 = arith.constant 48 : index
      %parallel_loop3A_1000 = tpu.vector_load %arg15[%parallel_loop3A_998, %parallel_loop3A_999] {strides = array<i32>} : memref<512x128xf32, #tpu.memory_space<vmem>>, vector<16xf32>,
      tpu.vector_store %arg15[%parallel_loop3A_998, %parallel_loop3A_999], %parallel_loop3A_997 {strides = array<i32>} : memref<512x128xf32, #tpu.memory_space<vmem>>, vector<16xf32>,
      %parallel_loop3A_1001 = arith.constant 15 : i32
      %parallel_loop3A_1002 = arith.addi %parallel_loop3A_375, %parallel_loop3A_1001 : i32
      %parallel_loop3A_1003 = vector.extract_strided_slice %parallel_loop3A_380 {offsets = [15], sizes = [1], strides = [1]} : vector<16xi32> to vector<1xi32>
      %parallel_loop3A_1004 = vector.extract %parallel_loop3A_1003[0] : i32 from vector<1xi32>
      %parallel_loop3A_1005 = vector.extract_strided_slice %parallel_loop3A_388 {offsets = [15], sizes = [1], strides = [1]} : vector<16xi32> to vector<1xi32>
      %parallel_loop3A_1006 = vector.extract %parallel_loop3A_1005[0] : i32 from vector<1xi32>
      %parallel_loop3A_1007 = vector.broadcast %parallel_loop3A_1004 : i32 to vector<16xi32>
      %parallel_loop3A_1008 = vector.broadcast %parallel_loop3A_1006 : i32 to vector<16xi32>
      %parallel_loop3A_1009 = arith.select %lt3A_321, %parallel_loop3A_1007, %parallel_loop3A_1008 : vector<16xi1>, vector<16xi32>
      %parallel_loop3A_1010 = arith.addi %and3A_323, %parallel_loop3A_1009 : vector<16xi32>
      %parallel_loop3A_1011 = vector.extract_strided_slice %parallel_loop3A_388 {offsets = [15], sizes = [1], strides = [1]} : vector<16xi32> to vector<1xi32>
      %parallel_loop3A_1012 = vector.extract %parallel_loop3A_1011[0] : i32 from vector<1xi32>
      %parallel_loop3A_1013 = vector.extract_strided_slice %parallel_loop3A_396 {offsets = [15], sizes = [1], strides = [1]} : vector<16xi32> to vector<1xi32>
      %parallel_loop3A_1014 = vector.extract %parallel_loop3A_1013[0] : i32 from vector<1xi32>
      %parallel_loop3A_1015 = vector.broadcast %parallel_loop3A_1012 : i32 to vector<16xi32>
      %parallel_loop3A_1016 = vector.broadcast %parallel_loop3A_1014 : i32 to vector<16xi32>
      %parallel_loop3A_1017 = arith.select %lt3A_321, %parallel_loop3A_1015, %parallel_loop3A_1016 : vector<16xi1>, vector<16xi32>
      %parallel_loop3A_1018 = arith.addi %xor3A_325, %parallel_loop3A_1017 : vector<16xi32>
      %parallel_loop3A_1019 = tpu.vector_load_idx %arg14[%parallel_loop3A_1010] : memref<776xf32, #tpu.memory_space<vmem>>[vector<16xi32>], vector<16xf32>,
      %parallel_loop3A_1020 = arith.index_cast %parallel_loop3A_1002 : i32 to index
      %parallel_loop3A_1021 = arith.constant 0 : index
      %parallel_loop3A_1022 = tpu.vector_load %arg15[%parallel_loop3A_1020, %parallel_loop3A_1021] {strides = array<i32>} : memref<512x128xf32, #tpu.memory_space<vmem>>, vector<16xf32>,
      tpu.vector_store %arg15[%parallel_loop3A_1020, %parallel_loop3A_1021], %parallel_loop3A_1019 {strides = array<i32>} : memref<512x128xf32, #tpu.memory_space<vmem>>, vector<16xf32>,
      %parallel_loop3A_1023 = tpu.vector_load_idx %arg14[%parallel_loop3A_1018] : memref<776xf32, #tpu.memory_space<vmem>>[vector<16xi32>], vector<16xf32>,
      %parallel_loop3A_1024 = arith.index_cast %parallel_loop3A_1002 : i32 to index
      %parallel_loop3A_1025 = arith.constant 16 : index
      %parallel_loop3A_1026 = tpu.vector_load %arg15[%parallel_loop3A_1024, %parallel_loop3A_1025] {strides = array<i32>} : memref<512x128xf32, #tpu.memory_space<vmem>>, vector<16xf32>,
      tpu.vector_store %arg15[%parallel_loop3A_1024, %parallel_loop3A_1025], %parallel_loop3A_1023 {strides = array<i32>} : memref<512x128xf32, #tpu.memory_space<vmem>>, vector<16xf32>,
      %parallel_loop3A_1027 = vector.extract_strided_slice %parallel_loop3A_398 {offsets = [15], sizes = [1], strides = [1]} : vector<16xf32> to vector<1xf32>
      %parallel_loop3A_1028 = vector.extract %parallel_loop3A_1027[0] : f32 from vector<1xf32>
      %parallel_loop3A_1029 = vector.broadcast %parallel_loop3A_1028 : f32 to vector<16xf32>
      %parallel_loop3A_1030 = arith.mulf %parallel_loop3A_1029, %add3A_168 : vector<16xf32>
      %parallel_loop3A_1031 = arith.index_cast %parallel_loop3A_1002 : i32 to index
      %parallel_loop3A_1032 = arith.constant 32 : index
      %parallel_loop3A_1033 = tpu.vector_load %arg15[%parallel_loop3A_1031, %parallel_loop3A_1032] {strides = array<i32>} : memref<512x128xf32, #tpu.memory_space<vmem>>, vector<16xf32>,
      tpu.vector_store %arg15[%parallel_loop3A_1031, %parallel_loop3A_1032], %parallel_loop3A_1030 {strides = array<i32>} : memref<512x128xf32, #tpu.memory_space<vmem>>, vector<16xf32>,
      %parallel_loop3A_1034 = vector.extract_strided_slice %parallel_loop3A_400 {offsets = [15], sizes = [1], strides = [1]} : vector<16xf32> to vector<1xf32>
      %parallel_loop3A_1035 = vector.extract %parallel_loop3A_1034[0] : f32 from vector<1xf32>
      %parallel_loop3A_1036 = vector.broadcast %parallel_loop3A_1035 : f32 to vector<16xf32>
      %parallel_loop3A_1037 = arith.mulf %parallel_loop3A_1036, %add3A_319 : vector<16xf32>
      %parallel_loop3A_1038 = arith.index_cast %parallel_loop3A_1002 : i32 to index
      %parallel_loop3A_1039 = arith.constant 48 : index
      %parallel_loop3A_1040 = tpu.vector_load %arg15[%parallel_loop3A_1038, %parallel_loop3A_1039] {strides = array<i32>} : memref<512x128xf32, #tpu.memory_space<vmem>>, vector<16xf32>,
      tpu.vector_store %arg15[%parallel_loop3A_1038, %parallel_loop3A_1039], %parallel_loop3A_1037 {strides = array<i32>} : memref<512x128xf32, #tpu.memory_space<vmem>>, vector<16xf32>,
    } {sc.loop_unroll_factor = 4 : i64, sc.parallel_access}
    %dma_start3A_328 = arith.constant 0 : i32
    %dma_start3A_329 = arith.constant 0 : i32
    %dma_start3A_330 = tpu.memref_slice %arg15[%dma_start3A_328, %dma_start3A_329] : memref<512x128xf32, #tpu.memory_space<vmem>> -> memref<256x128xf32, #tpu.memory_space<vmem>>
    %dma_start3A_331 = arith.constant 0 : i32
    %dma_start3A_332 = tpu.memref_slice %arg8[%mul3A_2, %dma_start3A_331] : memref<16384x128xf32, #tpu.memory_space<hbm>> -> memref<256x128xf32, #tpu.memory_space<hbm>>
    %dma_start3A_333 = arith.constant 0 : i32
    %dma_start3A_334 = tpu.memref_slice %arg8[%mul3A_2, %dma_start3A_333] : memref<16384x128xf32, #tpu.memory_space<hbm>> -> memref<256x128xf32, #tpu.memory_space<hbm>>
    %dma_start3A_335 = arith.constant 0 : i32
    %dma_start3A_336 = arith.constant 0 : i32
    %dma_start3A_337 = tpu.memref_slice %arg15[%dma_start3A_335, %dma_start3A_336] : memref<512x128xf32, #tpu.memory_space<vmem>> -> memref<256x128xf32, #tpu.memory_space<vmem>>
    tpu.enqueue_dma source(%dma_start3A_337 : memref<256x128xf32, #tpu.memory_space<vmem>>) target(%dma_start3A_334 : memref<256x128xf32, #tpu.memory_space<hbm>>) target_semaphore(%arg16 : memref<!tpu.dma_semaphore, #tpu.memory_space<semaphore_mem>>)
    %parallel_loop3A_338 = arith.constant 16 : i32
    %parallel_loop3A_339 = arith.constant 32 : i32
    %parallel_loop3A_340 = arith.constant 1 : i32
    scf.for %parallel_loop3A_373 = %parallel_loop3A_338 to %parallel_loop3A_339 step %parallel_loop3A_340  : i32 {
      %parallel_loop3A_374 = arith.constant 16 : i32
      %parallel_loop3A_375 = arith.muli %parallel_loop3A_373, %parallel_loop3A_374 : i32
      %parallel_loop3A_376 = arith.index_cast %parallel_loop3A_375 : i32 to index
      %parallel_loop3A_377 = tpu.vector_load %arg9[%parallel_loop3A_376] {strides = array<i32>} : memref<512xi32, #tpu.memory_space<vmem>>, vector<16xi32>,
      %parallel_loop3A_378 = arith.constant 9 : i32
      %parallel_loop3A_379 = vector.broadcast %parallel_loop3A_378 : i32 to vector<16xi32>
      %parallel_loop3A_380 = arith.muli %parallel_loop3A_377, %parallel_loop3A_379 : vector<16xi32>
      %parallel_loop3A_381 = arith.index_cast %parallel_loop3A_375 : i32 to index
      %parallel_loop3A_382 = tpu.vector_load %arg10[%parallel_loop3A_381] {strides = array<i32>} : memref<512xi32, #tpu.memory_space<vmem>>, vector<16xi32>,
      %parallel_loop3A_383 = arith.constant 17 : i32
      %parallel_loop3A_384 = vector.broadcast %parallel_loop3A_383 : i32 to vector<16xi32>
      %parallel_loop3A_385 = arith.muli %parallel_loop3A_382, %parallel_loop3A_384 : vector<16xi32>
      %parallel_loop3A_386 = arith.constant 32 : i32
      %parallel_loop3A_387 = vector.broadcast %parallel_loop3A_386 : i32 to vector<16xi32>
      %parallel_loop3A_388 = arith.addi %parallel_loop3A_385, %parallel_loop3A_387 : vector<16xi32>
      %parallel_loop3A_389 = arith.index_cast %parallel_loop3A_375 : i32 to index
      %parallel_loop3A_390 = tpu.vector_load %arg11[%parallel_loop3A_389] {strides = array<i32>} : memref<512xi32, #tpu.memory_space<vmem>>, vector<16xi32>,
      %parallel_loop3A_391 = arith.constant 9 : i32
      %parallel_loop3A_392 = vector.broadcast %parallel_loop3A_391 : i32 to vector<16xi32>
      %parallel_loop3A_393 = arith.muli %parallel_loop3A_390, %parallel_loop3A_392 : vector<16xi32>
      %parallel_loop3A_394 = arith.constant 168 : i32
      %parallel_loop3A_395 = vector.broadcast %parallel_loop3A_394 : i32 to vector<16xi32>
      %parallel_loop3A_396 = arith.addi %parallel_loop3A_393, %parallel_loop3A_395 : vector<16xi32>
      %parallel_loop3A_397 = arith.index_cast %parallel_loop3A_375 : i32 to index
      %parallel_loop3A_398 = tpu.vector_load %arg12[%parallel_loop3A_397] {strides = array<i32>} : memref<512xf32, #tpu.memory_space<vmem>>, vector<16xf32>,
      %parallel_loop3A_399 = arith.index_cast %parallel_loop3A_375 : i32 to index
      %parallel_loop3A_400 = tpu.vector_load %arg13[%parallel_loop3A_399] {strides = array<i32>} : memref<512xf32, #tpu.memory_space<vmem>>, vector<16xf32>,
      %parallel_loop3A_401 = arith.constant 0 : i32
      %parallel_loop3A_402 = arith.addi %parallel_loop3A_375, %parallel_loop3A_401 : i32
      %parallel_loop3A_403 = vector.extract_strided_slice %parallel_loop3A_380 {offsets = [0], sizes = [1], strides = [1]} : vector<16xi32> to vector<1xi32>
      %parallel_loop3A_404 = vector.extract %parallel_loop3A_403[0] : i32 from vector<1xi32>
      %parallel_loop3A_405 = vector.extract_strided_slice %parallel_loop3A_388 {offsets = [0], sizes = [1], strides = [1]} : vector<16xi32> to vector<1xi32>
      %parallel_loop3A_406 = vector.extract %parallel_loop3A_405[0] : i32 from vector<1xi32>
      %parallel_loop3A_407 = vector.broadcast %parallel_loop3A_404 : i32 to vector<16xi32>
      %parallel_loop3A_408 = vector.broadcast %parallel_loop3A_406 : i32 to vector<16xi32>
      %parallel_loop3A_409 = arith.select %lt3A_321, %parallel_loop3A_407, %parallel_loop3A_408 : vector<16xi1>, vector<16xi32>
      %parallel_loop3A_410 = arith.addi %and3A_323, %parallel_loop3A_409 : vector<16xi32>
      %parallel_loop3A_411 = vector.extract_strided_slice %parallel_loop3A_388 {offsets = [0], sizes = [1], strides = [1]} : vector<16xi32> to vector<1xi32>
      %parallel_loop3A_412 = vector.extract %parallel_loop3A_411[0] : i32 from vector<1xi32>
      %parallel_loop3A_413 = vector.extract_strided_slice %parallel_loop3A_396 {offsets = [0], sizes = [1], strides = [1]} : vector<16xi32> to vector<1xi32>
      %parallel_loop3A_414 = vector.extract %parallel_loop3A_413[0] : i32 from vector<1xi32>
      %parallel_loop3A_415 = vector.broadcast %parallel_loop3A_412 : i32 to vector<16xi32>
      %parallel_loop3A_416 = vector.broadcast %parallel_loop3A_414 : i32 to vector<16xi32>
      %parallel_loop3A_417 = arith.select %lt3A_321, %parallel_loop3A_415, %parallel_loop3A_416 : vector<16xi1>, vector<16xi32>
      %parallel_loop3A_418 = arith.addi %xor3A_325, %parallel_loop3A_417 : vector<16xi32>
      %parallel_loop3A_419 = tpu.vector_load_idx %arg14[%parallel_loop3A_410] : memref<776xf32, #tpu.memory_space<vmem>>[vector<16xi32>], vector<16xf32>,
      %parallel_loop3A_420 = arith.index_cast %parallel_loop3A_402 : i32 to index
      %parallel_loop3A_421 = arith.constant 0 : index
      %parallel_loop3A_422 = tpu.vector_load %arg15[%parallel_loop3A_420, %parallel_loop3A_421] {strides = array<i32>} : memref<512x128xf32, #tpu.memory_space<vmem>>, vector<16xf32>,
      tpu.vector_store %arg15[%parallel_loop3A_420, %parallel_loop3A_421], %parallel_loop3A_419 {strides = array<i32>} : memref<512x128xf32, #tpu.memory_space<vmem>>, vector<16xf32>,
      %parallel_loop3A_423 = tpu.vector_load_idx %arg14[%parallel_loop3A_418] : memref<776xf32, #tpu.memory_space<vmem>>[vector<16xi32>], vector<16xf32>,
      %parallel_loop3A_424 = arith.index_cast %parallel_loop3A_402 : i32 to index
      %parallel_loop3A_425 = arith.constant 16 : index
      %parallel_loop3A_426 = tpu.vector_load %arg15[%parallel_loop3A_424, %parallel_loop3A_425] {strides = array<i32>} : memref<512x128xf32, #tpu.memory_space<vmem>>, vector<16xf32>,
      tpu.vector_store %arg15[%parallel_loop3A_424, %parallel_loop3A_425], %parallel_loop3A_423 {strides = array<i32>} : memref<512x128xf32, #tpu.memory_space<vmem>>, vector<16xf32>,
      %parallel_loop3A_427 = vector.extract_strided_slice %parallel_loop3A_398 {offsets = [0], sizes = [1], strides = [1]} : vector<16xf32> to vector<1xf32>
      %parallel_loop3A_428 = vector.extract %parallel_loop3A_427[0] : f32 from vector<1xf32>
      %parallel_loop3A_429 = vector.broadcast %parallel_loop3A_428 : f32 to vector<16xf32>
      %parallel_loop3A_430 = arith.mulf %parallel_loop3A_429, %add3A_168 : vector<16xf32>
      %parallel_loop3A_431 = arith.index_cast %parallel_loop3A_402 : i32 to index
      %parallel_loop3A_432 = arith.constant 32 : index
      %parallel_loop3A_433 = tpu.vector_load %arg15[%parallel_loop3A_431, %parallel_loop3A_432] {strides = array<i32>} : memref<512x128xf32, #tpu.memory_space<vmem>>, vector<16xf32>,
      tpu.vector_store %arg15[%parallel_loop3A_431, %parallel_loop3A_432], %parallel_loop3A_430 {strides = array<i32>} : memref<512x128xf32, #tpu.memory_space<vmem>>, vector<16xf32>,
      %parallel_loop3A_434 = vector.extract_strided_slice %parallel_loop3A_400 {offsets = [0], sizes = [1], strides = [1]} : vector<16xf32> to vector<1xf32>
      %parallel_loop3A_435 = vector.extract %parallel_loop3A_434[0] : f32 from vector<1xf32>
      %parallel_loop3A_436 = vector.broadcast %parallel_loop3A_435 : f32 to vector<16xf32>
      %parallel_loop3A_437 = arith.mulf %parallel_loop3A_436, %add3A_319 : vector<16xf32>
      %parallel_loop3A_438 = arith.index_cast %parallel_loop3A_402 : i32 to index
      %parallel_loop3A_439 = arith.constant 48 : index
      %parallel_loop3A_440 = tpu.vector_load %arg15[%parallel_loop3A_438, %parallel_loop3A_439] {strides = array<i32>} : memref<512x128xf32, #tpu.memory_space<vmem>>, vector<16xf32>,
      tpu.vector_store %arg15[%parallel_loop3A_438, %parallel_loop3A_439], %parallel_loop3A_437 {strides = array<i32>} : memref<512x128xf32, #tpu.memory_space<vmem>>, vector<16xf32>,
      %parallel_loop3A_441 = arith.constant 1 : i32
      %parallel_loop3A_442 = arith.addi %parallel_loop3A_375, %parallel_loop3A_441 : i32
      %parallel_loop3A_443 = vector.extract_strided_slice %parallel_loop3A_380 {offsets = [1], sizes = [1], strides = [1]} : vector<16xi32> to vector<1xi32>
      %parallel_loop3A_444 = vector.extract %parallel_loop3A_443[0] : i32 from vector<1xi32>
      %parallel_loop3A_445 = vector.extract_strided_slice %parallel_loop3A_388 {offsets = [1], sizes = [1], strides = [1]} : vector<16xi32> to vector<1xi32>
      %parallel_loop3A_446 = vector.extract %parallel_loop3A_445[0] : i32 from vector<1xi32>
      %parallel_loop3A_447 = vector.broadcast %parallel_loop3A_444 : i32 to vector<16xi32>
      %parallel_loop3A_448 = vector.broadcast %parallel_loop3A_446 : i32 to vector<16xi32>
      %parallel_loop3A_449 = arith.select %lt3A_321, %parallel_loop3A_447, %parallel_loop3A_448 : vector<16xi1>, vector<16xi32>
      %parallel_loop3A_450 = arith.addi %and3A_323, %parallel_loop3A_449 : vector<16xi32>
      %parallel_loop3A_451 = vector.extract_strided_slice %parallel_loop3A_388 {offsets = [1], sizes = [1], strides = [1]} : vector<16xi32> to vector<1xi32>
      %parallel_loop3A_452 = vector.extract %parallel_loop3A_451[0] : i32 from vector<1xi32>
      %parallel_loop3A_453 = vector.extract_strided_slice %parallel_loop3A_396 {offsets = [1], sizes = [1], strides = [1]} : vector<16xi32> to vector<1xi32>
      %parallel_loop3A_454 = vector.extract %parallel_loop3A_453[0] : i32 from vector<1xi32>
      %parallel_loop3A_455 = vector.broadcast %parallel_loop3A_452 : i32 to vector<16xi32>
      %parallel_loop3A_456 = vector.broadcast %parallel_loop3A_454 : i32 to vector<16xi32>
      %parallel_loop3A_457 = arith.select %lt3A_321, %parallel_loop3A_455, %parallel_loop3A_456 : vector<16xi1>, vector<16xi32>
      %parallel_loop3A_458 = arith.addi %xor3A_325, %parallel_loop3A_457 : vector<16xi32>
      %parallel_loop3A_459 = tpu.vector_load_idx %arg14[%parallel_loop3A_450] : memref<776xf32, #tpu.memory_space<vmem>>[vector<16xi32>], vector<16xf32>,
      %parallel_loop3A_460 = arith.index_cast %parallel_loop3A_442 : i32 to index
      %parallel_loop3A_461 = arith.constant 0 : index
      %parallel_loop3A_462 = tpu.vector_load %arg15[%parallel_loop3A_460, %parallel_loop3A_461] {strides = array<i32>} : memref<512x128xf32, #tpu.memory_space<vmem>>, vector<16xf32>,
      tpu.vector_store %arg15[%parallel_loop3A_460, %parallel_loop3A_461], %parallel_loop3A_459 {strides = array<i32>} : memref<512x128xf32, #tpu.memory_space<vmem>>, vector<16xf32>,
      %parallel_loop3A_463 = tpu.vector_load_idx %arg14[%parallel_loop3A_458] : memref<776xf32, #tpu.memory_space<vmem>>[vector<16xi32>], vector<16xf32>,
      %parallel_loop3A_464 = arith.index_cast %parallel_loop3A_442 : i32 to index
      %parallel_loop3A_465 = arith.constant 16 : index
      %parallel_loop3A_466 = tpu.vector_load %arg15[%parallel_loop3A_464, %parallel_loop3A_465] {strides = array<i32>} : memref<512x128xf32, #tpu.memory_space<vmem>>, vector<16xf32>,
      tpu.vector_store %arg15[%parallel_loop3A_464, %parallel_loop3A_465], %parallel_loop3A_463 {strides = array<i32>} : memref<512x128xf32, #tpu.memory_space<vmem>>, vector<16xf32>,
      %parallel_loop3A_467 = vector.extract_strided_slice %parallel_loop3A_398 {offsets = [1], sizes = [1], strides = [1]} : vector<16xf32> to vector<1xf32>
      %parallel_loop3A_468 = vector.extract %parallel_loop3A_467[0] : f32 from vector<1xf32>
      %parallel_loop3A_469 = vector.broadcast %parallel_loop3A_468 : f32 to vector<16xf32>
      %parallel_loop3A_470 = arith.mulf %parallel_loop3A_469, %add3A_168 : vector<16xf32>
      %parallel_loop3A_471 = arith.index_cast %parallel_loop3A_442 : i32 to index
      %parallel_loop3A_472 = arith.constant 32 : index
      %parallel_loop3A_473 = tpu.vector_load %arg15[%parallel_loop3A_471, %parallel_loop3A_472] {strides = array<i32>} : memref<512x128xf32, #tpu.memory_space<vmem>>, vector<16xf32>,
      tpu.vector_store %arg15[%parallel_loop3A_471, %parallel_loop3A_472], %parallel_loop3A_470 {strides = array<i32>} : memref<512x128xf32, #tpu.memory_space<vmem>>, vector<16xf32>,
      %parallel_loop3A_474 = vector.extract_strided_slice %parallel_loop3A_400 {offsets = [1], sizes = [1], strides = [1]} : vector<16xf32> to vector<1xf32>
      %parallel_loop3A_475 = vector.extract %parallel_loop3A_474[0] : f32 from vector<1xf32>
      %parallel_loop3A_476 = vector.broadcast %parallel_loop3A_475 : f32 to vector<16xf32>
      %parallel_loop3A_477 = arith.mulf %parallel_loop3A_476, %add3A_319 : vector<16xf32>
      %parallel_loop3A_478 = arith.index_cast %parallel_loop3A_442 : i32 to index
      %parallel_loop3A_479 = arith.constant 48 : index
      %parallel_loop3A_480 = tpu.vector_load %arg15[%parallel_loop3A_478, %parallel_loop3A_479] {strides = array<i32>} : memref<512x128xf32, #tpu.memory_space<vmem>>, vector<16xf32>,
      tpu.vector_store %arg15[%parallel_loop3A_478, %parallel_loop3A_479], %parallel_loop3A_477 {strides = array<i32>} : memref<512x128xf32, #tpu.memory_space<vmem>>, vector<16xf32>,
      %parallel_loop3A_481 = arith.constant 2 : i32
      %parallel_loop3A_482 = arith.addi %parallel_loop3A_375, %parallel_loop3A_481 : i32
      %parallel_loop3A_483 = vector.extract_strided_slice %parallel_loop3A_380 {offsets = [2], sizes = [1], strides = [1]} : vector<16xi32> to vector<1xi32>
      %parallel_loop3A_484 = vector.extract %parallel_loop3A_483[0] : i32 from vector<1xi32>
      %parallel_loop3A_485 = vector.extract_strided_slice %parallel_loop3A_388 {offsets = [2], sizes = [1], strides = [1]} : vector<16xi32> to vector<1xi32>
      %parallel_loop3A_486 = vector.extract %parallel_loop3A_485[0] : i32 from vector<1xi32>
      %parallel_loop3A_487 = vector.broadcast %parallel_loop3A_484 : i32 to vector<16xi32>
      %parallel_loop3A_488 = vector.broadcast %parallel_loop3A_486 : i32 to vector<16xi32>
      %parallel_loop3A_489 = arith.select %lt3A_321, %parallel_loop3A_487, %parallel_loop3A_488 : vector<16xi1>, vector<16xi32>
      %parallel_loop3A_490 = arith.addi %and3A_323, %parallel_loop3A_489 : vector<16xi32>
      %parallel_loop3A_491 = vector.extract_strided_slice %parallel_loop3A_388 {offsets = [2], sizes = [1], strides = [1]} : vector<16xi32> to vector<1xi32>
      %parallel_loop3A_492 = vector.extract %parallel_loop3A_491[0] : i32 from vector<1xi32>
      %parallel_loop3A_493 = vector.extract_strided_slice %parallel_loop3A_396 {offsets = [2], sizes = [1], strides = [1]} : vector<16xi32> to vector<1xi32>
      %parallel_loop3A_494 = vector.extract %parallel_loop3A_493[0] : i32 from vector<1xi32>
      %parallel_loop3A_495 = vector.broadcast %parallel_loop3A_492 : i32 to vector<16xi32>
      %parallel_loop3A_496 = vector.broadcast %parallel_loop3A_494 : i32 to vector<16xi32>
      %parallel_loop3A_497 = arith.select %lt3A_321, %parallel_loop3A_495, %parallel_loop3A_496 : vector<16xi1>, vector<16xi32>
      %parallel_loop3A_498 = arith.addi %xor3A_325, %parallel_loop3A_497 : vector<16xi32>
      %parallel_loop3A_499 = tpu.vector_load_idx %arg14[%parallel_loop3A_490] : memref<776xf32, #tpu.memory_space<vmem>>[vector<16xi32>], vector<16xf32>,
      %parallel_loop3A_500 = arith.index_cast %parallel_loop3A_482 : i32 to index
      %parallel_loop3A_501 = arith.constant 0 : index
      %parallel_loop3A_502 = tpu.vector_load %arg15[%parallel_loop3A_500, %parallel_loop3A_501] {strides = array<i32>} : memref<512x128xf32, #tpu.memory_space<vmem>>, vector<16xf32>,
      tpu.vector_store %arg15[%parallel_loop3A_500, %parallel_loop3A_501], %parallel_loop3A_499 {strides = array<i32>} : memref<512x128xf32, #tpu.memory_space<vmem>>, vector<16xf32>,
      %parallel_loop3A_503 = tpu.vector_load_idx %arg14[%parallel_loop3A_498] : memref<776xf32, #tpu.memory_space<vmem>>[vector<16xi32>], vector<16xf32>,
      %parallel_loop3A_504 = arith.index_cast %parallel_loop3A_482 : i32 to index
      %parallel_loop3A_505 = arith.constant 16 : index
      %parallel_loop3A_506 = tpu.vector_load %arg15[%parallel_loop3A_504, %parallel_loop3A_505] {strides = array<i32>} : memref<512x128xf32, #tpu.memory_space<vmem>>, vector<16xf32>,
      tpu.vector_store %arg15[%parallel_loop3A_504, %parallel_loop3A_505], %parallel_loop3A_503 {strides = array<i32>} : memref<512x128xf32, #tpu.memory_space<vmem>>, vector<16xf32>,
      %parallel_loop3A_507 = vector.extract_strided_slice %parallel_loop3A_398 {offsets = [2], sizes = [1], strides = [1]} : vector<16xf32> to vector<1xf32>
      %parallel_loop3A_508 = vector.extract %parallel_loop3A_507[0] : f32 from vector<1xf32>
      %parallel_loop3A_509 = vector.broadcast %parallel_loop3A_508 : f32 to vector<16xf32>
      %parallel_loop3A_510 = arith.mulf %parallel_loop3A_509, %add3A_168 : vector<16xf32>
      %parallel_loop3A_511 = arith.index_cast %parallel_loop3A_482 : i32 to index
      %parallel_loop3A_512 = arith.constant 32 : index
      %parallel_loop3A_513 = tpu.vector_load %arg15[%parallel_loop3A_511, %parallel_loop3A_512] {strides = array<i32>} : memref<512x128xf32, #tpu.memory_space<vmem>>, vector<16xf32>,
      tpu.vector_store %arg15[%parallel_loop3A_511, %parallel_loop3A_512], %parallel_loop3A_510 {strides = array<i32>} : memref<512x128xf32, #tpu.memory_space<vmem>>, vector<16xf32>,
      %parallel_loop3A_514 = vector.extract_strided_slice %parallel_loop3A_400 {offsets = [2], sizes = [1], strides = [1]} : vector<16xf32> to vector<1xf32>
      %parallel_loop3A_515 = vector.extract %parallel_loop3A_514[0] : f32 from vector<1xf32>
      %parallel_loop3A_516 = vector.broadcast %parallel_loop3A_515 : f32 to vector<16xf32>
      %parallel_loop3A_517 = arith.mulf %parallel_loop3A_516, %add3A_319 : vector<16xf32>
      %parallel_loop3A_518 = arith.index_cast %parallel_loop3A_482 : i32 to index
      %parallel_loop3A_519 = arith.constant 48 : index
      %parallel_loop3A_520 = tpu.vector_load %arg15[%parallel_loop3A_518, %parallel_loop3A_519] {strides = array<i32>} : memref<512x128xf32, #tpu.memory_space<vmem>>, vector<16xf32>,
      tpu.vector_store %arg15[%parallel_loop3A_518, %parallel_loop3A_519], %parallel_loop3A_517 {strides = array<i32>} : memref<512x128xf32, #tpu.memory_space<vmem>>, vector<16xf32>,
      %parallel_loop3A_521 = arith.constant 3 : i32
      %parallel_loop3A_522 = arith.addi %parallel_loop3A_375, %parallel_loop3A_521 : i32
      %parallel_loop3A_523 = vector.extract_strided_slice %parallel_loop3A_380 {offsets = [3], sizes = [1], strides = [1]} : vector<16xi32> to vector<1xi32>
      %parallel_loop3A_524 = vector.extract %parallel_loop3A_523[0] : i32 from vector<1xi32>
      %parallel_loop3A_525 = vector.extract_strided_slice %parallel_loop3A_388 {offsets = [3], sizes = [1], strides = [1]} : vector<16xi32> to vector<1xi32>
      %parallel_loop3A_526 = vector.extract %parallel_loop3A_525[0] : i32 from vector<1xi32>
      %parallel_loop3A_527 = vector.broadcast %parallel_loop3A_524 : i32 to vector<16xi32>
      %parallel_loop3A_528 = vector.broadcast %parallel_loop3A_526 : i32 to vector<16xi32>
      %parallel_loop3A_529 = arith.select %lt3A_321, %parallel_loop3A_527, %parallel_loop3A_528 : vector<16xi1>, vector<16xi32>
      %parallel_loop3A_530 = arith.addi %and3A_323, %parallel_loop3A_529 : vector<16xi32>
      %parallel_loop3A_531 = vector.extract_strided_slice %parallel_loop3A_388 {offsets = [3], sizes = [1], strides = [1]} : vector<16xi32> to vector<1xi32>
      %parallel_loop3A_532 = vector.extract %parallel_loop3A_531[0] : i32 from vector<1xi32>
      %parallel_loop3A_533 = vector.extract_strided_slice %parallel_loop3A_396 {offsets = [3], sizes = [1], strides = [1]} : vector<16xi32> to vector<1xi32>
      %parallel_loop3A_534 = vector.extract %parallel_loop3A_533[0] : i32 from vector<1xi32>
      %parallel_loop3A_535 = vector.broadcast %parallel_loop3A_532 : i32 to vector<16xi32>
      %parallel_loop3A_536 = vector.broadcast %parallel_loop3A_534 : i32 to vector<16xi32>
      %parallel_loop3A_537 = arith.select %lt3A_321, %parallel_loop3A_535, %parallel_loop3A_536 : vector<16xi1>, vector<16xi32>
      %parallel_loop3A_538 = arith.addi %xor3A_325, %parallel_loop3A_537 : vector<16xi32>
      %parallel_loop3A_539 = tpu.vector_load_idx %arg14[%parallel_loop3A_530] : memref<776xf32, #tpu.memory_space<vmem>>[vector<16xi32>], vector<16xf32>,
      %parallel_loop3A_540 = arith.index_cast %parallel_loop3A_522 : i32 to index
      %parallel_loop3A_541 = arith.constant 0 : index
      %parallel_loop3A_542 = tpu.vector_load %arg15[%parallel_loop3A_540, %parallel_loop3A_541] {strides = array<i32>} : memref<512x128xf32, #tpu.memory_space<vmem>>, vector<16xf32>,
      tpu.vector_store %arg15[%parallel_loop3A_540, %parallel_loop3A_541], %parallel_loop3A_539 {strides = array<i32>} : memref<512x128xf32, #tpu.memory_space<vmem>>, vector<16xf32>,
      %parallel_loop3A_543 = tpu.vector_load_idx %arg14[%parallel_loop3A_538] : memref<776xf32, #tpu.memory_space<vmem>>[vector<16xi32>], vector<16xf32>,
      %parallel_loop3A_544 = arith.index_cast %parallel_loop3A_522 : i32 to index
      %parallel_loop3A_545 = arith.constant 16 : index
      %parallel_loop3A_546 = tpu.vector_load %arg15[%parallel_loop3A_544, %parallel_loop3A_545] {strides = array<i32>} : memref<512x128xf32, #tpu.memory_space<vmem>>, vector<16xf32>,
      tpu.vector_store %arg15[%parallel_loop3A_544, %parallel_loop3A_545], %parallel_loop3A_543 {strides = array<i32>} : memref<512x128xf32, #tpu.memory_space<vmem>>, vector<16xf32>,
      %parallel_loop3A_547 = vector.extract_strided_slice %parallel_loop3A_398 {offsets = [3], sizes = [1], strides = [1]} : vector<16xf32> to vector<1xf32>
      %parallel_loop3A_548 = vector.extract %parallel_loop3A_547[0] : f32 from vector<1xf32>
      %parallel_loop3A_549 = vector.broadcast %parallel_loop3A_548 : f32 to vector<16xf32>
      %parallel_loop3A_550 = arith.mulf %parallel_loop3A_549, %add3A_168 : vector<16xf32>
      %parallel_loop3A_551 = arith.index_cast %parallel_loop3A_522 : i32 to index
      %parallel_loop3A_552 = arith.constant 32 : index
      %parallel_loop3A_553 = tpu.vector_load %arg15[%parallel_loop3A_551, %parallel_loop3A_552] {strides = array<i32>} : memref<512x128xf32, #tpu.memory_space<vmem>>, vector<16xf32>,
      tpu.vector_store %arg15[%parallel_loop3A_551, %parallel_loop3A_552], %parallel_loop3A_550 {strides = array<i32>} : memref<512x128xf32, #tpu.memory_space<vmem>>, vector<16xf32>,
      %parallel_loop3A_554 = vector.extract_strided_slice %parallel_loop3A_400 {offsets = [3], sizes = [1], strides = [1]} : vector<16xf32> to vector<1xf32>
      %parallel_loop3A_555 = vector.extract %parallel_loop3A_554[0] : f32 from vector<1xf32>
      %parallel_loop3A_556 = vector.broadcast %parallel_loop3A_555 : f32 to vector<16xf32>
      %parallel_loop3A_557 = arith.mulf %parallel_loop3A_556, %add3A_319 : vector<16xf32>
      %parallel_loop3A_558 = arith.index_cast %parallel_loop3A_522 : i32 to index
      %parallel_loop3A_559 = arith.constant 48 : index
      %parallel_loop3A_560 = tpu.vector_load %arg15[%parallel_loop3A_558, %parallel_loop3A_559] {strides = array<i32>} : memref<512x128xf32, #tpu.memory_space<vmem>>, vector<16xf32>,
      tpu.vector_store %arg15[%parallel_loop3A_558, %parallel_loop3A_559], %parallel_loop3A_557 {strides = array<i32>} : memref<512x128xf32, #tpu.memory_space<vmem>>, vector<16xf32>,
      %parallel_loop3A_561 = arith.constant 4 : i32
      %parallel_loop3A_562 = arith.addi %parallel_loop3A_375, %parallel_loop3A_561 : i32
      %parallel_loop3A_563 = vector.extract_strided_slice %parallel_loop3A_380 {offsets = [4], sizes = [1], strides = [1]} : vector<16xi32> to vector<1xi32>
      %parallel_loop3A_564 = vector.extract %parallel_loop3A_563[0] : i32 from vector<1xi32>
      %parallel_loop3A_565 = vector.extract_strided_slice %parallel_loop3A_388 {offsets = [4], sizes = [1], strides = [1]} : vector<16xi32> to vector<1xi32>
      %parallel_loop3A_566 = vector.extract %parallel_loop3A_565[0] : i32 from vector<1xi32>
      %parallel_loop3A_567 = vector.broadcast %parallel_loop3A_564 : i32 to vector<16xi32>
      %parallel_loop3A_568 = vector.broadcast %parallel_loop3A_566 : i32 to vector<16xi32>
      %parallel_loop3A_569 = arith.select %lt3A_321, %parallel_loop3A_567, %parallel_loop3A_568 : vector<16xi1>, vector<16xi32>
      %parallel_loop3A_570 = arith.addi %and3A_323, %parallel_loop3A_569 : vector<16xi32>
      %parallel_loop3A_571 = vector.extract_strided_slice %parallel_loop3A_388 {offsets = [4], sizes = [1], strides = [1]} : vector<16xi32> to vector<1xi32>
      %parallel_loop3A_572 = vector.extract %parallel_loop3A_571[0] : i32 from vector<1xi32>
      %parallel_loop3A_573 = vector.extract_strided_slice %parallel_loop3A_396 {offsets = [4], sizes = [1], strides = [1]} : vector<16xi32> to vector<1xi32>
      %parallel_loop3A_574 = vector.extract %parallel_loop3A_573[0] : i32 from vector<1xi32>
      %parallel_loop3A_575 = vector.broadcast %parallel_loop3A_572 : i32 to vector<16xi32>
      %parallel_loop3A_576 = vector.broadcast %parallel_loop3A_574 : i32 to vector<16xi32>
      %parallel_loop3A_577 = arith.select %lt3A_321, %parallel_loop3A_575, %parallel_loop3A_576 : vector<16xi1>, vector<16xi32>
      %parallel_loop3A_578 = arith.addi %xor3A_325, %parallel_loop3A_577 : vector<16xi32>
      %parallel_loop3A_579 = tpu.vector_load_idx %arg14[%parallel_loop3A_570] : memref<776xf32, #tpu.memory_space<vmem>>[vector<16xi32>], vector<16xf32>,
      %parallel_loop3A_580 = arith.index_cast %parallel_loop3A_562 : i32 to index
      %parallel_loop3A_581 = arith.constant 0 : index
      %parallel_loop3A_582 = tpu.vector_load %arg15[%parallel_loop3A_580, %parallel_loop3A_581] {strides = array<i32>} : memref<512x128xf32, #tpu.memory_space<vmem>>, vector<16xf32>,
      tpu.vector_store %arg15[%parallel_loop3A_580, %parallel_loop3A_581], %parallel_loop3A_579 {strides = array<i32>} : memref<512x128xf32, #tpu.memory_space<vmem>>, vector<16xf32>,
      %parallel_loop3A_583 = tpu.vector_load_idx %arg14[%parallel_loop3A_578] : memref<776xf32, #tpu.memory_space<vmem>>[vector<16xi32>], vector<16xf32>,
      %parallel_loop3A_584 = arith.index_cast %parallel_loop3A_562 : i32 to index
      %parallel_loop3A_585 = arith.constant 16 : index
      %parallel_loop3A_586 = tpu.vector_load %arg15[%parallel_loop3A_584, %parallel_loop3A_585] {strides = array<i32>} : memref<512x128xf32, #tpu.memory_space<vmem>>, vector<16xf32>,
      tpu.vector_store %arg15[%parallel_loop3A_584, %parallel_loop3A_585], %parallel_loop3A_583 {strides = array<i32>} : memref<512x128xf32, #tpu.memory_space<vmem>>, vector<16xf32>,
      %parallel_loop3A_587 = vector.extract_strided_slice %parallel_loop3A_398 {offsets = [4], sizes = [1], strides = [1]} : vector<16xf32> to vector<1xf32>
      %parallel_loop3A_588 = vector.extract %parallel_loop3A_587[0] : f32 from vector<1xf32>
      %parallel_loop3A_589 = vector.broadcast %parallel_loop3A_588 : f32 to vector<16xf32>
      %parallel_loop3A_590 = arith.mulf %parallel_loop3A_589, %add3A_168 : vector<16xf32>
      %parallel_loop3A_591 = arith.index_cast %parallel_loop3A_562 : i32 to index
      %parallel_loop3A_592 = arith.constant 32 : index
      %parallel_loop3A_593 = tpu.vector_load %arg15[%parallel_loop3A_591, %parallel_loop3A_592] {strides = array<i32>} : memref<512x128xf32, #tpu.memory_space<vmem>>, vector<16xf32>,
      tpu.vector_store %arg15[%parallel_loop3A_591, %parallel_loop3A_592], %parallel_loop3A_590 {strides = array<i32>} : memref<512x128xf32, #tpu.memory_space<vmem>>, vector<16xf32>,
      %parallel_loop3A_594 = vector.extract_strided_slice %parallel_loop3A_400 {offsets = [4], sizes = [1], strides = [1]} : vector<16xf32> to vector<1xf32>
      %parallel_loop3A_595 = vector.extract %parallel_loop3A_594[0] : f32 from vector<1xf32>
      %parallel_loop3A_596 = vector.broadcast %parallel_loop3A_595 : f32 to vector<16xf32>
      %parallel_loop3A_597 = arith.mulf %parallel_loop3A_596, %add3A_319 : vector<16xf32>
      %parallel_loop3A_598 = arith.index_cast %parallel_loop3A_562 : i32 to index
      %parallel_loop3A_599 = arith.constant 48 : index
      %parallel_loop3A_600 = tpu.vector_load %arg15[%parallel_loop3A_598, %parallel_loop3A_599] {strides = array<i32>} : memref<512x128xf32, #tpu.memory_space<vmem>>, vector<16xf32>,
      tpu.vector_store %arg15[%parallel_loop3A_598, %parallel_loop3A_599], %parallel_loop3A_597 {strides = array<i32>} : memref<512x128xf32, #tpu.memory_space<vmem>>, vector<16xf32>,
      %parallel_loop3A_601 = arith.constant 5 : i32
      %parallel_loop3A_602 = arith.addi %parallel_loop3A_375, %parallel_loop3A_601 : i32
      %parallel_loop3A_603 = vector.extract_strided_slice %parallel_loop3A_380 {offsets = [5], sizes = [1], strides = [1]} : vector<16xi32> to vector<1xi32>
      %parallel_loop3A_604 = vector.extract %parallel_loop3A_603[0] : i32 from vector<1xi32>
      %parallel_loop3A_605 = vector.extract_strided_slice %parallel_loop3A_388 {offsets = [5], sizes = [1], strides = [1]} : vector<16xi32> to vector<1xi32>
      %parallel_loop3A_606 = vector.extract %parallel_loop3A_605[0] : i32 from vector<1xi32>
      %parallel_loop3A_607 = vector.broadcast %parallel_loop3A_604 : i32 to vector<16xi32>
      %parallel_loop3A_608 = vector.broadcast %parallel_loop3A_606 : i32 to vector<16xi32>
      %parallel_loop3A_609 = arith.select %lt3A_321, %parallel_loop3A_607, %parallel_loop3A_608 : vector<16xi1>, vector<16xi32>
      %parallel_loop3A_610 = arith.addi %and3A_323, %parallel_loop3A_609 : vector<16xi32>
      %parallel_loop3A_611 = vector.extract_strided_slice %parallel_loop3A_388 {offsets = [5], sizes = [1], strides = [1]} : vector<16xi32> to vector<1xi32>
      %parallel_loop3A_612 = vector.extract %parallel_loop3A_611[0] : i32 from vector<1xi32>
      %parallel_loop3A_613 = vector.extract_strided_slice %parallel_loop3A_396 {offsets = [5], sizes = [1], strides = [1]} : vector<16xi32> to vector<1xi32>
      %parallel_loop3A_614 = vector.extract %parallel_loop3A_613[0] : i32 from vector<1xi32>
      %parallel_loop3A_615 = vector.broadcast %parallel_loop3A_612 : i32 to vector<16xi32>
      %parallel_loop3A_616 = vector.broadcast %parallel_loop3A_614 : i32 to vector<16xi32>
      %parallel_loop3A_617 = arith.select %lt3A_321, %parallel_loop3A_615, %parallel_loop3A_616 : vector<16xi1>, vector<16xi32>
      %parallel_loop3A_618 = arith.addi %xor3A_325, %parallel_loop3A_617 : vector<16xi32>
      %parallel_loop3A_619 = tpu.vector_load_idx %arg14[%parallel_loop3A_610] : memref<776xf32, #tpu.memory_space<vmem>>[vector<16xi32>], vector<16xf32>,
      %parallel_loop3A_620 = arith.index_cast %parallel_loop3A_602 : i32 to index
      %parallel_loop3A_621 = arith.constant 0 : index
      %parallel_loop3A_622 = tpu.vector_load %arg15[%parallel_loop3A_620, %parallel_loop3A_621] {strides = array<i32>} : memref<512x128xf32, #tpu.memory_space<vmem>>, vector<16xf32>,
      tpu.vector_store %arg15[%parallel_loop3A_620, %parallel_loop3A_621], %parallel_loop3A_619 {strides = array<i32>} : memref<512x128xf32, #tpu.memory_space<vmem>>, vector<16xf32>,
      %parallel_loop3A_623 = tpu.vector_load_idx %arg14[%parallel_loop3A_618] : memref<776xf32, #tpu.memory_space<vmem>>[vector<16xi32>], vector<16xf32>,
      %parallel_loop3A_624 = arith.index_cast %parallel_loop3A_602 : i32 to index
      %parallel_loop3A_625 = arith.constant 16 : index
      %parallel_loop3A_626 = tpu.vector_load %arg15[%parallel_loop3A_624, %parallel_loop3A_625] {strides = array<i32>} : memref<512x128xf32, #tpu.memory_space<vmem>>, vector<16xf32>,
      tpu.vector_store %arg15[%parallel_loop3A_624, %parallel_loop3A_625], %parallel_loop3A_623 {strides = array<i32>} : memref<512x128xf32, #tpu.memory_space<vmem>>, vector<16xf32>,
      %parallel_loop3A_627 = vector.extract_strided_slice %parallel_loop3A_398 {offsets = [5], sizes = [1], strides = [1]} : vector<16xf32> to vector<1xf32>
      %parallel_loop3A_628 = vector.extract %parallel_loop3A_627[0] : f32 from vector<1xf32>
      %parallel_loop3A_629 = vector.broadcast %parallel_loop3A_628 : f32 to vector<16xf32>
      %parallel_loop3A_630 = arith.mulf %parallel_loop3A_629, %add3A_168 : vector<16xf32>
      %parallel_loop3A_631 = arith.index_cast %parallel_loop3A_602 : i32 to index
      %parallel_loop3A_632 = arith.constant 32 : index
      %parallel_loop3A_633 = tpu.vector_load %arg15[%parallel_loop3A_631, %parallel_loop3A_632] {strides = array<i32>} : memref<512x128xf32, #tpu.memory_space<vmem>>, vector<16xf32>,
      tpu.vector_store %arg15[%parallel_loop3A_631, %parallel_loop3A_632], %parallel_loop3A_630 {strides = array<i32>} : memref<512x128xf32, #tpu.memory_space<vmem>>, vector<16xf32>,
      %parallel_loop3A_634 = vector.extract_strided_slice %parallel_loop3A_400 {offsets = [5], sizes = [1], strides = [1]} : vector<16xf32> to vector<1xf32>
      %parallel_loop3A_635 = vector.extract %parallel_loop3A_634[0] : f32 from vector<1xf32>
      %parallel_loop3A_636 = vector.broadcast %parallel_loop3A_635 : f32 to vector<16xf32>
      %parallel_loop3A_637 = arith.mulf %parallel_loop3A_636, %add3A_319 : vector<16xf32>
      %parallel_loop3A_638 = arith.index_cast %parallel_loop3A_602 : i32 to index
      %parallel_loop3A_639 = arith.constant 48 : index
      %parallel_loop3A_640 = tpu.vector_load %arg15[%parallel_loop3A_638, %parallel_loop3A_639] {strides = array<i32>} : memref<512x128xf32, #tpu.memory_space<vmem>>, vector<16xf32>,
      tpu.vector_store %arg15[%parallel_loop3A_638, %parallel_loop3A_639], %parallel_loop3A_637 {strides = array<i32>} : memref<512x128xf32, #tpu.memory_space<vmem>>, vector<16xf32>,
      %parallel_loop3A_641 = arith.constant 6 : i32
      %parallel_loop3A_642 = arith.addi %parallel_loop3A_375, %parallel_loop3A_641 : i32
      %parallel_loop3A_643 = vector.extract_strided_slice %parallel_loop3A_380 {offsets = [6], sizes = [1], strides = [1]} : vector<16xi32> to vector<1xi32>
      %parallel_loop3A_644 = vector.extract %parallel_loop3A_643[0] : i32 from vector<1xi32>
      %parallel_loop3A_645 = vector.extract_strided_slice %parallel_loop3A_388 {offsets = [6], sizes = [1], strides = [1]} : vector<16xi32> to vector<1xi32>
      %parallel_loop3A_646 = vector.extract %parallel_loop3A_645[0] : i32 from vector<1xi32>
      %parallel_loop3A_647 = vector.broadcast %parallel_loop3A_644 : i32 to vector<16xi32>
      %parallel_loop3A_648 = vector.broadcast %parallel_loop3A_646 : i32 to vector<16xi32>
      %parallel_loop3A_649 = arith.select %lt3A_321, %parallel_loop3A_647, %parallel_loop3A_648 : vector<16xi1>, vector<16xi32>
      %parallel_loop3A_650 = arith.addi %and3A_323, %parallel_loop3A_649 : vector<16xi32>
      %parallel_loop3A_651 = vector.extract_strided_slice %parallel_loop3A_388 {offsets = [6], sizes = [1], strides = [1]} : vector<16xi32> to vector<1xi32>
      %parallel_loop3A_652 = vector.extract %parallel_loop3A_651[0] : i32 from vector<1xi32>
      %parallel_loop3A_653 = vector.extract_strided_slice %parallel_loop3A_396 {offsets = [6], sizes = [1], strides = [1]} : vector<16xi32> to vector<1xi32>
      %parallel_loop3A_654 = vector.extract %parallel_loop3A_653[0] : i32 from vector<1xi32>
      %parallel_loop3A_655 = vector.broadcast %parallel_loop3A_652 : i32 to vector<16xi32>
      %parallel_loop3A_656 = vector.broadcast %parallel_loop3A_654 : i32 to vector<16xi32>
      %parallel_loop3A_657 = arith.select %lt3A_321, %parallel_loop3A_655, %parallel_loop3A_656 : vector<16xi1>, vector<16xi32>
      %parallel_loop3A_658 = arith.addi %xor3A_325, %parallel_loop3A_657 : vector<16xi32>
      %parallel_loop3A_659 = tpu.vector_load_idx %arg14[%parallel_loop3A_650] : memref<776xf32, #tpu.memory_space<vmem>>[vector<16xi32>], vector<16xf32>,
      %parallel_loop3A_660 = arith.index_cast %parallel_loop3A_642 : i32 to index
      %parallel_loop3A_661 = arith.constant 0 : index
      %parallel_loop3A_662 = tpu.vector_load %arg15[%parallel_loop3A_660, %parallel_loop3A_661] {strides = array<i32>} : memref<512x128xf32, #tpu.memory_space<vmem>>, vector<16xf32>,
      tpu.vector_store %arg15[%parallel_loop3A_660, %parallel_loop3A_661], %parallel_loop3A_659 {strides = array<i32>} : memref<512x128xf32, #tpu.memory_space<vmem>>, vector<16xf32>,
      %parallel_loop3A_663 = tpu.vector_load_idx %arg14[%parallel_loop3A_658] : memref<776xf32, #tpu.memory_space<vmem>>[vector<16xi32>], vector<16xf32>,
      %parallel_loop3A_664 = arith.index_cast %parallel_loop3A_642 : i32 to index
      %parallel_loop3A_665 = arith.constant 16 : index
      %parallel_loop3A_666 = tpu.vector_load %arg15[%parallel_loop3A_664, %parallel_loop3A_665] {strides = array<i32>} : memref<512x128xf32, #tpu.memory_space<vmem>>, vector<16xf32>,
      tpu.vector_store %arg15[%parallel_loop3A_664, %parallel_loop3A_665], %parallel_loop3A_663 {strides = array<i32>} : memref<512x128xf32, #tpu.memory_space<vmem>>, vector<16xf32>,
      %parallel_loop3A_667 = vector.extract_strided_slice %parallel_loop3A_398 {offsets = [6], sizes = [1], strides = [1]} : vector<16xf32> to vector<1xf32>
      %parallel_loop3A_668 = vector.extract %parallel_loop3A_667[0] : f32 from vector<1xf32>
      %parallel_loop3A_669 = vector.broadcast %parallel_loop3A_668 : f32 to vector<16xf32>
      %parallel_loop3A_670 = arith.mulf %parallel_loop3A_669, %add3A_168 : vector<16xf32>
      %parallel_loop3A_671 = arith.index_cast %parallel_loop3A_642 : i32 to index
      %parallel_loop3A_672 = arith.constant 32 : index
      %parallel_loop3A_673 = tpu.vector_load %arg15[%parallel_loop3A_671, %parallel_loop3A_672] {strides = array<i32>} : memref<512x128xf32, #tpu.memory_space<vmem>>, vector<16xf32>,
      tpu.vector_store %arg15[%parallel_loop3A_671, %parallel_loop3A_672], %parallel_loop3A_670 {strides = array<i32>} : memref<512x128xf32, #tpu.memory_space<vmem>>, vector<16xf32>,
      %parallel_loop3A_674 = vector.extract_strided_slice %parallel_loop3A_400 {offsets = [6], sizes = [1], strides = [1]} : vector<16xf32> to vector<1xf32>
      %parallel_loop3A_675 = vector.extract %parallel_loop3A_674[0] : f32 from vector<1xf32>
      %parallel_loop3A_676 = vector.broadcast %parallel_loop3A_675 : f32 to vector<16xf32>
      %parallel_loop3A_677 = arith.mulf %parallel_loop3A_676, %add3A_319 : vector<16xf32>
      %parallel_loop3A_678 = arith.index_cast %parallel_loop3A_642 : i32 to index
      %parallel_loop3A_679 = arith.constant 48 : index
      %parallel_loop3A_680 = tpu.vector_load %arg15[%parallel_loop3A_678, %parallel_loop3A_679] {strides = array<i32>} : memref<512x128xf32, #tpu.memory_space<vmem>>, vector<16xf32>,
      tpu.vector_store %arg15[%parallel_loop3A_678, %parallel_loop3A_679], %parallel_loop3A_677 {strides = array<i32>} : memref<512x128xf32, #tpu.memory_space<vmem>>, vector<16xf32>,
      %parallel_loop3A_681 = arith.constant 7 : i32
      %parallel_loop3A_682 = arith.addi %parallel_loop3A_375, %parallel_loop3A_681 : i32
      %parallel_loop3A_683 = vector.extract_strided_slice %parallel_loop3A_380 {offsets = [7], sizes = [1], strides = [1]} : vector<16xi32> to vector<1xi32>
      %parallel_loop3A_684 = vector.extract %parallel_loop3A_683[0] : i32 from vector<1xi32>
      %parallel_loop3A_685 = vector.extract_strided_slice %parallel_loop3A_388 {offsets = [7], sizes = [1], strides = [1]} : vector<16xi32> to vector<1xi32>
      %parallel_loop3A_686 = vector.extract %parallel_loop3A_685[0] : i32 from vector<1xi32>
      %parallel_loop3A_687 = vector.broadcast %parallel_loop3A_684 : i32 to vector<16xi32>
      %parallel_loop3A_688 = vector.broadcast %parallel_loop3A_686 : i32 to vector<16xi32>
      %parallel_loop3A_689 = arith.select %lt3A_321, %parallel_loop3A_687, %parallel_loop3A_688 : vector<16xi1>, vector<16xi32>
      %parallel_loop3A_690 = arith.addi %and3A_323, %parallel_loop3A_689 : vector<16xi32>
      %parallel_loop3A_691 = vector.extract_strided_slice %parallel_loop3A_388 {offsets = [7], sizes = [1], strides = [1]} : vector<16xi32> to vector<1xi32>
      %parallel_loop3A_692 = vector.extract %parallel_loop3A_691[0] : i32 from vector<1xi32>
      %parallel_loop3A_693 = vector.extract_strided_slice %parallel_loop3A_396 {offsets = [7], sizes = [1], strides = [1]} : vector<16xi32> to vector<1xi32>
      %parallel_loop3A_694 = vector.extract %parallel_loop3A_693[0] : i32 from vector<1xi32>
      %parallel_loop3A_695 = vector.broadcast %parallel_loop3A_692 : i32 to vector<16xi32>
      %parallel_loop3A_696 = vector.broadcast %parallel_loop3A_694 : i32 to vector<16xi32>
      %parallel_loop3A_697 = arith.select %lt3A_321, %parallel_loop3A_695, %parallel_loop3A_696 : vector<16xi1>, vector<16xi32>
      %parallel_loop3A_698 = arith.addi %xor3A_325, %parallel_loop3A_697 : vector<16xi32>
      %parallel_loop3A_699 = tpu.vector_load_idx %arg14[%parallel_loop3A_690] : memref<776xf32, #tpu.memory_space<vmem>>[vector<16xi32>], vector<16xf32>,
      %parallel_loop3A_700 = arith.index_cast %parallel_loop3A_682 : i32 to index
      %parallel_loop3A_701 = arith.constant 0 : index
      %parallel_loop3A_702 = tpu.vector_load %arg15[%parallel_loop3A_700, %parallel_loop3A_701] {strides = array<i32>} : memref<512x128xf32, #tpu.memory_space<vmem>>, vector<16xf32>,
      tpu.vector_store %arg15[%parallel_loop3A_700, %parallel_loop3A_701], %parallel_loop3A_699 {strides = array<i32>} : memref<512x128xf32, #tpu.memory_space<vmem>>, vector<16xf32>,
      %parallel_loop3A_703 = tpu.vector_load_idx %arg14[%parallel_loop3A_698] : memref<776xf32, #tpu.memory_space<vmem>>[vector<16xi32>], vector<16xf32>,
      %parallel_loop3A_704 = arith.index_cast %parallel_loop3A_682 : i32 to index
      %parallel_loop3A_705 = arith.constant 16 : index
      %parallel_loop3A_706 = tpu.vector_load %arg15[%parallel_loop3A_704, %parallel_loop3A_705] {strides = array<i32>} : memref<512x128xf32, #tpu.memory_space<vmem>>, vector<16xf32>,
      tpu.vector_store %arg15[%parallel_loop3A_704, %parallel_loop3A_705], %parallel_loop3A_703 {strides = array<i32>} : memref<512x128xf32, #tpu.memory_space<vmem>>, vector<16xf32>,
      %parallel_loop3A_707 = vector.extract_strided_slice %parallel_loop3A_398 {offsets = [7], sizes = [1], strides = [1]} : vector<16xf32> to vector<1xf32>
      %parallel_loop3A_708 = vector.extract %parallel_loop3A_707[0] : f32 from vector<1xf32>
      %parallel_loop3A_709 = vector.broadcast %parallel_loop3A_708 : f32 to vector<16xf32>
      %parallel_loop3A_710 = arith.mulf %parallel_loop3A_709, %add3A_168 : vector<16xf32>
      %parallel_loop3A_711 = arith.index_cast %parallel_loop3A_682 : i32 to index
      %parallel_loop3A_712 = arith.constant 32 : index
      %parallel_loop3A_713 = tpu.vector_load %arg15[%parallel_loop3A_711, %parallel_loop3A_712] {strides = array<i32>} : memref<512x128xf32, #tpu.memory_space<vmem>>, vector<16xf32>,
      tpu.vector_store %arg15[%parallel_loop3A_711, %parallel_loop3A_712], %parallel_loop3A_710 {strides = array<i32>} : memref<512x128xf32, #tpu.memory_space<vmem>>, vector<16xf32>,
      %parallel_loop3A_714 = vector.extract_strided_slice %parallel_loop3A_400 {offsets = [7], sizes = [1], strides = [1]} : vector<16xf32> to vector<1xf32>
      %parallel_loop3A_715 = vector.extract %parallel_loop3A_714[0] : f32 from vector<1xf32>
      %parallel_loop3A_716 = vector.broadcast %parallel_loop3A_715 : f32 to vector<16xf32>
      %parallel_loop3A_717 = arith.mulf %parallel_loop3A_716, %add3A_319 : vector<16xf32>
      %parallel_loop3A_718 = arith.index_cast %parallel_loop3A_682 : i32 to index
      %parallel_loop3A_719 = arith.constant 48 : index
      %parallel_loop3A_720 = tpu.vector_load %arg15[%parallel_loop3A_718, %parallel_loop3A_719] {strides = array<i32>} : memref<512x128xf32, #tpu.memory_space<vmem>>, vector<16xf32>,
      tpu.vector_store %arg15[%parallel_loop3A_718, %parallel_loop3A_719], %parallel_loop3A_717 {strides = array<i32>} : memref<512x128xf32, #tpu.memory_space<vmem>>, vector<16xf32>,
      %parallel_loop3A_721 = arith.constant 8 : i32
      %parallel_loop3A_722 = arith.addi %parallel_loop3A_375, %parallel_loop3A_721 : i32
      %parallel_loop3A_723 = vector.extract_strided_slice %parallel_loop3A_380 {offsets = [8], sizes = [1], strides = [1]} : vector<16xi32> to vector<1xi32>
      %parallel_loop3A_724 = vector.extract %parallel_loop3A_723[0] : i32 from vector<1xi32>
      %parallel_loop3A_725 = vector.extract_strided_slice %parallel_loop3A_388 {offsets = [8], sizes = [1], strides = [1]} : vector<16xi32> to vector<1xi32>
      %parallel_loop3A_726 = vector.extract %parallel_loop3A_725[0] : i32 from vector<1xi32>
      %parallel_loop3A_727 = vector.broadcast %parallel_loop3A_724 : i32 to vector<16xi32>
      %parallel_loop3A_728 = vector.broadcast %parallel_loop3A_726 : i32 to vector<16xi32>
      %parallel_loop3A_729 = arith.select %lt3A_321, %parallel_loop3A_727, %parallel_loop3A_728 : vector<16xi1>, vector<16xi32>
      %parallel_loop3A_730 = arith.addi %and3A_323, %parallel_loop3A_729 : vector<16xi32>
      %parallel_loop3A_731 = vector.extract_strided_slice %parallel_loop3A_388 {offsets = [8], sizes = [1], strides = [1]} : vector<16xi32> to vector<1xi32>
      %parallel_loop3A_732 = vector.extract %parallel_loop3A_731[0] : i32 from vector<1xi32>
      %parallel_loop3A_733 = vector.extract_strided_slice %parallel_loop3A_396 {offsets = [8], sizes = [1], strides = [1]} : vector<16xi32> to vector<1xi32>
      %parallel_loop3A_734 = vector.extract %parallel_loop3A_733[0] : i32 from vector<1xi32>
      %parallel_loop3A_735 = vector.broadcast %parallel_loop3A_732 : i32 to vector<16xi32>
      %parallel_loop3A_736 = vector.broadcast %parallel_loop3A_734 : i32 to vector<16xi32>
      %parallel_loop3A_737 = arith.select %lt3A_321, %parallel_loop3A_735, %parallel_loop3A_736 : vector<16xi1>, vector<16xi32>
      %parallel_loop3A_738 = arith.addi %xor3A_325, %parallel_loop3A_737 : vector<16xi32>
      %parallel_loop3A_739 = tpu.vector_load_idx %arg14[%parallel_loop3A_730] : memref<776xf32, #tpu.memory_space<vmem>>[vector<16xi32>], vector<16xf32>,
      %parallel_loop3A_740 = arith.index_cast %parallel_loop3A_722 : i32 to index
      %parallel_loop3A_741 = arith.constant 0 : index
      %parallel_loop3A_742 = tpu.vector_load %arg15[%parallel_loop3A_740, %parallel_loop3A_741] {strides = array<i32>} : memref<512x128xf32, #tpu.memory_space<vmem>>, vector<16xf32>,
      tpu.vector_store %arg15[%parallel_loop3A_740, %parallel_loop3A_741], %parallel_loop3A_739 {strides = array<i32>} : memref<512x128xf32, #tpu.memory_space<vmem>>, vector<16xf32>,
      %parallel_loop3A_743 = tpu.vector_load_idx %arg14[%parallel_loop3A_738] : memref<776xf32, #tpu.memory_space<vmem>>[vector<16xi32>], vector<16xf32>,
      %parallel_loop3A_744 = arith.index_cast %parallel_loop3A_722 : i32 to index
      %parallel_loop3A_745 = arith.constant 16 : index
      %parallel_loop3A_746 = tpu.vector_load %arg15[%parallel_loop3A_744, %parallel_loop3A_745] {strides = array<i32>} : memref<512x128xf32, #tpu.memory_space<vmem>>, vector<16xf32>,
      tpu.vector_store %arg15[%parallel_loop3A_744, %parallel_loop3A_745], %parallel_loop3A_743 {strides = array<i32>} : memref<512x128xf32, #tpu.memory_space<vmem>>, vector<16xf32>,
      %parallel_loop3A_747 = vector.extract_strided_slice %parallel_loop3A_398 {offsets = [8], sizes = [1], strides = [1]} : vector<16xf32> to vector<1xf32>
      %parallel_loop3A_748 = vector.extract %parallel_loop3A_747[0] : f32 from vector<1xf32>
      %parallel_loop3A_749 = vector.broadcast %parallel_loop3A_748 : f32 to vector<16xf32>
      %parallel_loop3A_750 = arith.mulf %parallel_loop3A_749, %add3A_168 : vector<16xf32>
      %parallel_loop3A_751 = arith.index_cast %parallel_loop3A_722 : i32 to index
      %parallel_loop3A_752 = arith.constant 32 : index
      %parallel_loop3A_753 = tpu.vector_load %arg15[%parallel_loop3A_751, %parallel_loop3A_752] {strides = array<i32>} : memref<512x128xf32, #tpu.memory_space<vmem>>, vector<16xf32>,
      tpu.vector_store %arg15[%parallel_loop3A_751, %parallel_loop3A_752], %parallel_loop3A_750 {strides = array<i32>} : memref<512x128xf32, #tpu.memory_space<vmem>>, vector<16xf32>,
      %parallel_loop3A_754 = vector.extract_strided_slice %parallel_loop3A_400 {offsets = [8], sizes = [1], strides = [1]} : vector<16xf32> to vector<1xf32>
      %parallel_loop3A_755 = vector.extract %parallel_loop3A_754[0] : f32 from vector<1xf32>
      %parallel_loop3A_756 = vector.broadcast %parallel_loop3A_755 : f32 to vector<16xf32>
      %parallel_loop3A_757 = arith.mulf %parallel_loop3A_756, %add3A_319 : vector<16xf32>
      %parallel_loop3A_758 = arith.index_cast %parallel_loop3A_722 : i32 to index
      %parallel_loop3A_759 = arith.constant 48 : index
      %parallel_loop3A_760 = tpu.vector_load %arg15[%parallel_loop3A_758, %parallel_loop3A_759] {strides = array<i32>} : memref<512x128xf32, #tpu.memory_space<vmem>>, vector<16xf32>,
      tpu.vector_store %arg15[%parallel_loop3A_758, %parallel_loop3A_759], %parallel_loop3A_757 {strides = array<i32>} : memref<512x128xf32, #tpu.memory_space<vmem>>, vector<16xf32>,
      %parallel_loop3A_761 = arith.constant 9 : i32
      %parallel_loop3A_762 = arith.addi %parallel_loop3A_375, %parallel_loop3A_761 : i32
      %parallel_loop3A_763 = vector.extract_strided_slice %parallel_loop3A_380 {offsets = [9], sizes = [1], strides = [1]} : vector<16xi32> to vector<1xi32>
      %parallel_loop3A_764 = vector.extract %parallel_loop3A_763[0] : i32 from vector<1xi32>
      %parallel_loop3A_765 = vector.extract_strided_slice %parallel_loop3A_388 {offsets = [9], sizes = [1], strides = [1]} : vector<16xi32> to vector<1xi32>
      %parallel_loop3A_766 = vector.extract %parallel_loop3A_765[0] : i32 from vector<1xi32>
      %parallel_loop3A_767 = vector.broadcast %parallel_loop3A_764 : i32 to vector<16xi32>
      %parallel_loop3A_768 = vector.broadcast %parallel_loop3A_766 : i32 to vector<16xi32>
      %parallel_loop3A_769 = arith.select %lt3A_321, %parallel_loop3A_767, %parallel_loop3A_768 : vector<16xi1>, vector<16xi32>
      %parallel_loop3A_770 = arith.addi %and3A_323, %parallel_loop3A_769 : vector<16xi32>
      %parallel_loop3A_771 = vector.extract_strided_slice %parallel_loop3A_388 {offsets = [9], sizes = [1], strides = [1]} : vector<16xi32> to vector<1xi32>
      %parallel_loop3A_772 = vector.extract %parallel_loop3A_771[0] : i32 from vector<1xi32>
      %parallel_loop3A_773 = vector.extract_strided_slice %parallel_loop3A_396 {offsets = [9], sizes = [1], strides = [1]} : vector<16xi32> to vector<1xi32>
      %parallel_loop3A_774 = vector.extract %parallel_loop3A_773[0] : i32 from vector<1xi32>
      %parallel_loop3A_775 = vector.broadcast %parallel_loop3A_772 : i32 to vector<16xi32>
      %parallel_loop3A_776 = vector.broadcast %parallel_loop3A_774 : i32 to vector<16xi32>
      %parallel_loop3A_777 = arith.select %lt3A_321, %parallel_loop3A_775, %parallel_loop3A_776 : vector<16xi1>, vector<16xi32>
      %parallel_loop3A_778 = arith.addi %xor3A_325, %parallel_loop3A_777 : vector<16xi32>
      %parallel_loop3A_779 = tpu.vector_load_idx %arg14[%parallel_loop3A_770] : memref<776xf32, #tpu.memory_space<vmem>>[vector<16xi32>], vector<16xf32>,
      %parallel_loop3A_780 = arith.index_cast %parallel_loop3A_762 : i32 to index
      %parallel_loop3A_781 = arith.constant 0 : index
      %parallel_loop3A_782 = tpu.vector_load %arg15[%parallel_loop3A_780, %parallel_loop3A_781] {strides = array<i32>} : memref<512x128xf32, #tpu.memory_space<vmem>>, vector<16xf32>,
      tpu.vector_store %arg15[%parallel_loop3A_780, %parallel_loop3A_781], %parallel_loop3A_779 {strides = array<i32>} : memref<512x128xf32, #tpu.memory_space<vmem>>, vector<16xf32>,
      %parallel_loop3A_783 = tpu.vector_load_idx %arg14[%parallel_loop3A_778] : memref<776xf32, #tpu.memory_space<vmem>>[vector<16xi32>], vector<16xf32>,
      %parallel_loop3A_784 = arith.index_cast %parallel_loop3A_762 : i32 to index
      %parallel_loop3A_785 = arith.constant 16 : index
      %parallel_loop3A_786 = tpu.vector_load %arg15[%parallel_loop3A_784, %parallel_loop3A_785] {strides = array<i32>} : memref<512x128xf32, #tpu.memory_space<vmem>>, vector<16xf32>,
      tpu.vector_store %arg15[%parallel_loop3A_784, %parallel_loop3A_785], %parallel_loop3A_783 {strides = array<i32>} : memref<512x128xf32, #tpu.memory_space<vmem>>, vector<16xf32>,
      %parallel_loop3A_787 = vector.extract_strided_slice %parallel_loop3A_398 {offsets = [9], sizes = [1], strides = [1]} : vector<16xf32> to vector<1xf32>
      %parallel_loop3A_788 = vector.extract %parallel_loop3A_787[0] : f32 from vector<1xf32>
      %parallel_loop3A_789 = vector.broadcast %parallel_loop3A_788 : f32 to vector<16xf32>
      %parallel_loop3A_790 = arith.mulf %parallel_loop3A_789, %add3A_168 : vector<16xf32>
      %parallel_loop3A_791 = arith.index_cast %parallel_loop3A_762 : i32 to index
      %parallel_loop3A_792 = arith.constant 32 : index
      %parallel_loop3A_793 = tpu.vector_load %arg15[%parallel_loop3A_791, %parallel_loop3A_792] {strides = array<i32>} : memref<512x128xf32, #tpu.memory_space<vmem>>, vector<16xf32>,
      tpu.vector_store %arg15[%parallel_loop3A_791, %parallel_loop3A_792], %parallel_loop3A_790 {strides = array<i32>} : memref<512x128xf32, #tpu.memory_space<vmem>>, vector<16xf32>,
      %parallel_loop3A_794 = vector.extract_strided_slice %parallel_loop3A_400 {offsets = [9], sizes = [1], strides = [1]} : vector<16xf32> to vector<1xf32>
      %parallel_loop3A_795 = vector.extract %parallel_loop3A_794[0] : f32 from vector<1xf32>
      %parallel_loop3A_796 = vector.broadcast %parallel_loop3A_795 : f32 to vector<16xf32>
      %parallel_loop3A_797 = arith.mulf %parallel_loop3A_796, %add3A_319 : vector<16xf32>
      %parallel_loop3A_798 = arith.index_cast %parallel_loop3A_762 : i32 to index
      %parallel_loop3A_799 = arith.constant 48 : index
      %parallel_loop3A_800 = tpu.vector_load %arg15[%parallel_loop3A_798, %parallel_loop3A_799] {strides = array<i32>} : memref<512x128xf32, #tpu.memory_space<vmem>>, vector<16xf32>,
      tpu.vector_store %arg15[%parallel_loop3A_798, %parallel_loop3A_799], %parallel_loop3A_797 {strides = array<i32>} : memref<512x128xf32, #tpu.memory_space<vmem>>, vector<16xf32>,
      %parallel_loop3A_801 = arith.constant 10 : i32
      %parallel_loop3A_802 = arith.addi %parallel_loop3A_375, %parallel_loop3A_801 : i32
      %parallel_loop3A_803 = vector.extract_strided_slice %parallel_loop3A_380 {offsets = [10], sizes = [1], strides = [1]} : vector<16xi32> to vector<1xi32>
      %parallel_loop3A_804 = vector.extract %parallel_loop3A_803[0] : i32 from vector<1xi32>
      %parallel_loop3A_805 = vector.extract_strided_slice %parallel_loop3A_388 {offsets = [10], sizes = [1], strides = [1]} : vector<16xi32> to vector<1xi32>
      %parallel_loop3A_806 = vector.extract %parallel_loop3A_805[0] : i32 from vector<1xi32>
      %parallel_loop3A_807 = vector.broadcast %parallel_loop3A_804 : i32 to vector<16xi32>
      %parallel_loop3A_808 = vector.broadcast %parallel_loop3A_806 : i32 to vector<16xi32>
      %parallel_loop3A_809 = arith.select %lt3A_321, %parallel_loop3A_807, %parallel_loop3A_808 : vector<16xi1>, vector<16xi32>
      %parallel_loop3A_810 = arith.addi %and3A_323, %parallel_loop3A_809 : vector<16xi32>
      %parallel_loop3A_811 = vector.extract_strided_slice %parallel_loop3A_388 {offsets = [10], sizes = [1], strides = [1]} : vector<16xi32> to vector<1xi32>
      %parallel_loop3A_812 = vector.extract %parallel_loop3A_811[0] : i32 from vector<1xi32>
      %parallel_loop3A_813 = vector.extract_strided_slice %parallel_loop3A_396 {offsets = [10], sizes = [1], strides = [1]} : vector<16xi32> to vector<1xi32>
      %parallel_loop3A_814 = vector.extract %parallel_loop3A_813[0] : i32 from vector<1xi32>
      %parallel_loop3A_815 = vector.broadcast %parallel_loop3A_812 : i32 to vector<16xi32>
      %parallel_loop3A_816 = vector.broadcast %parallel_loop3A_814 : i32 to vector<16xi32>
      %parallel_loop3A_817 = arith.select %lt3A_321, %parallel_loop3A_815, %parallel_loop3A_816 : vector<16xi1>, vector<16xi32>
      %parallel_loop3A_818 = arith.addi %xor3A_325, %parallel_loop3A_817 : vector<16xi32>
      %parallel_loop3A_819 = tpu.vector_load_idx %arg14[%parallel_loop3A_810] : memref<776xf32, #tpu.memory_space<vmem>>[vector<16xi32>], vector<16xf32>,
      %parallel_loop3A_820 = arith.index_cast %parallel_loop3A_802 : i32 to index
      %parallel_loop3A_821 = arith.constant 0 : index
      %parallel_loop3A_822 = tpu.vector_load %arg15[%parallel_loop3A_820, %parallel_loop3A_821] {strides = array<i32>} : memref<512x128xf32, #tpu.memory_space<vmem>>, vector<16xf32>,
      tpu.vector_store %arg15[%parallel_loop3A_820, %parallel_loop3A_821], %parallel_loop3A_819 {strides = array<i32>} : memref<512x128xf32, #tpu.memory_space<vmem>>, vector<16xf32>,
      %parallel_loop3A_823 = tpu.vector_load_idx %arg14[%parallel_loop3A_818] : memref<776xf32, #tpu.memory_space<vmem>>[vector<16xi32>], vector<16xf32>,
      %parallel_loop3A_824 = arith.index_cast %parallel_loop3A_802 : i32 to index
      %parallel_loop3A_825 = arith.constant 16 : index
      %parallel_loop3A_826 = tpu.vector_load %arg15[%parallel_loop3A_824, %parallel_loop3A_825] {strides = array<i32>} : memref<512x128xf32, #tpu.memory_space<vmem>>, vector<16xf32>,
      tpu.vector_store %arg15[%parallel_loop3A_824, %parallel_loop3A_825], %parallel_loop3A_823 {strides = array<i32>} : memref<512x128xf32, #tpu.memory_space<vmem>>, vector<16xf32>,
      %parallel_loop3A_827 = vector.extract_strided_slice %parallel_loop3A_398 {offsets = [10], sizes = [1], strides = [1]} : vector<16xf32> to vector<1xf32>
      %parallel_loop3A_828 = vector.extract %parallel_loop3A_827[0] : f32 from vector<1xf32>
      %parallel_loop3A_829 = vector.broadcast %parallel_loop3A_828 : f32 to vector<16xf32>
      %parallel_loop3A_830 = arith.mulf %parallel_loop3A_829, %add3A_168 : vector<16xf32>
      %parallel_loop3A_831 = arith.index_cast %parallel_loop3A_802 : i32 to index
      %parallel_loop3A_832 = arith.constant 32 : index
      %parallel_loop3A_833 = tpu.vector_load %arg15[%parallel_loop3A_831, %parallel_loop3A_832] {strides = array<i32>} : memref<512x128xf32, #tpu.memory_space<vmem>>, vector<16xf32>,
      tpu.vector_store %arg15[%parallel_loop3A_831, %parallel_loop3A_832], %parallel_loop3A_830 {strides = array<i32>} : memref<512x128xf32, #tpu.memory_space<vmem>>, vector<16xf32>,
      %parallel_loop3A_834 = vector.extract_strided_slice %parallel_loop3A_400 {offsets = [10], sizes = [1], strides = [1]} : vector<16xf32> to vector<1xf32>
      %parallel_loop3A_835 = vector.extract %parallel_loop3A_834[0] : f32 from vector<1xf32>
      %parallel_loop3A_836 = vector.broadcast %parallel_loop3A_835 : f32 to vector<16xf32>
      %parallel_loop3A_837 = arith.mulf %parallel_loop3A_836, %add3A_319 : vector<16xf32>
      %parallel_loop3A_838 = arith.index_cast %parallel_loop3A_802 : i32 to index
      %parallel_loop3A_839 = arith.constant 48 : index
      %parallel_loop3A_840 = tpu.vector_load %arg15[%parallel_loop3A_838, %parallel_loop3A_839] {strides = array<i32>} : memref<512x128xf32, #tpu.memory_space<vmem>>, vector<16xf32>,
      tpu.vector_store %arg15[%parallel_loop3A_838, %parallel_loop3A_839], %parallel_loop3A_837 {strides = array<i32>} : memref<512x128xf32, #tpu.memory_space<vmem>>, vector<16xf32>,
      %parallel_loop3A_841 = arith.constant 11 : i32
      %parallel_loop3A_842 = arith.addi %parallel_loop3A_375, %parallel_loop3A_841 : i32
      %parallel_loop3A_843 = vector.extract_strided_slice %parallel_loop3A_380 {offsets = [11], sizes = [1], strides = [1]} : vector<16xi32> to vector<1xi32>
      %parallel_loop3A_844 = vector.extract %parallel_loop3A_843[0] : i32 from vector<1xi32>
      %parallel_loop3A_845 = vector.extract_strided_slice %parallel_loop3A_388 {offsets = [11], sizes = [1], strides = [1]} : vector<16xi32> to vector<1xi32>
      %parallel_loop3A_846 = vector.extract %parallel_loop3A_845[0] : i32 from vector<1xi32>
      %parallel_loop3A_847 = vector.broadcast %parallel_loop3A_844 : i32 to vector<16xi32>
      %parallel_loop3A_848 = vector.broadcast %parallel_loop3A_846 : i32 to vector<16xi32>
      %parallel_loop3A_849 = arith.select %lt3A_321, %parallel_loop3A_847, %parallel_loop3A_848 : vector<16xi1>, vector<16xi32>
      %parallel_loop3A_850 = arith.addi %and3A_323, %parallel_loop3A_849 : vector<16xi32>
      %parallel_loop3A_851 = vector.extract_strided_slice %parallel_loop3A_388 {offsets = [11], sizes = [1], strides = [1]} : vector<16xi32> to vector<1xi32>
      %parallel_loop3A_852 = vector.extract %parallel_loop3A_851[0] : i32 from vector<1xi32>
      %parallel_loop3A_853 = vector.extract_strided_slice %parallel_loop3A_396 {offsets = [11], sizes = [1], strides = [1]} : vector<16xi32> to vector<1xi32>
      %parallel_loop3A_854 = vector.extract %parallel_loop3A_853[0] : i32 from vector<1xi32>
      %parallel_loop3A_855 = vector.broadcast %parallel_loop3A_852 : i32 to vector<16xi32>
      %parallel_loop3A_856 = vector.broadcast %parallel_loop3A_854 : i32 to vector<16xi32>
      %parallel_loop3A_857 = arith.select %lt3A_321, %parallel_loop3A_855, %parallel_loop3A_856 : vector<16xi1>, vector<16xi32>
      %parallel_loop3A_858 = arith.addi %xor3A_325, %parallel_loop3A_857 : vector<16xi32>
      %parallel_loop3A_859 = tpu.vector_load_idx %arg14[%parallel_loop3A_850] : memref<776xf32, #tpu.memory_space<vmem>>[vector<16xi32>], vector<16xf32>,
      %parallel_loop3A_860 = arith.index_cast %parallel_loop3A_842 : i32 to index
      %parallel_loop3A_861 = arith.constant 0 : index
      %parallel_loop3A_862 = tpu.vector_load %arg15[%parallel_loop3A_860, %parallel_loop3A_861] {strides = array<i32>} : memref<512x128xf32, #tpu.memory_space<vmem>>, vector<16xf32>,
      tpu.vector_store %arg15[%parallel_loop3A_860, %parallel_loop3A_861], %parallel_loop3A_859 {strides = array<i32>} : memref<512x128xf32, #tpu.memory_space<vmem>>, vector<16xf32>,
      %parallel_loop3A_863 = tpu.vector_load_idx %arg14[%parallel_loop3A_858] : memref<776xf32, #tpu.memory_space<vmem>>[vector<16xi32>], vector<16xf32>,
      %parallel_loop3A_864 = arith.index_cast %parallel_loop3A_842 : i32 to index
      %parallel_loop3A_865 = arith.constant 16 : index
      %parallel_loop3A_866 = tpu.vector_load %arg15[%parallel_loop3A_864, %parallel_loop3A_865] {strides = array<i32>} : memref<512x128xf32, #tpu.memory_space<vmem>>, vector<16xf32>,
      tpu.vector_store %arg15[%parallel_loop3A_864, %parallel_loop3A_865], %parallel_loop3A_863 {strides = array<i32>} : memref<512x128xf32, #tpu.memory_space<vmem>>, vector<16xf32>,
      %parallel_loop3A_867 = vector.extract_strided_slice %parallel_loop3A_398 {offsets = [11], sizes = [1], strides = [1]} : vector<16xf32> to vector<1xf32>
      %parallel_loop3A_868 = vector.extract %parallel_loop3A_867[0] : f32 from vector<1xf32>
      %parallel_loop3A_869 = vector.broadcast %parallel_loop3A_868 : f32 to vector<16xf32>
      %parallel_loop3A_870 = arith.mulf %parallel_loop3A_869, %add3A_168 : vector<16xf32>
      %parallel_loop3A_871 = arith.index_cast %parallel_loop3A_842 : i32 to index
      %parallel_loop3A_872 = arith.constant 32 : index
      %parallel_loop3A_873 = tpu.vector_load %arg15[%parallel_loop3A_871, %parallel_loop3A_872] {strides = array<i32>} : memref<512x128xf32, #tpu.memory_space<vmem>>, vector<16xf32>,
      tpu.vector_store %arg15[%parallel_loop3A_871, %parallel_loop3A_872], %parallel_loop3A_870 {strides = array<i32>} : memref<512x128xf32, #tpu.memory_space<vmem>>, vector<16xf32>,
      %parallel_loop3A_874 = vector.extract_strided_slice %parallel_loop3A_400 {offsets = [11], sizes = [1], strides = [1]} : vector<16xf32> to vector<1xf32>
      %parallel_loop3A_875 = vector.extract %parallel_loop3A_874[0] : f32 from vector<1xf32>
      %parallel_loop3A_876 = vector.broadcast %parallel_loop3A_875 : f32 to vector<16xf32>
      %parallel_loop3A_877 = arith.mulf %parallel_loop3A_876, %add3A_319 : vector<16xf32>
      %parallel_loop3A_878 = arith.index_cast %parallel_loop3A_842 : i32 to index
      %parallel_loop3A_879 = arith.constant 48 : index
      %parallel_loop3A_880 = tpu.vector_load %arg15[%parallel_loop3A_878, %parallel_loop3A_879] {strides = array<i32>} : memref<512x128xf32, #tpu.memory_space<vmem>>, vector<16xf32>,
      tpu.vector_store %arg15[%parallel_loop3A_878, %parallel_loop3A_879], %parallel_loop3A_877 {strides = array<i32>} : memref<512x128xf32, #tpu.memory_space<vmem>>, vector<16xf32>,
      %parallel_loop3A_881 = arith.constant 12 : i32
      %parallel_loop3A_882 = arith.addi %parallel_loop3A_375, %parallel_loop3A_881 : i32
      %parallel_loop3A_883 = vector.extract_strided_slice %parallel_loop3A_380 {offsets = [12], sizes = [1], strides = [1]} : vector<16xi32> to vector<1xi32>
      %parallel_loop3A_884 = vector.extract %parallel_loop3A_883[0] : i32 from vector<1xi32>
      %parallel_loop3A_885 = vector.extract_strided_slice %parallel_loop3A_388 {offsets = [12], sizes = [1], strides = [1]} : vector<16xi32> to vector<1xi32>
      %parallel_loop3A_886 = vector.extract %parallel_loop3A_885[0] : i32 from vector<1xi32>
      %parallel_loop3A_887 = vector.broadcast %parallel_loop3A_884 : i32 to vector<16xi32>
      %parallel_loop3A_888 = vector.broadcast %parallel_loop3A_886 : i32 to vector<16xi32>
      %parallel_loop3A_889 = arith.select %lt3A_321, %parallel_loop3A_887, %parallel_loop3A_888 : vector<16xi1>, vector<16xi32>
      %parallel_loop3A_890 = arith.addi %and3A_323, %parallel_loop3A_889 : vector<16xi32>
      %parallel_loop3A_891 = vector.extract_strided_slice %parallel_loop3A_388 {offsets = [12], sizes = [1], strides = [1]} : vector<16xi32> to vector<1xi32>
      %parallel_loop3A_892 = vector.extract %parallel_loop3A_891[0] : i32 from vector<1xi32>
      %parallel_loop3A_893 = vector.extract_strided_slice %parallel_loop3A_396 {offsets = [12], sizes = [1], strides = [1]} : vector<16xi32> to vector<1xi32>
      %parallel_loop3A_894 = vector.extract %parallel_loop3A_893[0] : i32 from vector<1xi32>
      %parallel_loop3A_895 = vector.broadcast %parallel_loop3A_892 : i32 to vector<16xi32>
      %parallel_loop3A_896 = vector.broadcast %parallel_loop3A_894 : i32 to vector<16xi32>
      %parallel_loop3A_897 = arith.select %lt3A_321, %parallel_loop3A_895, %parallel_loop3A_896 : vector<16xi1>, vector<16xi32>
      %parallel_loop3A_898 = arith.addi %xor3A_325, %parallel_loop3A_897 : vector<16xi32>
      %parallel_loop3A_899 = tpu.vector_load_idx %arg14[%parallel_loop3A_890] : memref<776xf32, #tpu.memory_space<vmem>>[vector<16xi32>], vector<16xf32>,
      %parallel_loop3A_900 = arith.index_cast %parallel_loop3A_882 : i32 to index
      %parallel_loop3A_901 = arith.constant 0 : index
      %parallel_loop3A_902 = tpu.vector_load %arg15[%parallel_loop3A_900, %parallel_loop3A_901] {strides = array<i32>} : memref<512x128xf32, #tpu.memory_space<vmem>>, vector<16xf32>,
      tpu.vector_store %arg15[%parallel_loop3A_900, %parallel_loop3A_901], %parallel_loop3A_899 {strides = array<i32>} : memref<512x128xf32, #tpu.memory_space<vmem>>, vector<16xf32>,
      %parallel_loop3A_903 = tpu.vector_load_idx %arg14[%parallel_loop3A_898] : memref<776xf32, #tpu.memory_space<vmem>>[vector<16xi32>], vector<16xf32>,
      %parallel_loop3A_904 = arith.index_cast %parallel_loop3A_882 : i32 to index
      %parallel_loop3A_905 = arith.constant 16 : index
      %parallel_loop3A_906 = tpu.vector_load %arg15[%parallel_loop3A_904, %parallel_loop3A_905] {strides = array<i32>} : memref<512x128xf32, #tpu.memory_space<vmem>>, vector<16xf32>,
      tpu.vector_store %arg15[%parallel_loop3A_904, %parallel_loop3A_905], %parallel_loop3A_903 {strides = array<i32>} : memref<512x128xf32, #tpu.memory_space<vmem>>, vector<16xf32>,
      %parallel_loop3A_907 = vector.extract_strided_slice %parallel_loop3A_398 {offsets = [12], sizes = [1], strides = [1]} : vector<16xf32> to vector<1xf32>
      %parallel_loop3A_908 = vector.extract %parallel_loop3A_907[0] : f32 from vector<1xf32>
      %parallel_loop3A_909 = vector.broadcast %parallel_loop3A_908 : f32 to vector<16xf32>
      %parallel_loop3A_910 = arith.mulf %parallel_loop3A_909, %add3A_168 : vector<16xf32>
      %parallel_loop3A_911 = arith.index_cast %parallel_loop3A_882 : i32 to index
      %parallel_loop3A_912 = arith.constant 32 : index
      %parallel_loop3A_913 = tpu.vector_load %arg15[%parallel_loop3A_911, %parallel_loop3A_912] {strides = array<i32>} : memref<512x128xf32, #tpu.memory_space<vmem>>, vector<16xf32>,
      tpu.vector_store %arg15[%parallel_loop3A_911, %parallel_loop3A_912], %parallel_loop3A_910 {strides = array<i32>} : memref<512x128xf32, #tpu.memory_space<vmem>>, vector<16xf32>,
      %parallel_loop3A_914 = vector.extract_strided_slice %parallel_loop3A_400 {offsets = [12], sizes = [1], strides = [1]} : vector<16xf32> to vector<1xf32>
      %parallel_loop3A_915 = vector.extract %parallel_loop3A_914[0] : f32 from vector<1xf32>
      %parallel_loop3A_916 = vector.broadcast %parallel_loop3A_915 : f32 to vector<16xf32>
      %parallel_loop3A_917 = arith.mulf %parallel_loop3A_916, %add3A_319 : vector<16xf32>
      %parallel_loop3A_918 = arith.index_cast %parallel_loop3A_882 : i32 to index
      %parallel_loop3A_919 = arith.constant 48 : index
      %parallel_loop3A_920 = tpu.vector_load %arg15[%parallel_loop3A_918, %parallel_loop3A_919] {strides = array<i32>} : memref<512x128xf32, #tpu.memory_space<vmem>>, vector<16xf32>,
      tpu.vector_store %arg15[%parallel_loop3A_918, %parallel_loop3A_919], %parallel_loop3A_917 {strides = array<i32>} : memref<512x128xf32, #tpu.memory_space<vmem>>, vector<16xf32>,
      %parallel_loop3A_921 = arith.constant 13 : i32
      %parallel_loop3A_922 = arith.addi %parallel_loop3A_375, %parallel_loop3A_921 : i32
      %parallel_loop3A_923 = vector.extract_strided_slice %parallel_loop3A_380 {offsets = [13], sizes = [1], strides = [1]} : vector<16xi32> to vector<1xi32>
      %parallel_loop3A_924 = vector.extract %parallel_loop3A_923[0] : i32 from vector<1xi32>
      %parallel_loop3A_925 = vector.extract_strided_slice %parallel_loop3A_388 {offsets = [13], sizes = [1], strides = [1]} : vector<16xi32> to vector<1xi32>
      %parallel_loop3A_926 = vector.extract %parallel_loop3A_925[0] : i32 from vector<1xi32>
      %parallel_loop3A_927 = vector.broadcast %parallel_loop3A_924 : i32 to vector<16xi32>
      %parallel_loop3A_928 = vector.broadcast %parallel_loop3A_926 : i32 to vector<16xi32>
      %parallel_loop3A_929 = arith.select %lt3A_321, %parallel_loop3A_927, %parallel_loop3A_928 : vector<16xi1>, vector<16xi32>
      %parallel_loop3A_930 = arith.addi %and3A_323, %parallel_loop3A_929 : vector<16xi32>
      %parallel_loop3A_931 = vector.extract_strided_slice %parallel_loop3A_388 {offsets = [13], sizes = [1], strides = [1]} : vector<16xi32> to vector<1xi32>
      %parallel_loop3A_932 = vector.extract %parallel_loop3A_931[0] : i32 from vector<1xi32>
      %parallel_loop3A_933 = vector.extract_strided_slice %parallel_loop3A_396 {offsets = [13], sizes = [1], strides = [1]} : vector<16xi32> to vector<1xi32>
      %parallel_loop3A_934 = vector.extract %parallel_loop3A_933[0] : i32 from vector<1xi32>
      %parallel_loop3A_935 = vector.broadcast %parallel_loop3A_932 : i32 to vector<16xi32>
      %parallel_loop3A_936 = vector.broadcast %parallel_loop3A_934 : i32 to vector<16xi32>
      %parallel_loop3A_937 = arith.select %lt3A_321, %parallel_loop3A_935, %parallel_loop3A_936 : vector<16xi1>, vector<16xi32>
      %parallel_loop3A_938 = arith.addi %xor3A_325, %parallel_loop3A_937 : vector<16xi32>
      %parallel_loop3A_939 = tpu.vector_load_idx %arg14[%parallel_loop3A_930] : memref<776xf32, #tpu.memory_space<vmem>>[vector<16xi32>], vector<16xf32>,
      %parallel_loop3A_940 = arith.index_cast %parallel_loop3A_922 : i32 to index
      %parallel_loop3A_941 = arith.constant 0 : index
      %parallel_loop3A_942 = tpu.vector_load %arg15[%parallel_loop3A_940, %parallel_loop3A_941] {strides = array<i32>} : memref<512x128xf32, #tpu.memory_space<vmem>>, vector<16xf32>,
      tpu.vector_store %arg15[%parallel_loop3A_940, %parallel_loop3A_941], %parallel_loop3A_939 {strides = array<i32>} : memref<512x128xf32, #tpu.memory_space<vmem>>, vector<16xf32>,
      %parallel_loop3A_943 = tpu.vector_load_idx %arg14[%parallel_loop3A_938] : memref<776xf32, #tpu.memory_space<vmem>>[vector<16xi32>], vector<16xf32>,
      %parallel_loop3A_944 = arith.index_cast %parallel_loop3A_922 : i32 to index
      %parallel_loop3A_945 = arith.constant 16 : index
      %parallel_loop3A_946 = tpu.vector_load %arg15[%parallel_loop3A_944, %parallel_loop3A_945] {strides = array<i32>} : memref<512x128xf32, #tpu.memory_space<vmem>>, vector<16xf32>,
      tpu.vector_store %arg15[%parallel_loop3A_944, %parallel_loop3A_945], %parallel_loop3A_943 {strides = array<i32>} : memref<512x128xf32, #tpu.memory_space<vmem>>, vector<16xf32>,
      %parallel_loop3A_947 = vector.extract_strided_slice %parallel_loop3A_398 {offsets = [13], sizes = [1], strides = [1]} : vector<16xf32> to vector<1xf32>
      %parallel_loop3A_948 = vector.extract %parallel_loop3A_947[0] : f32 from vector<1xf32>
      %parallel_loop3A_949 = vector.broadcast %parallel_loop3A_948 : f32 to vector<16xf32>
      %parallel_loop3A_950 = arith.mulf %parallel_loop3A_949, %add3A_168 : vector<16xf32>
      %parallel_loop3A_951 = arith.index_cast %parallel_loop3A_922 : i32 to index
      %parallel_loop3A_952 = arith.constant 32 : index
      %parallel_loop3A_953 = tpu.vector_load %arg15[%parallel_loop3A_951, %parallel_loop3A_952] {strides = array<i32>} : memref<512x128xf32, #tpu.memory_space<vmem>>, vector<16xf32>,
      tpu.vector_store %arg15[%parallel_loop3A_951, %parallel_loop3A_952], %parallel_loop3A_950 {strides = array<i32>} : memref<512x128xf32, #tpu.memory_space<vmem>>, vector<16xf32>,
      %parallel_loop3A_954 = vector.extract_strided_slice %parallel_loop3A_400 {offsets = [13], sizes = [1], strides = [1]} : vector<16xf32> to vector<1xf32>
      %parallel_loop3A_955 = vector.extract %parallel_loop3A_954[0] : f32 from vector<1xf32>
      %parallel_loop3A_956 = vector.broadcast %parallel_loop3A_955 : f32 to vector<16xf32>
      %parallel_loop3A_957 = arith.mulf %parallel_loop3A_956, %add3A_319 : vector<16xf32>
      %parallel_loop3A_958 = arith.index_cast %parallel_loop3A_922 : i32 to index
      %parallel_loop3A_959 = arith.constant 48 : index
      %parallel_loop3A_960 = tpu.vector_load %arg15[%parallel_loop3A_958, %parallel_loop3A_959] {strides = array<i32>} : memref<512x128xf32, #tpu.memory_space<vmem>>, vector<16xf32>,
      tpu.vector_store %arg15[%parallel_loop3A_958, %parallel_loop3A_959], %parallel_loop3A_957 {strides = array<i32>} : memref<512x128xf32, #tpu.memory_space<vmem>>, vector<16xf32>,
      %parallel_loop3A_961 = arith.constant 14 : i32
      %parallel_loop3A_962 = arith.addi %parallel_loop3A_375, %parallel_loop3A_961 : i32
      %parallel_loop3A_963 = vector.extract_strided_slice %parallel_loop3A_380 {offsets = [14], sizes = [1], strides = [1]} : vector<16xi32> to vector<1xi32>
      %parallel_loop3A_964 = vector.extract %parallel_loop3A_963[0] : i32 from vector<1xi32>
      %parallel_loop3A_965 = vector.extract_strided_slice %parallel_loop3A_388 {offsets = [14], sizes = [1], strides = [1]} : vector<16xi32> to vector<1xi32>
      %parallel_loop3A_966 = vector.extract %parallel_loop3A_965[0] : i32 from vector<1xi32>
      %parallel_loop3A_967 = vector.broadcast %parallel_loop3A_964 : i32 to vector<16xi32>
      %parallel_loop3A_968 = vector.broadcast %parallel_loop3A_966 : i32 to vector<16xi32>
      %parallel_loop3A_969 = arith.select %lt3A_321, %parallel_loop3A_967, %parallel_loop3A_968 : vector<16xi1>, vector<16xi32>
      %parallel_loop3A_970 = arith.addi %and3A_323, %parallel_loop3A_969 : vector<16xi32>
      %parallel_loop3A_971 = vector.extract_strided_slice %parallel_loop3A_388 {offsets = [14], sizes = [1], strides = [1]} : vector<16xi32> to vector<1xi32>
      %parallel_loop3A_972 = vector.extract %parallel_loop3A_971[0] : i32 from vector<1xi32>
      %parallel_loop3A_973 = vector.extract_strided_slice %parallel_loop3A_396 {offsets = [14], sizes = [1], strides = [1]} : vector<16xi32> to vector<1xi32>
      %parallel_loop3A_974 = vector.extract %parallel_loop3A_973[0] : i32 from vector<1xi32>
      %parallel_loop3A_975 = vector.broadcast %parallel_loop3A_972 : i32 to vector<16xi32>
      %parallel_loop3A_976 = vector.broadcast %parallel_loop3A_974 : i32 to vector<16xi32>
      %parallel_loop3A_977 = arith.select %lt3A_321, %parallel_loop3A_975, %parallel_loop3A_976 : vector<16xi1>, vector<16xi32>
      %parallel_loop3A_978 = arith.addi %xor3A_325, %parallel_loop3A_977 : vector<16xi32>
      %parallel_loop3A_979 = tpu.vector_load_idx %arg14[%parallel_loop3A_970] : memref<776xf32, #tpu.memory_space<vmem>>[vector<16xi32>], vector<16xf32>,
      %parallel_loop3A_980 = arith.index_cast %parallel_loop3A_962 : i32 to index
      %parallel_loop3A_981 = arith.constant 0 : index
      %parallel_loop3A_982 = tpu.vector_load %arg15[%parallel_loop3A_980, %parallel_loop3A_981] {strides = array<i32>} : memref<512x128xf32, #tpu.memory_space<vmem>>, vector<16xf32>,
      tpu.vector_store %arg15[%parallel_loop3A_980, %parallel_loop3A_981], %parallel_loop3A_979 {strides = array<i32>} : memref<512x128xf32, #tpu.memory_space<vmem>>, vector<16xf32>,
      %parallel_loop3A_983 = tpu.vector_load_idx %arg14[%parallel_loop3A_978] : memref<776xf32, #tpu.memory_space<vmem>>[vector<16xi32>], vector<16xf32>,
      %parallel_loop3A_984 = arith.index_cast %parallel_loop3A_962 : i32 to index
      %parallel_loop3A_985 = arith.constant 16 : index
      %parallel_loop3A_986 = tpu.vector_load %arg15[%parallel_loop3A_984, %parallel_loop3A_985] {strides = array<i32>} : memref<512x128xf32, #tpu.memory_space<vmem>>, vector<16xf32>,
      tpu.vector_store %arg15[%parallel_loop3A_984, %parallel_loop3A_985], %parallel_loop3A_983 {strides = array<i32>} : memref<512x128xf32, #tpu.memory_space<vmem>>, vector<16xf32>,
      %parallel_loop3A_987 = vector.extract_strided_slice %parallel_loop3A_398 {offsets = [14], sizes = [1], strides = [1]} : vector<16xf32> to vector<1xf32>
      %parallel_loop3A_988 = vector.extract %parallel_loop3A_987[0] : f32 from vector<1xf32>
      %parallel_loop3A_989 = vector.broadcast %parallel_loop3A_988 : f32 to vector<16xf32>
      %parallel_loop3A_990 = arith.mulf %parallel_loop3A_989, %add3A_168 : vector<16xf32>
      %parallel_loop3A_991 = arith.index_cast %parallel_loop3A_962 : i32 to index
      %parallel_loop3A_992 = arith.constant 32 : index
      %parallel_loop3A_993 = tpu.vector_load %arg15[%parallel_loop3A_991, %parallel_loop3A_992] {strides = array<i32>} : memref<512x128xf32, #tpu.memory_space<vmem>>, vector<16xf32>,
      tpu.vector_store %arg15[%parallel_loop3A_991, %parallel_loop3A_992], %parallel_loop3A_990 {strides = array<i32>} : memref<512x128xf32, #tpu.memory_space<vmem>>, vector<16xf32>,
      %parallel_loop3A_994 = vector.extract_strided_slice %parallel_loop3A_400 {offsets = [14], sizes = [1], strides = [1]} : vector<16xf32> to vector<1xf32>
      %parallel_loop3A_995 = vector.extract %parallel_loop3A_994[0] : f32 from vector<1xf32>
      %parallel_loop3A_996 = vector.broadcast %parallel_loop3A_995 : f32 to vector<16xf32>
      %parallel_loop3A_997 = arith.mulf %parallel_loop3A_996, %add3A_319 : vector<16xf32>
      %parallel_loop3A_998 = arith.index_cast %parallel_loop3A_962 : i32 to index
      %parallel_loop3A_999 = arith.constant 48 : index
      %parallel_loop3A_1000 = tpu.vector_load %arg15[%parallel_loop3A_998, %parallel_loop3A_999] {strides = array<i32>} : memref<512x128xf32, #tpu.memory_space<vmem>>, vector<16xf32>,
      tpu.vector_store %arg15[%parallel_loop3A_998, %parallel_loop3A_999], %parallel_loop3A_997 {strides = array<i32>} : memref<512x128xf32, #tpu.memory_space<vmem>>, vector<16xf32>,
      %parallel_loop3A_1001 = arith.constant 15 : i32
      %parallel_loop3A_1002 = arith.addi %parallel_loop3A_375, %parallel_loop3A_1001 : i32
      %parallel_loop3A_1003 = vector.extract_strided_slice %parallel_loop3A_380 {offsets = [15], sizes = [1], strides = [1]} : vector<16xi32> to vector<1xi32>
      %parallel_loop3A_1004 = vector.extract %parallel_loop3A_1003[0] : i32 from vector<1xi32>
      %parallel_loop3A_1005 = vector.extract_strided_slice %parallel_loop3A_388 {offsets = [15], sizes = [1], strides = [1]} : vector<16xi32> to vector<1xi32>
      %parallel_loop3A_1006 = vector.extract %parallel_loop3A_1005[0] : i32 from vector<1xi32>
      %parallel_loop3A_1007 = vector.broadcast %parallel_loop3A_1004 : i32 to vector<16xi32>
      %parallel_loop3A_1008 = vector.broadcast %parallel_loop3A_1006 : i32 to vector<16xi32>
      %parallel_loop3A_1009 = arith.select %lt3A_321, %parallel_loop3A_1007, %parallel_loop3A_1008 : vector<16xi1>, vector<16xi32>
      %parallel_loop3A_1010 = arith.addi %and3A_323, %parallel_loop3A_1009 : vector<16xi32>
      %parallel_loop3A_1011 = vector.extract_strided_slice %parallel_loop3A_388 {offsets = [15], sizes = [1], strides = [1]} : vector<16xi32> to vector<1xi32>
      %parallel_loop3A_1012 = vector.extract %parallel_loop3A_1011[0] : i32 from vector<1xi32>
      %parallel_loop3A_1013 = vector.extract_strided_slice %parallel_loop3A_396 {offsets = [15], sizes = [1], strides = [1]} : vector<16xi32> to vector<1xi32>
      %parallel_loop3A_1014 = vector.extract %parallel_loop3A_1013[0] : i32 from vector<1xi32>
      %parallel_loop3A_1015 = vector.broadcast %parallel_loop3A_1012 : i32 to vector<16xi32>
      %parallel_loop3A_1016 = vector.broadcast %parallel_loop3A_1014 : i32 to vector<16xi32>
      %parallel_loop3A_1017 = arith.select %lt3A_321, %parallel_loop3A_1015, %parallel_loop3A_1016 : vector<16xi1>, vector<16xi32>
      %parallel_loop3A_1018 = arith.addi %xor3A_325, %parallel_loop3A_1017 : vector<16xi32>
      %parallel_loop3A_1019 = tpu.vector_load_idx %arg14[%parallel_loop3A_1010] : memref<776xf32, #tpu.memory_space<vmem>>[vector<16xi32>], vector<16xf32>,
      %parallel_loop3A_1020 = arith.index_cast %parallel_loop3A_1002 : i32 to index
      %parallel_loop3A_1021 = arith.constant 0 : index
      %parallel_loop3A_1022 = tpu.vector_load %arg15[%parallel_loop3A_1020, %parallel_loop3A_1021] {strides = array<i32>} : memref<512x128xf32, #tpu.memory_space<vmem>>, vector<16xf32>,
      tpu.vector_store %arg15[%parallel_loop3A_1020, %parallel_loop3A_1021], %parallel_loop3A_1019 {strides = array<i32>} : memref<512x128xf32, #tpu.memory_space<vmem>>, vector<16xf32>,
      %parallel_loop3A_1023 = tpu.vector_load_idx %arg14[%parallel_loop3A_1018] : memref<776xf32, #tpu.memory_space<vmem>>[vector<16xi32>], vector<16xf32>,
      %parallel_loop3A_1024 = arith.index_cast %parallel_loop3A_1002 : i32 to index
      %parallel_loop3A_1025 = arith.constant 16 : index
      %parallel_loop3A_1026 = tpu.vector_load %arg15[%parallel_loop3A_1024, %parallel_loop3A_1025] {strides = array<i32>} : memref<512x128xf32, #tpu.memory_space<vmem>>, vector<16xf32>,
      tpu.vector_store %arg15[%parallel_loop3A_1024, %parallel_loop3A_1025], %parallel_loop3A_1023 {strides = array<i32>} : memref<512x128xf32, #tpu.memory_space<vmem>>, vector<16xf32>,
      %parallel_loop3A_1027 = vector.extract_strided_slice %parallel_loop3A_398 {offsets = [15], sizes = [1], strides = [1]} : vector<16xf32> to vector<1xf32>
      %parallel_loop3A_1028 = vector.extract %parallel_loop3A_1027[0] : f32 from vector<1xf32>
      %parallel_loop3A_1029 = vector.broadcast %parallel_loop3A_1028 : f32 to vector<16xf32>
      %parallel_loop3A_1030 = arith.mulf %parallel_loop3A_1029, %add3A_168 : vector<16xf32>
      %parallel_loop3A_1031 = arith.index_cast %parallel_loop3A_1002 : i32 to index
      %parallel_loop3A_1032 = arith.constant 32 : index
      %parallel_loop3A_1033 = tpu.vector_load %arg15[%parallel_loop3A_1031, %parallel_loop3A_1032] {strides = array<i32>} : memref<512x128xf32, #tpu.memory_space<vmem>>, vector<16xf32>,
      tpu.vector_store %arg15[%parallel_loop3A_1031, %parallel_loop3A_1032], %parallel_loop3A_1030 {strides = array<i32>} : memref<512x128xf32, #tpu.memory_space<vmem>>, vector<16xf32>,
      %parallel_loop3A_1034 = vector.extract_strided_slice %parallel_loop3A_400 {offsets = [15], sizes = [1], strides = [1]} : vector<16xf32> to vector<1xf32>
      %parallel_loop3A_1035 = vector.extract %parallel_loop3A_1034[0] : f32 from vector<1xf32>
      %parallel_loop3A_1036 = vector.broadcast %parallel_loop3A_1035 : f32 to vector<16xf32>
      %parallel_loop3A_1037 = arith.mulf %parallel_loop3A_1036, %add3A_319 : vector<16xf32>
      %parallel_loop3A_1038 = arith.index_cast %parallel_loop3A_1002 : i32 to index
      %parallel_loop3A_1039 = arith.constant 48 : index
      %parallel_loop3A_1040 = tpu.vector_load %arg15[%parallel_loop3A_1038, %parallel_loop3A_1039] {strides = array<i32>} : memref<512x128xf32, #tpu.memory_space<vmem>>, vector<16xf32>,
      tpu.vector_store %arg15[%parallel_loop3A_1038, %parallel_loop3A_1039], %parallel_loop3A_1037 {strides = array<i32>} : memref<512x128xf32, #tpu.memory_space<vmem>>, vector<16xf32>,
    } {sc.loop_unroll_factor = 4 : i64, sc.parallel_access}
    %add3A_341 = arith.constant 256 : i32
    %add3A_342 = arith.addi %mul3A_2, %add3A_341 : i32
    %dma_start3A_343 = arith.constant 256 : i32
    %dma_start3A_344 = arith.constant 0 : i32
    %dma_start3A_345 = tpu.memref_slice %arg15[%dma_start3A_343, %dma_start3A_344] : memref<512x128xf32, #tpu.memory_space<vmem>> -> memref<256x128xf32, #tpu.memory_space<vmem>>
    %dma_start3A_346 = arith.constant 0 : i32
    %dma_start3A_347 = tpu.memref_slice %arg8[%add3A_342, %dma_start3A_346] : memref<16384x128xf32, #tpu.memory_space<hbm>> -> memref<256x128xf32, #tpu.memory_space<hbm>>
    %dma_start3A_348 = arith.constant 0 : i32
    %dma_start3A_349 = tpu.memref_slice %arg8[%add3A_342, %dma_start3A_348] : memref<16384x128xf32, #tpu.memory_space<hbm>> -> memref<256x128xf32, #tpu.memory_space<hbm>>
    %dma_start3A_350 = arith.constant 256 : i32
    %dma_start3A_351 = arith.constant 0 : i32
    %dma_start3A_352 = tpu.memref_slice %arg15[%dma_start3A_350, %dma_start3A_351] : memref<512x128xf32, #tpu.memory_space<vmem>> -> memref<256x128xf32, #tpu.memory_space<vmem>>
    tpu.enqueue_dma source(%dma_start3A_352 : memref<256x128xf32, #tpu.memory_space<vmem>>) target(%dma_start3A_349 : memref<256x128xf32, #tpu.memory_space<hbm>>) target_semaphore(%arg16 : memref<!tpu.dma_semaphore, #tpu.memory_space<semaphore_mem>>)
    %dma_wait3A_353 = arith.constant 0 : i32
    %dma_wait3A_354 = arith.constant 0 : i32
    %dma_wait3A_355 = tpu.memref_slice %arg15[%dma_wait3A_353, %dma_wait3A_354] : memref<512x128xf32, #tpu.memory_space<vmem>> -> memref<256x128xf32, #tpu.memory_space<vmem>>
    %dma_wait3A_356 = arith.constant 0 : i32
    %dma_wait3A_357 = tpu.memref_slice %arg8[%mul3A_2, %dma_wait3A_356] : memref<16384x128xf32, #tpu.memory_space<hbm>> -> memref<256x128xf32, #tpu.memory_space<hbm>>
    %dma_wait3A_358 = arith.constant 0 : i32
    %dma_wait3A_359 = tpu.memref_slice %arg8[%mul3A_2, %dma_wait3A_358] : memref<16384x128xf32, #tpu.memory_space<hbm>> -> memref<256x128xf32, #tpu.memory_space<hbm>>
    %dma_wait3A_360 = arith.constant 0 : i32
    %dma_wait3A_361 = arith.constant 0 : i32
    %dma_wait3A_362 = tpu.memref_slice %arg15[%dma_wait3A_360, %dma_wait3A_361] : memref<512x128xf32, #tpu.memory_space<vmem>> -> memref<256x128xf32, #tpu.memory_space<vmem>>
    tpu.wait_dma2 semaphore(%arg16 : memref<!tpu.dma_semaphore, #tpu.memory_space<semaphore_mem>>) src(%dma_wait3A_362 : memref<256x128xf32, #tpu.memory_space<vmem>>) dst(%dma_wait3A_359 : memref<256x128xf32, #tpu.memory_space<hbm>>)
    %dma_wait3A_363 = arith.constant 256 : i32
    %dma_wait3A_364 = arith.constant 0 : i32
    %dma_wait3A_365 = tpu.memref_slice %arg15[%dma_wait3A_363, %dma_wait3A_364] : memref<512x128xf32, #tpu.memory_space<vmem>> -> memref<256x128xf32, #tpu.memory_space<vmem>>
    %dma_wait3A_366 = arith.constant 0 : i32
    %dma_wait3A_367 = tpu.memref_slice %arg8[%add3A_342, %dma_wait3A_366] : memref<16384x128xf32, #tpu.memory_space<hbm>> -> memref<256x128xf32, #tpu.memory_space<hbm>>
    %dma_wait3A_368 = arith.constant 0 : i32
    %dma_wait3A_369 = tpu.memref_slice %arg8[%add3A_342, %dma_wait3A_368] : memref<16384x128xf32, #tpu.memory_space<hbm>> -> memref<256x128xf32, #tpu.memory_space<hbm>>
    %dma_wait3A_370 = arith.constant 256 : i32
    %dma_wait3A_371 = arith.constant 0 : i32
    %dma_wait3A_372 = tpu.memref_slice %arg15[%dma_wait3A_370, %dma_wait3A_371] : memref<512x128xf32, #tpu.memory_space<vmem>> -> memref<256x128xf32, #tpu.memory_space<vmem>>
    tpu.wait_dma2 semaphore(%arg16 : memref<!tpu.dma_semaphore, #tpu.memory_space<semaphore_mem>>) src(%dma_wait3A_372 : memref<256x128xf32, #tpu.memory_space<vmem>>) dst(%dma_wait3A_369 : memref<256x128xf32, #tpu.memory_space<hbm>>)
    return
  }
}

</mosaic_0001>

<sc_bundles>
// kernel: _encode.3.cloned.1.call-start
scs
__scs_entry_jumppad:
0x0: {  	(pc) =	sbr.rel $0x88, $3  }
0x1: {  	(tag) =	ssettag $0x0;
	lr =	simm.s32 $0x1  }
0x2: {  	[smem:$0x3F9B] =	sst lr;
	_ =	strace $0xD0000000  }
0x3: {  	_ = 	snop  }
0x4: {  	_ = 	snop  }
0x5: {  	_ = 	snop  }
0x6: {  	_ = 	snop  }
0x7: {  	_ = 	snop  }
__scs_overlays_trampoline_lowered:
0x8: {  	[smem:$0x3FAA] =	sst s0  }
0x9: {  	[smem:$0x3FAB] =	sst s1  }
0xa: {  	[smem:$0x3FAC] =	sst s2  }
0xb: {  	[smem:$0x3FAD] =	sst s3  }
0xc: {  	[smem:$0x3FAE] =	sst s4  }
0xd: {  	[smem:$0x3FAF] =	sst s5  }
0xe: {  	[smem:$0x3FB0] =	sst s6  }
0xf: {  	[smem:$0x3FB1] =	sst s7  }
0x10: {  	[smem:$0x3FB2] =	sst s8  }
0x11: {  	[smem:$0x3FB3] =	sst s9;
	s0 =	simm.s32 @!p0 $0x0  }
0x12: {  	s1 =	sld [smem:$0x3F99];
	s0 =	simm.s32 @p0 $0x1  }
0x13: {  	[smem:$0x3FB4] =	sst s0;
	s0 =	simm.s32 @!p1 $0x0  }
0x14: {  	s2 =	sld [smem:$0x3F98];
	s0 =	simm.s32 @p1 $0x1  }
0x15: {  	[smem:$0x3FB5] =	sst s0;
	s0 =	simm.s32 @!p2 $0x0  }
0x16: {  	s3 =	sld [smem:$0x3FDB];
	s0 =	simm.s32 @p2 $0x1  }
0x17: {  	s4 =	simm.s32 $0x1BF5;
	[smem:$0x3FB7] =	sst s0  }
0x18: {  	s0 =	sld [smem:$0x3F9A];
	_ =	swait.ge [sflag:s4], $0x0  }
0x19: {  	s7 =	sld [smem:$0x3F9B]  }
0x1a: {  	s8 =	sadd.s32 $0xFFFFE003, lr  }
0x1b: {  	s9 =	sadd.s32 $0xFFFFFEF7, lr;
	s5 =	simm.s32 $0xFFFFFFFF;
	p2 =	slt.u32 s8, $0xFFFFF086  }
0x1c: {  	p1 =	slt.u32 s9, $0xF7A;
	s5 =	simm.s32 @!p2 $0x0  }
0x1d: {  	s5 =	simm.s32 @p1 $0x1;
	p0 =	seq.s32 s7, s2  }
0x1e: {  	s7 =	smul.u32 @!p0 $0xF7A, s2;
	p2 =	seq.s32 @!p0 s5, $0x0  }
0x1f: {  	s9 =	smul.u32 $0xF7A, s1;
	s8 =	simm.s32 @!p0 $0x1BF5;
	p2 =	por !p2, p0  }
0x20: {  	[sflag:s8] =	ssyncset.s32 @!p0 $0xFFFFF086;
	s6 =	sadd.s32 @!p0 s3, s7;
	s7 =	simm.s32 @!p0 $0x108  }
0x21: {  	s3 =	sadd.s32 s3, s9;
	s6 =	sadd.s32 @!p0 $0x88, s6;
	s7 =	simm.s32 @p2 $0x1082  }
0x22: {  	[simem:s7], [sflag:s8] =	dma.local @!p0 [hbm:s6], $0xF7A  }
0x23: {  	s9 =	sor.u32 $0xD0000000, s2;
	s6 =	simm.s32 $0x108;
	_ =	swait.ge @!p0 [sflag:s8], $0x0  }
0x24: {  	s3 =	sadd.s32 $0x88, s3;
	s6 =	simm.s32 @!p1 $0x1082;
	[sflag:s4] =	ssyncset.s32 $0xFFFFF086  }
0x25: {  	[simem:s6], [sflag:s4] =	dma.local [hbm:s3], $0xF7A  }
0x26: {  	[smem:$0x3F9B] =	sst s1;
	(tag) =	ssettag s2;
	_ =	strace s9  }
0x27: {  	s1 =	sld [smem:$0x3FAB]  }
0x28: {  	s2 =	sld [smem:$0x3FAC]  }
0x29: {  	s4 =	sld [smem:$0x3FAE]  }
0x2a: {  	p0 =	seq.s32 s5, $0x0;
	s5 =	sld [smem:$0x3FAF]  }
0x2b: {  	s6 =	sld [smem:$0x3FB0]  }
0x2c: {  	s7 =	sld [smem:$0x3FB1]  }
0x2d: {  	s3 =	simm.s32 $0x108;
	s8 =	sld [smem:$0x3FB2]  }
0x2e: {  	s3 =	simm.s32 @!p0 $0x1082;
	s9 =	sld [smem:$0x3FB3]  }
0x2f: {  	lr =	sadd.s32 s0, s3;
	s0 =	sld [smem:$0x3FAA]  }
0x30: {  	s3 =	sld [smem:$0x3FAD]  }
0x31: {  	[smem:$0x3FB6] =	sst s10  }
0x32: {  	s10 =	sld [smem:$0x3FB4];
	_ =	sdelay $0x3  }
0x33: {  	p0 =	seq.s32 s10, $0x1;
	s10 =	sld [smem:$0x3FB6];
	_ =	sdelay $0x3  }
0x34: {  	[smem:$0x3FB6] =	sst s10  }
0x35: {  	s10 =	sld [smem:$0x3FB5];
	_ =	sdelay $0x3  }
0x36: {  	p1 =	seq.s32 s10, $0x1;
	s10 =	sld [smem:$0x3FB6];
	_ =	sdelay $0x3  }
0x37: {  	[smem:$0x3FB6] =	sst s10  }
0x38: {  	s10 =	sld [smem:$0x3FB7]  }
0x39: {  	_ = 	snop;
	(pc) =	sbr.ind lr, $3  }
0x3a: {  	_ = 	snop  }
0x3b: {  	_ = 	snop  }
0x3c: {  	p2 =	seq.s32 s10, $0x1;
	s10 =	sld [smem:$0x3FB6]  }
0x3d: {  	_ =	shalt  }
0x3e: {  	_ =	shalt  }
0x3f: {  	_ =	shalt  }
0x40: {  	_ =	shalt  }
0x41: {  	_ =	shalt  }
0x42: {  	_ =	shalt  }
0x43: {  	_ =	shalt  }
0x44: {  	_ =	shalt  }
0x45: {  	_ =	shalt  }
0x46: {  	_ =	shalt  }
0x47: {  	_ =	shalt  }
0x48: {  	_ =	shalt  }
0x49: {  	_ =	shalt  }
0x4a: {  	_ =	shalt  }
0x4b: {  	_ =	shalt  }
0x4c: {  	_ =	shalt  }
0x4d: {  	_ =	shalt  }
0x4e: {  	_ =	shalt  }
0x4f: {  	_ =	shalt  }
0x50: {  	_ =	shalt  }
0x51: {  	_ =	shalt  }
0x52: {  	_ =	shalt  }
0x53: {  	_ =	shalt  }
0x54: {  	_ =	shalt  }
0x55: {  	_ =	shalt  }
0x56: {  	_ =	shalt  }
0x57: {  	_ =	shalt  }
0x58: {  	_ =	shalt  }
0x59: {  	_ =	shalt  }
0x5a: {  	_ =	shalt  }
0x5b: {  	_ =	shalt  }
0x5c: {  	_ =	shalt  }
0x5d: {  	_ =	shalt  }
0x5e: {  	_ =	shalt  }
0x5f: {  	_ =	shalt  }
0x60: {  	_ =	shalt  }
0x61: {  	_ =	shalt  }
0x62: {  	_ =	shalt  }
0x63: {  	_ =	shalt  }
0x64: {  	_ =	shalt  }
0x65: {  	_ =	shalt  }
0x66: {  	_ =	shalt  }
0x67: {  	_ =	shalt  }
0x68: {  	_ =	shalt  }
0x69: {  	_ =	shalt  }
0x6a: {  	_ =	shalt  }
0x6b: {  	_ =	shalt  }
0x6c: {  	_ =	shalt  }
0x6d: {  	_ =	shalt  }
0x6e: {  	_ =	shalt  }
0x6f: {  	_ =	shalt  }
0x70: {  	_ =	shalt  }
0x71: {  	_ =	shalt  }
0x72: {  	_ =	shalt  }
0x73: {  	_ =	shalt  }
0x74: {  	_ =	shalt  }
0x75: {  	_ =	shalt  }
0x76: {  	_ =	shalt  }
0x77: {  	_ =	shalt  }
0x78: {  	_ =	shalt  }
0x79: {  	_ =	shalt  }
0x7a: {  	_ =	shalt  }
0x7b: {  	_ =	shalt  }
0x7c: {  	_ =	shalt  }
0x7d: {  	_ =	shalt  }
0x7e: {  	_ =	shalt  }
0x7f: {  	_ =	shalt  }
0x80: {  	_ =	shalt  }
0x81: {  	_ =	shalt  }
0x82: {  	_ =	shalt  }
0x83: {  	_ =	shalt  }
0x84: {  	_ =	shalt  }
0x85: {  	_ =	shalt  }
0x86: {  	_ =	shalt  }
0x87: {  	_ =	shalt  }
.Lfunc_end0:
.L_simem_size_0:
called_computation_lowered:
.L_overlay_start_0:
0x88: {  	s2 =	sld [smem:$0x3FD9]  }
0x89: {  	s3 =	sld [smem:$0x3FFE];
	_ =	sdelay $0x1  }
0x8a: {  	s1 =	srdreg.scid  }
0x8b: {  	s0 =	sand.u32 $0x1, s1  }
0x8c: {  	s18 =	sshll.u32 s0, $0xA;
	s2 =	sadd.s32 s3, s2  }
0x8d: {  	s2 =	sadd.s32 s2, s18  }
0x8e: {  	[smem:$0x3FC2] =	sst s2  }
0x8f: {  	_ = 	snop  }
0x90: {  	s2 =	sld [smem:$0x3FC9]  }
0x91: {  	s19 =	sld [smem:$0x3FC8]  }
0x92: {  	s4 =	sld [smem:$0x3FC7]  }
0x93: {  	s5 =	sld [smem:$0x3FC6]  }
0x94: {  	s6 =	sld [smem:$0x3FC5]  }
0x95: {  	s7 =	sld [smem:$0x3FC4]  }
0x96: {  	s8 =	sld [smem:$0x3FD0];
	(tm) =	ssettm $0x1  }
0x97: {  	s9 =	sld [smem:$0x3FFB];
	_ =	sdelay $0x3  }
0x98: {  	_ =	strace s9  }
0x99: {  	s9 =	sld [smem:$0x3FFC];
	_ =	sdelay $0x3  }
0x9a: {  	_ =	strace s9  }
0x9b: {  	s9 =	sld [smem:$0x3FFD];
	_ =	sdelay $0x3  }
0x9c: {  	_ =	strace s9  }
0x9d: {  	_ =	strace $0x8FFFFFFF  }
0x9e: {  	s20 =	sld [smem:$0x3FDB];
	_ =	sdelay $0x1  }
0x9f: {  	s10 =	simm.s32 $_scs_section_size  }
0xa0: {  	s11 =	simm.s32 $_size__tile_overlayer_lowered;
	s12 =	simm.s32 $_tile_overlayer_lowered  }
0xa1: {  	s23 =	simm.s32 $0x1BFF;
	s22 =	sshll.u32 s12, $0x1;
	s9 =	sadd.s32 s10, s20  }
0xa2: {  	s13 =	simm.s32 $0x0;
	s21 =	sshll.u32 s11, $0x1;
	s11 =	sadd.s32 s22, s9  }
0xa3: {  	[timem:s13], [sflag:s23] =	dma.local [hbm:s11], s21  }
0xa4: {  	_ =	swait.ge [sflag:s23], s21  }
0xa5: {  	s10 =	ssub.s32 $0x0, s21;
	[sflag:s23] =	ssyncset.done $0x0  }
0xa6: {  	[sflag:s23] =	ssyncadd.s32 s10;
	_ =	sdelay $0x1  }
0xa7: {  	s24 =	simm.s32 $0x1B8B  }
0xa8: {  	_ =	swait.ge [sflag:s24], $0x1  }
0xa9: {  	[sflag:s24] =	ssyncset.done $0x0  }
0xaa: {  	s25 =	simm.s32 $0x1B8E;
	[sflag:s24] =	ssyncadd.s32 $0xFFFFFFFF  }
0xab: {  	s26 =	simm.s32 $execute0_lowered;
	[smem:$0x3FD2] =	sst s25  }
0xac: {  	s10 =	sshll.u32 s26, $0x1;
	_ =	strace $0x80000046;
	[dreg:$0x1] =	wrdreg $0xFFFFFFFF  }
0xad: {  	s28 =	simm.s32 $_size_execute0_lowered;
	s9 =	sadd.s32 s9, s10;
	[dreg:$0x0] =	wrdreg $0x0  }
0xae: {  	s10 =	sshll.u32 s28, $0x1;
	[dreg:$0x2] =	wrdreg s9  }
0xaf: {  	[dreg:$0x3] =	wrdreg s10  }
0xb0: {  	[dreg:$0x4] =	wrdreg $0xC0  }
0xb1: {  	_ =	task [dreg:s13], $0x5FFFF  }
0xb2: {  	[dreg:$0x1] =	wrdreg $0xFFFFFFFF  }
0xb3: {  	[dreg:$0x0] =	wrdreg $0x60  }
0xb4: {  	[dreg:$0x2] =	wrdreg s2  }
0xb5: {  	[dreg:$0x3] =	wrdreg s19  }
0xb6: {  	[dreg:$0x4] =	wrdreg s4  }
0xb7: {  	[dreg:$0x5] =	wrdreg s5  }
0xb8: {  	[dreg:$0x6] =	wrdreg s6  }
0xb9: {  	[dreg:$0x7] =	wrdreg s7  }
0xba: {  	[dreg:$0x8] =	wrdreg s8  }
0xbb: {  	[dreg:$0x9] =	wrdreg $0x9  }
0xbc: {  	_ =	task.clear_ibuf [dreg:s13], $0xAFFFF;
	_ =	strace $0x90000046  }
0xbd: {  	s29 =	simm.s32 $0x9;
	_ =	strace $0x80000048  }
0xbe: {  	_ =	swait.ge [sflag:s29], $0x1  }
0xbf: {  	[sflag:s29] =	ssyncadd.s32 $0xFFFFFFFF  }
0xc0: {  	_ =	strace $0x90000048  }
0xc1: {  	_ =	sfence  }
0xc2: {  	s30 =	sld [smem:$0x0];
	_ =	sdelay $0x2  }
0xc3: {  	s31 =	sshll.u32 s1, $0xD;
	s1 =	sshrl.u32 s1, $0x2  }
0xc4: {  	s3 =	sand.u32 $0x4000, s31;
	s1 =	sadd.s32 s1, s30  }
0xc5: {  	s0 =	sor.u32 s3, s0;
	s1 =	sshll.u32 s1, $0x11  }
0xc6: {  	s0 =	sor.u32 s1, s0  }
0xc7: {  	s0 =	sadd.s32 $0x8F2B, s0  }
0xc8: {  	[sflag:s0] =	ssyncadd.remote.s32 $0x1  }
0xc9: {  	_ =	sfence.sel $0xFFFF  }
0xca: {  	[dreg:$0x0] =	wrdreg $0xFFFFFFFF;
	(pc) =	sbr.abs _section_cstart, $3  }
0xcb: {  	[dreg:$0x1] =	wrdreg $0xFFFFFFFF  }
0xcc: {  	_ =	task.clear_ibuf [dreg:s13], $0x2FFFF;
	_ =	strace $0x9FFFFFFF  }
0xcd: {  	(tm) =	ssettm $0x7FFFFFFF  }
tec
execute0_lowered:
.L_overlay_start_1:
0x0: {  	(tag) =	ssettag $0x1  }
0x1: {  	s4 =	rddreg [dreg:$0x0]  }
0x2: {  	s5 =	rddreg [dreg:$0x1]  }
0x3: {  	s6 =	rddreg [dreg:$0x2]  }
0x4: {  	v32 =	vlaneseq.u32;
	s7 =	rddreg [dreg:$0x3];
	v24 =	vimm.s32 $0xFEDCBA98  }
0x5: {  	s9 =	rddreg [dreg:$0x4];
	v26 =	vimm.s32 $0x76543210;
	vm0 =	vmmov $0xff;
	v31 =	vmul.u32 $0x10, v32  }
0x6: {  	s0 =	rddreg [dreg:$0x5];
	v28 =	vunpack.c.l.s4.s8 v24;
	v30 =	vunpack.c.l.s4.s8 v26;
	v32 =	vand.u32 $0x7, v32  }
0x7: {  	s8 =	rddreg [dreg:$0x6];
	v0 =	vadd.s32 $0xF8, v31;
	v59 =	vadd.s32 $0xF9, v31;
	v60 =	vadd.s32 $0xFA, v31  }
0x8: {  	s1 =	rddreg [dreg:$0x7];
	s10 =	srdreg.scid;
	v61 =	vadd.s32 $0xFB, v31;
	v62 =	vadd.s32 $0xFC, v31;
	v63 =	vadd.s32 $0xFD, v31  }
0x9: {  	s3 =	simm.s32 $0x0;
	s2 =	stileid.u32;
	s14 =	simm.s32 $0x600;
	v6 =	vadd.s32 $0xFE, v31;
	v7 =	vadd.s32 $0xFF, v31;
	v8 =	vor.u32 $0x100, v31;
	[tilespmem:$0x1FFA0] =	vst v0  }
0xa: {  	s15 =	simm.s32 $0x800;
	s16 =	simm.s32 $0xA00;
	s17 =	simm.s32 $0x1;
	v9 =	vor.u32 $0x101, v31;
	v10 =	vor.u32 $0x102, v31;
	v11 =	vor.u32 $0x103, v31;
	[tilespmem:$0x1FFB0] =	vst v59  }
0xb: {  	s18 =	simm.s32 $0xD80;
	s19 =	simm.s32 $0x8D80;
	s10 =	sand.u32 $0x1, s10;
	v12 =	vor.u32 $0x104, v31;
	v13 =	vor.u32 $0x105, v31;
	v14 =	vor.u32 $0x106, v31;
	[tilespmem:$0x1FFC0] =	vst v60  }
0xc: {  	s12 =	sshll.u32 s2, $0xA;
	s11 =	ssub.s32 $0x2, s10;
	s10 =	sshll.u32 s10, $0x9;
	v15 =	vor.u32 $0x107, v31;
	v16 =	vor.u32 $0x208, v31;
	v17 =	vor.u32 $0x209, v31;
	[tilespmem:$0x1FFD0] =	vst v61  }
0xd: {  	s20 =	simm.s32 $0x0;
	s13 =	sshrl.u32 s11, $0x1;
	s10 =	sor.u32 s10, s12;
	v18 =	vor.u32 $0x20A, v31;
	v19 =	vor.u32 $0x20B, v31;
	v20 =	vor.u32 $0x20C, v31;
	[tilespmem:$0x1FFE0] =	vst v62  }
0xe: {  	[smem:$0x7FF] =	sst s3;
	v21 =	vor.u32 $0x20D, v31;
	v22 =	vor.u32 $0x20E, v31;
	v23 =	vor.u32 $0x20F, v31;
	[tilespmem:$0x1FFF0] =	vst v63;
	s11 =	ssub.s32 s11, s13;
	s12 =	sshrl.u32 s10, $0x3  }
0xf: {  	v24 =	vadd.s32 $0x210, v31;
	v25 =	vadd.s32 $0x211, v31;
	v33 =	vunpack.c.0.s8.s32 v28;
	s10 =	sshll.u32 s10, $0x4;
	s13 =	simm.s32 $0x400;
	_ =	strace $0x80000047  }
0x10: {  	v26 =	vadd.s32 $0x212, v31;
	v27 =	vadd.s32 $0x213, v31;
	v34 =	vunpack.c.0.s8.s32 v30;
	s4 =	sadd.s32 s4, s12;
	s5 =	sadd.s32 s5, s12;
	s6 =	sadd.s32 s6, s12  }
0x11: {  	v28 =	vadd.s32 $0x214, v31;
	v29 =	vadd.s32 $0x215, v31;
	s7 =	sadd.s32 s7, s12;
	s8 =	sadd.s32 s8, s10;
	s9 =	sadd.s32 s9, s12;
	v33 =	vand.u32 $0xF, v33  }
0x12: {  	v30 =	vadd.s32 $0x216, v31;
	v31 =	vadd.s32 $0x217, v31;
	s11 =	smax.u32 s11, $0x1;
	s12 =	simm.s32 $0x200;
	s10 =	sadd.s32 $0x1000, s8;
	v33 =	vcombine.low v33, v34  }
.LBB2_1:
0x13: {  	[tilespmem:s3], [sflag:$0x1] =	stream.linear.gather [hbm4b:s4+s3], $0x200, $0x38;
	[tilespmem:$0x10D80] =	vst v63  }
0x14: {  	_ = 	snop  }
0x15: {  	[tilespmem:s12], [sflag:$0x1] =	stream.linear.gather [hbm4b:s5+s3], $0x200, $0x38;
	[tilespmem:$0x10D80] =	vst v63  }
0x16: {  	_ = 	snop  }
0x17: {  	[tilespmem:s13], [sflag:$0x1] =	stream.linear.gather [hbm4b:s6+s3], $0x200, $0x38;
	[tilespmem:$0x10D80] =	vst v63  }
0x18: {  	_ = 	snop  }
0x19: {  	[tilespmem:s14], [sflag:$0x1] =	stream.linear.gather [hbm4b:s7+s3], $0x200, $0x38;
	[tilespmem:$0x10D80] =	vst v63  }
0x1a: {  	_ = 	snop  }
0x1b: {  	[tilespmem:s15], [sflag:$0x1] =	stream.linear.gather [hbm4b:s9+s3], $0x200, $0x38;
	[tilespmem:$0x10D80] =	vst v63  }
0x1c: {  	_ = 	snop  }
0x1d: {  	[tilespmem:s16], [sflag:$0x1] =	stream.linear.gather [hbm4b:s0+s3], $0x380, $0x38;
	[tilespmem:$0x10D80] =	vst v63  }
0x1e: {  	_ =	swait.ge [sflag:s17], $0x200  }
0x1f: {  	[sflag:s17] =	ssyncset.done $0x0  }
0x20: {  	[sflag:s17] =	ssyncadd.s32 $0xFFFFFE00  }
0x21: {  	_ =	swait.ge [sflag:s17], $0x200  }
0x22: {  	[sflag:s17] =	ssyncset.done $0x0  }
0x23: {  	[sflag:s17] =	ssyncadd.s32 $0xFFFFFE00  }
0x24: {  	_ =	swait.ge [sflag:s17], $0x200  }
0x25: {  	[sflag:s17] =	ssyncset.done $0x0  }
0x26: {  	[sflag:s17] =	ssyncadd.s32 $0xFFFFFE00  }
0x27: {  	_ =	swait.ge [sflag:s17], $0x200  }
0x28: {  	[sflag:s17] =	ssyncset.done $0x0  }
0x29: {  	[sflag:s17] =	ssyncadd.s32 $0xFFFFFE00  }
0x2a: {  	_ =	swait.ge [sflag:s17], $0x200  }
0x2b: {  	[sflag:s17] =	ssyncset.done $0x0  }
0x2c: {  	[sflag:s17] =	ssyncadd.s32 $0xFFFFFE00  }
0x2d: {  	_ =	swait.ge [sflag:s17], $0x380  }
0x2e: {  	v0 =	vld [tilespmem:$0x1FFA0]  }
0x2f: {  	v60 =	vld [tilespmem:$0x1FFB0]  }
0x30: {  	v61 =	vld [tilespmem:$0x1FFC0]  }
0x31: {  	[sflag:s17] =	ssyncset.done $0x0;
	v62 =	vld [tilespmem:$0x1FFD0]  }
0x32: {  	v52 =	vld [tilespmem:$0x1FFE0];
	[sflag:s17] =	ssyncadd.s32 $0xFFFFFC80  }
0x33: {  	v34 =	vld [tilespmem:$0xAE8]  }
0x34: {  	v35 =	vld [tilespmem:$0xBF8]  }
0x35: {  	v55 =	vld [tilespmem:$0x1FFF0]  }
0x36: {  	v38 =	vld.idx.msk [tilespmem:v16+s16+$0x0], $0xffff  }
0x37: {  	v42 =	vld.idx.msk [tilespmem:v17+s16+$0x0], $0xffff  }
0x38: {  	v63 =	vld.idx.msk [tilespmem:v18+s16+$0x0], $0xffff;
	v34 =	vmax.f32 v34, $0.0e+00  }
0x39: {  	v35 =	vmax.f32 v35, $0.0e+00;
	v36 =	vld.idx.msk [tilespmem:v0+s16+$0x0], $0xffff;
	v40 =	vbroadcast v34, $0x0  }
0x3a: {  	v47 =	vld.idx.msk [tilespmem:v19+s16+$0x0], $0xffff;
	v41 =	vbroadcast v34, $0x1;
	v44 =	vbroadcast v35, $0x0  }
0x3b: {  	v37 =	vld.idx.msk [tilespmem:v60+s16+$0x0], $0xffff;
	v54 =	vbroadcast v35, $0x1;
	v45 =	vbroadcast v34, $0x2  }
0x3c: {  	v39 =	vld.idx.msk [tilespmem:v61+s16+$0x0], $0xffff;
	v46 =	vbroadcast v34, $0x3;
	v56 =	vbroadcast v35, $0x2  }
0x3d: {  	v43 =	vld.idx.msk [tilespmem:v62+s16+$0x0], $0xffff;
	v61 =	vbroadcast v35, $0x3;
	v38 =	vmul.f32 v44, v38  }
0x3e: {  	v59 =	vld.idx.msk [tilespmem:v20+s16+$0x0], $0xffff;
	v62 =	vbroadcast v34, $0x4;
	v36 =	vmul.f32 v40, v36  }
0x3f: {  	v53 =	vld.idx.msk [tilespmem:v52+s16+$0x0], $0xffff;
	v2 =	vbroadcast v35, $0x4;
	v42 =	vmul.f32 v42, v54;
	v38 =	vadd.f32 $0.0e+00, v38  }
0x40: {  	v48 =	vld.idx.msk [tilespmem:v55+s16+$0x0], $0xffff;
	v55 =	vbroadcast v34, $0x6;
	v37 =	vmul.f32 v37, v41;
	v36 =	vadd.f32 $0.0e+00, v36  }
0x41: {  	v0 =	vld.idx.msk [tilespmem:v21+s16+$0x0], $0xffff;
	v54 =	vbroadcast v35, $0x5;
	v40 =	vmul.f32 v63, v56;
	v38 =	vadd.f32 v38, v42  }
0x42: {  	v52 =	vld.idx.msk [tilespmem:v22+s16+$0x0], $0xffff;
	v57 =	vmul.f32 v39, v45;
	v58 =	vmul.f32 v43, v46;
	v36 =	vadd.f32 v36, v37  }
0x43: {  	v60 =	vld.idx.msk [tilespmem:v6+s16+$0x0], $0xffff;
	v63 =	vbroadcast v34, $0x5;
	v42 =	vmul.f32 v47, v61;
	v38 =	vadd.f32 v38, v40  }
0x44: {  	v56 =	vbroadcast v34, $0x7;
	v61 =	vld.idx.msk [tilespmem:v24+s16+$0x0], $0xffff;
	v37 =	vmul.f32 v53, v62;
	v36 =	vadd.f32 v36, v57  }
0x45: {  	v1 =	vld.idx.msk [tilespmem:v7+s16+$0x0], $0xffff;
	v53 =	vmul.f32 v59, v2;
	v59 =	vbroadcast v35, $0x6;
	v38 =	vadd.f32 v38, v42  }
0x46: {  	v43 =	vmul.f32 v0, v54;
	v0 =	vbroadcast v34, $0x8;
	v57 =	vld.idx.msk [tilespmem:v23+s16+$0x0], $0xffff;
	v36 =	vadd.f32 v36, v58  }
0x47: {  	v2 =	vld.idx.msk [tilespmem:v25+s16+$0x0], $0xffff;
	v41 =	vmul.f32 v52, v59;
	v52 =	vbroadcast v35, $0x8;
	v38 =	vadd.f32 v38, v53  }
0x48: {  	v3 =	vmul.f32 v48, v63;
	v63 =	vbroadcast v35, $0x7;
	v58 =	vld.idx.msk [tilespmem:v9+s16+$0x0], $0xffff;
	v36 =	vadd.f32 v36, v37  }
0x49: {  	v44 =	vld.idx.msk [tilespmem:v8+s16+$0x0], $0xffff;
	v40 =	vmul.f32 v61, v52;
	v38 =	vadd.f32 v38, v43;
	v37 =	vmul.f32 v60, v55  }
0x4a: {  	v54 =	vld.idx.msk [tilespmem:v26+s16+$0x0], $0xffff;
	v60 =	vmul.f32 v1, v56;
	v1 =	vbroadcast v34, $0x9;
	v36 =	vadd.f32 v36, v3  }
0x4b: {  	v59 =	vld.idx.msk [tilespmem:v13+s16+$0x0], $0xffff;
	v55 =	vbroadcast v35, $0x9;
	v38 =	vadd.f32 v38, v41;
	v43 =	vmul.f32 v57, v63  }
0x4c: {  	v62 =	vld.idx.msk [tilespmem:v10+s16+$0x0], $0xffff;
	v56 =	vbroadcast v34, $0xA;
	v57 =	vbroadcast v34, $0xB;
	v36 =	vadd.f32 v36, v37  }
0x4d: {  	v3 =	vld.idx.msk [tilespmem:v11+s16+$0x0], $0xffff;
	v53 =	vmul.f32 v58, v1;
	v38 =	vadd.f32 v38, v43;
	v43 =	vmul.f32 v2, v55  }
0x4e: {  	v58 =	vld.idx.msk [tilespmem:v27+s16+$0x0], $0xffff;
	v2 =	vbroadcast v34, $0xD;
	v37 =	vmul.f32 v44, v0;
	v36 =	vadd.f32 v36, v60  }
0x4f: {  	v1 =	vbroadcast v34, $0xC;
	v0 =	vbroadcast v35, $0xB;
	v38 =	vadd.f32 v38, v40  }
0x50: {  	v44 =	vld.idx.msk [tilespmem:v12+s16+$0x0], $0xffff;
	v55 =	vmul.f32 v59, v2;
	v60 =	vbroadcast v35, $0xA;
	v36 =	vadd.f32 v36, v37  }
0x51: {  	v59 =	vbroadcast v35, $0xE;
	v37 =	vmul.f32 v62, v56;
	v62 =	vld.idx.msk [tilespmem:v28+s16+$0x0], $0xffff  }
0x52: {  	v38 =	vadd.f32 v38, v43;
	v42 =	vmul.f32 v54, v60;
	v36 =	vadd.f32 v36, v53  }
0x53: {  	v61 =	vmul.f32 v3, v57;
	v3 =	vld.idx.msk [tilespmem:v29+s16+$0x0], $0xffff;
	v52 =	vmul.f32 v58, v0  }
0x54: {  	v54 =	vld.idx.msk [tilespmem:v30+s16+$0x0], $0xffff;
	v38 =	vadd.f32 v38, v42;
	v53 =	vbroadcast v35, $0xC;
	v36 =	vadd.f32 v36, v37  }
0x55: {  	v63 =	vld.idx.msk [tilespmem:v14+s16+$0x0], $0xffff;
	v57 =	vbroadcast v35, $0xD;
	v37 =	vmul.f32 v44, v1  }
0x56: {  	v56 =	vld.idx.msk [tilespmem:v15+s16+$0x0], $0xffff;
	v38 =	vadd.f32 v38, v52;
	v41 =	vmul.f32 v62, v53;
	v36 =	vadd.f32 v36, v61  }
0x57: {  	v58 =	vbroadcast v34, $0xE;
	v60 =	vld.idx.msk [tilespmem:v31+s16+$0x0], $0xffff;
	v34 =	vbroadcast v34, $0xF  }
0x58: {  	v61 =	vmul.f32 v3, v57;
	v38 =	vadd.f32 v38, v41;
	v36 =	vadd.f32 v36, v37  }
0x59: {  	v35 =	vbroadcast v35, $0xF;
	v62 =	vmul.f32 v54, v59  }
0x5a: {  	v37 =	vmul.f32 v63, v58;
	v38 =	vadd.f32 v38, v61;
	v36 =	vadd.f32 v36, v55  }
0x5b: {  	v34 =	vmul.f32 v56, v34  }
0x5c: {  	v35 =	vmul.f32 v60, v35;
	v63 =	vadd.f32 v38, v62;
	v36 =	vadd.f32 v36, v37;
	_ =	sdelay $0x1  }
0x5d: {  	s21 =	simm.s32 $0x0;
	v35 =	vadd.f32 v63, v35;
	v34 =	vadd.f32 v36, v34  }
.LBB2_2:
0x5e: {  	s23 =	sshll.u32 s21, $0x4  }
0x5f: {  	v36 =	vld [tilespmem:s23+$0x200]  }
0x60: {  	v37 =	vld [tilespmem:s23+$0x0];
	_ =	sdelay $0x2  }
0x61: {  	v55 =	vld [tilespmem:s23+$0x400]  }
0x62: {  	v36 =	vmul.u32 $0x11, v36  }
0x63: {  	v41 =	vmul.u32 $0x9, v37  }
0x64: {  	v42 =	vadd.s32 $0x20, v36  }
0x65: {  	v56 =	vbroadcast v41, $0x0;
	v39 =	vbroadcast v42, $0x0  }
0x66: {  	v37 =	vmul.u32 $0x9, v55  }
0x67: {  	v36 =	vsel vm0, v56, v39  }
0x68: {  	v38 =	vadd.s32 $0xA8, v37;
	v36 =	vadd.s32 v32, v36  }
0x69: {  	v37 =	vbroadcast v38, $0x0;
	_ =	sdelay $0x1  }
0x6a: {  	v37 =	vsel vm0, v39, v37  }
0x6b: {  	v40 =	vadd.s32 v33, v37;
	v37 =	vld [tilespmem:s23+$0x600]  }
0x6c: {  	v57 =	vld.idx.msk [tilespmem:v36+s16+$0x0], $0xffff  }
0x6d: {  	v36 =	vld [tilespmem:s23+$0x800];
	_ =	sdelay $0x1  }
0x6e: {  	s22 =	sshll.u32 s21, $0xB  }
0x6f: {  	s22 =	sand.u32 $0x3FFFF800, s22;
	v58 =	vbroadcast v41, $0x1;
	v43 =	vbroadcast v42, $0x1  }
0x70: {  	v44 =	vbroadcast v37, $0x0;
	[tilespmem:s22+$0xD80] =	vst v57  }
0x71: {  	v45 =	vbroadcast v36, $0x0;
	v39 =	vld.idx.msk [tilespmem:v40+s16+$0x0], $0xffff;
	v40 =	vsel vm0, v58, v43  }
0x72: {  	v44 =	vmul.f32 v44, v34;
	v40 =	vadd.s32 v32, v40  }
0x73: {  	v59 =	vmul.f32 v45, v35  }
0x74: {  	[tilespmem:s22+$0xDA0] =	vst v44  }
0x75: {  	v60 =	vbroadcast v38, $0x1;
	[tilespmem:s22+$0xDB0] =	vst v59  }
0x76: {  	[tilespmem:s22+$0xD90] =	vst v39  }
0x77: {  	v61 =	vsel vm0, v43, v60;
	v40 =	vld.idx.msk [tilespmem:v40+s16+$0x0], $0xffff  }
0x78: {  	v39 =	vadd.s32 v33, v61;
	_ =	sdelay $0x2  }
0x79: {  	v62 =	vbroadcast v41, $0x2;
	v63 =	vbroadcast v42, $0x2  }
0x7a: {  	v0 =	vbroadcast v37, $0x1;
	[tilespmem:s22+$0xE00] =	vst v40  }
0x7b: {  	v1 =	vbroadcast v36, $0x1;
	v40 =	vsel vm0, v62, v63;
	v39 =	vld.idx.msk [tilespmem:v39+s16+$0x0], $0xffff  }
0x7c: {  	v44 =	vmul.f32 v0, v34;
	v40 =	vadd.s32 v32, v40  }
0x7d: {  	v2 =	vmul.f32 v1, v35  }
0x7e: {  	[tilespmem:s22+$0xE20] =	vst v44  }
0x7f: {  	s24 =	sor.u32 $0x10, s23;
	v48 =	vld [tilespmem:s23+$0x210];
	v3 =	vbroadcast v38, $0x2;
	[tilespmem:s22+$0xE30] =	vst v2  }
0x80: {  	v49 =	vld [tilespmem:s24+$0x0];
	[tilespmem:s22+$0xE10] =	vst v39  }
0x81: {  	v47 =	vsel vm0, v63, v3;
	v40 =	vld.idx.msk [tilespmem:v40+s16+$0x0], $0xffff  }
0x82: {  	v39 =	vadd.s32 v33, v47;
	_ =	sdelay $0x1  }
0x83: {  	v51 =	vbroadcast v41, $0x3  }
0x84: {  	v46 =	vbroadcast v42, $0x3;
	v43 =	vmul.u32 $0x11, v48;
	v48 =	vbroadcast v36, $0x2  }
0x85: {  	v44 =	vmul.u32 $0x9, v49;
	v47 =	vld [tilespmem:s23+$0x410];
	[tilespmem:s22+$0xE80] =	vst v40  }
0x86: {  	v50 =	vbroadcast v37, $0x2;
	v45 =	vsel vm0, v51, v46;
	v53 =	vmul.f32 v48, v35;
	v39 =	vld.idx.msk [tilespmem:v39+s16+$0x0], $0xffff  }
0x87: {  	v49 =	vadd.s32 v32, v45;
	v45 =	vadd.s32 $0x20, v43;
	v52 =	vbroadcast v44, $0x0  }
0x88: {  	v40 =	vmul.f32 v50, v34;
	v50 =	vbroadcast v45, $0x0  }
0x89: {  	[tilespmem:s22+$0xEB0] =	vst v53  }
0x8a: {  	v54 =	vbroadcast v38, $0x3;
	[tilespmem:s22+$0xEA0] =	vst v40;
	v43 =	vsel vm0, v52, v50  }
0x8b: {  	v55 =	vmul.u32 $0x9, v47;
	v56 =	vadd.s32 v32, v43;
	[tilespmem:s22+$0xE90] =	vst v39  }
0x8c: {  	v40 =	vsel vm0, v46, v54;
	v57 =	vld.idx.msk [tilespmem:v49+s16+$0x0], $0xffff  }
0x8d: {  	v40 =	vadd.s32 v33, v40;
	v43 =	vadd.s32 $0xA8, v55  }
0x8e: {  	v39 =	vbroadcast v43, $0x0;
	_ =	sdelay $0x1  }
0x8f: {  	v39 =	vsel vm0, v50, v39;
	v47 =	vld.idx.msk [tilespmem:v56+s16+$0x0], $0xffff  }
0x90: {  	v58 =	vadd.s32 v33, v39;
	v39 =	vld [tilespmem:s23+$0x610];
	[tilespmem:s22+$0xF00] =	vst v57  }
0x91: {  	v51 =	vbroadcast v37, $0x3;
	v59 =	vld.idx.msk [tilespmem:v40+s16+$0x0], $0xffff  }
0x92: {  	s24 =	sshll.u32 s24, $0x7;
	v60 =	vbroadcast v41, $0x4;
	v61 =	vbroadcast v42, $0x4;
	v40 =	vld [tilespmem:s23+$0x810]  }
0x93: {  	s24 =	sand.u32 $0x3FFFF800, s24;
	v51 =	vmul.f32 v51, v34;
	v52 =	vbroadcast v36, $0x3  }
0x94: {  	v63 =	vbroadcast v44, $0x1;
	v53 =	vbroadcast v45, $0x1;
	v49 =	vsel vm0, v60, v61;
	[tilespmem:s24+$0xD80] =	vst v47  }
0x95: {  	v0 =	vmul.f32 v52, v35;
	v62 =	vadd.s32 v32, v49;
	v46 =	vld.idx.msk [tilespmem:v58+s16+$0x0], $0xffff;
	v1 =	vbroadcast v39, $0x0  }
0x96: {  	v49 =	vsel vm0, v63, v53;
	[tilespmem:s22+$0xF20] =	vst v51  }
0x97: {  	v49 =	vadd.s32 v32, v49;
	[tilespmem:s22+$0xF30] =	vst v0;
	v3 =	vmul.f32 v1, v34;
	v54 =	vbroadcast v40, $0x0  }
0x98: {  	v2 =	vbroadcast v38, $0x4;
	[tilespmem:s22+$0xF10] =	vst v59  }
0x99: {  	[tilespmem:s24+$0xDA0] =	vst v3;
	v52 =	vmul.f32 v54, v35  }
0x9a: {  	v50 =	vsel vm0, v61, v2;
	v47 =	vld.idx.msk [tilespmem:v62+s16+$0x0], $0xffff;
	[tilespmem:s24+$0xD90] =	vst v46;
	v54 =	vbroadcast v43, $0x1  }
0x9b: {  	v50 =	vadd.s32 v33, v50;
	[tilespmem:s24+$0xDB0] =	vst v52  }
0x9c: {  	v55 =	vsel vm0, v53, v54;
	v56 =	vld.idx.msk [tilespmem:v49+s16+$0x0], $0xffff  }
0x9d: {  	v60 =	vbroadcast v36, $0x4;
	v63 =	vbroadcast v45, $0x2;
	v46 =	vadd.s32 v33, v55  }
0x9e: {  	v57 =	vbroadcast v41, $0x5;
	v59 =	vbroadcast v37, $0x4  }
0x9f: {  	v58 =	vbroadcast v42, $0x5;
	v1 =	vbroadcast v39, $0x1;
	[tilespmem:s22+$0xF80] =	vst v47  }
0xa0: {  	v62 =	vbroadcast v44, $0x2;
	v51 =	vmul.f32 v59, v34;
	v47 =	vld.idx.msk [tilespmem:v50+s16+$0x0], $0xffff  }
0xa1: {  	v0 =	vmul.f32 v60, v35;
	v49 =	vsel vm0, v57, v58;
	v55 =	vmul.f32 v1, v34;
	[tilespmem:s22+$0x1600] =	vst v56  }
0xa2: {  	v3 =	vbroadcast v40, $0x1;
	v61 =	vadd.s32 v32, v49;
	v49 =	vsel vm0, v62, v63;
	[tilespmem:s22+$0xFA0] =	vst v51;
	v46 =	vld.idx.msk [tilespmem:v46+s16+$0x0], $0xffff  }
0xa3: {  	v49 =	vadd.s32 v32, v49;
	[tilespmem:s22+$0xFB0] =	vst v0  }
0xa4: {  	v56 =	vmul.f32 v3, v35;
	[tilespmem:s22+$0x1620] =	vst v55  }
0xa5: {  	v2 =	vbroadcast v38, $0x5;
	[tilespmem:s22+$0xF90] =	vst v47  }
0xa6: {  	v57 =	vbroadcast v43, $0x2;
	[tilespmem:s22+$0x1630] =	vst v56  }
0xa7: {  	v50 =	vsel vm0, v58, v2;
	v48 =	vld.idx.msk [tilespmem:v61+s16+$0x0], $0xffff;
	[tilespmem:s22+$0x1610] =	vst v46  }
0xa8: {  	v58 =	vsel vm0, v63, v57;
	v50 =	vadd.s32 v33, v50;
	v59 =	vld.idx.msk [tilespmem:v49+s16+$0x0], $0xffff  }
0xa9: {  	v60 =	vbroadcast v37, $0x5;
	v1 =	vbroadcast v45, $0x3;
	v46 =	vadd.s32 v33, v58  }
0xaa: {  	v62 =	vbroadcast v41, $0x6;
	v63 =	vbroadcast v42, $0x6  }
0xab: {  	v0 =	vbroadcast v44, $0x3;
	v61 =	vbroadcast v36, $0x5  }
0xac: {  	v51 =	vsel vm0, v62, v63;
	v3 =	vbroadcast v39, $0x2;
	v49 =	vmul.f32 v60, v34;
	[tilespmem:s22+$0x1000] =	vst v48  }
0xad: {  	v54 =	vbroadcast v40, $0x2;
	v2 =	vadd.s32 v32, v51;
	v48 =	vld.idx.msk [tilespmem:v50+s16+$0x0], $0xffff;
	v50 =	vmul.f32 v61, v35;
	[tilespmem:s22+$0x1680] =	vst v59  }
0xae: {  	v47 =	vsel vm0, v0, v1;
	v55 =	vmul.f32 v3, v34;
	[tilespmem:s22+$0x1020] =	vst v49;
	v46 =	vld.idx.msk [tilespmem:v46+s16+$0x0], $0xffff  }
0xaf: {  	v57 =	vmul.f32 v54, v35;
	v47 =	vadd.s32 v32, v47;
	[tilespmem:s22+$0x1030] =	vst v50  }
0xb0: {  	[tilespmem:s22+$0x16A0] =	vst v55  }
0xb1: {  	v56 =	vbroadcast v38, $0x6;
	[tilespmem:s22+$0x16B0] =	vst v57  }
0xb2: {  	v58 =	vbroadcast v43, $0x3;
	[tilespmem:s22+$0x1010] =	vst v48  }
0xb3: {  	v59 =	vsel vm0, v63, v56;
	v48 =	vld.idx.msk [tilespmem:v2+s16+$0x0], $0xffff;
	[tilespmem:s22+$0x1690] =	vst v46  }
0xb4: {  	v49 =	vsel vm0, v1, v58;
	v60 =	vadd.s32 v33, v59;
	v47 =	vld.idx.msk [tilespmem:v47+s16+$0x0], $0xffff  }
0xb5: {  	v49 =	vadd.s32 v33, v49;
	_ =	sdelay $0x1  }
0xb6: {  	v62 =	vbroadcast v45, $0x4  }
0xb7: {  	v0 =	vbroadcast v39, $0x3;
	v61 =	vbroadcast v44, $0x4;
	[tilespmem:s22+$0x1080] =	vst v48  }
0xb8: {  	v1 =	vbroadcast v40, $0x3;
	v46 =	vld.idx.msk [tilespmem:v60+s16+$0x0], $0xffff;
	[tilespmem:s22+$0x1700] =	vst v47  }
0xb9: {  	v51 =	vbroadcast v42, $0x7;
	v52 =	vmul.f32 v0, v34;
	v48 =	vsel vm0, v61, v62;
	v47 =	vld.idx.msk [tilespmem:v49+s16+$0x0], $0xffff  }
0xba: {  	v63 =	vbroadcast v41, $0x7;
	v57 =	vmul.f32 v1, v35;
	v48 =	vadd.s32 v32, v48  }
0xbb: {  	[tilespmem:s22+$0x1720] =	vst v52  }
0xbc: {  	v50 =	vsel vm0, v63, v51;
	v2 =	vbroadcast v37, $0x6;
	[tilespmem:s22+$0x1730] =	vst v57  }
0xbd: {  	v3 =	vbroadcast v36, $0x6;
	v58 =	vbroadcast v43, $0x4;
	v50 =	vadd.s32 v32, v50;
	[tilespmem:s22+$0x1090] =	vst v46  }
0xbe: {  	v46 =	vmul.f32 v2, v34;
	[tilespmem:s22+$0x1710] =	vst v47  }
0xbf: {  	v59 =	vmul.f32 v3, v35;
	v60 =	vsel vm0, v62, v58;
	v47 =	vld.idx.msk [tilespmem:v48+s16+$0x0], $0xffff  }
0xc0: {  	v63 =	vld [tilespmem:s23+$0x220];
	v61 =	vbroadcast v38, $0x7;
	[tilespmem:s22+$0x10A0] =	vst v46;
	v46 =	vadd.s32 v33, v60  }
0xc1: {  	v0 =	vbroadcast v44, $0x5;
	[tilespmem:s22+$0x10B0] =	vst v59;
	v58 =	vld [tilespmem:s23+$0x230]  }
0xc2: {  	s25 =	sor.u32 $0x20, s23;
	v56 =	vbroadcast v45, $0x5;
	v3 =	vbroadcast v36, $0x7;
	v49 =	vld.idx.msk [tilespmem:v50+s16+$0x0], $0xffff;
	v48 =	vsel vm0, v51, v61  }
0xc3: {  	s29 =	sor.u32 $0x30, s23;
	v55 =	vbroadcast v41, $0x8;
	v59 =	vbroadcast v40, $0x4;
	v51 =	vld [tilespmem:s25+$0x0];
	v2 =	vadd.s32 v33, v48  }
0xc4: {  	v1 =	vbroadcast v39, $0x4;
	v54 =	vmul.f32 v3, v35;
	v60 =	vld [tilespmem:s29+$0x0];
	[tilespmem:s22+$0x1780] =	vst v47  }
0xc5: {  	v62 =	vbroadcast v37, $0x7;
	v53 =	vmul.f32 v59, v35;
	v46 =	vld.idx.msk [tilespmem:v46+s16+$0x0], $0xffff  }
0xc6: {  	v59 =	vbroadcast v43, $0x5;
	v57 =	vbroadcast v42, $0x8;
	v52 =	vmul.u32 $0x11, v63  }
0xc7: {  	v3 =	vmul.u32 $0x11, v58;
	v50 =	vmul.f32 v62, v34;
	v61 =	vld [tilespmem:s23+$0x420];
	[tilespmem:s22+$0x1100] =	vst v49;
	v49 =	vmul.f32 v1, v34  }
0xc8: {  	v47 =	vsel vm0, v0, v56;
	v48 =	vmul.u32 $0x9, v51;
	v51 =	vadd.s32 $0x20, v52;
	v62 =	vld.idx.msk [tilespmem:v2+s16+$0x0], $0xffff  }
0xc9: {  	v47 =	vadd.s32 v32, v47;
	v2 =	vsel vm0, v55, v57;
	[tilespmem:s22+$0x17B0] =	vst v53;
	v53 =	vmul.u32 $0x9, v60  }
0xca: {  	v63 =	vbroadcast v51, $0x0;
	v55 =	vadd.s32 $0x20, v3;
	[tilespmem:s22+$0x1790] =	vst v46;
	v46 =	vbroadcast v48, $0x0  }
0xcb: {  	v1 =	vsel vm0, v56, v59;
	v56 =	vld [tilespmem:s23+$0x430];
	v60 =	vbroadcast v55, $0x0;
	v3 =	vbroadcast v53, $0x0  }
0xcc: {  	[tilespmem:s22+$0x17A0] =	vst v49;
	v0 =	vadd.s32 v32, v2;
	v46 =	vsel vm0, v46, v63  }
0xcd: {  	v2 =	vmul.u32 $0x9, v61;
	[tilespmem:s22+$0x1110] =	vst v62;
	v62 =	vsel vm0, v3, v60;
	v46 =	vadd.s32 v32, v46  }
0xce: {  	v47 =	vld.idx.msk [tilespmem:v47+s16+$0x0], $0xffff;
	v58 =	vadd.s32 v32, v62  }
0xcf: {  	v49 =	vadd.s32 v33, v1;
	[tilespmem:s22+$0x1120] =	vst v50;
	v52 =	vadd.s32 $0xA8, v2  }
0xd0: {  	[tilespmem:s22+$0x1130] =	vst v54;
	v61 =	vbroadcast v52, $0x0;
	v56 =	vmul.u32 $0x9, v56  }
0xd1: {  	v0 =	vld.idx.msk [tilespmem:v0+s16+$0x0], $0xffff  }
0xd2: {  	v54 =	vadd.s32 $0xA8, v56;
	v63 =	vsel vm0, v63, v61;
	v50 =	vld.idx.msk [tilespmem:v46+s16+$0x0], $0xffff  }
0xd3: {  	v3 =	vbroadcast v39, $0x5;
	v56 =	vbroadcast v54, $0x0;
	v1 =	vadd.s32 v33, v63;
	[tilespmem:s22+$0x1800] =	vst v47;
	v58 =	vld.idx.msk [tilespmem:v58+s16+$0x0], $0xffff  }
0xd4: {  	v59 =	vld.idx.msk [tilespmem:v49+s16+$0x0], $0xffff  }
0xd5: {  	s25 =	sshll.u32 s25, $0x7;
	v2 =	vbroadcast v38, $0x8;
	v61 =	vmul.f32 v3, v34;
	v56 =	vsel vm0, v60, v56;
	v46 =	vld [tilespmem:s23+$0x620]  }
0xd6: {  	s25 =	sand.u32 $0x3FFFF800, s25;
	v63 =	vbroadcast v45, $0x6;
	v60 =	vbroadcast v44, $0x6;
	v56 =	vadd.s32 v33, v56;
	v47 =	vld [tilespmem:s23+$0x820];
	[tilespmem:s22+$0x1180] =	vst v0  }
0xd7: {  	v57 =	vsel vm0, v57, v2;
	v62 =	vbroadcast v40, $0x5;
	v49 =	vld [tilespmem:s23+$0x630];
	[tilespmem:s25+$0xD80] =	vst v50  }
0xd8: {  	s24 =	sshll.u32 s29, $0x7;
	v2 =	vbroadcast v51, $0x1;
	v0 =	vsel vm0, v60, v63;
	v60 =	vbroadcast v48, $0x1;
	[tilespmem:s22+$0x1820] =	vst v61;
	v1 =	vld.idx.msk [tilespmem:v1+s16+$0x0], $0xffff  }
0xd9: {  	s30 =	sand.u32 $0x3FFFF800, s24;
	v0 =	vadd.s32 v32, v0;
	v61 =	vbroadcast v55, $0x1;
	[tilespmem:s22+$0x1810] =	vst v59;
	v59 =	vmul.f32 v62, v35;
	v50 =	vld [tilespmem:s23+$0x830]  }
0xda: {  	v60 =	vsel vm0, v60, v2;
	v62 =	vbroadcast v43, $0x6;
	v3 =	vbroadcast v46, $0x0;
	[tilespmem:s30+$0xD80] =	vst v58  }
0xdb: {  	v4 =	vbroadcast v47, $0x0;
	v58 =	vadd.s32 v32, v60;
	v60 =	vbroadcast v53, $0x1;
	v56 =	vld.idx.msk [tilespmem:v56+s16+$0x0], $0xffff  }
0xdc: {  	v57 =	vadd.s32 v33, v57;
	[tilespmem:s22+$0x1830] =	vst v59;
	v59 =	vsel vm0, v63, v62;
	v3 =	vmul.f32 v3, v34  }
0xdd: {  	v60 =	vsel vm0, v60, v61;
	[tilespmem:s25+$0xD90] =	vst v1;
	v1 =	vmul.f32 v4, v35;
	v4 =	vbroadcast v49, $0x0  }
0xde: {  	v0 =	vld.idx.msk [tilespmem:v0+s16+$0x0], $0xffff;
	v60 =	vadd.s32 v32, v60;
	[tilespmem:s25+$0xDA0] =	vst v3;
	v3 =	vbroadcast v52, $0x1;
	v62 =	vbroadcast v50, $0x0  }
0xdf: {  	v59 =	vadd.s32 v33, v59;
	[tilespmem:s25+$0xDB0] =	vst v1;
	v63 =	vmul.f32 v4, v34  }
0xe0: {  	v2 =	vsel vm0, v2, v3;
	[tilespmem:s30+$0xD90] =	vst v56;
	v4 =	vmul.f32 v62, v35;
	v3 =	vld.idx.msk [tilespmem:v58+s16+$0x0], $0xffff  }
0xe1: {  	v56 =	vld.idx.msk [tilespmem:v57+s16+$0x0], $0xffff;
	v2 =	vadd.s32 v33, v2;
	v1 =	vbroadcast v54, $0x1;
	[tilespmem:s30+$0xDA0] =	vst v63  }
0xe2: {  	[tilespmem:s30+$0xDB0] =	vst v4  }
0xe3: {  	[tilespmem:s22+$0x1880] =	vst v0;
	v62 =	vbroadcast v36, $0x8;
	v1 =	vsel vm0, v61, v1;
	v4 =	vld.idx.msk [tilespmem:v60+s16+$0x0], $0xffff  }
0xe4: {  	v59 =	vld.idx.msk [tilespmem:v59+s16+$0x0], $0xffff;
	v63 =	vbroadcast v37, $0x8;
	v0 =	vadd.s32 v33, v1  }
0xe5: {  	v58 =	vmul.f32 v62, v35;
	v62 =	vbroadcast v46, $0x1;
	[tilespmem:s22+$0x1E00] =	vst v3  }
0xe6: {  	[tilespmem:s22+$0x1190] =	vst v56;
	v56 =	vbroadcast v51, $0x2;
	v3 =	vbroadcast v48, $0x2;
	v2 =	vld.idx.msk [tilespmem:v2+s16+$0x0], $0xffff  }
0xe7: {  	v1 =	vbroadcast v41, $0x9;
	v60 =	vbroadcast v42, $0x9;
	[tilespmem:s22+$0x11B0] =	vst v58  }
0xe8: {  	v57 =	vmul.f32 v63, v34;
	v63 =	vbroadcast v47, $0x1;
	v3 =	vsel vm0, v3, v56;
	[tilespmem:s22+$0x2600] =	vst v4  }
0xe9: {  	v58 =	vbroadcast v55, $0x2;
	[tilespmem:s22+$0x1890] =	vst v59;
	v4 =	vbroadcast v53, $0x2;
	v3 =	vadd.s32 v32, v3;
	v0 =	vld.idx.msk [tilespmem:v0+s16+$0x0], $0xffff  }
0xea: {  	v61 =	vbroadcast v45, $0x7;
	v1 =	vsel vm0, v1, v60;
	v59 =	vmul.f32 v62, v34;
	[tilespmem:s22+$0x11A0] =	vst v57  }
0xeb: {  	v62 =	vbroadcast v49, $0x1;
	v4 =	vsel vm0, v4, v58;
	[tilespmem:s22+$0x1E10] =	vst v2;
	v2 =	vmul.f32 v63, v35  }
0xec: {  	[tilespmem:s22+$0x1E20] =	vst v59;
	v59 =	vbroadcast v52, $0x2;
	v4 =	vadd.s32 v32, v4;
	v63 =	vbroadcast v50, $0x1  }
0xed: {  	v57 =	vbroadcast v44, $0x7;
	v1 =	vadd.s32 v32, v1;
	[tilespmem:s22+$0x1E30] =	vst v2;
	v2 =	vmul.f32 v62, v34  }
0xee: {  	v5 =	vbroadcast v39, $0x6;
	v56 =	vsel vm0, v56, v59;
	[tilespmem:s22+$0x2610] =	vst v0;
	v0 =	vmul.f32 v63, v35;
	v3 =	vld.idx.msk [tilespmem:v3+s16+$0x0], $0xffff  }
0xef: {  	v57 =	vsel vm0, v57, v61;
	v56 =	vadd.s32 v33, v56;
	[tilespmem:s22+$0x2620] =	vst v2;
	v2 =	vbroadcast v54, $0x2  }
0xf0: {  	v5 =	vmul.f32 v5, v34;
	v57 =	vadd.s32 v32, v57;
	v62 =	vbroadcast v40, $0x6;
	[tilespmem:s22+$0x2630] =	vst v0  }
0xf1: {  	v58 =	vsel vm0, v58, v2;
	v2 =	vld.idx.msk [tilespmem:v4+s16+$0x0], $0xffff  }
0xf2: {  	[tilespmem:s22+$0x18A0] =	vst v5;
	v1 =	vld.idx.msk [tilespmem:v1+s16+$0x0], $0xffff;
	v63 =	vmul.f32 v62, v35;
	v4 =	vbroadcast v38, $0x9;
	v0 =	vadd.s32 v33, v58  }
0xf3: {  	v5 =	vbroadcast v43, $0x7;
	v59 =	vbroadcast v46, $0x2;
	[tilespmem:s22+$0x1E80] =	vst v3  }
0xf4: {  	[tilespmem:s22+$0x18B0] =	vst v63;
	v58 =	vbroadcast v51, $0x3;
	v60 =	vsel vm0, v60, v4;
	v4 =	vld.idx.msk [tilespmem:v56+s16+$0x0], $0xffff;
	v56 =	vbroadcast v48, $0x3  }
0xf5: {  	v5 =	vsel vm0, v61, v5;
	v62 =	vbroadcast v53, $0x3;
	v57 =	vld.idx.msk [tilespmem:v57+s16+$0x0], $0xffff  }
0xf6: {  	v63 =	vmul.f32 v59, v34;
	v3 =	vadd.s32 v33, v60;
	v56 =	vsel vm0, v56, v58;
	[tilespmem:s22+$0x2680] =	vst v2  }
0xf7: {  	[tilespmem:s22+$0x1200] =	vst v1;
	v60 =	vbroadcast v47, $0x2;
	v1 =	vadd.s32 v32, v56;
	v0 =	vld.idx.msk [tilespmem:v0+s16+$0x0], $0xffff;
	v56 =	vbroadcast v55, $0x3  }
0xf8: {  	v5 =	vadd.s32 v33, v5;
	[tilespmem:s22+$0x1EA0] =	vst v63  }
0xf9: {  	v59 =	vbroadcast v49, $0x2;
	[tilespmem:s22+$0x1E90] =	vst v4;
	v4 =	vmul.f32 v60, v35;
	v2 =	vsel vm0, v62, v56  }
0xfa: {  	[tilespmem:s22+$0x1900] =	vst v57;
	v57 =	vbroadcast v52, $0x3;
	v60 =	vbroadcast v50, $0x2;
	v2 =	vadd.s32 v32, v2  }
0xfb: {  	v61 =	vbroadcast v37, $0x9;
	v3 =	vld.idx.msk [tilespmem:v3+s16+$0x0], $0xffff;
	[tilespmem:s22+$0x1EB0] =	vst v4;
	v4 =	vmul.f32 v59, v34  }
0xfc: {  	v57 =	vsel vm0, v58, v57;
	v62 =	vmul.f32 v60, v35;
	v1 =	vld.idx.msk [tilespmem:v1+s16+$0x0], $0xffff;
	[tilespmem:s22+$0x2690] =	vst v0  }
0xfd: {  	v5 =	vld.idx.msk [tilespmem:v5+s16+$0x0], $0xffff;
	v58 =	vmul.f32 v61, v34;
	v57 =	vadd.s32 v33, v57;
	[tilespmem:s22+$0x26A0] =	vst v4;
	v4 =	vbroadcast v54, $0x3  }
0xfe: {  	v61 =	vbroadcast v40, $0x7;
	[tilespmem:s22+$0x26B0] =	vst v62  }
0xff: {  	v59 =	vbroadcast v41, $0xA;
	v60 =	vbroadcast v39, $0x7;
	[tilespmem:s22+$0x1220] =	vst v58;
	v4 =	vsel vm0, v56, v4;
	v2 =	vld.idx.msk [tilespmem:v2+s16+$0x0], $0xffff  }
0x100: {  	[tilespmem:s22+$0x1210] =	vst v3;
	v3 =	vbroadcast v44, $0x8;
	v56 =	vbroadcast v45, $0x8;
	v4 =	vadd.s32 v33, v4  }
0x101: {  	v58 =	vbroadcast v51, $0x4;
	v60 =	vmul.f32 v60, v34;
	[tilespmem:s22+$0x1F00] =	vst v1  }
0x102: {  	v0 =	vbroadcast v42, $0xA;
	[tilespmem:s22+$0x1910] =	vst v5;
	v63 =	vsel vm0, v3, v56;
	v3 =	vld.idx.msk [tilespmem:v57+s16+$0x0], $0xffff;
	v57 =	vbroadcast v48, $0x4  }
0x103: {  	v5 =	vmul.f32 v61, v35;
	v61 =	vbroadcast v43, $0x8;
	[tilespmem:s22+$0x1920] =	vst v60;
	v1 =	vadd.s32 v32, v63  }
0x104: {  	v62 =	vbroadcast v46, $0x3;
	v60 =	vbroadcast v55, $0x4;
	v57 =	vsel vm0, v57, v58;
	[tilespmem:s22+$0x2700] =	vst v2  }
0x105: {  	v63 =	vbroadcast v47, $0x3;
	v2 =	vadd.s32 v32, v57;
	v4 =	vld.idx.msk [tilespmem:v4+s16+$0x0], $0xffff;
	v57 =	vbroadcast v53, $0x4  }
0x106: {  	v59 =	vsel vm0, v59, v0;
	[tilespmem:s22+$0x1930] =	vst v5;
	v5 =	vsel vm0, v56, v61;
	v56 =	vmul.f32 v62, v34  }
0x107: {  	v61 =	vbroadcast v49, $0x3;
	[tilespmem:s22+$0x1F10] =	vst v3;
	v3 =	vmul.f32 v63, v35;
	v57 =	vsel vm0, v57, v60  }
0x108: {  	v62 =	vbroadcast v50, $0x3;
	[tilespmem:s22+$0x1F20] =	vst v56;
	v56 =	vbroadcast v52, $0x4;
	v1 =	vld.idx.msk [tilespmem:v1+s16+$0x0], $0xffff;
	v57 =	vadd.s32 v32, v57  }
0x109: {  	v5 =	vadd.s32 v33, v5;
	v61 =	vmul.f32 v61, v34;
	v63 =	vbroadcast v36, $0x9;
	[tilespmem:s22+$0x1F30] =	vst v3  }
0x10a: {  	v59 =	vadd.s32 v32, v59;
	[tilespmem:s22+$0x2710] =	vst v4;
	v4 =	vmul.f32 v62, v35  }
0x10b: {  	v56 =	vsel vm0, v58, v56;
	[tilespmem:s22+$0x2720] =	vst v61;
	v2 =	vld.idx.msk [tilespmem:v2+s16+$0x0], $0xffff;
	v62 =	vmul.f32 v63, v35;
	v63 =	vbroadcast v54, $0x4  }
0x10c: {  	v56 =	vadd.s32 v33, v56;
	[tilespmem:s22+$0x2730] =	vst v4  }
0x10d: {  	v3 =	vsel vm0, v60, v63;
	[tilespmem:s22+$0x1980] =	vst v1;
	v4 =	vld.idx.msk [tilespmem:v57+s16+$0x0], $0xffff  }
0x10e: {  	[tilespmem:s22+$0x1230] =	vst v62;
	v1 =	vadd.s32 v33, v3;
	v3 =	vld.idx.msk [tilespmem:v5+s16+$0x0], $0xffff  }
0x10f: {  	v58 =	vld.idx.msk [tilespmem:v59+s16+$0x0], $0xffff  }
0x110: {  	v61 =	vbroadcast v38, $0xA;
	v60 =	vbroadcast v46, $0x4;
	[tilespmem:s22+$0x1F80] =	vst v2  }
0x111: {  	v57 =	vbroadcast v44, $0x9;
	v59 =	vbroadcast v45, $0x9;
	v2 =	vld.idx.msk [tilespmem:v56+s16+$0x0], $0xffff  }
0x112: {  	v5 =	vbroadcast v48, $0x5;
	v56 =	vbroadcast v51, $0x5;
	[tilespmem:s22+$0x2780] =	vst v4  }
0x113: {  	v0 =	vsel vm0, v0, v61;
	[tilespmem:s22+$0x1990] =	vst v3;
	v3 =	vsel vm0, v57, v59;
	v57 =	vmul.f32 v60, v34  }
0x114: {  	v61 =	vbroadcast v47, $0x4;
	v63 =	vbroadcast v39, $0x8;
	v5 =	vsel vm0, v5, v56;
	[tilespmem:s22+$0x1280] =	vst v58;
	v1 =	vld.idx.msk [tilespmem:v1+s16+$0x0], $0xffff  }
0x115: {  	v58 =	vbroadcast v55, $0x5;
	v4 =	vadd.s32 v32, v5;
	v5 =	vbroadcast v53, $0x5;
	[tilespmem:s22+$0x1FA0] =	vst v57  }
0x116: {  	v0 =	vadd.s32 v33, v0;
	v57 =	vbroadcast v52, $0x5;
	[tilespmem:s22+$0x1F90] =	vst v2;
	v2 =	vmul.f32 v61, v35  }
0x117: {  	v60 =	vbroadcast v49, $0x4;
	v5 =	vsel vm0, v5, v58  }
0x118: {  	v61 =	vbroadcast v50, $0x4;
	v56 =	vsel vm0, v56, v57;
	v57 =	vmul.f32 v63, v34;
	[tilespmem:s22+$0x1FB0] =	vst v2  }
0x119: {  	v5 =	vadd.s32 v32, v5;
	v2 =	vmul.f32 v60, v34;
	v60 =	vbroadcast v40, $0x8;
	[tilespmem:s22+$0x2790] =	vst v1  }
0x11a: {  	v62 =	vbroadcast v37, $0xA;
	v3 =	vadd.s32 v32, v3;
	v4 =	vld.idx.msk [tilespmem:v4+s16+$0x0], $0xffff;
	v1 =	vmul.f32 v61, v35;
	[tilespmem:s22+$0x19A0] =	vst v57  }
0x11b: {  	v0 =	vld.idx.msk [tilespmem:v0+s16+$0x0], $0xffff;
	v56 =	vadd.s32 v33, v56;
	[tilespmem:s22+$0x27A0] =	vst v2;
	v60 =	vmul.f32 v60, v35  }
0x11c: {  	v2 =	vbroadcast v54, $0x5;
	[tilespmem:s22+$0x27B0] =	vst v1;
	v1 =	vmul.f32 v62, v34  }
0x11d: {  	v57 =	vbroadcast v36, $0xA;
	[tilespmem:s22+$0x19B0] =	vst v60  }
0x11e: {  	v61 =	vbroadcast v43, $0x9;
	v2 =	vsel vm0, v58, v2;
	v5 =	vld.idx.msk [tilespmem:v5+s16+$0x0], $0xffff;
	v58 =	vbroadcast v41, $0xB;
	[tilespmem:s22+$0x12A0] =	vst v1  }
0x11f: {  	v60 =	vbroadcast v42, $0xB;
	v2 =	vadd.s32 v33, v2;
	v3 =	vld.idx.msk [tilespmem:v3+s16+$0x0], $0xffff;
	v1 =	vmul.f32 v57, v35;
	[tilespmem:s22+$0x2000] =	vst v4  }
0x120: {  	[tilespmem:s22+$0x1290] =	vst v0;
	v4 =	vbroadcast v48, $0x6;
	v0 =	vld.idx.msk [tilespmem:v56+s16+$0x0], $0xffff;
	v56 =	vbroadcast v51, $0x6  }
0x121: {  	v57 =	vsel vm0, v58, v60;
	v58 =	vsel vm0, v59, v61;
	v59 =	vbroadcast v46, $0x5  }
0x122: {  	v61 =	vbroadcast v47, $0x5;
	[tilespmem:s22+$0x12B0] =	vst v1;
	v57 =	vadd.s32 v32, v57;
	v4 =	vsel vm0, v4, v56  }
0x123: {  	[tilespmem:s22+$0x2800] =	vst v5;
	v5 =	vbroadcast v55, $0x6;
	v1 =	vadd.s32 v32, v4;
	v4 =	vbroadcast v53, $0x6  }
0x124: {  	v58 =	vadd.s32 v33, v58;
	v62 =	vmul.f32 v59, v34;
	v59 =	vbroadcast v49, $0x5;
	v2 =	vld.idx.msk [tilespmem:v2+s16+$0x0], $0xffff;
	[tilespmem:s22+$0x1A00] =	vst v3  }
0x125: {  	v3 =	vbroadcast v52, $0x6;
	[tilespmem:s22+$0x2010] =	vst v0;
	v0 =	vmul.f32 v61, v35;
	v4 =	vsel vm0, v4, v5  }
0x126: {  	[tilespmem:s22+$0x2020] =	vst v62;
	v63 =	vmul.f32 v59, v34;
	v61 =	vbroadcast v50, $0x5;
	v4 =	vadd.s32 v32, v4  }
0x127: {  	[tilespmem:s22+$0x2030] =	vst v0  }
0x128: {  	v3 =	vsel vm0, v56, v3;
	[tilespmem:s22+$0x2820] =	vst v63;
	v63 =	vbroadcast v54, $0x6;
	v62 =	vmul.f32 v61, v35;
	v1 =	vld.idx.msk [tilespmem:v1+s16+$0x0], $0xffff  }
0x129: {  	v56 =	vld.idx.msk [tilespmem:v57+s16+$0x0], $0xffff;
	v3 =	vadd.s32 v33, v3;
	[tilespmem:s22+$0x2810] =	vst v2  }
0x12a: {  	v57 =	vld.idx.msk [tilespmem:v58+s16+$0x0], $0xffff;
	v61 =	vbroadcast v38, $0xB;
	v0 =	vsel vm0, v5, v63;
	[tilespmem:s22+$0x2830] =	vst v62  }
0x12b: {  	v59 =	vbroadcast v45, $0xA;
	v5 =	vbroadcast v44, $0xA;
	v0 =	vadd.s32 v33, v0;
	v4 =	vld.idx.msk [tilespmem:v4+s16+$0x0], $0xffff  }
0x12c: {  	v62 =	vbroadcast v39, $0x9;
	v2 =	vsel vm0, v60, v61;
	v60 =	vbroadcast v40, $0x9  }
0x12d: {  	v63 =	vsel vm0, v5, v59;
	v5 =	vbroadcast v48, $0x7;
	v61 =	vbroadcast v46, $0x6;
	[tilespmem:s22+$0x2080] =	vst v1  }
0x12e: {  	[tilespmem:s22+$0x1300] =	vst v56;
	v56 =	vbroadcast v51, $0x7;
	v58 =	vmul.f32 v62, v34;
	v3 =	vld.idx.msk [tilespmem:v3+s16+$0x0], $0xffff  }
0x12f: {  	[tilespmem:s22+$0x1A10] =	vst v57;
	v2 =	vadd.s32 v33, v2;
	v57 =	vmul.f32 v60, v35;
	v60 =	vbroadcast v43, $0xA  }
0x130: {  	v62 =	vbroadcast v47, $0x6;
	v5 =	vsel vm0, v5, v56;
	v1 =	vadd.s32 v32, v63;
	[tilespmem:s22+$0x2880] =	vst v4  }
0x131: {  	[tilespmem:s22+$0x1A20] =	vst v58;
	v58 =	vbroadcast v55, $0x7;
	v4 =	vadd.s32 v32, v5;
	v5 =	vbroadcast v53, $0x7;
	v0 =	vld.idx.msk [tilespmem:v0+s16+$0x0], $0xffff  }
0x132: {  	[tilespmem:s22+$0x1A30] =	vst v57;
	v57 =	vsel vm0, v59, v60;
	v59 =	vmul.f32 v61, v34  }
0x133: {  	v60 =	vbroadcast v49, $0x6;
	v5 =	vsel vm0, v5, v58;
	[tilespmem:s22+$0x2090] =	vst v3;
	v3 =	vmul.f32 v62, v35  }
0x134: {  	v61 =	vbroadcast v50, $0x6;
	[tilespmem:s22+$0x20A0] =	vst v59;
	v59 =	vbroadcast v52, $0x7;
	v2 =	vld.idx.msk [tilespmem:v2+s16+$0x0], $0xffff;
	v5 =	vadd.s32 v32, v5  }
0x135: {  	v57 =	vadd.s32 v33, v57;
	v60 =	vmul.f32 v60, v34;
	v1 =	vld.idx.msk [tilespmem:v1+s16+$0x0], $0xffff;
	[tilespmem:s22+$0x20B0] =	vst v3  }
0x136: {  	v56 =	vsel vm0, v56, v59;
	v4 =	vld.idx.msk [tilespmem:v4+s16+$0x0], $0xffff;
	[tilespmem:s22+$0x2890] =	vst v0;
	v0 =	vmul.f32 v61, v35  }
0x137: {  	[tilespmem:s22+$0x28A0] =	vst v60;
	v56 =	vadd.s32 v33, v56;
	v3 =	vbroadcast v54, $0x7  }
0x138: {  	v60 =	vbroadcast v36, $0xB;
	[tilespmem:s22+$0x28B0] =	vst v0  }
0x139: {  	v63 =	vbroadcast v41, $0xC;
	v59 =	vbroadcast v37, $0xB;
	[tilespmem:s22+$0x1310] =	vst v2;
	v62 =	vsel vm0, v58, v3;
	v3 =	vld.idx.msk [tilespmem:v5+s16+$0x0], $0xffff  }
0x13a: {  	v61 =	vbroadcast v46, $0x7;
	v58 =	vmul.f32 v60, v35;
	[tilespmem:s22+$0x1A80] =	vst v1;
	v0 =	vadd.s32 v33, v62  }
0x13b: {  	v60 =	vbroadcast v45, $0xB;
	v57 =	vld.idx.msk [tilespmem:v57+s16+$0x0], $0xffff;
	v5 =	vmul.f32 v59, v34;
	[tilespmem:s22+$0x2100] =	vst v4  }
0x13c: {  	[tilespmem:s22+$0x1330] =	vst v58;
	v4 =	vbroadcast v48, $0x8;
	v2 =	vld.idx.msk [tilespmem:v56+s16+$0x0], $0xffff;
	v56 =	vbroadcast v51, $0x8  }
0x13d: {  	v62 =	vbroadcast v47, $0x7;
	v59 =	vbroadcast v42, $0xC;
	[tilespmem:s22+$0x1320] =	vst v5  }
0x13e: {  	v58 =	vbroadcast v55, $0x8;
	v5 =	vbroadcast v44, $0xB;
	v4 =	vsel vm0, v4, v56;
	[tilespmem:s22+$0x2900] =	vst v3  }
0x13f: {  	v1 =	vsel vm0, v63, v59;
	v3 =	vadd.s32 v32, v4;
	v0 =	vld.idx.msk [tilespmem:v0+s16+$0x0], $0xffff;
	v4 =	vbroadcast v53, $0x8  }
0x140: {  	v63 =	vbroadcast v39, $0xA;
	[tilespmem:s22+$0x1A90] =	vst v57;
	v5 =	vsel vm0, v5, v60;
	v57 =	vmul.f32 v61, v34  }
0x141: {  	v61 =	vbroadcast v49, $0x7;
	[tilespmem:s22+$0x2110] =	vst v2;
	v2 =	vmul.f32 v62, v35;
	v4 =	vsel vm0, v4, v58  }
0x142: {  	[tilespmem:s22+$0x2120] =	vst v57;
	v57 =	vbroadcast v52, $0x8;
	v62 =	vbroadcast v50, $0x7;
	v4 =	vadd.s32 v32, v4  }
0x143: {  	v1 =	vadd.s32 v32, v1;
	v5 =	vadd.s32 v32, v5;
	[tilespmem:s22+$0x2130] =	vst v2;
	v2 =	vmul.f32 v61, v34  }
0x144: {  	v56 =	vsel vm0, v56, v57;
	v61 =	vbroadcast v40, $0xA;
	v3 =	vld.idx.msk [tilespmem:v3+s16+$0x0], $0xffff;
	[tilespmem:s22+$0x2910] =	vst v0;
	v0 =	vmul.f32 v62, v35  }
0x145: {  	v57 =	vmul.f32 v63, v34;
	v56 =	vadd.s32 v33, v56;
	[tilespmem:s22+$0x2920] =	vst v2;
	v2 =	vbroadcast v54, $0x8  }
0x146: {  	v61 =	vmul.f32 v61, v35;
	[tilespmem:s22+$0x2930] =	vst v0  }
0x147: {  	[tilespmem:s22+$0x1AA0] =	vst v57;
	v58 =	vsel vm0, v58, v2;
	v2 =	vld.idx.msk [tilespmem:v4+s16+$0x0], $0xffff  }
0x148: {  	v1 =	vld.idx.msk [tilespmem:v1+s16+$0x0], $0xffff;
	v4 =	vbroadcast v38, $0xC;
	[tilespmem:s22+$0x1AB0] =	vst v61;
	v0 =	vadd.s32 v33, v58  }
0x149: {  	v61 =	vbroadcast v43, $0xB;
	v5 =	vld.idx.msk [tilespmem:v5+s16+$0x0], $0xffff;
	[tilespmem:s22+$0x2180] =	vst v3  }
0x14a: {  	v58 =	vbroadcast v51, $0x9;
	v62 =	vsel vm0, v59, v4;
	v4 =	vld.idx.msk [tilespmem:v56+s16+$0x0], $0xffff;
	v56 =	vbroadcast v48, $0x9  }
0x14b: {  	v63 =	vbroadcast v53, $0x9;
	v57 =	vsel vm0, v60, v61  }
0x14c: {  	v59 =	vbroadcast v46, $0x8;
	v3 =	vadd.s32 v33, v62;
	v56 =	vsel vm0, v56, v58;
	[tilespmem:s22+$0x2980] =	vst v2  }
0x14d: {  	[tilespmem:s22+$0x1380] =	vst v1;
	v60 =	vbroadcast v47, $0x8;
	v1 =	vadd.s32 v32, v56;
	v0 =	vld.idx.msk [tilespmem:v0+s16+$0x0], $0xffff;
	v56 =	vbroadcast v55, $0x9  }
0x14e: {  	v57 =	vadd.s32 v33, v57;
	[tilespmem:s22+$0x1B00] =	vst v5;
	v5 =	vmul.f32 v59, v34  }
0x14f: {  	v59 =	vbroadcast v49, $0x8;
	[tilespmem:s22+$0x2190] =	vst v4;
	v4 =	vmul.f32 v60, v35;
	v2 =	vsel vm0, v63, v56  }
0x150: {  	[tilespmem:s22+$0x21A0] =	vst v5;
	v5 =	vbroadcast v52, $0x9;
	v60 =	vbroadcast v50, $0x8;
	v2 =	vadd.s32 v32, v2  }
0x151: {  	v61 =	vbroadcast v37, $0xC;
	v3 =	vld.idx.msk [tilespmem:v3+s16+$0x0], $0xffff;
	[tilespmem:s22+$0x21B0] =	vst v4;
	v4 =	vmul.f32 v59, v34  }
0x152: {  	v5 =	vsel vm0, v58, v5;
	v62 =	vmul.f32 v60, v35;
	v1 =	vld.idx.msk [tilespmem:v1+s16+$0x0], $0xffff;
	[tilespmem:s22+$0x2990] =	vst v0  }
0x153: {  	v57 =	vld.idx.msk [tilespmem:v57+s16+$0x0], $0xffff;
	v58 =	vmul.f32 v61, v34;
	v5 =	vadd.s32 v33, v5;
	[tilespmem:s22+$0x29A0] =	vst v4;
	v4 =	vbroadcast v54, $0x9  }
0x154: {  	v59 =	vbroadcast v41, $0xD;
	v60 =	vbroadcast v39, $0xB;
	[tilespmem:s22+$0x29B0] =	vst v62  }
0x155: {  	v61 =	vbroadcast v40, $0xB;
	v0 =	vbroadcast v42, $0xD;
	[tilespmem:s22+$0x13A0] =	vst v58;
	v4 =	vsel vm0, v56, v4;
	v2 =	vld.idx.msk [tilespmem:v2+s16+$0x0], $0xffff  }
0x156: {  	[tilespmem:s22+$0x1390] =	vst v3;
	v3 =	vbroadcast v44, $0xC;
	v56 =	vbroadcast v45, $0xC;
	v4 =	vadd.s32 v33, v4  }
0x157: {  	v60 =	vmul.f32 v60, v34;
	v58 =	vbroadcast v51, $0xA;
	[tilespmem:s22+$0x2200] =	vst v1  }
0x158: {  	v62 =	vbroadcast v46, $0x9;
	[tilespmem:s22+$0x1B10] =	vst v57;
	v63 =	vsel vm0, v3, v56;
	v3 =	vld.idx.msk [tilespmem:v5+s16+$0x0], $0xffff;
	v5 =	vbroadcast v48, $0xA  }
0x159: {  	v59 =	vsel vm0, v59, v0;
	v57 =	vmul.f32 v61, v35;
	[tilespmem:s22+$0x1B20] =	vst v60;
	v1 =	vadd.s32 v32, v63  }
0x15a: {  	v61 =	vbroadcast v43, $0xC;
	v60 =	vbroadcast v55, $0xA;
	v5 =	vsel vm0, v5, v58;
	[tilespmem:s22+$0x2A00] =	vst v2  }
0x15b: {  	v63 =	vbroadcast v47, $0x9;
	v2 =	vadd.s32 v32, v5;
	v4 =	vld.idx.msk [tilespmem:v4+s16+$0x0], $0xffff;
	v5 =	vbroadcast v53, $0xA  }
0x15c: {  	v59 =	vadd.s32 v32, v59;
	[tilespmem:s22+$0x1B30] =	vst v57;
	v57 =	vmul.f32 v62, v34;
	v56 =	vsel vm0, v56, v61  }
0x15d: {  	v61 =	vbroadcast v49, $0x9;
	[tilespmem:s22+$0x2210] =	vst v3;
	v3 =	vmul.f32 v63, v35;
	v5 =	vsel vm0, v5, v60  }
0x15e: {  	v62 =	vbroadcast v50, $0x9;
	[tilespmem:s22+$0x2220] =	vst v57;
	v57 =	vbroadcast v52, $0xA;
	v1 =	vld.idx.msk [tilespmem:v1+s16+$0x0], $0xffff;
	v5 =	vadd.s32 v32, v5  }
0x15f: {  	v56 =	vadd.s32 v33, v56;
	v61 =	vmul.f32 v61, v34;
	v63 =	vbroadcast v36, $0xC;
	[tilespmem:s22+$0x2230] =	vst v3  }
0x160: {  	v57 =	vsel vm0, v58, v57;
	v2 =	vld.idx.msk [tilespmem:v2+s16+$0x0], $0xffff;
	[tilespmem:s22+$0x2A10] =	vst v4;
	v4 =	vmul.f32 v62, v35  }
0x161: {  	v57 =	vadd.s32 v33, v57;
	[tilespmem:s22+$0x2A20] =	vst v61;
	v62 =	vmul.f32 v63, v35;
	v63 =	vbroadcast v54, $0xA  }
0x162: {  	[tilespmem:s22+$0x2A30] =	vst v4  }
0x163: {  	v3 =	vsel vm0, v60, v63;
	[tilespmem:s22+$0x1B80] =	vst v1;
	v4 =	vld.idx.msk [tilespmem:v5+s16+$0x0], $0xffff  }
0x164: {  	v61 =	vbroadcast v38, $0xD;
	[tilespmem:s22+$0x13B0] =	vst v62;
	v1 =	vadd.s32 v33, v3;
	v56 =	vld.idx.msk [tilespmem:v56+s16+$0x0], $0xffff  }
0x165: {  	v5 =	vld.idx.msk [tilespmem:v59+s16+$0x0], $0xffff;
	[tilespmem:s22+$0x2280] =	vst v2  }
0x166: {  	v0 =	vsel vm0, v0, v61;
	v59 =	vbroadcast v51, $0xB;
	v2 =	vld.idx.msk [tilespmem:v57+s16+$0x0], $0xffff;
	v57 =	vbroadcast v48, $0xB  }
0x167: {  	v61 =	vbroadcast v46, $0xA;
	v0 =	vadd.s32 v33, v0;
	v62 =	vbroadcast v47, $0xA  }
0x168: {  	v60 =	vbroadcast v45, $0xD;
	v3 =	vbroadcast v44, $0xD;
	v57 =	vsel vm0, v57, v59;
	[tilespmem:s22+$0x2A80] =	vst v4  }
0x169: {  	[tilespmem:s22+$0x1B90] =	vst v56;
	v56 =	vmul.f32 v61, v34;
	v61 =	vmul.f32 v62, v35;
	v1 =	vld.idx.msk [tilespmem:v1+s16+$0x0], $0xffff  }
0x16a: {  	[tilespmem:s22+$0x1400] =	vst v5;
	v5 =	vbroadcast v53, $0xB;
	v4 =	vadd.s32 v32, v57;
	v57 =	vbroadcast v55, $0xB  }
0x16b: {  	v63 =	vbroadcast v39, $0xC;
	v3 =	vsel vm0, v3, v60;
	[tilespmem:s22+$0x22B0] =	vst v61;
	v61 =	vbroadcast v40, $0xC  }
0x16c: {  	v62 =	vbroadcast v49, $0xA;
	[tilespmem:s22+$0x2290] =	vst v2;
	v2 =	vbroadcast v52, $0xB;
	v5 =	vsel vm0, v5, v57  }
0x16d: {  	[tilespmem:s22+$0x22A0] =	vst v56;
	v56 =	vbroadcast v50, $0xA;
	v5 =	vadd.s32 v32, v5;
	v61 =	vmul.f32 v61, v35  }
0x16e: {  	v3 =	vadd.s32 v32, v3;
	v2 =	vsel vm0, v59, v2;
	v59 =	vmul.f32 v62, v34;
	[tilespmem:s22+$0x2A90] =	vst v1  }
0x16f: {  	v1 =	vmul.f32 v56, v35;
	[tilespmem:s22+$0x1BB0] =	vst v61  }
0x170: {  	v58 =	vbroadcast v37, $0xD;
	v4 =	vld.idx.msk [tilespmem:v4+s16+$0x0], $0xffff;
	v56 =	vmul.f32 v63, v34;
	[tilespmem:s22+$0x2AA0] =	vst v59  }
0x171: {  	v0 =	vld.idx.msk [tilespmem:v0+s16+$0x0], $0xffff;
	v2 =	vadd.s32 v33, v2;
	v59 =	vbroadcast v54, $0xB;
	[tilespmem:s22+$0x2AB0] =	vst v1  }
0x172: {  	v1 =	vmul.f32 v58, v34;
	[tilespmem:s22+$0x1BA0] =	vst v56;
	v58 =	vbroadcast v41, $0xE;
	v5 =	vld.idx.msk [tilespmem:v5+s16+$0x0], $0xffff  }
0x173: {  	v62 =	vsel vm0, v57, v59;
	v57 =	vbroadcast v36, $0xD;
	v59 =	vbroadcast v42, $0xE;
	v3 =	vld.idx.msk [tilespmem:v3+s16+$0x0], $0xffff  }
0x174: {  	v61 =	vbroadcast v43, $0xD;
	v56 =	vadd.s32 v33, v62;
	[tilespmem:s22+$0x1420] =	vst v1  }
0x175: {  	[tilespmem:s22+$0x2300] =	vst v4;
	v4 =	vbroadcast v51, $0xC;
	v1 =	vmul.f32 v57, v35;
	v57 =	vsel vm0, v58, v59  }
0x176: {  	[tilespmem:s22+$0x1410] =	vst v0;
	v58 =	vsel vm0, v60, v61;
	v60 =	vbroadcast v46, $0xB;
	v0 =	vld.idx.msk [tilespmem:v2+s16+$0x0], $0xffff;
	v2 =	vbroadcast v48, $0xC  }
0x177: {  	v61 =	vbroadcast v47, $0xB;
	v57 =	vadd.s32 v32, v57;
	v58 =	vadd.s32 v33, v58;
	[tilespmem:s22+$0x2B00] =	vst v5  }
0x178: {  	v2 =	vsel vm0, v2, v4;
	v5 =	vbroadcast v53, $0xC;
	[tilespmem:s22+$0x1C00] =	vst v3;
	v3 =	vmul.f32 v60, v34  }
0x179: {  	[tilespmem:s22+$0x1430] =	vst v1;
	v60 =	vbroadcast v49, $0xB;
	v1 =	vadd.s32 v32, v2;
	v2 =	vld.idx.msk [tilespmem:v56+s16+$0x0], $0xffff;
	v56 =	vbroadcast v55, $0xC  }
0x17a: {  	[tilespmem:s22+$0x2320] =	vst v3;
	v3 =	vbroadcast v52, $0xC  }
0x17b: {  	v63 =	vmul.f32 v60, v34;
	[tilespmem:s22+$0x2310] =	vst v0;
	v0 =	vmul.f32 v61, v35;
	v5 =	vsel vm0, v5, v56  }
0x17c: {  	v61 =	vbroadcast v50, $0xB;
	v5 =	vadd.s32 v32, v5;
	v3 =	vsel vm0, v4, v3;
	v4 =	vld.idx.msk [tilespmem:v57+s16+$0x0], $0xffff  }
0x17d: {  	[tilespmem:s22+$0x2B20] =	vst v63;
	v57 =	vld.idx.msk [tilespmem:v58+s16+$0x0], $0xffff;
	v58 =	vbroadcast v39, $0xD  }
0x17e: {  	[tilespmem:s22+$0x2330] =	vst v0;
	v60 =	vmul.f32 v61, v35  }
0x17f: {  	v61 =	vbroadcast v54, $0xC;
	v1 =	vld.idx.msk [tilespmem:v1+s16+$0x0], $0xffff;
	[tilespmem:s22+$0x2B10] =	vst v2;
	v58 =	vmul.f32 v58, v34  }
0x180: {  	v62 =	vbroadcast v40, $0xD;
	v3 =	vadd.s32 v33, v3;
	v2 =	vbroadcast v38, $0xE;
	[tilespmem:s22+$0x2B30] =	vst v60  }
0x181: {  	v0 =	vsel vm0, v56, v61;
	v56 =	vbroadcast v44, $0xE;
	v60 =	vbroadcast v45, $0xE;
	[tilespmem:s22+$0x1C20] =	vst v58;
	v5 =	vld.idx.msk [tilespmem:v5+s16+$0x0], $0xffff  }
0x182: {  	v61 =	vbroadcast v46, $0xC;
	v0 =	vadd.s32 v33, v0;
	[tilespmem:s22+$0x1480] =	vst v4;
	v4 =	vbroadcast v48, $0xD  }
0x183: {  	v63 =	vsel vm0, v56, v60;
	v56 =	vbroadcast v51, $0xD;
	[tilespmem:s22+$0x1C10] =	vst v57;
	v57 =	vmul.f32 v62, v35  }
0x184: {  	v2 =	vsel vm0, v59, v2;
	v59 =	vbroadcast v43, $0xE;
	[tilespmem:s22+$0x2380] =	vst v1;
	v1 =	vadd.s32 v32, v63  }
0x185: {  	v58 =	vbroadcast v55, $0xD;
	v62 =	vbroadcast v47, $0xC;
	v4 =	vsel vm0, v4, v56;
	[tilespmem:s22+$0x1C30] =	vst v57;
	v3 =	vld.idx.msk [tilespmem:v3+s16+$0x0], $0xffff  }
0x186: {  	v57 =	vmul.f32 v61, v34;
	v4 =	vadd.s32 v32, v4;
	[tilespmem:s22+$0x2B80] =	vst v5;
	v5 =	vbroadcast v53, $0xD  }
0x187: {  	v2 =	vadd.s32 v33, v2;
	v61 =	vmul.f32 v62, v35;
	v62 =	vbroadcast v49, $0xC  }
0x188: {  	v59 =	vsel vm0, v60, v59;
	v60 =	vbroadcast v50, $0xC;
	[tilespmem:s22+$0x23A0] =	vst v57;
	v0 =	vld.idx.msk [tilespmem:v0+s16+$0x0], $0xffff;
	v5 =	vsel vm0, v5, v58  }
0x189: {  	[tilespmem:s22+$0x23B0] =	vst v61;
	v62 =	vmul.f32 v62, v34;
	v1 =	vld.idx.msk [tilespmem:v1+s16+$0x0], $0xffff;
	v5 =	vadd.s32 v32, v5  }
0x18a: {  	v59 =	vadd.s32 v33, v59;
	v63 =	vmul.f32 v60, v35;
	[tilespmem:s22+$0x2390] =	vst v3;
	v3 =	vbroadcast v52, $0xD  }
0x18b: {  	[tilespmem:s22+$0x2BA0] =	vst v62;
	v4 =	vld.idx.msk [tilespmem:v4+s16+$0x0], $0xffff  }
0x18c: {  	v41 =	vbroadcast v41, $0xF;
	v2 =	vld.idx.msk [tilespmem:v2+s16+$0x0], $0xffff;
	[tilespmem:s22+$0x2BB0] =	vst v63;
	v3 =	vsel vm0, v56, v3  }
0x18d: {  	v42 =	vbroadcast v42, $0xF;
	v60 =	vbroadcast v54, $0xD;
	[tilespmem:s22+$0x2B90] =	vst v0;
	v3 =	vadd.s32 v33, v3  }
0x18e: {  	v44 =	vbroadcast v44, $0xF;
	v62 =	vbroadcast v36, $0xE;
	[tilespmem:s22+$0x1C80] =	vst v1;
	v5 =	vld.idx.msk [tilespmem:v5+s16+$0x0], $0xffff  }
0x18f: {  	v61 =	vbroadcast v37, $0xE;
	v56 =	vsel vm0, v58, v60;
	v60 =	vbroadcast v48, $0xE;
	v63 =	vld.idx.msk [tilespmem:v59+s16+$0x0], $0xffff  }
0x190: {  	v0 =	vmul.f32 v62, v35;
	[tilespmem:s22+$0x2400] =	vst v4;
	v4 =	vbroadcast v51, $0xE  }
0x191: {  	v45 =	vbroadcast v45, $0xF;
	v57 =	vmul.f32 v61, v34;
	[tilespmem:s22+$0x1490] =	vst v2;
	v1 =	vadd.s32 v33, v56  }
0x192: {  	v61 =	vbroadcast v46, $0xD;
	v62 =	vbroadcast v47, $0xD;
	[tilespmem:s22+$0x14B0] =	vst v0;
	v2 =	vld.idx.msk [tilespmem:v3+s16+$0x0], $0xffff;
	v3 =	vsel vm0, v60, v4  }
0x193: {  	v60 =	vbroadcast v52, $0xE;
	v0 =	vadd.s32 v32, v3;
	v3 =	vbroadcast v53, $0xE;
	[tilespmem:s22+$0x2C00] =	vst v5  }
0x194: {  	v41 =	vsel vm0, v41, v42;
	v5 =	vbroadcast v55, $0xE;
	[tilespmem:s22+$0x1C90] =	vst v63;
	v63 =	vmul.f32 v61, v34  }
0x195: {  	v41 =	vadd.s32 v32, v41;
	[tilespmem:s22+$0x14A0] =	vst v57;
	v61 =	vmul.f32 v62, v35;
	v62 =	vbroadcast v49, $0xD  }
0x196: {  	v44 =	vsel vm0, v44, v45;
	v4 =	vsel vm0, v4, v60;
	v60 =	vbroadcast v39, $0xE;
	v1 =	vld.idx.msk [tilespmem:v1+s16+$0x0], $0xffff;
	[tilespmem:s22+$0x2420] =	vst v63  }
0x197: {  	v3 =	vsel vm0, v3, v5;
	v63 =	vbroadcast v50, $0xD;
	[tilespmem:s22+$0x2430] =	vst v61;
	v61 =	vmul.f32 v62, v34  }
0x198: {  	v62 =	vbroadcast v40, $0xE;
	[tilespmem:s22+$0x2410] =	vst v2;
	v3 =	vadd.s32 v32, v3;
	v2 =	vmul.f32 v60, v34  }
0x199: {  	v44 =	vadd.s32 v32, v44;
	v56 =	vmul.f32 v63, v35;
	[tilespmem:s22+$0x2C20] =	vst v61;
	v63 =	vbroadcast v54, $0xE  }
0x19a: {  	v4 =	vadd.s32 v33, v4;
	v0 =	vld.idx.msk [tilespmem:v0+s16+$0x0], $0xffff;
	[tilespmem:s22+$0x1CA0] =	vst v2  }
0x19b: {  	[tilespmem:s22+$0x2C10] =	vst v1;
	v1 =	vmul.f32 v62, v35;
	v60 =	vsel vm0, v5, v63;
	v5 =	vld.idx.msk [tilespmem:v41+s16+$0x0], $0xffff  }
0x19c: {  	v61 =	vbroadcast v38, $0xF;
	[tilespmem:s22+$0x2C30] =	vst v56  }
0x19d: {  	v58 =	vbroadcast v46, $0xE;
	v62 =	vbroadcast v43, $0xF;
	v3 =	vld.idx.msk [tilespmem:v3+s16+$0x0], $0xffff;
	[tilespmem:s22+$0x1CB0] =	vst v1  }
0x19e: {  	v36 =	vbroadcast v36, $0xF;
	v2 =	vadd.s32 v33, v60;
	v1 =	vsel vm0, v42, v61;
	v63 =	vld.idx.msk [tilespmem:v44+s16+$0x0], $0xffff  }
0x19f: {  	[tilespmem:s22+$0x2480] =	vst v0;
	v1 =	vadd.s32 v33, v1;
	v0 =	vsel vm0, v45, v62;
	v62 =	vmul.f32 v58, v34  }
0x1a0: {  	v57 =	vbroadcast v51, $0xF;
	v56 =	vbroadcast v48, $0xF;
	v4 =	vld.idx.msk [tilespmem:v4+s16+$0x0], $0xffff;
	[tilespmem:s22+$0x1500] =	vst v5  }
0x1a1: {  	v59 =	vbroadcast v47, $0xE;
	v0 =	vadd.s32 v33, v0;
	[tilespmem:s22+$0x24A0] =	vst v62  }
0x1a2: {  	v41 =	vsel vm0, v56, v57;
	v61 =	vbroadcast v55, $0xF;
	v55 =	vmul.f32 v36, v35;
	[tilespmem:s22+$0x2C80] =	vst v3  }
0x1a3: {  	v60 =	vbroadcast v53, $0xF;
	v45 =	vbroadcast v50, $0xE;
	v5 =	vadd.s32 v32, v41;
	v2 =	vld.idx.msk [tilespmem:v2+s16+$0x0], $0xffff;
	[tilespmem:s22+$0x1D00] =	vst v63  }
0x1a4: {  	v3 =	vmul.f32 v59, v35;
	v1 =	vld.idx.msk [tilespmem:v1+s16+$0x0], $0xffff;
	v63 =	vbroadcast v52, $0xF;
	[tilespmem:s22+$0x1530] =	vst v55  }
0x1a5: {  	v41 =	vsel vm0, v60, v61;
	v52 =	vmul.f32 v45, v35;
	[tilespmem:s22+$0x2490] =	vst v4;
	v4 =	vbroadcast v49, $0xE  }
0x1a6: {  	v41 =	vadd.s32 v32, v41;
	[tilespmem:s22+$0x24B0] =	vst v3;
	v0 =	vld.idx.msk [tilespmem:v0+s16+$0x0], $0xffff  }
0x1a7: {  	[tilespmem:s22+$0x2CB0] =	vst v52;
	v48 =	vmul.f32 v4, v34  }
0x1a8: {  	v51 =	vbroadcast v37, $0xF;
	v5 =	vld.idx.msk [tilespmem:v5+s16+$0x0], $0xffff;
	v4 =	vsel vm0, v57, v63;
	[tilespmem:s22+$0x2C90] =	vst v2  }
0x1a9: {  	v53 =	vadd.s32 v33, v4;
	v4 =	vbroadcast v54, $0xF;
	[tilespmem:s22+$0x2CA0] =	vst v48  }
0x1aa: {  	v56 =	vbroadcast v40, $0xF;
	v2 =	vmul.f32 v51, v34;
	[tilespmem:s22+$0x1510] =	vst v1  }
0x1ab: {  	v58 =	vbroadcast v47, $0xF;
	v54 =	vsel vm0, v61, v4;
	v4 =	vld.idx.msk [tilespmem:v41+s16+$0x0], $0xffff;
	[tilespmem:s22+$0x1D10] =	vst v0  }
0x1ac: {  	[tilespmem:s22+$0x1520] =	vst v2;
	v1 =	vadd.s32 v33, v54;
	v2 =	vmul.f32 v56, v35  }
0x1ad: {  	v0 =	vmul.f32 v58, v35;
	[tilespmem:s22+$0x2500] =	vst v5;
	v5 =	vbroadcast v39, $0xF  }
0x1ae: {  	v60 =	vbroadcast v49, $0xF;
	[tilespmem:s22+$0x1D30] =	vst v2  }
0x1af: {  	v61 =	vbroadcast v50, $0xF;
	v3 =	vld.idx.msk [tilespmem:v53+s16+$0x0], $0xffff;
	v57 =	vmul.f32 v5, v34;
	[tilespmem:s22+$0x2530] =	vst v0  }
0x1b0: {  	v62 =	vmul.f32 v60, v34;
	[tilespmem:s22+$0x2D00] =	vst v4  }
0x1b1: {  	p0 =	slt.u32 s21, $0xC;
	v63 =	vmul.f32 v61, v35;
	v4 =	vbroadcast v46, $0xF;
	[tilespmem:s22+$0x1D20] =	vst v57;
	v1 =	vld.idx.msk [tilespmem:v1+s16+$0x0], $0xffff  }
.Ltmp0:
0x1b2: {  	[tilespmem:s22+$0x2D20] =	vst v62;
	(pc) =	sbr.rel @p0 .LBB2_2-.Ltmp0, $4  }
0x1b3: {  	[tilespmem:s22+$0x2D30] =	vst v63;
	v59 =	vmul.f32 v4, v34  }
0x1b4: {  	[tilespmem:s22+$0x2510] =	vst v3  }
0x1b5: {  	s31 =	sadd.s32 $0x4, s21;
	[tilespmem:s22+$0x2520] =	vst v59  }
0x1b6: {  	s21 =	smov.u32 s31;
	[tilespmem:s22+$0x2D10] =	vst v1  }
0x1b7: {  	[hbm4b:s8+s3] =	stream.linear.scatter [tilespmem:s18], [sflag:$0x1], $0x8000, $0x38;
	[tilespmem:$0x10D80] =	vst v63  }
0x1b8: {  	s21 =	simm.s32 $0x10  }
.LBB2_4:
0x1b9: {  	s23 =	sshll.u32 s21, $0x4  }
0x1ba: {  	v0 =	vld [tilespmem:s23+$0x200]  }
0x1bb: {  	v1 =	vld [tilespmem:s23+$0x0];
	_ =	sdelay $0x3  }
0x1bc: {  	v0 =	vmul.u32 $0x11, v0  }
0x1bd: {  	v60 =	vld [tilespmem:s23+$0x400];
	v41 =	vmul.u32 $0x9, v1  }
0x1be: {  	v42 =	vadd.s32 $0x20, v0  }
0x1bf: {  	v61 =	vbroadcast v41, $0x0;
	v2 =	vbroadcast v42, $0x0;
	_ =	sdelay $0x1  }
0x1c0: {  	v0 =	vsel vm0, v61, v2  }
0x1c1: {  	v1 =	vmul.u32 $0x9, v60;
	v0 =	vadd.s32 v32, v0;
	_ =	sdelay $0x1  }
0x1c2: {  	v38 =	vadd.s32 $0xA8, v1  }
0x1c3: {  	v1 =	vbroadcast v38, $0x0  }
0x1c4: {  	v37 =	vld [tilespmem:s23+$0x600]  }
0x1c5: {  	v1 =	vsel vm0, v2, v1;
	v0 =	vld.idx.msk [tilespmem:v0+s16+$0x0], $0xffff  }
0x1c6: {  	v36 =	vld [tilespmem:s23+$0x800];
	v1 =	vadd.s32 v33, v1;
	_ =	sdelay $0x1  }
0x1c7: {  	s22 =	sshll.u32 s21, $0xB  }
0x1c8: {  	s22 =	sand.u32 $0x3FFFF800, s22;
	v62 =	vbroadcast v41, $0x1;
	v63 =	vbroadcast v42, $0x1  }
0x1c9: {  	v3 =	vbroadcast v37, $0x0;
	[tilespmem:s22+$0xD80] =	vst v0  }
0x1ca: {  	v4 =	vbroadcast v36, $0x0;
	v0 =	vld.idx.msk [tilespmem:v1+s16+$0x0], $0xffff;
	v1 =	vsel vm0, v62, v63  }
0x1cb: {  	v3 =	vmul.f32 v3, v34;
	v1 =	vadd.s32 v32, v1  }
0x1cc: {  	v39 =	vmul.f32 v4, v35  }
0x1cd: {  	[tilespmem:s22+$0xDA0] =	vst v3  }
0x1ce: {  	v40 =	vbroadcast v38, $0x1;
	[tilespmem:s22+$0xDB0] =	vst v39  }
0x1cf: {  	[tilespmem:s22+$0xD90] =	vst v0  }
0x1d0: {  	v43 =	vsel vm0, v63, v40;
	v1 =	vld.idx.msk [tilespmem:v1+s16+$0x0], $0xffff  }
0x1d1: {  	v0 =	vadd.s32 v33, v43;
	_ =	sdelay $0x2  }
0x1d2: {  	v44 =	vbroadcast v41, $0x2;
	v45 =	vbroadcast v42, $0x2  }
0x1d3: {  	v46 =	vbroadcast v37, $0x1;
	[tilespmem:s22+$0xE00] =	vst v1  }
0x1d4: {  	v4 =	vbroadcast v36, $0x1;
	v1 =	vsel vm0, v44, v45;
	v0 =	vld.idx.msk [tilespmem:v0+s16+$0x0], $0xffff  }
0x1d5: {  	v3 =	vmul.f32 v46, v34;
	v1 =	vadd.s32 v32, v1  }
0x1d6: {  	v47 =	vmul.f32 v4, v35  }
0x1d7: {  	[tilespmem:s22+$0xE20] =	vst v3  }
0x1d8: {  	s24 =	sor.u32 $0x10, s23;
	v50 =	vld [tilespmem:s23+$0x210];
	v48 =	vbroadcast v38, $0x2;
	[tilespmem:s22+$0xE30] =	vst v47  }
0x1d9: {  	v51 =	vld [tilespmem:s24+$0x0];
	[tilespmem:s22+$0xE10] =	vst v0  }
0x1da: {  	v49 =	vsel vm0, v45, v48;
	v1 =	vld.idx.msk [tilespmem:v1+s16+$0x0], $0xffff  }
0x1db: {  	v0 =	vadd.s32 v33, v49;
	_ =	sdelay $0x1  }
0x1dc: {  	v5 =	vbroadcast v42, $0x3  }
0x1dd: {  	v4 =	vbroadcast v41, $0x3;
	v2 =	vmul.u32 $0x11, v50;
	v39 =	vbroadcast v36, $0x2  }
0x1de: {  	v53 =	vld [tilespmem:s23+$0x410];
	v52 =	vbroadcast v37, $0x2;
	v44 =	vmul.u32 $0x9, v51;
	[tilespmem:s22+$0xE80] =	vst v1  }
0x1df: {  	v4 =	vsel vm0, v4, v5;
	v55 =	vmul.f32 v39, v35;
	v45 =	vadd.s32 $0x20, v2;
	v0 =	vld.idx.msk [tilespmem:v0+s16+$0x0], $0xffff  }
0x1e0: {  	v4 =	vadd.s32 v32, v4;
	v40 =	vbroadcast v45, $0x0;
	v54 =	vbroadcast v44, $0x0  }
0x1e1: {  	v1 =	vmul.f32 v52, v34  }
0x1e2: {  	v2 =	vsel vm0, v54, v40;
	[tilespmem:s22+$0xEB0] =	vst v55  }
0x1e3: {  	v57 =	vmul.u32 $0x9, v53;
	v56 =	vbroadcast v38, $0x3;
	v2 =	vadd.s32 v32, v2;
	[tilespmem:s22+$0xEA0] =	vst v1  }
0x1e4: {  	[tilespmem:s22+$0xE90] =	vst v0  }
0x1e5: {  	v43 =	vadd.s32 $0xA8, v57;
	v1 =	vsel vm0, v5, v56;
	v58 =	vld.idx.msk [tilespmem:v4+s16+$0x0], $0xffff  }
0x1e6: {  	v1 =	vadd.s32 v33, v1;
	v0 =	vbroadcast v43, $0x0  }
0x1e7: {  	v39 =	vld [tilespmem:s23+$0x610]  }
0x1e8: {  	v2 =	vld.idx.msk [tilespmem:v2+s16+$0x0], $0xffff;
	v0 =	vsel vm0, v40, v0  }
0x1e9: {  	v59 =	vbroadcast v41, $0x4;
	v4 =	vbroadcast v42, $0x4;
	v40 =	vld [tilespmem:s23+$0x810];
	v0 =	vadd.s32 v33, v0  }
0x1ea: {  	v5 =	vbroadcast v37, $0x3;
	[tilespmem:s22+$0xF00] =	vst v58  }
0x1eb: {  	s24 =	sshll.u32 s24, $0x7;
	v46 =	vbroadcast v36, $0x3;
	v47 =	vbroadcast v45, $0x1;
	v3 =	vsel vm0, v59, v4;
	v1 =	vld.idx.msk [tilespmem:v1+s16+$0x0], $0xffff  }
0x1ec: {  	s24 =	sand.u32 $0x3FFFF800, s24;
	v61 =	vbroadcast v44, $0x1;
	v5 =	vmul.f32 v5, v34;
	v60 =	vadd.s32 v32, v3  }
0x1ed: {  	v62 =	vmul.f32 v46, v35;
	v63 =	vbroadcast v39, $0x0;
	[tilespmem:s24+$0xD80] =	vst v2  }
0x1ee: {  	v3 =	vsel vm0, v61, v47;
	[tilespmem:s22+$0xF20] =	vst v5;
	v48 =	vbroadcast v40, $0x0;
	v0 =	vld.idx.msk [tilespmem:v0+s16+$0x0], $0xffff  }
0x1ef: {  	v51 =	vmul.f32 v63, v34;
	v3 =	vadd.s32 v32, v3;
	v5 =	vbroadcast v38, $0x4;
	[tilespmem:s22+$0xF30] =	vst v62  }
0x1f0: {  	v52 =	vmul.f32 v48, v35;
	[tilespmem:s22+$0xF10] =	vst v1  }
0x1f1: {  	[tilespmem:s24+$0xDA0] =	vst v51;
	v4 =	vsel vm0, v4, v5;
	v2 =	vld.idx.msk [tilespmem:v60+s16+$0x0], $0xffff  }
0x1f2: {  	v53 =	vbroadcast v43, $0x1;
	v4 =	vadd.s32 v33, v4;
	[tilespmem:s24+$0xDB0] =	vst v52  }
0x1f3: {  	[tilespmem:s24+$0xD90] =	vst v0  }
0x1f4: {  	v57 =	vbroadcast v36, $0x4;
	v54 =	vsel vm0, v47, v53;
	v55 =	vld.idx.msk [tilespmem:v3+s16+$0x0], $0xffff  }
0x1f5: {  	v56 =	vbroadcast v41, $0x5;
	v59 =	vbroadcast v44, $0x2;
	v0 =	vadd.s32 v33, v54  }
0x1f6: {  	v61 =	vmul.f32 v57, v35;
	v5 =	vbroadcast v37, $0x4;
	[tilespmem:s22+$0xF80] =	vst v2  }
0x1f7: {  	v62 =	vbroadcast v39, $0x1;
	v2 =	vld.idx.msk [tilespmem:v4+s16+$0x0], $0xffff;
	v4 =	vbroadcast v42, $0x5  }
0x1f8: {  	v5 =	vmul.f32 v5, v34;
	v60 =	vbroadcast v45, $0x2  }
0x1f9: {  	v63 =	vbroadcast v40, $0x1;
	v49 =	vmul.f32 v62, v34;
	[tilespmem:s22+$0x1600] =	vst v55;
	v3 =	vsel vm0, v56, v4  }
0x1fa: {  	[tilespmem:s22+$0xFA0] =	vst v5;
	v0 =	vld.idx.msk [tilespmem:v0+s16+$0x0], $0xffff;
	v58 =	vadd.s32 v32, v3;
	v3 =	vsel vm0, v59, v60  }
0x1fb: {  	v50 =	vmul.f32 v63, v35;
	[tilespmem:s22+$0xFB0] =	vst v61;
	v3 =	vadd.s32 v32, v3  }
0x1fc: {  	[tilespmem:s22+$0x1620] =	vst v49  }
0x1fd: {  	v5 =	vbroadcast v38, $0x5;
	[tilespmem:s22+$0x1630] =	vst v50  }
0x1fe: {  	v51 =	vbroadcast v43, $0x2;
	[tilespmem:s22+$0xF90] =	vst v2  }
0x1ff: {  	v4 =	vsel vm0, v4, v5;
	[tilespmem:s22+$0x1610] =	vst v0;
	v1 =	vld.idx.msk [tilespmem:v58+s16+$0x0], $0xffff  }
0x200: {  	v52 =	vsel vm0, v60, v51;
	v4 =	vadd.s32 v33, v4;
	v53 =	vld.idx.msk [tilespmem:v3+s16+$0x0], $0xffff  }
0x201: {  	v0 =	vadd.s32 v33, v52  }
0x202: {  	v57 =	vbroadcast v45, $0x3;
	v54 =	vbroadcast v37, $0x5  }
0x203: {  	v55 =	vbroadcast v42, $0x6;
	v5 =	vbroadcast v41, $0x6  }
0x204: {  	v56 =	vbroadcast v44, $0x3;
	v59 =	vbroadcast v40, $0x2;
	[tilespmem:s22+$0x1000] =	vst v1  }
0x205: {  	v3 =	vmul.f32 v54, v34;
	v1 =	vld.idx.msk [tilespmem:v4+s16+$0x0], $0xffff;
	v4 =	vbroadcast v36, $0x5;
	[tilespmem:s22+$0x1680] =	vst v53  }
0x206: {  	v5 =	vsel vm0, v5, v55;
	v60 =	vmul.f32 v59, v35;
	v0 =	vld.idx.msk [tilespmem:v0+s16+$0x0], $0xffff  }
0x207: {  	v2 =	vsel vm0, v56, v57;
	v58 =	vadd.s32 v32, v5;
	[tilespmem:s22+$0x1020] =	vst v3;
	v4 =	vmul.f32 v4, v35  }
0x208: {  	v2 =	vadd.s32 v32, v2;
	v5 =	vbroadcast v39, $0x2;
	[tilespmem:s22+$0x16B0] =	vst v60  }
0x209: {  	[tilespmem:s22+$0x1030] =	vst v4  }
0x20a: {  	v4 =	vmul.f32 v5, v34;
	v5 =	vbroadcast v38, $0x6;
	[tilespmem:s22+$0x1010] =	vst v1  }
0x20b: {  	v61 =	vbroadcast v43, $0x3;
	[tilespmem:s22+$0x1690] =	vst v0  }
0x20c: {  	[tilespmem:s22+$0x16A0] =	vst v4;
	v4 =	vsel vm0, v55, v5;
	v1 =	vld.idx.msk [tilespmem:v58+s16+$0x0], $0xffff  }
0x20d: {  	v3 =	vsel vm0, v57, v61;
	v62 =	vadd.s32 v33, v4;
	v2 =	vld.idx.msk [tilespmem:v2+s16+$0x0], $0xffff  }
0x20e: {  	v3 =	vadd.s32 v33, v3;
	_ =	sdelay $0x1  }
0x20f: {  	v51 =	vbroadcast v44, $0x4  }
0x210: {  	v52 =	vbroadcast v45, $0x4;
	v53 =	vbroadcast v39, $0x3;
	[tilespmem:s22+$0x1080] =	vst v1  }
0x211: {  	v54 =	vbroadcast v40, $0x3;
	v0 =	vld.idx.msk [tilespmem:v62+s16+$0x0], $0xffff;
	[tilespmem:s22+$0x1700] =	vst v2  }
0x212: {  	v46 =	vmul.f32 v53, v34;
	v2 =	vsel vm0, v51, v52;
	v63 =	vld.idx.msk [tilespmem:v3+s16+$0x0], $0xffff  }
0x213: {  	v57 =	vmul.f32 v54, v35;
	v2 =	vadd.s32 v32, v2  }
0x214: {  	v5 =	vbroadcast v42, $0x7;
	v55 =	vbroadcast v37, $0x6;
	[tilespmem:s22+$0x1720] =	vst v46  }
0x215: {  	s29 =	sor.u32 $0x30, s23;
	v58 =	vbroadcast v43, $0x4;
	v4 =	vbroadcast v41, $0x7;
	[tilespmem:s22+$0x1730] =	vst v57  }
0x216: {  	v53 =	vld [tilespmem:s29+$0x0];
	[tilespmem:s22+$0x1090] =	vst v0  }
0x217: {  	v60 =	vsel vm0, v52, v58;
	v4 =	vsel vm0, v4, v5;
	v52 =	vld [tilespmem:s23+$0x230];
	v0 =	vmul.f32 v55, v34;
	[tilespmem:s22+$0x1710] =	vst v63  }
0x218: {  	v56 =	vbroadcast v36, $0x6;
	v61 =	vbroadcast v38, $0x7;
	v4 =	vadd.s32 v32, v4;
	v1 =	vld.idx.msk [tilespmem:v2+s16+$0x0], $0xffff  }
0x219: {  	s25 =	sor.u32 $0x20, s23;
	v63 =	vld [tilespmem:s23+$0x220];
	[tilespmem:s22+$0x10A0] =	vst v0;
	v0 =	vadd.s32 v33, v60  }
0x21a: {  	v47 =	vbroadcast v36, $0x7;
	v59 =	vmul.f32 v56, v35;
	v2 =	vsel vm0, v5, v61;
	v5 =	vld [tilespmem:s25+$0x0]  }
0x21b: {  	v49 =	vbroadcast v41, $0x8;
	v51 =	vbroadcast v40, $0x4  }
0x21c: {  	v50 =	vbroadcast v45, $0x5;
	v56 =	vbroadcast v42, $0x8;
	[tilespmem:s22+$0x10B0] =	vst v59  }
0x21d: {  	v53 =	vmul.u32 $0x9, v53;
	v54 =	vmul.f32 v51, v35;
	v55 =	vbroadcast v43, $0x5;
	v62 =	vld.idx.msk [tilespmem:v4+s16+$0x0], $0xffff;
	[tilespmem:s22+$0x1780] =	vst v1  }
0x21e: {  	v59 =	vmul.u32 $0x11, v52;
	v60 =	vbroadcast v44, $0x5;
	v46 =	vmul.u32 $0x11, v63;
	v0 =	vld.idx.msk [tilespmem:v0+s16+$0x0], $0xffff  }
0x21f: {  	v61 =	vbroadcast v39, $0x4;
	v2 =	vadd.s32 v33, v2;
	v48 =	vmul.u32 $0x9, v5  }
0x220: {  	v4 =	vbroadcast v37, $0x7;
	v1 =	vsel vm0, v60, v50;
	v5 =	vld [tilespmem:s23+$0x420];
	v51 =	vadd.s32 $0x20, v46  }
0x221: {  	v1 =	vadd.s32 v32, v1;
	v57 =	vbroadcast v48, $0x0;
	v58 =	vbroadcast v51, $0x0  }
0x222: {  	v63 =	vsel vm0, v49, v56;
	v50 =	vsel vm0, v50, v55;
	[tilespmem:s22+$0x1100] =	vst v62;
	v62 =	vmul.f32 v61, v34  }
0x223: {  	v60 =	vld [tilespmem:s23+$0x430];
	v55 =	vadd.s32 $0x20, v59;
	v46 =	vadd.s32 v32, v63;
	[tilespmem:s22+$0x1790] =	vst v0;
	v0 =	vsel vm0, v57, v58  }
0x224: {  	v63 =	vbroadcast v55, $0x0;
	v2 =	vld.idx.msk [tilespmem:v2+s16+$0x0], $0xffff;
	[tilespmem:s22+$0x17A0] =	vst v62;
	v62 =	vbroadcast v53, $0x0;
	v0 =	vadd.s32 v32, v0  }
0x225: {  	v4 =	vmul.f32 v4, v34;
	[tilespmem:s22+$0x17B0] =	vst v54;
	v5 =	vmul.u32 $0x9, v5  }
0x226: {  	v47 =	vmul.f32 v47, v35;
	v3 =	vsel vm0, v62, v63;
	v1 =	vld.idx.msk [tilespmem:v1+s16+$0x0], $0xffff  }
0x227: {  	[tilespmem:s22+$0x1120] =	vst v4;
	v3 =	vadd.s32 v32, v3;
	v52 =	vadd.s32 $0xA8, v5  }
0x228: {  	v61 =	vadd.s32 v33, v50;
	[tilespmem:s22+$0x1130] =	vst v47;
	v59 =	vmul.u32 $0x9, v60;
	v4 =	vbroadcast v52, $0x0  }
0x229: {  	[tilespmem:s22+$0x1110] =	vst v2;
	v0 =	vld.idx.msk [tilespmem:v0+s16+$0x0], $0xffff  }
0x22a: {  	v54 =	vadd.s32 $0xA8, v59;
	v5 =	vld.idx.msk [tilespmem:v46+s16+$0x0], $0xffff;
	v60 =	vsel vm0, v58, v4  }
0x22b: {  	v46 =	vld [tilespmem:s23+$0x620];
	v4 =	vbroadcast v54, $0x0;
	[tilespmem:s22+$0x1800] =	vst v1;
	v1 =	vadd.s32 v33, v60  }
0x22c: {  	s25 =	sshll.u32 s25, $0x7;
	v62 =	vbroadcast v44, $0x6;
	v3 =	vld.idx.msk [tilespmem:v3+s16+$0x0], $0xffff  }
0x22d: {  	s25 =	sand.u32 $0x3FFFF800, s25;
	v59 =	vbroadcast v48, $0x1;
	v4 =	vsel vm0, v63, v4;
	v60 =	vbroadcast v51, $0x1;
	v2 =	vld.idx.msk [tilespmem:v61+s16+$0x0], $0xffff  }
0x22e: {  	v47 =	vld [tilespmem:s23+$0x820];
	v57 =	vbroadcast v39, $0x5;
	v61 =	vbroadcast v38, $0x8;
	[tilespmem:s25+$0xD80] =	vst v0;
	v0 =	vadd.s32 v33, v4  }
0x22f: {  	s24 =	sshll.u32 s29, $0x7;
	v49 =	vld [tilespmem:s23+$0x630];
	v58 =	vbroadcast v45, $0x6;
	v63 =	vbroadcast v53, $0x1;
	v59 =	vsel vm0, v59, v60  }
0x230: {  	s30 =	sand.u32 $0x3FFFF800, s24;
	[tilespmem:s22+$0x1180] =	vst v5;
	v4 =	vsel vm0, v56, v61;
	v56 =	vmul.f32 v57, v34;
	v57 =	vbroadcast v40, $0x5;
	v1 =	vld.idx.msk [tilespmem:v1+s16+$0x0], $0xffff  }
0x231: {  	v50 =	vld [tilespmem:s23+$0x830];
	v5 =	vsel vm0, v62, v58;
	[tilespmem:s30+$0xD80] =	vst v3;
	v3 =	vadd.s32 v32, v59;
	v59 =	vbroadcast v55, $0x1  }
0x232: {  	v5 =	vadd.s32 v32, v5;
	v61 =	vbroadcast v46, $0x0;
	[tilespmem:s22+$0x1810] =	vst v2;
	v2 =	vmul.f32 v57, v35  }
0x233: {  	v62 =	vbroadcast v47, $0x0;
	v57 =	vbroadcast v43, $0x6;
	[tilespmem:s22+$0x1820] =	vst v56;
	v0 =	vld.idx.msk [tilespmem:v0+s16+$0x0], $0xffff  }
0x234: {  	v4 =	vadd.s32 v33, v4;
	v61 =	vmul.f32 v61, v34;
	v56 =	vsel vm0, v63, v59;
	[tilespmem:s22+$0x1830] =	vst v2  }
0x235: {  	v2 =	vsel vm0, v58, v57;
	v58 =	vbroadcast v49, $0x0;
	[tilespmem:s25+$0xD90] =	vst v1;
	v1 =	vmul.f32 v62, v35  }
0x236: {  	v56 =	vadd.s32 v32, v56;
	[tilespmem:s25+$0xDA0] =	vst v61;
	v57 =	vbroadcast v52, $0x1;
	v61 =	vbroadcast v50, $0x0  }
0x237: {  	v2 =	vadd.s32 v33, v2;
	v5 =	vld.idx.msk [tilespmem:v5+s16+$0x0], $0xffff;
	v62 =	vmul.f32 v58, v34;
	[tilespmem:s25+$0xDB0] =	vst v1  }
0x238: {  	v57 =	vsel vm0, v60, v57;
	v3 =	vld.idx.msk [tilespmem:v3+s16+$0x0], $0xffff;
	[tilespmem:s30+$0xD90] =	vst v0;
	v0 =	vmul.f32 v61, v35  }
0x239: {  	v4 =	vld.idx.msk [tilespmem:v4+s16+$0x0], $0xffff;
	v57 =	vadd.s32 v33, v57;
	[tilespmem:s30+$0xDA0] =	vst v62;
	v1 =	vbroadcast v54, $0x1  }
0x23a: {  	v58 =	vbroadcast v37, $0x8;
	[tilespmem:s30+$0xDB0] =	vst v0  }
0x23b: {  	v60 =	vbroadcast v36, $0x8;
	v63 =	vsel vm0, v59, v1;
	v1 =	vld.idx.msk [tilespmem:v56+s16+$0x0], $0xffff  }
0x23c: {  	v62 =	vbroadcast v47, $0x1;
	v61 =	vmul.f32 v58, v34;
	[tilespmem:s22+$0x1880] =	vst v5;
	v0 =	vadd.s32 v33, v63  }
0x23d: {  	v5 =	vbroadcast v41, $0x9;
	v59 =	vbroadcast v42, $0x9;
	v2 =	vld.idx.msk [tilespmem:v2+s16+$0x0], $0xffff;
	[tilespmem:s22+$0x1E00] =	vst v3  }
0x23e: {  	[tilespmem:s22+$0x1190] =	vst v4;
	v4 =	vbroadcast v48, $0x2;
	v3 =	vld.idx.msk [tilespmem:v57+s16+$0x0], $0xffff;
	v57 =	vbroadcast v51, $0x2  }
0x23f: {  	v58 =	vmul.f32 v60, v35;
	v60 =	vbroadcast v45, $0x7;
	[tilespmem:s22+$0x11A0] =	vst v61;
	v5 =	vsel vm0, v5, v59  }
0x240: {  	v61 =	vbroadcast v46, $0x1;
	v56 =	vbroadcast v44, $0x7;
	v4 =	vsel vm0, v4, v57;
	[tilespmem:s22+$0x2600] =	vst v1  }
0x241: {  	[tilespmem:s22+$0x11B0] =	vst v58;
	v58 =	vbroadcast v55, $0x2;
	v1 =	vadd.s32 v32, v4;
	v4 =	vbroadcast v53, $0x2;
	v0 =	vld.idx.msk [tilespmem:v0+s16+$0x0], $0xffff  }
0x242: {  	v63 =	vbroadcast v39, $0x6;
	[tilespmem:s22+$0x1890] =	vst v2;
	v2 =	vsel vm0, v56, v60;
	v56 =	vmul.f32 v61, v34  }
0x243: {  	v61 =	vbroadcast v49, $0x1;
	[tilespmem:s22+$0x1E10] =	vst v3;
	v3 =	vmul.f32 v62, v35;
	v4 =	vsel vm0, v4, v58  }
0x244: {  	[tilespmem:s22+$0x1E20] =	vst v56;
	v56 =	vbroadcast v52, $0x2;
	v62 =	vbroadcast v50, $0x1;
	v4 =	vadd.s32 v32, v4  }
0x245: {  	v5 =	vadd.s32 v32, v5;
	v2 =	vadd.s32 v32, v2;
	[tilespmem:s22+$0x1E30] =	vst v3;
	v3 =	vmul.f32 v61, v34  }
0x246: {  	v56 =	vsel vm0, v57, v56;
	v61 =	vbroadcast v40, $0x6;
	v1 =	vld.idx.msk [tilespmem:v1+s16+$0x0], $0xffff;
	[tilespmem:s22+$0x2610] =	vst v0;
	v0 =	vmul.f32 v62, v35  }
0x247: {  	v57 =	vmul.f32 v63, v34;
	v56 =	vadd.s32 v33, v56;
	[tilespmem:s22+$0x2620] =	vst v3;
	v3 =	vbroadcast v54, $0x2  }
0x248: {  	v61 =	vmul.f32 v61, v35;
	[tilespmem:s22+$0x2630] =	vst v0  }
0x249: {  	[tilespmem:s22+$0x18A0] =	vst v57;
	v62 =	vsel vm0, v58, v3;
	v3 =	vld.idx.msk [tilespmem:v4+s16+$0x0], $0xffff  }
0x24a: {  	v5 =	vld.idx.msk [tilespmem:v5+s16+$0x0], $0xffff;
	[tilespmem:s22+$0x18B0] =	vst v61;
	v4 =	vbroadcast v38, $0x9;
	v0 =	vadd.s32 v33, v62  }
0x24b: {  	v63 =	vbroadcast v43, $0x7;
	v2 =	vld.idx.msk [tilespmem:v2+s16+$0x0], $0xffff;
	[tilespmem:s22+$0x1E80] =	vst v1  }
0x24c: {  	v58 =	vbroadcast v51, $0x3;
	v61 =	vsel vm0, v59, v4;
	v4 =	vld.idx.msk [tilespmem:v56+s16+$0x0], $0xffff;
	v56 =	vbroadcast v48, $0x3  }
0x24d: {  	v57 =	vsel vm0, v60, v63;
	v60 =	vbroadcast v47, $0x2  }
0x24e: {  	v59 =	vbroadcast v46, $0x2;
	v1 =	vadd.s32 v33, v61;
	v56 =	vsel vm0, v56, v58;
	[tilespmem:s22+$0x2680] =	vst v3  }
0x24f: {  	[tilespmem:s22+$0x1200] =	vst v5;
	v5 =	vbroadcast v53, $0x3;
	v3 =	vadd.s32 v32, v56;
	v56 =	vbroadcast v55, $0x3;
	v0 =	vld.idx.msk [tilespmem:v0+s16+$0x0], $0xffff  }
0x250: {  	v57 =	vadd.s32 v33, v57;
	v62 =	vmul.f32 v59, v34;
	[tilespmem:s22+$0x1900] =	vst v2  }
0x251: {  	v59 =	vbroadcast v49, $0x2;
	[tilespmem:s22+$0x1E90] =	vst v4;
	v4 =	vmul.f32 v60, v35;
	v5 =	vsel vm0, v5, v56  }
0x252: {  	v2 =	vbroadcast v52, $0x3;
	[tilespmem:s22+$0x1EA0] =	vst v62;
	v60 =	vbroadcast v50, $0x2;
	v5 =	vadd.s32 v32, v5  }
0x253: {  	v1 =	vld.idx.msk [tilespmem:v1+s16+$0x0], $0xffff;
	[tilespmem:s22+$0x1EB0] =	vst v4;
	v4 =	vmul.f32 v59, v34  }
0x254: {  	v2 =	vsel vm0, v58, v2;
	v60 =	vmul.f32 v60, v35;
	v3 =	vld.idx.msk [tilespmem:v3+s16+$0x0], $0xffff;
	[tilespmem:s22+$0x2690] =	vst v0  }
0x255: {  	v63 =	vbroadcast v37, $0x9;
	v2 =	vadd.s32 v33, v2;
	[tilespmem:s22+$0x26A0] =	vst v4;
	v4 =	vbroadcast v54, $0x3  }
0x256: {  	v61 =	vbroadcast v40, $0x7;
	v57 =	vld.idx.msk [tilespmem:v57+s16+$0x0], $0xffff;
	v62 =	vbroadcast v46, $0x3;
	[tilespmem:s22+$0x26B0] =	vst v60  }
0x257: {  	v58 =	vmul.f32 v63, v34;
	v63 =	vbroadcast v47, $0x3;
	v4 =	vsel vm0, v56, v4;
	v5 =	vld.idx.msk [tilespmem:v5+s16+$0x0], $0xffff  }
0x258: {  	[tilespmem:s22+$0x1210] =	vst v1;
	v1 =	vbroadcast v44, $0x8;
	v56 =	vbroadcast v45, $0x8;
	v4 =	vadd.s32 v33, v4  }
0x259: {  	v59 =	vbroadcast v41, $0xA;
	v60 =	vbroadcast v39, $0x7;
	[tilespmem:s22+$0x1F00] =	vst v3  }
0x25a: {  	[tilespmem:s22+$0x1220] =	vst v58;
	v58 =	vbroadcast v51, $0x4;
	v0 =	vbroadcast v42, $0xA;
	v1 =	vsel vm0, v1, v56;
	v2 =	vld.idx.msk [tilespmem:v2+s16+$0x0], $0xffff  }
0x25b: {  	[tilespmem:s22+$0x1910] =	vst v57;
	v60 =	vmul.f32 v60, v34;
	v3 =	vbroadcast v48, $0x4;
	v1 =	vadd.s32 v32, v1  }
0x25c: {  	v57 =	vmul.f32 v61, v35;
	v61 =	vbroadcast v43, $0x8;
	[tilespmem:s22+$0x2700] =	vst v5  }
0x25d: {  	[tilespmem:s22+$0x1920] =	vst v60;
	v60 =	vbroadcast v55, $0x4;
	v3 =	vsel vm0, v3, v58;
	v5 =	vbroadcast v53, $0x4;
	v4 =	vld.idx.msk [tilespmem:v4+s16+$0x0], $0xffff  }
0x25e: {  	[tilespmem:s22+$0x1930] =	vst v57;
	v57 =	vmul.f32 v62, v34;
	v56 =	vsel vm0, v56, v61;
	v3 =	vadd.s32 v32, v3  }
0x25f: {  	v61 =	vbroadcast v49, $0x3;
	v5 =	vsel vm0, v5, v60;
	[tilespmem:s22+$0x1F10] =	vst v2;
	v2 =	vmul.f32 v63, v35  }
0x260: {  	v59 =	vsel vm0, v59, v0;
	v62 =	vbroadcast v50, $0x3;
	[tilespmem:s22+$0x1F20] =	vst v57;
	v5 =	vadd.s32 v32, v5;
	v1 =	vld.idx.msk [tilespmem:v1+s16+$0x0], $0xffff  }
0x261: {  	v57 =	vbroadcast v52, $0x4;
	v56 =	vadd.s32 v33, v56;
	v61 =	vmul.f32 v61, v34;
	[tilespmem:s22+$0x1F30] =	vst v2  }
0x262: {  	v59 =	vadd.s32 v32, v59;
	v63 =	vbroadcast v36, $0x9;
	[tilespmem:s22+$0x2710] =	vst v4;
	v4 =	vmul.f32 v62, v35  }
0x263: {  	v57 =	vsel vm0, v58, v57;
	[tilespmem:s22+$0x2720] =	vst v61;
	v61 =	vbroadcast v54, $0x4;
	v3 =	vld.idx.msk [tilespmem:v3+s16+$0x0], $0xffff  }
0x264: {  	v57 =	vadd.s32 v33, v57;
	v63 =	vmul.f32 v63, v35;
	[tilespmem:s22+$0x2730] =	vst v4  }
0x265: {  	v2 =	vsel vm0, v60, v61;
	[tilespmem:s22+$0x1980] =	vst v1;
	v4 =	vld.idx.msk [tilespmem:v5+s16+$0x0], $0xffff  }
0x266: {  	[tilespmem:s22+$0x1230] =	vst v63;
	v1 =	vadd.s32 v33, v2;
	v2 =	vld.idx.msk [tilespmem:v56+s16+$0x0], $0xffff  }
0x267: {  	v58 =	vld.idx.msk [tilespmem:v59+s16+$0x0], $0xffff  }
0x268: {  	v60 =	vbroadcast v46, $0x4;
	v5 =	vbroadcast v38, $0xA;
	[tilespmem:s22+$0x1F80] =	vst v3  }
0x269: {  	v59 =	vbroadcast v45, $0x9;
	v3 =	vld.idx.msk [tilespmem:v57+s16+$0x0], $0xffff;
	v57 =	vbroadcast v44, $0x9  }
0x26a: {  	v56 =	vbroadcast v51, $0x5;
	v0 =	vsel vm0, v0, v5;
	v5 =	vbroadcast v48, $0x5;
	[tilespmem:s22+$0x2780] =	vst v4  }
0x26b: {  	[tilespmem:s22+$0x1990] =	vst v2;
	v2 =	vsel vm0, v57, v59;
	v57 =	vmul.f32 v60, v34  }
0x26c: {  	v61 =	vbroadcast v47, $0x4;
	v63 =	vbroadcast v39, $0x8;
	v5 =	vsel vm0, v5, v56;
	[tilespmem:s22+$0x1280] =	vst v58;
	v1 =	vld.idx.msk [tilespmem:v1+s16+$0x0], $0xffff  }
0x26d: {  	v58 =	vbroadcast v55, $0x5;
	v4 =	vadd.s32 v32, v5;
	v5 =	vbroadcast v53, $0x5;
	[tilespmem:s22+$0x1FA0] =	vst v57  }
0x26e: {  	v0 =	vadd.s32 v33, v0;
	v57 =	vbroadcast v52, $0x5;
	[tilespmem:s22+$0x1F90] =	vst v3;
	v3 =	vmul.f32 v61, v35  }
0x26f: {  	v60 =	vbroadcast v49, $0x4;
	v5 =	vsel vm0, v5, v58  }
0x270: {  	v61 =	vbroadcast v50, $0x4;
	v56 =	vsel vm0, v56, v57;
	v57 =	vmul.f32 v63, v34;
	[tilespmem:s22+$0x1FB0] =	vst v3  }
0x271: {  	v5 =	vadd.s32 v32, v5;
	v3 =	vmul.f32 v60, v34;
	v60 =	vbroadcast v40, $0x8;
	[tilespmem:s22+$0x2790] =	vst v1  }
0x272: {  	v62 =	vbroadcast v37, $0xA;
	v2 =	vadd.s32 v32, v2;
	v4 =	vld.idx.msk [tilespmem:v4+s16+$0x0], $0xffff;
	v1 =	vmul.f32 v61, v35;
	[tilespmem:s22+$0x19A0] =	vst v57  }
0x273: {  	v0 =	vld.idx.msk [tilespmem:v0+s16+$0x0], $0xffff;
	v56 =	vadd.s32 v33, v56;
	[tilespmem:s22+$0x27A0] =	vst v3;
	v60 =	vmul.f32 v60, v35  }
0x274: {  	v3 =	vbroadcast v54, $0x5;
	[tilespmem:s22+$0x27B0] =	vst v1;
	v1 =	vmul.f32 v62, v34  }
0x275: {  	v57 =	vbroadcast v36, $0xA;
	[tilespmem:s22+$0x19B0] =	vst v60  }
0x276: {  	v61 =	vbroadcast v43, $0x9;
	v3 =	vsel vm0, v58, v3;
	v5 =	vld.idx.msk [tilespmem:v5+s16+$0x0], $0xffff;
	v58 =	vbroadcast v41, $0xB;
	[tilespmem:s22+$0x12A0] =	vst v1  }
0x277: {  	v60 =	vbroadcast v42, $0xB;
	v3 =	vadd.s32 v33, v3;
	v2 =	vld.idx.msk [tilespmem:v2+s16+$0x0], $0xffff;
	v1 =	vmul.f32 v57, v35;
	[tilespmem:s22+$0x2000] =	vst v4  }
0x278: {  	[tilespmem:s22+$0x1290] =	vst v0;
	v4 =	vbroadcast v48, $0x6;
	v0 =	vld.idx.msk [tilespmem:v56+s16+$0x0], $0xffff;
	v56 =	vbroadcast v51, $0x6  }
0x279: {  	v57 =	vsel vm0, v58, v60;
	v58 =	vsel vm0, v59, v61;
	v59 =	vbroadcast v46, $0x5  }
0x27a: {  	v61 =	vbroadcast v47, $0x5;
	[tilespmem:s22+$0x12B0] =	vst v1;
	v57 =	vadd.s32 v32, v57;
	v4 =	vsel vm0, v4, v56  }
0x27b: {  	[tilespmem:s22+$0x2800] =	vst v5;
	v5 =	vbroadcast v55, $0x6;
	v1 =	vadd.s32 v32, v4;
	v4 =	vbroadcast v53, $0x6  }
0x27c: {  	v58 =	vadd.s32 v33, v58;
	v62 =	vmul.f32 v59, v34;
	v59 =	vbroadcast v49, $0x5;
	v3 =	vld.idx.msk [tilespmem:v3+s16+$0x0], $0xffff;
	[tilespmem:s22+$0x1A00] =	vst v2  }
0x27d: {  	v2 =	vbroadcast v52, $0x6;
	[tilespmem:s22+$0x2010] =	vst v0;
	v0 =	vmul.f32 v61, v35;
	v4 =	vsel vm0, v4, v5  }
0x27e: {  	[tilespmem:s22+$0x2020] =	vst v62;
	v63 =	vmul.f32 v59, v34;
	v61 =	vbroadcast v50, $0x5;
	v4 =	vadd.s32 v32, v4  }
0x27f: {  	[tilespmem:s22+$0x2030] =	vst v0  }
0x280: {  	v2 =	vsel vm0, v56, v2;
	[tilespmem:s22+$0x2820] =	vst v63;
	v63 =	vbroadcast v54, $0x6;
	v62 =	vmul.f32 v61, v35;
	v1 =	vld.idx.msk [tilespmem:v1+s16+$0x0], $0xffff  }
0x281: {  	v56 =	vld.idx.msk [tilespmem:v57+s16+$0x0], $0xffff;
	v2 =	vadd.s32 v33, v2;
	[tilespmem:s22+$0x2810] =	vst v3  }
0x282: {  	v57 =	vld.idx.msk [tilespmem:v58+s16+$0x0], $0xffff;
	v61 =	vbroadcast v38, $0xB;
	v0 =	vsel vm0, v5, v63;
	[tilespmem:s22+$0x2830] =	vst v62  }
0x283: {  	v59 =	vbroadcast v45, $0xA;
	v5 =	vbroadcast v44, $0xA;
	v0 =	vadd.s32 v33, v0;
	v4 =	vld.idx.msk [tilespmem:v4+s16+$0x0], $0xffff  }
0x284: {  	v62 =	vbroadcast v39, $0x9;
	v3 =	vsel vm0, v60, v61;
	v60 =	vbroadcast v40, $0x9  }
0x285: {  	v63 =	vsel vm0, v5, v59;
	v5 =	vbroadcast v48, $0x7;
	v61 =	vbroadcast v46, $0x6;
	[tilespmem:s22+$0x2080] =	vst v1  }
0x286: {  	[tilespmem:s22+$0x1300] =	vst v56;
	v56 =	vbroadcast v51, $0x7;
	v58 =	vmul.f32 v62, v34;
	v2 =	vld.idx.msk [tilespmem:v2+s16+$0x0], $0xffff  }
0x287: {  	[tilespmem:s22+$0x1A10] =	vst v57;
	v3 =	vadd.s32 v33, v3;
	v57 =	vmul.f32 v60, v35;
	v60 =	vbroadcast v43, $0xA  }
0x288: {  	v62 =	vbroadcast v47, $0x6;
	v5 =	vsel vm0, v5, v56;
	v1 =	vadd.s32 v32, v63;
	[tilespmem:s22+$0x2880] =	vst v4  }
0x289: {  	[tilespmem:s22+$0x1A20] =	vst v58;
	v58 =	vbroadcast v55, $0x7;
	v4 =	vadd.s32 v32, v5;
	v5 =	vbroadcast v53, $0x7;
	v0 =	vld.idx.msk [tilespmem:v0+s16+$0x0], $0xffff  }
0x28a: {  	[tilespmem:s22+$0x1A30] =	vst v57;
	v57 =	vsel vm0, v59, v60;
	v59 =	vmul.f32 v61, v34  }
0x28b: {  	v60 =	vbroadcast v49, $0x6;
	v5 =	vsel vm0, v5, v58;
	[tilespmem:s22+$0x2090] =	vst v2;
	v2 =	vmul.f32 v62, v35  }
0x28c: {  	v61 =	vbroadcast v50, $0x6;
	[tilespmem:s22+$0x20A0] =	vst v59;
	v59 =	vbroadcast v52, $0x7;
	v3 =	vld.idx.msk [tilespmem:v3+s16+$0x0], $0xffff;
	v5 =	vadd.s32 v32, v5  }
0x28d: {  	v57 =	vadd.s32 v33, v57;
	v60 =	vmul.f32 v60, v34;
	v1 =	vld.idx.msk [tilespmem:v1+s16+$0x0], $0xffff;
	[tilespmem:s22+$0x20B0] =	vst v2  }
0x28e: {  	v56 =	vsel vm0, v56, v59;
	v4 =	vld.idx.msk [tilespmem:v4+s16+$0x0], $0xffff;
	[tilespmem:s22+$0x2890] =	vst v0;
	v0 =	vmul.f32 v61, v35  }
0x28f: {  	[tilespmem:s22+$0x28A0] =	vst v60;
	v56 =	vadd.s32 v33, v56;
	v2 =	vbroadcast v54, $0x7  }
0x290: {  	v60 =	vbroadcast v36, $0xB;
	[tilespmem:s22+$0x28B0] =	vst v0  }
0x291: {  	v63 =	vbroadcast v41, $0xC;
	v59 =	vbroadcast v37, $0xB;
	[tilespmem:s22+$0x1310] =	vst v3;
	v62 =	vsel vm0, v58, v2;
	v2 =	vld.idx.msk [tilespmem:v5+s16+$0x0], $0xffff  }
0x292: {  	v61 =	vbroadcast v46, $0x7;
	v58 =	vmul.f32 v60, v35;
	[tilespmem:s22+$0x1A80] =	vst v1;
	v0 =	vadd.s32 v33, v62  }
0x293: {  	v60 =	vbroadcast v45, $0xB;
	v57 =	vld.idx.msk [tilespmem:v57+s16+$0x0], $0xffff;
	v5 =	vmul.f32 v59, v34;
	[tilespmem:s22+$0x2100] =	vst v4  }
0x294: {  	[tilespmem:s22+$0x1330] =	vst v58;
	v4 =	vbroadcast v48, $0x8;
	v3 =	vld.idx.msk [tilespmem:v56+s16+$0x0], $0xffff;
	v56 =	vbroadcast v51, $0x8  }
0x295: {  	v62 =	vbroadcast v47, $0x7;
	v59 =	vbroadcast v42, $0xC;
	[tilespmem:s22+$0x1320] =	vst v5  }
0x296: {  	v58 =	vbroadcast v55, $0x8;
	v5 =	vbroadcast v44, $0xB;
	v4 =	vsel vm0, v4, v56;
	[tilespmem:s22+$0x2900] =	vst v2  }
0x297: {  	v1 =	vsel vm0, v63, v59;
	v2 =	vadd.s32 v32, v4;
	v0 =	vld.idx.msk [tilespmem:v0+s16+$0x0], $0xffff;
	v4 =	vbroadcast v53, $0x8  }
0x298: {  	v63 =	vbroadcast v39, $0xA;
	[tilespmem:s22+$0x1A90] =	vst v57;
	v5 =	vsel vm0, v5, v60;
	v57 =	vmul.f32 v61, v34  }
0x299: {  	v61 =	vbroadcast v49, $0x7;
	[tilespmem:s22+$0x2110] =	vst v3;
	v3 =	vmul.f32 v62, v35;
	v4 =	vsel vm0, v4, v58  }
0x29a: {  	[tilespmem:s22+$0x2120] =	vst v57;
	v57 =	vbroadcast v52, $0x8;
	v62 =	vbroadcast v50, $0x7;
	v4 =	vadd.s32 v32, v4  }
0x29b: {  	v1 =	vadd.s32 v32, v1;
	v5 =	vadd.s32 v32, v5;
	[tilespmem:s22+$0x2130] =	vst v3;
	v3 =	vmul.f32 v61, v34  }
0x29c: {  	v56 =	vsel vm0, v56, v57;
	v61 =	vbroadcast v40, $0xA;
	v2 =	vld.idx.msk [tilespmem:v2+s16+$0x0], $0xffff;
	[tilespmem:s22+$0x2910] =	vst v0;
	v0 =	vmul.f32 v62, v35  }
0x29d: {  	v57 =	vmul.f32 v63, v34;
	v56 =	vadd.s32 v33, v56;
	[tilespmem:s22+$0x2920] =	vst v3;
	v3 =	vbroadcast v54, $0x8  }
0x29e: {  	v61 =	vmul.f32 v61, v35;
	[tilespmem:s22+$0x2930] =	vst v0  }
0x29f: {  	[tilespmem:s22+$0x1AA0] =	vst v57;
	v58 =	vsel vm0, v58, v3;
	v3 =	vld.idx.msk [tilespmem:v4+s16+$0x0], $0xffff  }
0x2a0: {  	v1 =	vld.idx.msk [tilespmem:v1+s16+$0x0], $0xffff;
	v4 =	vbroadcast v38, $0xC;
	[tilespmem:s22+$0x1AB0] =	vst v61;
	v0 =	vadd.s32 v33, v58  }
0x2a1: {  	v61 =	vbroadcast v43, $0xB;
	v5 =	vld.idx.msk [tilespmem:v5+s16+$0x0], $0xffff;
	[tilespmem:s22+$0x2180] =	vst v2  }
0x2a2: {  	v58 =	vbroadcast v51, $0x9;
	v62 =	vsel vm0, v59, v4;
	v4 =	vld.idx.msk [tilespmem:v56+s16+$0x0], $0xffff;
	v56 =	vbroadcast v48, $0x9  }
0x2a3: {  	v63 =	vbroadcast v53, $0x9;
	v57 =	vsel vm0, v60, v61  }
0x2a4: {  	v59 =	vbroadcast v46, $0x8;
	v2 =	vadd.s32 v33, v62;
	v56 =	vsel vm0, v56, v58;
	[tilespmem:s22+$0x2980] =	vst v3  }
0x2a5: {  	[tilespmem:s22+$0x1380] =	vst v1;
	v60 =	vbroadcast v47, $0x8;
	v1 =	vadd.s32 v32, v56;
	v0 =	vld.idx.msk [tilespmem:v0+s16+$0x0], $0xffff;
	v56 =	vbroadcast v55, $0x9  }
0x2a6: {  	v57 =	vadd.s32 v33, v57;
	[tilespmem:s22+$0x1B00] =	vst v5;
	v5 =	vmul.f32 v59, v34  }
0x2a7: {  	v59 =	vbroadcast v49, $0x8;
	[tilespmem:s22+$0x2190] =	vst v4;
	v4 =	vmul.f32 v60, v35;
	v3 =	vsel vm0, v63, v56  }
0x2a8: {  	[tilespmem:s22+$0x21A0] =	vst v5;
	v5 =	vbroadcast v52, $0x9;
	v60 =	vbroadcast v50, $0x8;
	v3 =	vadd.s32 v32, v3  }
0x2a9: {  	v61 =	vbroadcast v37, $0xC;
	v2 =	vld.idx.msk [tilespmem:v2+s16+$0x0], $0xffff;
	[tilespmem:s22+$0x21B0] =	vst v4;
	v4 =	vmul.f32 v59, v34  }
0x2aa: {  	v5 =	vsel vm0, v58, v5;
	v62 =	vmul.f32 v60, v35;
	v1 =	vld.idx.msk [tilespmem:v1+s16+$0x0], $0xffff;
	[tilespmem:s22+$0x2990] =	vst v0  }
0x2ab: {  	v57 =	vld.idx.msk [tilespmem:v57+s16+$0x0], $0xffff;
	v58 =	vmul.f32 v61, v34;
	v5 =	vadd.s32 v33, v5;
	[tilespmem:s22+$0x29A0] =	vst v4;
	v4 =	vbroadcast v54, $0x9  }
0x2ac: {  	v59 =	vbroadcast v41, $0xD;
	v60 =	vbroadcast v39, $0xB;
	[tilespmem:s22+$0x29B0] =	vst v62  }
0x2ad: {  	v61 =	vbroadcast v40, $0xB;
	v0 =	vbroadcast v42, $0xD;
	[tilespmem:s22+$0x13A0] =	vst v58;
	v4 =	vsel vm0, v56, v4;
	v3 =	vld.idx.msk [tilespmem:v3+s16+$0x0], $0xffff  }
0x2ae: {  	[tilespmem:s22+$0x1390] =	vst v2;
	v2 =	vbroadcast v44, $0xC;
	v56 =	vbroadcast v45, $0xC;
	v4 =	vadd.s32 v33, v4  }
0x2af: {  	v60 =	vmul.f32 v60, v34;
	v58 =	vbroadcast v51, $0xA;
	[tilespmem:s22+$0x2200] =	vst v1  }
0x2b0: {  	v62 =	vbroadcast v46, $0x9;
	[tilespmem:s22+$0x1B10] =	vst v57;
	v63 =	vsel vm0, v2, v56;
	v2 =	vld.idx.msk [tilespmem:v5+s16+$0x0], $0xffff;
	v5 =	vbroadcast v48, $0xA  }
0x2b1: {  	v59 =	vsel vm0, v59, v0;
	v57 =	vmul.f32 v61, v35;
	[tilespmem:s22+$0x1B20] =	vst v60;
	v1 =	vadd.s32 v32, v63  }
0x2b2: {  	v61 =	vbroadcast v43, $0xC;
	v60 =	vbroadcast v55, $0xA;
	v5 =	vsel vm0, v5, v58;
	[tilespmem:s22+$0x2A00] =	vst v3  }
0x2b3: {  	v63 =	vbroadcast v47, $0x9;
	v3 =	vadd.s32 v32, v5;
	v4 =	vld.idx.msk [tilespmem:v4+s16+$0x0], $0xffff;
	v5 =	vbroadcast v53, $0xA  }
0x2b4: {  	v59 =	vadd.s32 v32, v59;
	[tilespmem:s22+$0x1B30] =	vst v57;
	v57 =	vmul.f32 v62, v34;
	v56 =	vsel vm0, v56, v61  }
0x2b5: {  	v61 =	vbroadcast v49, $0x9;
	[tilespmem:s22+$0x2210] =	vst v2;
	v2 =	vmul.f32 v63, v35;
	v5 =	vsel vm0, v5, v60  }
0x2b6: {  	v62 =	vbroadcast v50, $0x9;
	[tilespmem:s22+$0x2220] =	vst v57;
	v57 =	vbroadcast v52, $0xA;
	v1 =	vld.idx.msk [tilespmem:v1+s16+$0x0], $0xffff;
	v5 =	vadd.s32 v32, v5  }
0x2b7: {  	v56 =	vadd.s32 v33, v56;
	v61 =	vmul.f32 v61, v34;
	v63 =	vbroadcast v36, $0xC;
	[tilespmem:s22+$0x2230] =	vst v2  }
0x2b8: {  	v57 =	vsel vm0, v58, v57;
	v3 =	vld.idx.msk [tilespmem:v3+s16+$0x0], $0xffff;
	[tilespmem:s22+$0x2A10] =	vst v4;
	v4 =	vmul.f32 v62, v35  }
0x2b9: {  	v57 =	vadd.s32 v33, v57;
	[tilespmem:s22+$0x2A20] =	vst v61;
	v62 =	vmul.f32 v63, v35;
	v63 =	vbroadcast v54, $0xA  }
0x2ba: {  	[tilespmem:s22+$0x2A30] =	vst v4  }
0x2bb: {  	v2 =	vsel vm0, v60, v63;
	[tilespmem:s22+$0x1B80] =	vst v1;
	v4 =	vld.idx.msk [tilespmem:v5+s16+$0x0], $0xffff  }
0x2bc: {  	v61 =	vbroadcast v38, $0xD;
	[tilespmem:s22+$0x13B0] =	vst v62;
	v1 =	vadd.s32 v33, v2;
	v56 =	vld.idx.msk [tilespmem:v56+s16+$0x0], $0xffff  }
0x2bd: {  	v5 =	vld.idx.msk [tilespmem:v59+s16+$0x0], $0xffff;
	[tilespmem:s22+$0x2280] =	vst v3  }
0x2be: {  	v0 =	vsel vm0, v0, v61;
	v59 =	vbroadcast v51, $0xB;
	v3 =	vld.idx.msk [tilespmem:v57+s16+$0x0], $0xffff;
	v57 =	vbroadcast v48, $0xB  }
0x2bf: {  	v61 =	vbroadcast v46, $0xA;
	v0 =	vadd.s32 v33, v0;
	v62 =	vbroadcast v47, $0xA  }
0x2c0: {  	v60 =	vbroadcast v45, $0xD;
	v2 =	vbroadcast v44, $0xD;
	v57 =	vsel vm0, v57, v59;
	[tilespmem:s22+$0x2A80] =	vst v4  }
0x2c1: {  	[tilespmem:s22+$0x1B90] =	vst v56;
	v56 =	vmul.f32 v61, v34;
	v61 =	vmul.f32 v62, v35;
	v1 =	vld.idx.msk [tilespmem:v1+s16+$0x0], $0xffff  }
0x2c2: {  	[tilespmem:s22+$0x1400] =	vst v5;
	v5 =	vbroadcast v53, $0xB;
	v4 =	vadd.s32 v32, v57;
	v57 =	vbroadcast v55, $0xB  }
0x2c3: {  	v63 =	vbroadcast v39, $0xC;
	v2 =	vsel vm0, v2, v60;
	[tilespmem:s22+$0x22B0] =	vst v61;
	v61 =	vbroadcast v40, $0xC  }
0x2c4: {  	v62 =	vbroadcast v49, $0xA;
	[tilespmem:s22+$0x2290] =	vst v3;
	v3 =	vbroadcast v52, $0xB;
	v5 =	vsel vm0, v5, v57  }
0x2c5: {  	[tilespmem:s22+$0x22A0] =	vst v56;
	v56 =	vbroadcast v50, $0xA;
	v5 =	vadd.s32 v32, v5;
	v61 =	vmul.f32 v61, v35  }
0x2c6: {  	v2 =	vadd.s32 v32, v2;
	v3 =	vsel vm0, v59, v3;
	v59 =	vmul.f32 v62, v34;
	[tilespmem:s22+$0x2A90] =	vst v1  }
0x2c7: {  	v1 =	vmul.f32 v56, v35;
	[tilespmem:s22+$0x1BB0] =	vst v61  }
0x2c8: {  	v58 =	vbroadcast v37, $0xD;
	v4 =	vld.idx.msk [tilespmem:v4+s16+$0x0], $0xffff;
	v56 =	vmul.f32 v63, v34;
	[tilespmem:s22+$0x2AA0] =	vst v59  }
0x2c9: {  	v0 =	vld.idx.msk [tilespmem:v0+s16+$0x0], $0xffff;
	v3 =	vadd.s32 v33, v3;
	v59 =	vbroadcast v54, $0xB;
	[tilespmem:s22+$0x2AB0] =	vst v1  }
0x2ca: {  	v1 =	vmul.f32 v58, v34;
	[tilespmem:s22+$0x1BA0] =	vst v56;
	v58 =	vbroadcast v41, $0xE;
	v5 =	vld.idx.msk [tilespmem:v5+s16+$0x0], $0xffff  }
0x2cb: {  	v62 =	vsel vm0, v57, v59;
	v57 =	vbroadcast v36, $0xD;
	v59 =	vbroadcast v42, $0xE;
	v2 =	vld.idx.msk [tilespmem:v2+s16+$0x0], $0xffff  }
0x2cc: {  	v61 =	vbroadcast v43, $0xD;
	v56 =	vadd.s32 v33, v62;
	[tilespmem:s22+$0x1420] =	vst v1  }
0x2cd: {  	[tilespmem:s22+$0x2300] =	vst v4;
	v4 =	vbroadcast v51, $0xC;
	v1 =	vmul.f32 v57, v35;
	v57 =	vsel vm0, v58, v59  }
0x2ce: {  	[tilespmem:s22+$0x1410] =	vst v0;
	v58 =	vsel vm0, v60, v61;
	v60 =	vbroadcast v46, $0xB;
	v0 =	vld.idx.msk [tilespmem:v3+s16+$0x0], $0xffff;
	v3 =	vbroadcast v48, $0xC  }
0x2cf: {  	v61 =	vbroadcast v47, $0xB;
	v57 =	vadd.s32 v32, v57;
	v58 =	vadd.s32 v33, v58;
	[tilespmem:s22+$0x2B00] =	vst v5  }
0x2d0: {  	v3 =	vsel vm0, v3, v4;
	v5 =	vbroadcast v53, $0xC;
	[tilespmem:s22+$0x1C00] =	vst v2;
	v2 =	vmul.f32 v60, v34  }
0x2d1: {  	[tilespmem:s22+$0x1430] =	vst v1;
	v60 =	vbroadcast v49, $0xB;
	v1 =	vadd.s32 v32, v3;
	v3 =	vld.idx.msk [tilespmem:v56+s16+$0x0], $0xffff;
	v56 =	vbroadcast v55, $0xC  }
0x2d2: {  	[tilespmem:s22+$0x2320] =	vst v2;
	v2 =	vbroadcast v52, $0xC  }
0x2d3: {  	v63 =	vmul.f32 v60, v34;
	[tilespmem:s22+$0x2310] =	vst v0;
	v0 =	vmul.f32 v61, v35;
	v5 =	vsel vm0, v5, v56  }
0x2d4: {  	v61 =	vbroadcast v50, $0xB;
	v5 =	vadd.s32 v32, v5;
	v2 =	vsel vm0, v4, v2;
	v4 =	vld.idx.msk [tilespmem:v57+s16+$0x0], $0xffff  }
0x2d5: {  	[tilespmem:s22+$0x2B20] =	vst v63;
	v57 =	vld.idx.msk [tilespmem:v58+s16+$0x0], $0xffff;
	v58 =	vbroadcast v39, $0xD  }
0x2d6: {  	[tilespmem:s22+$0x2330] =	vst v0;
	v60 =	vmul.f32 v61, v35  }
0x2d7: {  	v61 =	vbroadcast v54, $0xC;
	v1 =	vld.idx.msk [tilespmem:v1+s16+$0x0], $0xffff;
	[tilespmem:s22+$0x2B10] =	vst v3;
	v58 =	vmul.f32 v58, v34  }
0x2d8: {  	v62 =	vbroadcast v40, $0xD;
	v2 =	vadd.s32 v33, v2;
	v3 =	vbroadcast v38, $0xE;
	[tilespmem:s22+$0x2B30] =	vst v60  }
0x2d9: {  	v0 =	vsel vm0, v56, v61;
	v56 =	vbroadcast v44, $0xE;
	v60 =	vbroadcast v45, $0xE;
	[tilespmem:s22+$0x1C20] =	vst v58;
	v5 =	vld.idx.msk [tilespmem:v5+s16+$0x0], $0xffff  }
0x2da: {  	v61 =	vbroadcast v46, $0xC;
	v0 =	vadd.s32 v33, v0;
	[tilespmem:s22+$0x1480] =	vst v4;
	v4 =	vbroadcast v48, $0xD  }
0x2db: {  	v63 =	vsel vm0, v56, v60;
	v56 =	vbroadcast v51, $0xD;
	[tilespmem:s22+$0x1C10] =	vst v57;
	v57 =	vmul.f32 v62, v35  }
0x2dc: {  	v3 =	vsel vm0, v59, v3;
	v59 =	vbroadcast v43, $0xE;
	[tilespmem:s22+$0x2380] =	vst v1;
	v1 =	vadd.s32 v32, v63  }
0x2dd: {  	v58 =	vbroadcast v55, $0xD;
	v62 =	vbroadcast v47, $0xC;
	v4 =	vsel vm0, v4, v56;
	[tilespmem:s22+$0x1C30] =	vst v57;
	v2 =	vld.idx.msk [tilespmem:v2+s16+$0x0], $0xffff  }
0x2de: {  	v57 =	vmul.f32 v61, v34;
	v4 =	vadd.s32 v32, v4;
	[tilespmem:s22+$0x2B80] =	vst v5;
	v5 =	vbroadcast v53, $0xD  }
0x2df: {  	v3 =	vadd.s32 v33, v3;
	v61 =	vmul.f32 v62, v35;
	v62 =	vbroadcast v49, $0xC  }
0x2e0: {  	v59 =	vsel vm0, v60, v59;
	v60 =	vbroadcast v50, $0xC;
	[tilespmem:s22+$0x23A0] =	vst v57;
	v0 =	vld.idx.msk [tilespmem:v0+s16+$0x0], $0xffff;
	v5 =	vsel vm0, v5, v58  }
0x2e1: {  	[tilespmem:s22+$0x23B0] =	vst v61;
	v62 =	vmul.f32 v62, v34;
	v1 =	vld.idx.msk [tilespmem:v1+s16+$0x0], $0xffff;
	v5 =	vadd.s32 v32, v5  }
0x2e2: {  	v59 =	vadd.s32 v33, v59;
	v63 =	vmul.f32 v60, v35;
	[tilespmem:s22+$0x2390] =	vst v2  }
0x2e3: {  	[tilespmem:s22+$0x2BA0] =	vst v62;
	v2 =	vbroadcast v52, $0xD;
	v4 =	vld.idx.msk [tilespmem:v4+s16+$0x0], $0xffff  }
0x2e4: {  	v41 =	vbroadcast v41, $0xF;
	v3 =	vld.idx.msk [tilespmem:v3+s16+$0x0], $0xffff;
	[tilespmem:s22+$0x2BB0] =	vst v63  }
0x2e5: {  	v42 =	vbroadcast v42, $0xF;
	v60 =	vbroadcast v54, $0xD;
	v2 =	vsel vm0, v56, v2;
	[tilespmem:s22+$0x2B90] =	vst v0  }
0x2e6: {  	v44 =	vbroadcast v44, $0xF;
	v62 =	vbroadcast v36, $0xE;
	v2 =	vadd.s32 v33, v2;
	[tilespmem:s22+$0x1C80] =	vst v1;
	v5 =	vld.idx.msk [tilespmem:v5+s16+$0x0], $0xffff  }
0x2e7: {  	v61 =	vbroadcast v37, $0xE;
	v56 =	vsel vm0, v58, v60;
	v60 =	vbroadcast v48, $0xE;
	v63 =	vld.idx.msk [tilespmem:v59+s16+$0x0], $0xffff  }
0x2e8: {  	v0 =	vmul.f32 v62, v35;
	[tilespmem:s22+$0x2400] =	vst v4;
	v4 =	vbroadcast v51, $0xE  }
0x2e9: {  	v45 =	vbroadcast v45, $0xF;
	v57 =	vmul.f32 v61, v34;
	[tilespmem:s22+$0x1490] =	vst v3;
	v1 =	vadd.s32 v33, v56  }
0x2ea: {  	v61 =	vbroadcast v46, $0xD;
	v62 =	vbroadcast v47, $0xD;
	[tilespmem:s22+$0x14B0] =	vst v0;
	v3 =	vsel vm0, v60, v4  }
0x2eb: {  	v2 =	vld.idx.msk [tilespmem:v2+s16+$0x0], $0xffff;
	v60 =	vbroadcast v52, $0xE;
	v0 =	vadd.s32 v32, v3;
	v3 =	vbroadcast v53, $0xE;
	[tilespmem:s22+$0x2C00] =	vst v5  }
0x2ec: {  	v41 =	vsel vm0, v41, v42;
	v5 =	vbroadcast v55, $0xE;
	[tilespmem:s22+$0x1C90] =	vst v63;
	v63 =	vmul.f32 v61, v34  }
0x2ed: {  	v41 =	vadd.s32 v32, v41;
	[tilespmem:s22+$0x14A0] =	vst v57;
	v61 =	vmul.f32 v62, v35;
	v62 =	vbroadcast v49, $0xD  }
0x2ee: {  	v44 =	vsel vm0, v44, v45;
	v4 =	vsel vm0, v4, v60;
	v60 =	vbroadcast v39, $0xE;
	v1 =	vld.idx.msk [tilespmem:v1+s16+$0x0], $0xffff;
	[tilespmem:s22+$0x2420] =	vst v63  }
0x2ef: {  	v3 =	vsel vm0, v3, v5;
	v63 =	vbroadcast v50, $0xD;
	[tilespmem:s22+$0x2430] =	vst v61;
	v61 =	vmul.f32 v62, v34  }
0x2f0: {  	v62 =	vbroadcast v40, $0xE;
	[tilespmem:s22+$0x2410] =	vst v2;
	v3 =	vadd.s32 v32, v3;
	v2 =	vmul.f32 v60, v34  }
0x2f1: {  	v44 =	vadd.s32 v32, v44;
	v56 =	vmul.f32 v63, v35;
	[tilespmem:s22+$0x2C20] =	vst v61;
	v63 =	vbroadcast v54, $0xE  }
0x2f2: {  	v4 =	vadd.s32 v33, v4;
	v0 =	vld.idx.msk [tilespmem:v0+s16+$0x0], $0xffff;
	[tilespmem:s22+$0x1CA0] =	vst v2  }
0x2f3: {  	[tilespmem:s22+$0x2C10] =	vst v1;
	v1 =	vmul.f32 v62, v35;
	v60 =	vsel vm0, v5, v63;
	v5 =	vld.idx.msk [tilespmem:v41+s16+$0x0], $0xffff  }
0x2f4: {  	v61 =	vbroadcast v38, $0xF;
	[tilespmem:s22+$0x2C30] =	vst v56  }
0x2f5: {  	v58 =	vbroadcast v46, $0xE;
	v62 =	vbroadcast v43, $0xF;
	v3 =	vld.idx.msk [tilespmem:v3+s16+$0x0], $0xffff;
	[tilespmem:s22+$0x1CB0] =	vst v1  }
0x2f6: {  	v36 =	vbroadcast v36, $0xF;
	v2 =	vadd.s32 v33, v60;
	v1 =	vsel vm0, v42, v61;
	v63 =	vld.idx.msk [tilespmem:v44+s16+$0x0], $0xffff  }
0x2f7: {  	[tilespmem:s22+$0x2480] =	vst v0;
	v1 =	vadd.s32 v33, v1;
	v0 =	vsel vm0, v45, v62;
	v62 =	vmul.f32 v58, v34  }
0x2f8: {  	v57 =	vbroadcast v51, $0xF;
	v56 =	vbroadcast v48, $0xF;
	v4 =	vld.idx.msk [tilespmem:v4+s16+$0x0], $0xffff;
	[tilespmem:s22+$0x1500] =	vst v5  }
0x2f9: {  	v59 =	vbroadcast v47, $0xE;
	v0 =	vadd.s32 v33, v0;
	[tilespmem:s22+$0x24A0] =	vst v62  }
0x2fa: {  	v41 =	vsel vm0, v56, v57;
	v61 =	vbroadcast v55, $0xF;
	v55 =	vmul.f32 v36, v35;
	[tilespmem:s22+$0x2C80] =	vst v3  }
0x2fb: {  	v60 =	vbroadcast v53, $0xF;
	v45 =	vbroadcast v50, $0xE;
	v5 =	vadd.s32 v32, v41;
	v2 =	vld.idx.msk [tilespmem:v2+s16+$0x0], $0xffff;
	[tilespmem:s22+$0x1D00] =	vst v63  }
0x2fc: {  	v3 =	vmul.f32 v59, v35;
	v1 =	vld.idx.msk [tilespmem:v1+s16+$0x0], $0xffff;
	v63 =	vbroadcast v52, $0xF;
	[tilespmem:s22+$0x1530] =	vst v55  }
0x2fd: {  	v41 =	vsel vm0, v60, v61;
	v52 =	vmul.f32 v45, v35;
	[tilespmem:s22+$0x2490] =	vst v4;
	v4 =	vbroadcast v49, $0xE  }
0x2fe: {  	v41 =	vadd.s32 v32, v41;
	[tilespmem:s22+$0x24B0] =	vst v3;
	v0 =	vld.idx.msk [tilespmem:v0+s16+$0x0], $0xffff  }
0x2ff: {  	[tilespmem:s22+$0x2CB0] =	vst v52;
	v48 =	vmul.f32 v4, v34  }
0x300: {  	v51 =	vbroadcast v37, $0xF;
	v5 =	vld.idx.msk [tilespmem:v5+s16+$0x0], $0xffff;
	v4 =	vsel vm0, v57, v63;
	[tilespmem:s22+$0x2C90] =	vst v2  }
0x301: {  	v53 =	vadd.s32 v33, v4;
	v4 =	vbroadcast v54, $0xF;
	[tilespmem:s22+$0x2CA0] =	vst v48  }
0x302: {  	v56 =	vbroadcast v40, $0xF;
	v2 =	vmul.f32 v51, v34;
	[tilespmem:s22+$0x1510] =	vst v1  }
0x303: {  	v58 =	vbroadcast v47, $0xF;
	v54 =	vsel vm0, v61, v4;
	v4 =	vld.idx.msk [tilespmem:v41+s16+$0x0], $0xffff;
	[tilespmem:s22+$0x1D10] =	vst v0  }
0x304: {  	[tilespmem:s22+$0x1520] =	vst v2;
	v1 =	vadd.s32 v33, v54;
	v2 =	vmul.f32 v56, v35  }
0x305: {  	v0 =	vmul.f32 v58, v35;
	[tilespmem:s22+$0x2500] =	vst v5;
	v5 =	vbroadcast v39, $0xF  }
0x306: {  	v60 =	vbroadcast v49, $0xF;
	[tilespmem:s22+$0x1D30] =	vst v2  }
0x307: {  	v61 =	vbroadcast v50, $0xF;
	v3 =	vld.idx.msk [tilespmem:v53+s16+$0x0], $0xffff;
	v57 =	vmul.f32 v5, v34;
	[tilespmem:s22+$0x2530] =	vst v0  }
0x308: {  	v62 =	vmul.f32 v60, v34;
	[tilespmem:s22+$0x2D00] =	vst v4  }
0x309: {  	p0 =	slt.u32 s21, $0x1C;
	v63 =	vmul.f32 v61, v35;
	v4 =	vbroadcast v46, $0xF;
	[tilespmem:s22+$0x1D20] =	vst v57;
	v1 =	vld.idx.msk [tilespmem:v1+s16+$0x0], $0xffff  }
.Ltmp1:
0x30a: {  	[tilespmem:s22+$0x2D20] =	vst v62;
	(pc) =	sbr.rel @p0 .LBB2_4-.Ltmp1, $4  }
0x30b: {  	[tilespmem:s22+$0x2D30] =	vst v63;
	v59 =	vmul.f32 v4, v34  }
0x30c: {  	[tilespmem:s22+$0x2510] =	vst v3  }
0x30d: {  	s31 =	sadd.s32 $0x4, s21;
	[tilespmem:s22+$0x2520] =	vst v59  }
0x30e: {  	s21 =	smov.u32 s31;
	[tilespmem:s22+$0x2D10] =	vst v1  }
0x30f: {  	[hbm4b:s10+s3] =	stream.linear.scatter [tilespmem:s19], [sflag:$0x1], $0x8000, $0x38;
	[tilespmem:$0x10D80] =	vst v63  }
0x310: {  	s20 =	sadd.s32 $0x1, s20  }
0x311: {  	_ =	swait.ge [sflag:s17], $0x8000;
	p0 =	sne.s32 s20, s11  }
.Ltmp2:
0x312: {  	[sflag:s17] =	ssyncset.done $0x0;
	(pc) =	sbr.rel @p0 .LBB2_1-.Ltmp2, $4  }
0x313: {  	[sflag:s17] =	ssyncadd.s32 $0xFFFF8000  }
0x314: {  	_ =	swait.ge [sflag:s17], $0x8000  }
0x315: {  	[sflag:s17] =	ssyncset.done $0x0  }
0x316: {  	[sflag:s17] =	ssyncadd.s32 $0xFFFF8000  }
0x317: {  	_ =	sfence.sel $0x180000  }
0x318: {  	[bflag:$0x0] =	sbarrier.arrive $0xFFFF  }
0x319: {  	p0 =	sne.s32 s2, $0x0;
	_ =	strace $0x90000047  }
0x31a: {  	s0 =	sadd.s32 @!p0 $0x100000, s1;
	[bflag:$0x2] =	sbarrier.arrive $0xFFFF  }
0x31b: {  	[sflag:s0] =	ssyncadd.tile.s32 @!p0 $0x1;
	_ =	shalt  }
.Lfunc_end2:
_tile_overlayer_lowered:
.L_overlay_start_2:
0x31c: {  	(tag) =	ssettag $0x2  }
0x31d: {  	s0 =	rddreg [dreg:$0x0];
	s2 =	stileid.u32  }
0x31e: {  	s1 =	rddreg [dreg:$0x1];
	p0 =	sne.s32 s2, $0x0  }
0x31f: {  	s3 =	rddreg [dreg:$0x2];
	[bflag:$0x3] =	sbarrier.arrive $0xFFFF;
	s2 =	simm.s32 @!p0 $0x1C02  }
0x320: {  	[timem:s3], [sflag:s2] =	dma.local @!p0 [hbm:s0], s1  }
0x321: {  	s0 =	simm.s32 @!p0 $0x2  }
0x322: {  	_ =	swait.ge @!p0 [sflag:s0], s1  }
0x323: {  	s1 =	ssub.s32 @!p0 $0x0, s1;
	[sflag:s0] =	ssyncset.done @!p0 $0x0  }
0x324: {  	[sflag:s0] =	ssyncadd.s32 @!p0 s1  }
0x325: {  	[bflag:$0x3] =	sbarrier.arrive $0xFFFF  }
0x326: {  	_ =	shalt  }

</sc_bundles>
